<compile_context>
chip_gen: v7x
topology: tpu7x:2x2x1
jax: 0.10.2.dev20260603
libtpu: 0.0.44.dev20260713+nightly
codegen_flags: <defaults>
</compile_context>

<pallas_src>
import functools

import jax
import jax.numpy as jnp
from jax import lax
from jax.experimental import pallas as pl
from jax.experimental.pallas import tpu as pltpu
from jax.experimental.pallas import tpu_sc as plsc

NUM_WORKERS = 32
CHUNK_B = 2
NBUF = 4
IDX_SLICE = 128
PD = 128


def _build_kernel(B, T, D):
    rows_per_w = (B * T) // NUM_WORKERS
    chunk_rows = CHUNK_B * T
    chunks_per_w = rows_per_w // chunk_rows
    n_full, rem = divmod(chunk_rows, IDX_SLICE)
    mesh = plsc.VectorSubcoreMesh(core_axis_name="c", subcore_axis_name="s")

    scratch = [pltpu.VMEM((rows_per_w,), jnp.int32)]
    scratch += [pltpu.VMEM((chunk_rows, D), jnp.float32) for _ in range(NBUF)]
    scratch += [pltpu.SemaphoreType.DMA for _ in range(3 * NBUF)]
    scratch += [pltpu.VMEM_SHARED((chunk_rows, D), jnp.float32)]

    @functools.partial(
        pl.kernel,
        mesh=mesh,
        compiler_params=pltpu.CompilerParams(use_tc_tiling_on_sc=False),
        out_type=jax.ShapeDtypeStruct((B * T, PD), jnp.float32),
        scratch_types=scratch,
    )
    def emb_kernel(idx_hbm, table_hbm, pos2_hbm, out_hbm, idx_v, *rest):
        bufs = rest[:NBUF]
        pres = rest[NBUF:2 * NBUF]
        gsem = rest[2 * NBUF:3 * NBUF]
        osem = rest[3 * NBUF:4 * NBUF]
        pos_sh = rest[4 * NBUF]
        sid = lax.axis_index("s")
        wid = sid * 2 + lax.axis_index("c")
        base = wid * rows_per_w

        @pl.when(sid == 0)
        def _stage_pos():
            pltpu.sync_copy(pos2_hbm, pos_sh)

        pltpu.sync_copy(idx_hbm.at[pl.ds(base, rows_per_w)], idx_v)
        plsc.subcore_barrier()

        def prefill(c):
            p = c % NBUF
            return pltpu.async_copy(pos_sh, bufs[p], pres[p])

        def gathers(c):
            p = c % NBUF
            cps = []
            r0 = c * chunk_rows
            for j in range(n_full):
                cps.append(pltpu.async_copy(
                    table_hbm.at[idx_v.at[pl.ds(r0 + j * IDX_SLICE, IDX_SLICE)]],
                    bufs[p].at[pl.ds(j * IDX_SLICE, IDX_SLICE)],
                    gsem[p], add=True))
            if rem:
                cps.append(pltpu.async_copy(
                    table_hbm.at[idx_v.at[pl.ds(r0 + n_full * IDX_SLICE, rem)]],
                    bufs[p].at[pl.ds(n_full * IDX_SLICE, rem)],
                    gsem[p], add=True))
            return cps

        def writeback(c):
            p = c % NBUF
            return pltpu.async_copy(
                bufs[p],
                out_hbm.at[pl.ds(base + c * chunk_rows, chunk_rows), pl.ds(0, D)],
                osem[p])

        pre_cp = [None] * chunks_per_w
        out_cp = [None] * chunks_per_w
        pre_cp[0] = prefill(0)
        pre_cp[1] = prefill(1)
        for c in range(chunks_per_w):
            if c + 2 < chunks_per_w:
                if c >= 2:
                    out_cp[c - 2].wait()
                pre_cp[c + 2] = prefill(c + 2)
            pre_cp[c].wait()
            g_cp = gathers(c)
            for cp in g_cp:
                cp.wait()
            out_cp[c] = writeback(c)
        for c in range(max(0, chunks_per_w - NBUF), chunks_per_w):
            if out_cp[c] is not None:
                out_cp[c].wait()

    return emb_kernel


def kernel(x, token_table, pos_table):
    B, T = x.shape
    V, D = token_table.shape
    flat_idx = x.reshape(B * T).astype(jnp.int32)
    pos2 = jnp.tile(pos_table, (CHUNK_B, 1))
    out = _build_kernel(B, T, D)(flat_idx, token_table, pos2)
    return out.reshape(B, T, PD)[:, :, :D]

# --- scband reference (transcript-rebuilt; emitter-appended) ---
"""Pipeline reference for scband-token-and-position-embedding-20066087207632 (READ-ONLY COPY).

The authoritative reference and input builder live on the scoring server;
editing this copy changes nothing except your own understanding.
"""

import jax, jax.numpy as jnp
import numpy as np

MAXLEN = 200
VOCAB_SIZE = 1000000
EMBED_DIM = 64
BATCH = 1024

def setup_inputs(seed: int = 0) -> dict:
    key = jax.random.key(seed)
    k1, k2, k3 = jax.random.split(key, 3)
    x = jax.random.randint(k1, (BATCH, MAXLEN), 0, VOCAB_SIZE, dtype=jnp.int64 if jax.config.jax_enable_x64 else jnp.int32)
    token_table = jax.random.normal(k2, (VOCAB_SIZE, EMBED_DIM), dtype=jnp.float32) * 0.05
    pos_table = jax.random.normal(k3, (MAXLEN, EMBED_DIM), dtype=jnp.float32) * 0.05
    return {"x": x, "token_table": token_table, "pos_table": pos_table}

def reference(x, token_table, pos_table):
    maxlen = x.shape[-1]
    positions = jnp.arange(0, maxlen, 1)
    pos_embedded = jnp.take(pos_table, positions, axis=0)  # [maxlen, d]
    tok_embedded = jnp.take(token_table, x, axis=0)        # [B, maxlen, d]
    return tok_embedded + pos_embedded

if __name__ == "__main__":
    import jax
    _d = setup_inputs()
    print(jax.jit(kernel)(*tuple(_d.values())))

</pallas_src>

<mosaic_0001>
#map = affine_map<(d0, d1) -> (0)>
#map1 = affine_map<(d0, d1) -> (0, 0)>
module attributes {stable_mosaic.version = 14 : i64} {
  func.func @emb_kernel(%arg0: i32, %arg1: i32, %arg2: memref<204800xi32, #tpu.memory_space<hbm>>, %arg3: memref<1000000x64xf32, #tpu.memory_space<hbm>>, %arg4: memref<400x64xf32, #tpu.memory_space<hbm>>, %arg5: memref<204800x128xf32, #tpu.memory_space<hbm>>, %arg6: memref<6400xi32, #tpu.memory_space<vmem>>, %arg7: memref<400x64xf32, #tpu.memory_space<vmem>>, %arg8: memref<400x64xf32, #tpu.memory_space<vmem>>, %arg9: memref<400x64xf32, #tpu.memory_space<vmem>>, %arg10: memref<400x64xf32, #tpu.memory_space<vmem>>, %arg11: memref<!tpu.dma_semaphore, #tpu.memory_space<semaphore_mem>>, %arg12: memref<!tpu.dma_semaphore, #tpu.memory_space<semaphore_mem>>, %arg13: memref<!tpu.dma_semaphore, #tpu.memory_space<semaphore_mem>>, %arg14: memref<!tpu.dma_semaphore, #tpu.memory_space<semaphore_mem>>, %arg15: memref<!tpu.dma_semaphore, #tpu.memory_space<semaphore_mem>>, %arg16: memref<!tpu.dma_semaphore, #tpu.memory_space<semaphore_mem>>, %arg17: memref<!tpu.dma_semaphore, #tpu.memory_space<semaphore_mem>>, %arg18: memref<!tpu.dma_semaphore, #tpu.memory_space<semaphore_mem>>, %arg19: memref<!tpu.dma_semaphore, #tpu.memory_space<semaphore_mem>>, %arg20: memref<!tpu.dma_semaphore, #tpu.memory_space<semaphore_mem>>, %arg21: memref<!tpu.dma_semaphore, #tpu.memory_space<semaphore_mem>>, %arg22: memref<!tpu.dma_semaphore, #tpu.memory_space<semaphore_mem>>, %arg23: memref<400x64xf32, #tpu.memory_space<vmem_shared>>) attributes {dimension_semantics = [#tpu.dimension_semantics<core_parallel>, #tpu.dimension_semantics<subcore_parallel>], iteration_bounds = array<i64: 2, 16>, scalar_prefetch = 0 : i64, scratch_operands = 18 : i64, tpu.core_type = #tpu.core_type<sc_vector_subcore>, window_params = [{transform_indices = #map}, {transform_indices = #map1}, {transform_indices = #map1}, {transform_indices = #map1}]} {
    %mul3A = arith.constant 2 : i32
    %mul3A_0 = arith.muli %arg1, %mul3A : i32
    %add3A = arith.addi %mul3A_0, %arg0 : i32
    %mul3A_1 = arith.constant 6400 : i32
    %mul3A_2 = arith.muli %add3A, %mul3A_1 : i32
    %eq3A = arith.constant 0 : i32
    %eq3A_3 = arith.cmpi eq, %arg1, %eq3A : i32
    %convert_element_type3A = arith.extui %eq3A_3 : i1 to i32
    %cond3A = arith.constant 0 : i32
    %cond3A_4 = arith.cmpi ne, %convert_element_type3A, %cond3A : i32
    scf.if %cond3A_4 {
      "tpu.region"() ({
        %run_scoped3A = tpu.sem_alloc : memref<!tpu.dma_semaphore, #tpu.memory_space<semaphore_mem>>
        tpu.enqueue_dma source(%arg4 : memref<400x64xf32, #tpu.memory_space<hbm>>) target(%arg23 : memref<400x64xf32, #tpu.memory_space<vmem_shared>>) target_semaphore(%run_scoped3A : memref<!tpu.dma_semaphore, #tpu.memory_space<semaphore_mem>>)
        tpu.wait_dma2 semaphore(%run_scoped3A : memref<!tpu.dma_semaphore, #tpu.memory_space<semaphore_mem>>) src(%arg4 : memref<400x64xf32, #tpu.memory_space<hbm>>) dst(%arg23 : memref<400x64xf32, #tpu.memory_space<vmem_shared>>)
        tpu.yield
      }) : () -> ()
    } else {
    }
    "tpu.region"() ({
      %run_scoped3A = tpu.sem_alloc : memref<!tpu.dma_semaphore, #tpu.memory_space<semaphore_mem>>
      %dma_start3A_1187 = tpu.memref_slice %arg2[%mul3A_2] : memref<204800xi32, #tpu.memory_space<hbm>> -> memref<6400xi32, #tpu.memory_space<hbm>>
      %dma_start3A_1188 = tpu.memref_slice %arg2[%mul3A_2] : memref<204800xi32, #tpu.memory_space<hbm>> -> memref<6400xi32, #tpu.memory_space<hbm>>
      tpu.enqueue_dma source(%dma_start3A_1188 : memref<6400xi32, #tpu.memory_space<hbm>>) target(%arg6 : memref<6400xi32, #tpu.memory_space<vmem>>) target_semaphore(%run_scoped3A : memref<!tpu.dma_semaphore, #tpu.memory_space<semaphore_mem>>)
      %dma_wait3A_1189 = tpu.memref_slice %arg2[%mul3A_2] : memref<204800xi32, #tpu.memory_space<hbm>> -> memref<6400xi32, #tpu.memory_space<hbm>>
      %dma_wait3A_1190 = tpu.memref_slice %arg2[%mul3A_2] : memref<204800xi32, #tpu.memory_space<hbm>> -> memref<6400xi32, #tpu.memory_space<hbm>>
      tpu.wait_dma2 semaphore(%run_scoped3A : memref<!tpu.dma_semaphore, #tpu.memory_space<semaphore_mem>>) src(%dma_wait3A_1190 : memref<6400xi32, #tpu.memory_space<hbm>>) dst(%arg6 : memref<6400xi32, #tpu.memory_space<vmem>>)
      tpu.yield
    }) : () -> ()
    %barrier3A = arith.constant 0 : index
    tpu.barrier barrier_id(%barrier3A)
    tpu.enqueue_dma source(%arg23 : memref<400x64xf32, #tpu.memory_space<vmem_shared>>) target(%arg7 : memref<400x64xf32, #tpu.memory_space<vmem>>) target_semaphore(%arg11 : memref<!tpu.dma_semaphore, #tpu.memory_space<semaphore_mem>>)
    tpu.enqueue_dma source(%arg23 : memref<400x64xf32, #tpu.memory_space<vmem_shared>>) target(%arg8 : memref<400x64xf32, #tpu.memory_space<vmem>>) target_semaphore(%arg12 : memref<!tpu.dma_semaphore, #tpu.memory_space<semaphore_mem>>)
    tpu.enqueue_dma source(%arg23 : memref<400x64xf32, #tpu.memory_space<vmem_shared>>) target(%arg9 : memref<400x64xf32, #tpu.memory_space<vmem>>) target_semaphore(%arg13 : memref<!tpu.dma_semaphore, #tpu.memory_space<semaphore_mem>>)
    tpu.wait_dma2 semaphore(%arg11 : memref<!tpu.dma_semaphore, #tpu.memory_space<semaphore_mem>>) src(%arg23 : memref<400x64xf32, #tpu.memory_space<vmem_shared>>) dst(%arg7 : memref<400x64xf32, #tpu.memory_space<vmem>>)
    %dma_start3A = arith.constant 0 : i32
    %dma_start3A_5 = arith.constant 0 : i32
    %dma_start3A_6 = tpu.memref_slice %arg7[%dma_start3A, %dma_start3A_5] : memref<400x64xf32, #tpu.memory_space<vmem>> -> memref<128x64xf32, #tpu.memory_space<vmem>>
    %dma_start3A_7 = arith.constant 0 : i32
    %dma_start3A_8 = tpu.memref_slice %arg6[%dma_start3A_7] : memref<6400xi32, #tpu.memory_space<vmem>> -> memref<128xi32, #tpu.memory_space<vmem>>
    %dma_start3A_9 = arith.constant 0 : i32
    %dma_start3A_10 = arith.constant 0 : i32
    %dma_start3A_11 = tpu.memref_slice %arg3[%dma_start3A_9, %dma_start3A_10] : memref<1000000x64xf32, #tpu.memory_space<hbm>> -> memref<1000000x64xf32, #tpu.memory_space<hbm>>
    tpu.enqueue_indirect_dma source(%dma_start3A_11 : memref<1000000x64xf32, #tpu.memory_space<hbm>>) target(%dma_start3A_6 : memref<128x64xf32, #tpu.memory_space<vmem>>) offsets(%dma_start3A_8 : memref<128xi32, #tpu.memory_space<vmem>>) semaphore(%arg15 : memref<!tpu.dma_semaphore, #tpu.memory_space<semaphore_mem>>) {add = true}
    %dma_start3A_12 = arith.constant 128 : i32
    %dma_start3A_13 = arith.constant 0 : i32
    %dma_start3A_14 = tpu.memref_slice %arg7[%dma_start3A_12, %dma_start3A_13] : memref<400x64xf32, #tpu.memory_space<vmem>> -> memref<128x64xf32, #tpu.memory_space<vmem>>
    %dma_start3A_15 = arith.constant 128 : i32
    %dma_start3A_16 = tpu.memref_slice %arg6[%dma_start3A_15] : memref<6400xi32, #tpu.memory_space<vmem>> -> memref<128xi32, #tpu.memory_space<vmem>>
    %dma_start3A_17 = arith.constant 0 : i32
    %dma_start3A_18 = arith.constant 0 : i32
    %dma_start3A_19 = tpu.memref_slice %arg3[%dma_start3A_17, %dma_start3A_18] : memref<1000000x64xf32, #tpu.memory_space<hbm>> -> memref<1000000x64xf32, #tpu.memory_space<hbm>>
    tpu.enqueue_indirect_dma source(%dma_start3A_19 : memref<1000000x64xf32, #tpu.memory_space<hbm>>) target(%dma_start3A_14 : memref<128x64xf32, #tpu.memory_space<vmem>>) offsets(%dma_start3A_16 : memref<128xi32, #tpu.memory_space<vmem>>) semaphore(%arg15 : memref<!tpu.dma_semaphore, #tpu.memory_space<semaphore_mem>>) {add = true}
    %dma_start3A_20 = arith.constant 256 : i32
    %dma_start3A_21 = arith.constant 0 : i32
    %dma_start3A_22 = tpu.memref_slice %arg7[%dma_start3A_20, %dma_start3A_21] : memref<400x64xf32, #tpu.memory_space<vmem>> -> memref<128x64xf32, #tpu.memory_space<vmem>>
    %dma_start3A_23 = arith.constant 256 : i32
    %dma_start3A_24 = tpu.memref_slice %arg6[%dma_start3A_23] : memref<6400xi32, #tpu.memory_space<vmem>> -> memref<128xi32, #tpu.memory_space<vmem>>
    %dma_start3A_25 = arith.constant 0 : i32
    %dma_start3A_26 = arith.constant 0 : i32
    %dma_start3A_27 = tpu.memref_slice %arg3[%dma_start3A_25, %dma_start3A_26] : memref<1000000x64xf32, #tpu.memory_space<hbm>> -> memref<1000000x64xf32, #tpu.memory_space<hbm>>
    tpu.enqueue_indirect_dma source(%dma_start3A_27 : memref<1000000x64xf32, #tpu.memory_space<hbm>>) target(%dma_start3A_22 : memref<128x64xf32, #tpu.memory_space<vmem>>) offsets(%dma_start3A_24 : memref<128xi32, #tpu.memory_space<vmem>>) semaphore(%arg15 : memref<!tpu.dma_semaphore, #tpu.memory_space<semaphore_mem>>) {add = true}
    %dma_start3A_28 = arith.constant 384 : i32
    %dma_start3A_29 = arith.constant 0 : i32
    %dma_start3A_30 = tpu.memref_slice %arg7[%dma_start3A_28, %dma_start3A_29] : memref<400x64xf32, #tpu.memory_space<vmem>> -> memref<16x64xf32, #tpu.memory_space<vmem>>
    %dma_start3A_31 = arith.constant 384 : i32
    %dma_start3A_32 = tpu.memref_slice %arg6[%dma_start3A_31] : memref<6400xi32, #tpu.memory_space<vmem>> -> memref<16xi32, #tpu.memory_space<vmem>>
    %dma_start3A_33 = arith.constant 0 : i32
    %dma_start3A_34 = arith.constant 0 : i32
    %dma_start3A_35 = tpu.memref_slice %arg3[%dma_start3A_33, %dma_start3A_34] : memref<1000000x64xf32, #tpu.memory_space<hbm>> -> memref<1000000x64xf32, #tpu.memory_space<hbm>>
    tpu.enqueue_indirect_dma source(%dma_start3A_35 : memref<1000000x64xf32, #tpu.memory_space<hbm>>) target(%dma_start3A_30 : memref<16x64xf32, #tpu.memory_space<vmem>>) offsets(%dma_start3A_32 : memref<16xi32, #tpu.memory_space<vmem>>) semaphore(%arg15 : memref<!tpu.dma_semaphore, #tpu.memory_space<semaphore_mem>>) {add = true}
    %dma_wait3A = arith.constant 0 : i32
    %dma_wait3A_36 = arith.constant 0 : i32
    %dma_wait3A_37 = tpu.memref_slice %arg7[%dma_wait3A, %dma_wait3A_36] : memref<400x64xf32, #tpu.memory_space<vmem>> -> memref<128x64xf32, #tpu.memory_space<vmem>>
    %dma_wait3A_38 = arith.constant 0 : i32
    %dma_wait3A_39 = tpu.memref_slice %arg6[%dma_wait3A_38] : memref<6400xi32, #tpu.memory_space<vmem>> -> memref<128xi32, #tpu.memory_space<vmem>>
    %dma_wait3A_40 = arith.constant 0 : i32
    %dma_wait3A_41 = arith.constant 0 : i32
    %dma_wait3A_42 = tpu.memref_slice %arg3[%dma_wait3A_40, %dma_wait3A_41] : memref<1000000x64xf32, #tpu.memory_space<hbm>> -> memref<1000000x64xf32, #tpu.memory_space<hbm>>
    tpu.wait_indirect_dma semaphore(%arg15 : memref<!tpu.dma_semaphore, #tpu.memory_space<semaphore_mem>>) src(%dma_wait3A_42 : memref<1000000x64xf32, #tpu.memory_space<hbm>>) dst(%dma_wait3A_37 : memref<128x64xf32, #tpu.memory_space<vmem>>)
    %dma_wait3A_43 = arith.constant 128 : i32
    %dma_wait3A_44 = arith.constant 0 : i32
    %dma_wait3A_45 = tpu.memref_slice %arg7[%dma_wait3A_43, %dma_wait3A_44] : memref<400x64xf32, #tpu.memory_space<vmem>> -> memref<128x64xf32, #tpu.memory_space<vmem>>
    %dma_wait3A_46 = arith.constant 128 : i32
    %dma_wait3A_47 = tpu.memref_slice %arg6[%dma_wait3A_46] : memref<6400xi32, #tpu.memory_space<vmem>> -> memref<128xi32, #tpu.memory_space<vmem>>
    %dma_wait3A_48 = arith.constant 0 : i32
    %dma_wait3A_49 = arith.constant 0 : i32
    %dma_wait3A_50 = tpu.memref_slice %arg3[%dma_wait3A_48, %dma_wait3A_49] : memref<1000000x64xf32, #tpu.memory_space<hbm>> -> memref<1000000x64xf32, #tpu.memory_space<hbm>>
    tpu.wait_indirect_dma semaphore(%arg15 : memref<!tpu.dma_semaphore, #tpu.memory_space<semaphore_mem>>) src(%dma_wait3A_50 : memref<1000000x64xf32, #tpu.memory_space<hbm>>) dst(%dma_wait3A_45 : memref<128x64xf32, #tpu.memory_space<vmem>>)
    %dma_wait3A_51 = arith.constant 256 : i32
    %dma_wait3A_52 = arith.constant 0 : i32
    %dma_wait3A_53 = tpu.memref_slice %arg7[%dma_wait3A_51, %dma_wait3A_52] : memref<400x64xf32, #tpu.memory_space<vmem>> -> memref<128x64xf32, #tpu.memory_space<vmem>>
    %dma_wait3A_54 = arith.constant 256 : i32
    %dma_wait3A_55 = tpu.memref_slice %arg6[%dma_wait3A_54] : memref<6400xi32, #tpu.memory_space<vmem>> -> memref<128xi32, #tpu.memory_space<vmem>>
    %dma_wait3A_56 = arith.constant 0 : i32
    %dma_wait3A_57 = arith.constant 0 : i32
    %dma_wait3A_58 = tpu.memref_slice %arg3[%dma_wait3A_56, %dma_wait3A_57] : memref<1000000x64xf32, #tpu.memory_space<hbm>> -> memref<1000000x64xf32, #tpu.memory_space<hbm>>
    tpu.wait_indirect_dma semaphore(%arg15 : memref<!tpu.dma_semaphore, #tpu.memory_space<semaphore_mem>>) src(%dma_wait3A_58 : memref<1000000x64xf32, #tpu.memory_space<hbm>>) dst(%dma_wait3A_53 : memref<128x64xf32, #tpu.memory_space<vmem>>)
    %dma_wait3A_59 = arith.constant 384 : i32
    %dma_wait3A_60 = arith.constant 0 : i32
    %dma_wait3A_61 = tpu.memref_slice %arg7[%dma_wait3A_59, %dma_wait3A_60] : memref<400x64xf32, #tpu.memory_space<vmem>> -> memref<16x64xf32, #tpu.memory_space<vmem>>
    %dma_wait3A_62 = arith.constant 384 : i32
    %dma_wait3A_63 = tpu.memref_slice %arg6[%dma_wait3A_62] : memref<6400xi32, #tpu.memory_space<vmem>> -> memref<16xi32, #tpu.memory_space<vmem>>
    %dma_wait3A_64 = arith.constant 0 : i32
    %dma_wait3A_65 = arith.constant 0 : i32
    %dma_wait3A_66 = tpu.memref_slice %arg3[%dma_wait3A_64, %dma_wait3A_65] : memref<1000000x64xf32, #tpu.memory_space<hbm>> -> memref<1000000x64xf32, #tpu.memory_space<hbm>>
    tpu.wait_indirect_dma semaphore(%arg15 : memref<!tpu.dma_semaphore, #tpu.memory_space<semaphore_mem>>) src(%dma_wait3A_66 : memref<1000000x64xf32, #tpu.memory_space<hbm>>) dst(%dma_wait3A_61 : memref<16x64xf32, #tpu.memory_space<vmem>>)
    %add3A_67 = arith.constant 0 : i32
    %add3A_68 = arith.addi %mul3A_2, %add3A_67 : i32
    %dma_start3A_69 = arith.constant 0 : i32
    %dma_start3A_70 = tpu.memref_slice %arg5[%add3A_68, %dma_start3A_69] : memref<204800x128xf32, #tpu.memory_space<hbm>> -> memref<400x64xf32, #tpu.memory_space<hbm>>
    %dma_start3A_71 = arith.constant 0 : i32
    %dma_start3A_72 = tpu.memref_slice %arg5[%add3A_68, %dma_start3A_71] : memref<204800x128xf32, #tpu.memory_space<hbm>> -> memref<400x64xf32, #tpu.memory_space<hbm>>
    tpu.enqueue_dma source(%arg7 : memref<400x64xf32, #tpu.memory_space<vmem>>) target(%dma_start3A_72 : memref<400x64xf32, #tpu.memory_space<hbm>>) target_semaphore(%arg19 : memref<!tpu.dma_semaphore, #tpu.memory_space<semaphore_mem>>)
    tpu.enqueue_dma source(%arg23 : memref<400x64xf32, #tpu.memory_space<vmem_shared>>) target(%arg10 : memref<400x64xf32, #tpu.memory_space<vmem>>) target_semaphore(%arg14 : memref<!tpu.dma_semaphore, #tpu.memory_space<semaphore_mem>>)
    tpu.wait_dma2 semaphore(%arg12 : memref<!tpu.dma_semaphore, #tpu.memory_space<semaphore_mem>>) src(%arg23 : memref<400x64xf32, #tpu.memory_space<vmem_shared>>) dst(%arg8 : memref<400x64xf32, #tpu.memory_space<vmem>>)
    %dma_start3A_73 = arith.constant 0 : i32
    %dma_start3A_74 = arith.constant 0 : i32
    %dma_start3A_75 = tpu.memref_slice %arg8[%dma_start3A_73, %dma_start3A_74] : memref<400x64xf32, #tpu.memory_space<vmem>> -> memref<128x64xf32, #tpu.memory_space<vmem>>
    %dma_start3A_76 = arith.constant 400 : i32
    %dma_start3A_77 = tpu.memref_slice %arg6[%dma_start3A_76] : memref<6400xi32, #tpu.memory_space<vmem>> -> memref<128xi32, #tpu.memory_space<vmem>>
    %dma_start3A_78 = arith.constant 0 : i32
    %dma_start3A_79 = arith.constant 0 : i32
    %dma_start3A_80 = tpu.memref_slice %arg3[%dma_start3A_78, %dma_start3A_79] : memref<1000000x64xf32, #tpu.memory_space<hbm>> -> memref<1000000x64xf32, #tpu.memory_space<hbm>>
    tpu.enqueue_indirect_dma source(%dma_start3A_80 : memref<1000000x64xf32, #tpu.memory_space<hbm>>) target(%dma_start3A_75 : memref<128x64xf32, #tpu.memory_space<vmem>>) offsets(%dma_start3A_77 : memref<128xi32, #tpu.memory_space<vmem>>) semaphore(%arg16 : memref<!tpu.dma_semaphore, #tpu.memory_space<semaphore_mem>>) {add = true}
    %dma_start3A_81 = arith.constant 128 : i32
    %dma_start3A_82 = arith.constant 0 : i32
    %dma_start3A_83 = tpu.memref_slice %arg8[%dma_start3A_81, %dma_start3A_82] : memref<400x64xf32, #tpu.memory_space<vmem>> -> memref<128x64xf32, #tpu.memory_space<vmem>>
    %dma_start3A_84 = arith.constant 528 : i32
    %dma_start3A_85 = tpu.memref_slice %arg6[%dma_start3A_84] : memref<6400xi32, #tpu.memory_space<vmem>> -> memref<128xi32, #tpu.memory_space<vmem>>
    %dma_start3A_86 = arith.constant 0 : i32
    %dma_start3A_87 = arith.constant 0 : i32
    %dma_start3A_88 = tpu.memref_slice %arg3[%dma_start3A_86, %dma_start3A_87] : memref<1000000x64xf32, #tpu.memory_space<hbm>> -> memref<1000000x64xf32, #tpu.memory_space<hbm>>
    tpu.enqueue_indirect_dma source(%dma_start3A_88 : memref<1000000x64xf32, #tpu.memory_space<hbm>>) target(%dma_start3A_83 : memref<128x64xf32, #tpu.memory_space<vmem>>) offsets(%dma_start3A_85 : memref<128xi32, #tpu.memory_space<vmem>>) semaphore(%arg16 : memref<!tpu.dma_semaphore, #tpu.memory_space<semaphore_mem>>) {add = true}
    %dma_start3A_89 = arith.constant 256 : i32
    %dma_start3A_90 = arith.constant 0 : i32
    %dma_start3A_91 = tpu.memref_slice %arg8[%dma_start3A_89, %dma_start3A_90] : memref<400x64xf32, #tpu.memory_space<vmem>> -> memref<128x64xf32, #tpu.memory_space<vmem>>
    %dma_start3A_92 = arith.constant 656 : i32
    %dma_start3A_93 = tpu.memref_slice %arg6[%dma_start3A_92] : memref<6400xi32, #tpu.memory_space<vmem>> -> memref<128xi32, #tpu.memory_space<vmem>>
    %dma_start3A_94 = arith.constant 0 : i32
    %dma_start3A_95 = arith.constant 0 : i32
    %dma_start3A_96 = tpu.memref_slice %arg3[%dma_start3A_94, %dma_start3A_95] : memref<1000000x64xf32, #tpu.memory_space<hbm>> -> memref<1000000x64xf32, #tpu.memory_space<hbm>>
    tpu.enqueue_indirect_dma source(%dma_start3A_96 : memref<1000000x64xf32, #tpu.memory_space<hbm>>) target(%dma_start3A_91 : memref<128x64xf32, #tpu.memory_space<vmem>>) offsets(%dma_start3A_93 : memref<128xi32, #tpu.memory_space<vmem>>) semaphore(%arg16 : memref<!tpu.dma_semaphore, #tpu.memory_space<semaphore_mem>>) {add = true}
    %dma_start3A_97 = arith.constant 384 : i32
    %dma_start3A_98 = arith.constant 0 : i32
    %dma_start3A_99 = tpu.memref_slice %arg8[%dma_start3A_97, %dma_start3A_98] : memref<400x64xf32, #tpu.memory_space<vmem>> -> memref<16x64xf32, #tpu.memory_space<vmem>>
    %dma_start3A_100 = arith.constant 784 : i32
    %dma_start3A_101 = tpu.memref_slice %arg6[%dma_start3A_100] : memref<6400xi32, #tpu.memory_space<vmem>> -> memref<16xi32, #tpu.memory_space<vmem>>
    %dma_start3A_102 = arith.constant 0 : i32
    %dma_start3A_103 = arith.constant 0 : i32
    %dma_start3A_104 = tpu.memref_slice %arg3[%dma_start3A_102, %dma_start3A_103] : memref<1000000x64xf32, #tpu.memory_space<hbm>> -> memref<1000000x64xf32, #tpu.memory_space<hbm>>
    tpu.enqueue_indirect_dma source(%dma_start3A_104 : memref<1000000x64xf32, #tpu.memory_space<hbm>>) target(%dma_start3A_99 : memref<16x64xf32, #tpu.memory_space<vmem>>) offsets(%dma_start3A_101 : memref<16xi32, #tpu.memory_space<vmem>>) semaphore(%arg16 : memref<!tpu.dma_semaphore, #tpu.memory_space<semaphore_mem>>) {add = true}
    %dma_wait3A_105 = arith.constant 0 : i32
    %dma_wait3A_106 = arith.constant 0 : i32
    %dma_wait3A_107 = tpu.memref_slice %arg8[%dma_wait3A_105, %dma_wait3A_106] : memref<400x64xf32, #tpu.memory_space<vmem>> -> memref<128x64xf32, #tpu.memory_space<vmem>>
    %dma_wait3A_108 = arith.constant 400 : i32
    %dma_wait3A_109 = tpu.memref_slice %arg6[%dma_wait3A_108] : memref<6400xi32, #tpu.memory_space<vmem>> -> memref<128xi32, #tpu.memory_space<vmem>>
    %dma_wait3A_110 = arith.constant 0 : i32
    %dma_wait3A_111 = arith.constant 0 : i32
    %dma_wait3A_112 = tpu.memref_slice %arg3[%dma_wait3A_110, %dma_wait3A_111] : memref<1000000x64xf32, #tpu.memory_space<hbm>> -> memref<1000000x64xf32, #tpu.memory_space<hbm>>
    tpu.wait_indirect_dma semaphore(%arg16 : memref<!tpu.dma_semaphore, #tpu.memory_space<semaphore_mem>>) src(%dma_wait3A_112 : memref<1000000x64xf32, #tpu.memory_space<hbm>>) dst(%dma_wait3A_107 : memref<128x64xf32, #tpu.memory_space<vmem>>)
    %dma_wait3A_113 = arith.constant 128 : i32
    %dma_wait3A_114 = arith.constant 0 : i32
    %dma_wait3A_115 = tpu.memref_slice %arg8[%dma_wait3A_113, %dma_wait3A_114] : memref<400x64xf32, #tpu.memory_space<vmem>> -> memref<128x64xf32, #tpu.memory_space<vmem>>
    %dma_wait3A_116 = arith.constant 528 : i32
    %dma_wait3A_117 = tpu.memref_slice %arg6[%dma_wait3A_116] : memref<6400xi32, #tpu.memory_space<vmem>> -> memref<128xi32, #tpu.memory_space<vmem>>
    %dma_wait3A_118 = arith.constant 0 : i32
    %dma_wait3A_119 = arith.constant 0 : i32
    %dma_wait3A_120 = tpu.memref_slice %arg3[%dma_wait3A_118, %dma_wait3A_119] : memref<1000000x64xf32, #tpu.memory_space<hbm>> -> memref<1000000x64xf32, #tpu.memory_space<hbm>>
    tpu.wait_indirect_dma semaphore(%arg16 : memref<!tpu.dma_semaphore, #tpu.memory_space<semaphore_mem>>) src(%dma_wait3A_120 : memref<1000000x64xf32, #tpu.memory_space<hbm>>) dst(%dma_wait3A_115 : memref<128x64xf32, #tpu.memory_space<vmem>>)
    %dma_wait3A_121 = arith.constant 256 : i32
    %dma_wait3A_122 = arith.constant 0 : i32
    %dma_wait3A_123 = tpu.memref_slice %arg8[%dma_wait3A_121, %dma_wait3A_122] : memref<400x64xf32, #tpu.memory_space<vmem>> -> memref<128x64xf32, #tpu.memory_space<vmem>>
    %dma_wait3A_124 = arith.constant 656 : i32
    %dma_wait3A_125 = tpu.memref_slice %arg6[%dma_wait3A_124] : memref<6400xi32, #tpu.memory_space<vmem>> -> memref<128xi32, #tpu.memory_space<vmem>>
    %dma_wait3A_126 = arith.constant 0 : i32
    %dma_wait3A_127 = arith.constant 0 : i32
    %dma_wait3A_128 = tpu.memref_slice %arg3[%dma_wait3A_126, %dma_wait3A_127] : memref<1000000x64xf32, #tpu.memory_space<hbm>> -> memref<1000000x64xf32, #tpu.memory_space<hbm>>
    tpu.wait_indirect_dma semaphore(%arg16 : memref<!tpu.dma_semaphore, #tpu.memory_space<semaphore_mem>>) src(%dma_wait3A_128 : memref<1000000x64xf32, #tpu.memory_space<hbm>>) dst(%dma_wait3A_123 : memref<128x64xf32, #tpu.memory_space<vmem>>)
    %dma_wait3A_129 = arith.constant 384 : i32
    %dma_wait3A_130 = arith.constant 0 : i32
    %dma_wait3A_131 = tpu.memref_slice %arg8[%dma_wait3A_129, %dma_wait3A_130] : memref<400x64xf32, #tpu.memory_space<vmem>> -> memref<16x64xf32, #tpu.memory_space<vmem>>
    %dma_wait3A_132 = arith.constant 784 : i32
    %dma_wait3A_133 = tpu.memref_slice %arg6[%dma_wait3A_132] : memref<6400xi32, #tpu.memory_space<vmem>> -> memref<16xi32, #tpu.memory_space<vmem>>
    %dma_wait3A_134 = arith.constant 0 : i32
    %dma_wait3A_135 = arith.constant 0 : i32
    %dma_wait3A_136 = tpu.memref_slice %arg3[%dma_wait3A_134, %dma_wait3A_135] : memref<1000000x64xf32, #tpu.memory_space<hbm>> -> memref<1000000x64xf32, #tpu.memory_space<hbm>>
    tpu.wait_indirect_dma semaphore(%arg16 : memref<!tpu.dma_semaphore, #tpu.memory_space<semaphore_mem>>) src(%dma_wait3A_136 : memref<1000000x64xf32, #tpu.memory_space<hbm>>) dst(%dma_wait3A_131 : memref<16x64xf32, #tpu.memory_space<vmem>>)
    %add3A_137 = arith.constant 400 : i32
    %add3A_138 = arith.addi %mul3A_2, %add3A_137 : i32
    %dma_start3A_139 = arith.constant 0 : i32
    %dma_start3A_140 = tpu.memref_slice %arg5[%add3A_138, %dma_start3A_139] : memref<204800x128xf32, #tpu.memory_space<hbm>> -> memref<400x64xf32, #tpu.memory_space<hbm>>
    %dma_start3A_141 = arith.constant 0 : i32
    %dma_start3A_142 = tpu.memref_slice %arg5[%add3A_138, %dma_start3A_141] : memref<204800x128xf32, #tpu.memory_space<hbm>> -> memref<400x64xf32, #tpu.memory_space<hbm>>
    tpu.enqueue_dma source(%arg8 : memref<400x64xf32, #tpu.memory_space<vmem>>) target(%dma_start3A_142 : memref<400x64xf32, #tpu.memory_space<hbm>>) target_semaphore(%arg20 : memref<!tpu.dma_semaphore, #tpu.memory_space<semaphore_mem>>)
    %dma_wait3A_143 = arith.constant 0 : i32
    %dma_wait3A_144 = tpu.memref_slice %arg5[%add3A_68, %dma_wait3A_143] : memref<204800x128xf32, #tpu.memory_space<hbm>> -> memref<400x64xf32, #tpu.memory_space<hbm>>
    %dma_wait3A_145 = arith.constant 0 : i32
    %dma_wait3A_146 = tpu.memref_slice %arg5[%add3A_68, %dma_wait3A_145] : memref<204800x128xf32, #tpu.memory_space<hbm>> -> memref<400x64xf32, #tpu.memory_space<hbm>>
    tpu.wait_dma2 semaphore(%arg19 : memref<!tpu.dma_semaphore, #tpu.memory_space<semaphore_mem>>) src(%arg7 : memref<400x64xf32, #tpu.memory_space<vmem>>) dst(%dma_wait3A_146 : memref<400x64xf32, #tpu.memory_space<hbm>>)
    tpu.enqueue_dma source(%arg23 : memref<400x64xf32, #tpu.memory_space<vmem_shared>>) target(%arg7 : memref<400x64xf32, #tpu.memory_space<vmem>>) target_semaphore(%arg11 : memref<!tpu.dma_semaphore, #tpu.memory_space<semaphore_mem>>)
    tpu.wait_dma2 semaphore(%arg13 : memref<!tpu.dma_semaphore, #tpu.memory_space<semaphore_mem>>) src(%arg23 : memref<400x64xf32, #tpu.memory_space<vmem_shared>>) dst(%arg9 : memref<400x64xf32, #tpu.memory_space<vmem>>)
    %dma_start3A_147 = arith.constant 0 : i32
    %dma_start3A_148 = arith.constant 0 : i32
    %dma_start3A_149 = tpu.memref_slice %arg9[%dma_start3A_147, %dma_start3A_148] : memref<400x64xf32, #tpu.memory_space<vmem>> -> memref<128x64xf32, #tpu.memory_space<vmem>>
    %dma_start3A_150 = arith.constant 800 : i32
    %dma_start3A_151 = tpu.memref_slice %arg6[%dma_start3A_150] : memref<6400xi32, #tpu.memory_space<vmem>> -> memref<128xi32, #tpu.memory_space<vmem>>
    %dma_start3A_152 = arith.constant 0 : i32
    %dma_start3A_153 = arith.constant 0 : i32
    %dma_start3A_154 = tpu.memref_slice %arg3[%dma_start3A_152, %dma_start3A_153] : memref<1000000x64xf32, #tpu.memory_space<hbm>> -> memref<1000000x64xf32, #tpu.memory_space<hbm>>
    tpu.enqueue_indirect_dma source(%dma_start3A_154 : memref<1000000x64xf32, #tpu.memory_space<hbm>>) target(%dma_start3A_149 : memref<128x64xf32, #tpu.memory_space<vmem>>) offsets(%dma_start3A_151 : memref<128xi32, #tpu.memory_space<vmem>>) semaphore(%arg17 : memref<!tpu.dma_semaphore, #tpu.memory_space<semaphore_mem>>) {add = true}
    %dma_start3A_155 = arith.constant 128 : i32
    %dma_start3A_156 = arith.constant 0 : i32
    %dma_start3A_157 = tpu.memref_slice %arg9[%dma_start3A_155, %dma_start3A_156] : memref<400x64xf32, #tpu.memory_space<vmem>> -> memref<128x64xf32, #tpu.memory_space<vmem>>
    %dma_start3A_158 = arith.constant 928 : i32
    %dma_start3A_159 = tpu.memref_slice %arg6[%dma_start3A_158] : memref<6400xi32, #tpu.memory_space<vmem>> -> memref<128xi32, #tpu.memory_space<vmem>>
    %dma_start3A_160 = arith.constant 0 : i32
    %dma_start3A_161 = arith.constant 0 : i32
    %dma_start3A_162 = tpu.memref_slice %arg3[%dma_start3A_160, %dma_start3A_161] : memref<1000000x64xf32, #tpu.memory_space<hbm>> -> memref<1000000x64xf32, #tpu.memory_space<hbm>>
    tpu.enqueue_indirect_dma source(%dma_start3A_162 : memref<1000000x64xf32, #tpu.memory_space<hbm>>) target(%dma_start3A_157 : memref<128x64xf32, #tpu.memory_space<vmem>>) offsets(%dma_start3A_159 : memref<128xi32, #tpu.memory_space<vmem>>) semaphore(%arg17 : memref<!tpu.dma_semaphore, #tpu.memory_space<semaphore_mem>>) {add = true}
    %dma_start3A_163 = arith.constant 256 : i32
    %dma_start3A_164 = arith.constant 0 : i32
    %dma_start3A_165 = tpu.memref_slice %arg9[%dma_start3A_163, %dma_start3A_164] : memref<400x64xf32, #tpu.memory_space<vmem>> -> memref<128x64xf32, #tpu.memory_space<vmem>>
    %dma_start3A_166 = arith.constant 1056 : i32
    %dma_start3A_167 = tpu.memref_slice %arg6[%dma_start3A_166] : memref<6400xi32, #tpu.memory_space<vmem>> -> memref<128xi32, #tpu.memory_space<vmem>>
    %dma_start3A_168 = arith.constant 0 : i32
    %dma_start3A_169 = arith.constant 0 : i32
    %dma_start3A_170 = tpu.memref_slice %arg3[%dma_start3A_168, %dma_start3A_169] : memref<1000000x64xf32, #tpu.memory_space<hbm>> -> memref<1000000x64xf32, #tpu.memory_space<hbm>>
    tpu.enqueue_indirect_dma source(%dma_start3A_170 : memref<1000000x64xf32, #tpu.memory_space<hbm>>) target(%dma_start3A_165 : memref<128x64xf32, #tpu.memory_space<vmem>>) offsets(%dma_start3A_167 : memref<128xi32, #tpu.memory_space<vmem>>) semaphore(%arg17 : memref<!tpu.dma_semaphore, #tpu.memory_space<semaphore_mem>>) {add = true}
    %dma_start3A_171 = arith.constant 384 : i32
    %dma_start3A_172 = arith.constant 0 : i32
    %dma_start3A_173 = tpu.memref_slice %arg9[%dma_start3A_171, %dma_start3A_172] : memref<400x64xf32, #tpu.memory_space<vmem>> -> memref<16x64xf32, #tpu.memory_space<vmem>>
    %dma_start3A_174 = arith.constant 1184 : i32
    %dma_start3A_175 = tpu.memref_slice %arg6[%dma_start3A_174] : memref<6400xi32, #tpu.memory_space<vmem>> -> memref<16xi32, #tpu.memory_space<vmem>>
    %dma_start3A_176 = arith.constant 0 : i32
    %dma_start3A_177 = arith.constant 0 : i32
    %dma_start3A_178 = tpu.memref_slice %arg3[%dma_start3A_176, %dma_start3A_177] : memref<1000000x64xf32, #tpu.memory_space<hbm>> -> memref<1000000x64xf32, #tpu.memory_space<hbm>>
    tpu.enqueue_indirect_dma source(%dma_start3A_178 : memref<1000000x64xf32, #tpu.memory_space<hbm>>) target(%dma_start3A_173 : memref<16x64xf32, #tpu.memory_space<vmem>>) offsets(%dma_start3A_175 : memref<16xi32, #tpu.memory_space<vmem>>) semaphore(%arg17 : memref<!tpu.dma_semaphore, #tpu.memory_space<semaphore_mem>>) {add = true}
    %dma_wait3A_179 = arith.constant 0 : i32
    %dma_wait3A_180 = arith.constant 0 : i32
    %dma_wait3A_181 = tpu.memref_slice %arg9[%dma_wait3A_179, %dma_wait3A_180] : memref<400x64xf32, #tpu.memory_space<vmem>> -> memref<128x64xf32, #tpu.memory_space<vmem>>
    %dma_wait3A_182 = arith.constant 800 : i32
    %dma_wait3A_183 = tpu.memref_slice %arg6[%dma_wait3A_182] : memref<6400xi32, #tpu.memory_space<vmem>> -> memref<128xi32, #tpu.memory_space<vmem>>
    %dma_wait3A_184 = arith.constant 0 : i32
    %dma_wait3A_185 = arith.constant 0 : i32
    %dma_wait3A_186 = tpu.memref_slice %arg3[%dma_wait3A_184, %dma_wait3A_185] : memref<1000000x64xf32, #tpu.memory_space<hbm>> -> memref<1000000x64xf32, #tpu.memory_space<hbm>>
    tpu.wait_indirect_dma semaphore(%arg17 : memref<!tpu.dma_semaphore, #tpu.memory_space<semaphore_mem>>) src(%dma_wait3A_186 : memref<1000000x64xf32, #tpu.memory_space<hbm>>) dst(%dma_wait3A_181 : memref<128x64xf32, #tpu.memory_space<vmem>>)
    %dma_wait3A_187 = arith.constant 128 : i32
    %dma_wait3A_188 = arith.constant 0 : i32
    %dma_wait3A_189 = tpu.memref_slice %arg9[%dma_wait3A_187, %dma_wait3A_188] : memref<400x64xf32, #tpu.memory_space<vmem>> -> memref<128x64xf32, #tpu.memory_space<vmem>>
    %dma_wait3A_190 = arith.constant 928 : i32
    %dma_wait3A_191 = tpu.memref_slice %arg6[%dma_wait3A_190] : memref<6400xi32, #tpu.memory_space<vmem>> -> memref<128xi32, #tpu.memory_space<vmem>>
    %dma_wait3A_192 = arith.constant 0 : i32
    %dma_wait3A_193 = arith.constant 0 : i32
    %dma_wait3A_194 = tpu.memref_slice %arg3[%dma_wait3A_192, %dma_wait3A_193] : memref<1000000x64xf32, #tpu.memory_space<hbm>> -> memref<1000000x64xf32, #tpu.memory_space<hbm>>
    tpu.wait_indirect_dma semaphore(%arg17 : memref<!tpu.dma_semaphore, #tpu.memory_space<semaphore_mem>>) src(%dma_wait3A_194 : memref<1000000x64xf32, #tpu.memory_space<hbm>>) dst(%dma_wait3A_189 : memref<128x64xf32, #tpu.memory_space<vmem>>)
    %dma_wait3A_195 = arith.constant 256 : i32
    %dma_wait3A_196 = arith.constant 0 : i32
    %dma_wait3A_197 = tpu.memref_slice %arg9[%dma_wait3A_195, %dma_wait3A_196] : memref<400x64xf32, #tpu.memory_space<vmem>> -> memref<128x64xf32, #tpu.memory_space<vmem>>
    %dma_wait3A_198 = arith.constant 1056 : i32
    %dma_wait3A_199 = tpu.memref_slice %arg6[%dma_wait3A_198] : memref<6400xi32, #tpu.memory_space<vmem>> -> memref<128xi32, #tpu.memory_space<vmem>>
    %dma_wait3A_200 = arith.constant 0 : i32
    %dma_wait3A_201 = arith.constant 0 : i32
    %dma_wait3A_202 = tpu.memref_slice %arg3[%dma_wait3A_200, %dma_wait3A_201] : memref<1000000x64xf32, #tpu.memory_space<hbm>> -> memref<1000000x64xf32, #tpu.memory_space<hbm>>
    tpu.wait_indirect_dma semaphore(%arg17 : memref<!tpu.dma_semaphore, #tpu.memory_space<semaphore_mem>>) src(%dma_wait3A_202 : memref<1000000x64xf32, #tpu.memory_space<hbm>>) dst(%dma_wait3A_197 : memref<128x64xf32, #tpu.memory_space<vmem>>)
    %dma_wait3A_203 = arith.constant 384 : i32
    %dma_wait3A_204 = arith.constant 0 : i32
    %dma_wait3A_205 = tpu.memref_slice %arg9[%dma_wait3A_203, %dma_wait3A_204] : memref<400x64xf32, #tpu.memory_space<vmem>> -> memref<16x64xf32, #tpu.memory_space<vmem>>
    %dma_wait3A_206 = arith.constant 1184 : i32
    %dma_wait3A_207 = tpu.memref_slice %arg6[%dma_wait3A_206] : memref<6400xi32, #tpu.memory_space<vmem>> -> memref<16xi32, #tpu.memory_space<vmem>>
    %dma_wait3A_208 = arith.constant 0 : i32
    %dma_wait3A_209 = arith.constant 0 : i32
    %dma_wait3A_210 = tpu.memref_slice %arg3[%dma_wait3A_208, %dma_wait3A_209] : memref<1000000x64xf32, #tpu.memory_space<hbm>> -> memref<1000000x64xf32, #tpu.memory_space<hbm>>
    tpu.wait_indirect_dma semaphore(%arg17 : memref<!tpu.dma_semaphore, #tpu.memory_space<semaphore_mem>>) src(%dma_wait3A_210 : memref<1000000x64xf32, #tpu.memory_space<hbm>>) dst(%dma_wait3A_205 : memref<16x64xf32, #tpu.memory_space<vmem>>)
    %add3A_211 = arith.constant 800 : i32
    %add3A_212 = arith.addi %mul3A_2, %add3A_211 : i32
    %dma_start3A_213 = arith.constant 0 : i32
    %dma_start3A_214 = tpu.memref_slice %arg5[%add3A_212, %dma_start3A_213] : memref<204800x128xf32, #tpu.memory_space<hbm>> -> memref<400x64xf32, #tpu.memory_space<hbm>>
    %dma_start3A_215 = arith.constant 0 : i32
    %dma_start3A_216 = tpu.memref_slice %arg5[%add3A_212, %dma_start3A_215] : memref<204800x128xf32, #tpu.memory_space<hbm>> -> memref<400x64xf32, #tpu.memory_space<hbm>>
    tpu.enqueue_dma source(%arg9 : memref<400x64xf32, #tpu.memory_space<vmem>>) target(%dma_start3A_216 : memref<400x64xf32, #tpu.memory_space<hbm>>) target_semaphore(%arg21 : memref<!tpu.dma_semaphore, #tpu.memory_space<semaphore_mem>>)
    %dma_wait3A_217 = arith.constant 0 : i32
    %dma_wait3A_218 = tpu.memref_slice %arg5[%add3A_138, %dma_wait3A_217] : memref<204800x128xf32, #tpu.memory_space<hbm>> -> memref<400x64xf32, #tpu.memory_space<hbm>>
    %dma_wait3A_219 = arith.constant 0 : i32
    %dma_wait3A_220 = tpu.memref_slice %arg5[%add3A_138, %dma_wait3A_219] : memref<204800x128xf32, #tpu.memory_space<hbm>> -> memref<400x64xf32, #tpu.memory_space<hbm>>
    tpu.wait_dma2 semaphore(%arg20 : memref<!tpu.dma_semaphore, #tpu.memory_space<semaphore_mem>>) src(%arg8 : memref<400x64xf32, #tpu.memory_space<vmem>>) dst(%dma_wait3A_220 : memref<400x64xf32, #tpu.memory_space<hbm>>)
    tpu.enqueue_dma source(%arg23 : memref<400x64xf32, #tpu.memory_space<vmem_shared>>) target(%arg8 : memref<400x64xf32, #tpu.memory_space<vmem>>) target_semaphore(%arg12 : memref<!tpu.dma_semaphore, #tpu.memory_space<semaphore_mem>>)
    tpu.wait_dma2 semaphore(%arg14 : memref<!tpu.dma_semaphore, #tpu.memory_space<semaphore_mem>>) src(%arg23 : memref<400x64xf32, #tpu.memory_space<vmem_shared>>) dst(%arg10 : memref<400x64xf32, #tpu.memory_space<vmem>>)
    %dma_start3A_221 = arith.constant 0 : i32
    %dma_start3A_222 = arith.constant 0 : i32
    %dma_start3A_223 = tpu.memref_slice %arg10[%dma_start3A_221, %dma_start3A_222] : memref<400x64xf32, #tpu.memory_space<vmem>> -> memref<128x64xf32, #tpu.memory_space<vmem>>
    %dma_start3A_224 = arith.constant 1200 : i32
    %dma_start3A_225 = tpu.memref_slice %arg6[%dma_start3A_224] : memref<6400xi32, #tpu.memory_space<vmem>> -> memref<128xi32, #tpu.memory_space<vmem>>
    %dma_start3A_226 = arith.constant 0 : i32
    %dma_start3A_227 = arith.constant 0 : i32
    %dma_start3A_228 = tpu.memref_slice %arg3[%dma_start3A_226, %dma_start3A_227] : memref<1000000x64xf32, #tpu.memory_space<hbm>> -> memref<1000000x64xf32, #tpu.memory_space<hbm>>
    tpu.enqueue_indirect_dma source(%dma_start3A_228 : memref<1000000x64xf32, #tpu.memory_space<hbm>>) target(%dma_start3A_223 : memref<128x64xf32, #tpu.memory_space<vmem>>) offsets(%dma_start3A_225 : memref<128xi32, #tpu.memory_space<vmem>>) semaphore(%arg18 : memref<!tpu.dma_semaphore, #tpu.memory_space<semaphore_mem>>) {add = true}
    %dma_start3A_229 = arith.constant 128 : i32
    %dma_start3A_230 = arith.constant 0 : i32
    %dma_start3A_231 = tpu.memref_slice %arg10[%dma_start3A_229, %dma_start3A_230] : memref<400x64xf32, #tpu.memory_space<vmem>> -> memref<128x64xf32, #tpu.memory_space<vmem>>
    %dma_start3A_232 = arith.constant 1328 : i32
    %dma_start3A_233 = tpu.memref_slice %arg6[%dma_start3A_232] : memref<6400xi32, #tpu.memory_space<vmem>> -> memref<128xi32, #tpu.memory_space<vmem>>
    %dma_start3A_234 = arith.constant 0 : i32
    %dma_start3A_235 = arith.constant 0 : i32
    %dma_start3A_236 = tpu.memref_slice %arg3[%dma_start3A_234, %dma_start3A_235] : memref<1000000x64xf32, #tpu.memory_space<hbm>> -> memref<1000000x64xf32, #tpu.memory_space<hbm>>
    tpu.enqueue_indirect_dma source(%dma_start3A_236 : memref<1000000x64xf32, #tpu.memory_space<hbm>>) target(%dma_start3A_231 : memref<128x64xf32, #tpu.memory_space<vmem>>) offsets(%dma_start3A_233 : memref<128xi32, #tpu.memory_space<vmem>>) semaphore(%arg18 : memref<!tpu.dma_semaphore, #tpu.memory_space<semaphore_mem>>) {add = true}
    %dma_start3A_237 = arith.constant 256 : i32
    %dma_start3A_238 = arith.constant 0 : i32
    %dma_start3A_239 = tpu.memref_slice %arg10[%dma_start3A_237, %dma_start3A_238] : memref<400x64xf32, #tpu.memory_space<vmem>> -> memref<128x64xf32, #tpu.memory_space<vmem>>
    %dma_start3A_240 = arith.constant 1456 : i32
    %dma_start3A_241 = tpu.memref_slice %arg6[%dma_start3A_240] : memref<6400xi32, #tpu.memory_space<vmem>> -> memref<128xi32, #tpu.memory_space<vmem>>
    %dma_start3A_242 = arith.constant 0 : i32
    %dma_start3A_243 = arith.constant 0 : i32
    %dma_start3A_244 = tpu.memref_slice %arg3[%dma_start3A_242, %dma_start3A_243] : memref<1000000x64xf32, #tpu.memory_space<hbm>> -> memref<1000000x64xf32, #tpu.memory_space<hbm>>
    tpu.enqueue_indirect_dma source(%dma_start3A_244 : memref<1000000x64xf32, #tpu.memory_space<hbm>>) target(%dma_start3A_239 : memref<128x64xf32, #tpu.memory_space<vmem>>) offsets(%dma_start3A_241 : memref<128xi32, #tpu.memory_space<vmem>>) semaphore(%arg18 : memref<!tpu.dma_semaphore, #tpu.memory_space<semaphore_mem>>) {add = true}
    %dma_start3A_245 = arith.constant 384 : i32
    %dma_start3A_246 = arith.constant 0 : i32
    %dma_start3A_247 = tpu.memref_slice %arg10[%dma_start3A_245, %dma_start3A_246] : memref<400x64xf32, #tpu.memory_space<vmem>> -> memref<16x64xf32, #tpu.memory_space<vmem>>
    %dma_start3A_248 = arith.constant 1584 : i32
    %dma_start3A_249 = tpu.memref_slice %arg6[%dma_start3A_248] : memref<6400xi32, #tpu.memory_space<vmem>> -> memref<16xi32, #tpu.memory_space<vmem>>
    %dma_start3A_250 = arith.constant 0 : i32
    %dma_start3A_251 = arith.constant 0 : i32
    %dma_start3A_252 = tpu.memref_slice %arg3[%dma_start3A_250, %dma_start3A_251] : memref<1000000x64xf32, #tpu.memory_space<hbm>> -> memref<1000000x64xf32, #tpu.memory_space<hbm>>
    tpu.enqueue_indirect_dma source(%dma_start3A_252 : memref<1000000x64xf32, #tpu.memory_space<hbm>>) target(%dma_start3A_247 : memref<16x64xf32, #tpu.memory_space<vmem>>) offsets(%dma_start3A_249 : memref<16xi32, #tpu.memory_space<vmem>>) semaphore(%arg18 : memref<!tpu.dma_semaphore, #tpu.memory_space<semaphore_mem>>) {add = true}
    %dma_wait3A_253 = arith.constant 0 : i32
    %dma_wait3A_254 = arith.constant 0 : i32
    %dma_wait3A_255 = tpu.memref_slice %arg10[%dma_wait3A_253, %dma_wait3A_254] : memref<400x64xf32, #tpu.memory_space<vmem>> -> memref<128x64xf32, #tpu.memory_space<vmem>>
    %dma_wait3A_256 = arith.constant 1200 : i32
    %dma_wait3A_257 = tpu.memref_slice %arg6[%dma_wait3A_256] : memref<6400xi32, #tpu.memory_space<vmem>> -> memref<128xi32, #tpu.memory_space<vmem>>
    %dma_wait3A_258 = arith.constant 0 : i32
    %dma_wait3A_259 = arith.constant 0 : i32
    %dma_wait3A_260 = tpu.memref_slice %arg3[%dma_wait3A_258, %dma_wait3A_259] : memref<1000000x64xf32, #tpu.memory_space<hbm>> -> memref<1000000x64xf32, #tpu.memory_space<hbm>>
    tpu.wait_indirect_dma semaphore(%arg18 : memref<!tpu.dma_semaphore, #tpu.memory_space<semaphore_mem>>) src(%dma_wait3A_260 : memref<1000000x64xf32, #tpu.memory_space<hbm>>) dst(%dma_wait3A_255 : memref<128x64xf32, #tpu.memory_space<vmem>>)
    %dma_wait3A_261 = arith.constant 128 : i32
    %dma_wait3A_262 = arith.constant 0 : i32
    %dma_wait3A_263 = tpu.memref_slice %arg10[%dma_wait3A_261, %dma_wait3A_262] : memref<400x64xf32, #tpu.memory_space<vmem>> -> memref<128x64xf32, #tpu.memory_space<vmem>>
    %dma_wait3A_264 = arith.constant 1328 : i32
    %dma_wait3A_265 = tpu.memref_slice %arg6[%dma_wait3A_264] : memref<6400xi32, #tpu.memory_space<vmem>> -> memref<128xi32, #tpu.memory_space<vmem>>
    %dma_wait3A_266 = arith.constant 0 : i32
    %dma_wait3A_267 = arith.constant 0 : i32
    %dma_wait3A_268 = tpu.memref_slice %arg3[%dma_wait3A_266, %dma_wait3A_267] : memref<1000000x64xf32, #tpu.memory_space<hbm>> -> memref<1000000x64xf32, #tpu.memory_space<hbm>>
    tpu.wait_indirect_dma semaphore(%arg18 : memref<!tpu.dma_semaphore, #tpu.memory_space<semaphore_mem>>) src(%dma_wait3A_268 : memref<1000000x64xf32, #tpu.memory_space<hbm>>) dst(%dma_wait3A_263 : memref<128x64xf32, #tpu.memory_space<vmem>>)
    %dma_wait3A_269 = arith.constant 256 : i32
    %dma_wait3A_270 = arith.constant 0 : i32
    %dma_wait3A_271 = tpu.memref_slice %arg10[%dma_wait3A_269, %dma_wait3A_270] : memref<400x64xf32, #tpu.memory_space<vmem>> -> memref<128x64xf32, #tpu.memory_space<vmem>>
    %dma_wait3A_272 = arith.constant 1456 : i32
    %dma_wait3A_273 = tpu.memref_slice %arg6[%dma_wait3A_272] : memref<6400xi32, #tpu.memory_space<vmem>> -> memref<128xi32, #tpu.memory_space<vmem>>
    %dma_wait3A_274 = arith.constant 0 : i32
    %dma_wait3A_275 = arith.constant 0 : i32
    %dma_wait3A_276 = tpu.memref_slice %arg3[%dma_wait3A_274, %dma_wait3A_275] : memref<1000000x64xf32, #tpu.memory_space<hbm>> -> memref<1000000x64xf32, #tpu.memory_space<hbm>>
    tpu.wait_indirect_dma semaphore(%arg18 : memref<!tpu.dma_semaphore, #tpu.memory_space<semaphore_mem>>) src(%dma_wait3A_276 : memref<1000000x64xf32, #tpu.memory_space<hbm>>) dst(%dma_wait3A_271 : memref<128x64xf32, #tpu.memory_space<vmem>>)
    %dma_wait3A_277 = arith.constant 384 : i32
    %dma_wait3A_278 = arith.constant 0 : i32
    %dma_wait3A_279 = tpu.memref_slice %arg10[%dma_wait3A_277, %dma_wait3A_278] : memref<400x64xf32, #tpu.memory_space<vmem>> -> memref<16x64xf32, #tpu.memory_space<vmem>>
    %dma_wait3A_280 = arith.constant 1584 : i32
    %dma_wait3A_281 = tpu.memref_slice %arg6[%dma_wait3A_280] : memref<6400xi32, #tpu.memory_space<vmem>> -> memref<16xi32, #tpu.memory_space<vmem>>
    %dma_wait3A_282 = arith.constant 0 : i32
    %dma_wait3A_283 = arith.constant 0 : i32
    %dma_wait3A_284 = tpu.memref_slice %arg3[%dma_wait3A_282, %dma_wait3A_283] : memref<1000000x64xf32, #tpu.memory_space<hbm>> -> memref<1000000x64xf32, #tpu.memory_space<hbm>>
    tpu.wait_indirect_dma semaphore(%arg18 : memref<!tpu.dma_semaphore, #tpu.memory_space<semaphore_mem>>) src(%dma_wait3A_284 : memref<1000000x64xf32, #tpu.memory_space<hbm>>) dst(%dma_wait3A_279 : memref<16x64xf32, #tpu.memory_space<vmem>>)
    %add3A_285 = arith.constant 1200 : i32
    %add3A_286 = arith.addi %mul3A_2, %add3A_285 : i32
    %dma_start3A_287 = arith.constant 0 : i32
    %dma_start3A_288 = tpu.memref_slice %arg5[%add3A_286, %dma_start3A_287] : memref<204800x128xf32, #tpu.memory_space<hbm>> -> memref<400x64xf32, #tpu.memory_space<hbm>>
    %dma_start3A_289 = arith.constant 0 : i32
    %dma_start3A_290 = tpu.memref_slice %arg5[%add3A_286, %dma_start3A_289] : memref<204800x128xf32, #tpu.memory_space<hbm>> -> memref<400x64xf32, #tpu.memory_space<hbm>>
    tpu.enqueue_dma source(%arg10 : memref<400x64xf32, #tpu.memory_space<vmem>>) target(%dma_start3A_290 : memref<400x64xf32, #tpu.memory_space<hbm>>) target_semaphore(%arg22 : memref<!tpu.dma_semaphore, #tpu.memory_space<semaphore_mem>>)
    %dma_wait3A_291 = arith.constant 0 : i32
    %dma_wait3A_292 = tpu.memref_slice %arg5[%add3A_212, %dma_wait3A_291] : memref<204800x128xf32, #tpu.memory_space<hbm>> -> memref<400x64xf32, #tpu.memory_space<hbm>>
    %dma_wait3A_293 = arith.constant 0 : i32
    %dma_wait3A_294 = tpu.memref_slice %arg5[%add3A_212, %dma_wait3A_293] : memref<204800x128xf32, #tpu.memory_space<hbm>> -> memref<400x64xf32, #tpu.memory_space<hbm>>
    tpu.wait_dma2 semaphore(%arg21 : memref<!tpu.dma_semaphore, #tpu.memory_space<semaphore_mem>>) src(%arg9 : memref<400x64xf32, #tpu.memory_space<vmem>>) dst(%dma_wait3A_294 : memref<400x64xf32, #tpu.memory_space<hbm>>)
    tpu.enqueue_dma source(%arg23 : memref<400x64xf32, #tpu.memory_space<vmem_shared>>) target(%arg9 : memref<400x64xf32, #tpu.memory_space<vmem>>) target_semaphore(%arg13 : memref<!tpu.dma_semaphore, #tpu.memory_space<semaphore_mem>>)
    tpu.wait_dma2 semaphore(%arg11 : memref<!tpu.dma_semaphore, #tpu.memory_space<semaphore_mem>>) src(%arg23 : memref<400x64xf32, #tpu.memory_space<vmem_shared>>) dst(%arg7 : memref<400x64xf32, #tpu.memory_space<vmem>>)
    %dma_start3A_295 = arith.constant 0 : i32
    %dma_start3A_296 = arith.constant 0 : i32
    %dma_start3A_297 = tpu.memref_slice %arg7[%dma_start3A_295, %dma_start3A_296] : memref<400x64xf32, #tpu.memory_space<vmem>> -> memref<128x64xf32, #tpu.memory_space<vmem>>
    %dma_start3A_298 = arith.constant 1600 : i32
    %dma_start3A_299 = tpu.memref_slice %arg6[%dma_start3A_298] : memref<6400xi32, #tpu.memory_space<vmem>> -> memref<128xi32, #tpu.memory_space<vmem>>
    %dma_start3A_300 = arith.constant 0 : i32
    %dma_start3A_301 = arith.constant 0 : i32
    %dma_start3A_302 = tpu.memref_slice %arg3[%dma_start3A_300, %dma_start3A_301] : memref<1000000x64xf32, #tpu.memory_space<hbm>> -> memref<1000000x64xf32, #tpu.memory_space<hbm>>
    tpu.enqueue_indirect_dma source(%dma_start3A_302 : memref<1000000x64xf32, #tpu.memory_space<hbm>>) target(%dma_start3A_297 : memref<128x64xf32, #tpu.memory_space<vmem>>) offsets(%dma_start3A_299 : memref<128xi32, #tpu.memory_space<vmem>>) semaphore(%arg15 : memref<!tpu.dma_semaphore, #tpu.memory_space<semaphore_mem>>) {add = true}
    %dma_start3A_303 = arith.constant 128 : i32
    %dma_start3A_304 = arith.constant 0 : i32
    %dma_start3A_305 = tpu.memref_slice %arg7[%dma_start3A_303, %dma_start3A_304] : memref<400x64xf32, #tpu.memory_space<vmem>> -> memref<128x64xf32, #tpu.memory_space<vmem>>
    %dma_start3A_306 = arith.constant 1728 : i32
    %dma_start3A_307 = tpu.memref_slice %arg6[%dma_start3A_306] : memref<6400xi32, #tpu.memory_space<vmem>> -> memref<128xi32, #tpu.memory_space<vmem>>
    %dma_start3A_308 = arith.constant 0 : i32
    %dma_start3A_309 = arith.constant 0 : i32
    %dma_start3A_310 = tpu.memref_slice %arg3[%dma_start3A_308, %dma_start3A_309] : memref<1000000x64xf32, #tpu.memory_space<hbm>> -> memref<1000000x64xf32, #tpu.memory_space<hbm>>
    tpu.enqueue_indirect_dma source(%dma_start3A_310 : memref<1000000x64xf32, #tpu.memory_space<hbm>>) target(%dma_start3A_305 : memref<128x64xf32, #tpu.memory_space<vmem>>) offsets(%dma_start3A_307 : memref<128xi32, #tpu.memory_space<vmem>>) semaphore(%arg15 : memref<!tpu.dma_semaphore, #tpu.memory_space<semaphore_mem>>) {add = true}
    %dma_start3A_311 = arith.constant 256 : i32
    %dma_start3A_312 = arith.constant 0 : i32
    %dma_start3A_313 = tpu.memref_slice %arg7[%dma_start3A_311, %dma_start3A_312] : memref<400x64xf32, #tpu.memory_space<vmem>> -> memref<128x64xf32, #tpu.memory_space<vmem>>
    %dma_start3A_314 = arith.constant 1856 : i32
    %dma_start3A_315 = tpu.memref_slice %arg6[%dma_start3A_314] : memref<6400xi32, #tpu.memory_space<vmem>> -> memref<128xi32, #tpu.memory_space<vmem>>
    %dma_start3A_316 = arith.constant 0 : i32
    %dma_start3A_317 = arith.constant 0 : i32
    %dma_start3A_318 = tpu.memref_slice %arg3[%dma_start3A_316, %dma_start3A_317] : memref<1000000x64xf32, #tpu.memory_space<hbm>> -> memref<1000000x64xf32, #tpu.memory_space<hbm>>
    tpu.enqueue_indirect_dma source(%dma_start3A_318 : memref<1000000x64xf32, #tpu.memory_space<hbm>>) target(%dma_start3A_313 : memref<128x64xf32, #tpu.memory_space<vmem>>) offsets(%dma_start3A_315 : memref<128xi32, #tpu.memory_space<vmem>>) semaphore(%arg15 : memref<!tpu.dma_semaphore, #tpu.memory_space<semaphore_mem>>) {add = true}
    %dma_start3A_319 = arith.constant 384 : i32
    %dma_start3A_320 = arith.constant 0 : i32
    %dma_start3A_321 = tpu.memref_slice %arg7[%dma_start3A_319, %dma_start3A_320] : memref<400x64xf32, #tpu.memory_space<vmem>> -> memref<16x64xf32, #tpu.memory_space<vmem>>
    %dma_start3A_322 = arith.constant 1984 : i32
    %dma_start3A_323 = tpu.memref_slice %arg6[%dma_start3A_322] : memref<6400xi32, #tpu.memory_space<vmem>> -> memref<16xi32, #tpu.memory_space<vmem>>
    %dma_start3A_324 = arith.constant 0 : i32
    %dma_start3A_325 = arith.constant 0 : i32
    %dma_start3A_326 = tpu.memref_slice %arg3[%dma_start3A_324, %dma_start3A_325] : memref<1000000x64xf32, #tpu.memory_space<hbm>> -> memref<1000000x64xf32, #tpu.memory_space<hbm>>
    tpu.enqueue_indirect_dma source(%dma_start3A_326 : memref<1000000x64xf32, #tpu.memory_space<hbm>>) target(%dma_start3A_321 : memref<16x64xf32, #tpu.memory_space<vmem>>) offsets(%dma_start3A_323 : memref<16xi32, #tpu.memory_space<vmem>>) semaphore(%arg15 : memref<!tpu.dma_semaphore, #tpu.memory_space<semaphore_mem>>) {add = true}
    %dma_wait3A_327 = arith.constant 0 : i32
    %dma_wait3A_328 = arith.constant 0 : i32
    %dma_wait3A_329 = tpu.memref_slice %arg7[%dma_wait3A_327, %dma_wait3A_328] : memref<400x64xf32, #tpu.memory_space<vmem>> -> memref<128x64xf32, #tpu.memory_space<vmem>>
    %dma_wait3A_330 = arith.constant 1600 : i32
    %dma_wait3A_331 = tpu.memref_slice %arg6[%dma_wait3A_330] : memref<6400xi32, #tpu.memory_space<vmem>> -> memref<128xi32, #tpu.memory_space<vmem>>
    %dma_wait3A_332 = arith.constant 0 : i32
    %dma_wait3A_333 = arith.constant 0 : i32
    %dma_wait3A_334 = tpu.memref_slice %arg3[%dma_wait3A_332, %dma_wait3A_333] : memref<1000000x64xf32, #tpu.memory_space<hbm>> -> memref<1000000x64xf32, #tpu.memory_space<hbm>>
    tpu.wait_indirect_dma semaphore(%arg15 : memref<!tpu.dma_semaphore, #tpu.memory_space<semaphore_mem>>) src(%dma_wait3A_334 : memref<1000000x64xf32, #tpu.memory_space<hbm>>) dst(%dma_wait3A_329 : memref<128x64xf32, #tpu.memory_space<vmem>>)
    %dma_wait3A_335 = arith.constant 128 : i32
    %dma_wait3A_336 = arith.constant 0 : i32
    %dma_wait3A_337 = tpu.memref_slice %arg7[%dma_wait3A_335, %dma_wait3A_336] : memref<400x64xf32, #tpu.memory_space<vmem>> -> memref<128x64xf32, #tpu.memory_space<vmem>>
    %dma_wait3A_338 = arith.constant 1728 : i32
    %dma_wait3A_339 = tpu.memref_slice %arg6[%dma_wait3A_338] : memref<6400xi32, #tpu.memory_space<vmem>> -> memref<128xi32, #tpu.memory_space<vmem>>
    %dma_wait3A_340 = arith.constant 0 : i32
    %dma_wait3A_341 = arith.constant 0 : i32
    %dma_wait3A_342 = tpu.memref_slice %arg3[%dma_wait3A_340, %dma_wait3A_341] : memref<1000000x64xf32, #tpu.memory_space<hbm>> -> memref<1000000x64xf32, #tpu.memory_space<hbm>>
    tpu.wait_indirect_dma semaphore(%arg15 : memref<!tpu.dma_semaphore, #tpu.memory_space<semaphore_mem>>) src(%dma_wait3A_342 : memref<1000000x64xf32, #tpu.memory_space<hbm>>) dst(%dma_wait3A_337 : memref<128x64xf32, #tpu.memory_space<vmem>>)
    %dma_wait3A_343 = arith.constant 256 : i32
    %dma_wait3A_344 = arith.constant 0 : i32
    %dma_wait3A_345 = tpu.memref_slice %arg7[%dma_wait3A_343, %dma_wait3A_344] : memref<400x64xf32, #tpu.memory_space<vmem>> -> memref<128x64xf32, #tpu.memory_space<vmem>>
    %dma_wait3A_346 = arith.constant 1856 : i32
    %dma_wait3A_347 = tpu.memref_slice %arg6[%dma_wait3A_346] : memref<6400xi32, #tpu.memory_space<vmem>> -> memref<128xi32, #tpu.memory_space<vmem>>
    %dma_wait3A_348 = arith.constant 0 : i32
    %dma_wait3A_349 = arith.constant 0 : i32
    %dma_wait3A_350 = tpu.memref_slice %arg3[%dma_wait3A_348, %dma_wait3A_349] : memref<1000000x64xf32, #tpu.memory_space<hbm>> -> memref<1000000x64xf32, #tpu.memory_space<hbm>>
    tpu.wait_indirect_dma semaphore(%arg15 : memref<!tpu.dma_semaphore, #tpu.memory_space<semaphore_mem>>) src(%dma_wait3A_350 : memref<1000000x64xf32, #tpu.memory_space<hbm>>) dst(%dma_wait3A_345 : memref<128x64xf32, #tpu.memory_space<vmem>>)
    %dma_wait3A_351 = arith.constant 384 : i32
    %dma_wait3A_352 = arith.constant 0 : i32
    %dma_wait3A_353 = tpu.memref_slice %arg7[%dma_wait3A_351, %dma_wait3A_352] : memref<400x64xf32, #tpu.memory_space<vmem>> -> memref<16x64xf32, #tpu.memory_space<vmem>>
    %dma_wait3A_354 = arith.constant 1984 : i32
    %dma_wait3A_355 = tpu.memref_slice %arg6[%dma_wait3A_354] : memref<6400xi32, #tpu.memory_space<vmem>> -> memref<16xi32, #tpu.memory_space<vmem>>
    %dma_wait3A_356 = arith.constant 0 : i32
    %dma_wait3A_357 = arith.constant 0 : i32
    %dma_wait3A_358 = tpu.memref_slice %arg3[%dma_wait3A_356, %dma_wait3A_357] : memref<1000000x64xf32, #tpu.memory_space<hbm>> -> memref<1000000x64xf32, #tpu.memory_space<hbm>>
    tpu.wait_indirect_dma semaphore(%arg15 : memref<!tpu.dma_semaphore, #tpu.memory_space<semaphore_mem>>) src(%dma_wait3A_358 : memref<1000000x64xf32, #tpu.memory_space<hbm>>) dst(%dma_wait3A_353 : memref<16x64xf32, #tpu.memory_space<vmem>>)
    %add3A_359 = arith.constant 1600 : i32
    %add3A_360 = arith.addi %mul3A_2, %add3A_359 : i32
    %dma_start3A_361 = arith.constant 0 : i32
    %dma_start3A_362 = tpu.memref_slice %arg5[%add3A_360, %dma_start3A_361] : memref<204800x128xf32, #tpu.memory_space<hbm>> -> memref<400x64xf32, #tpu.memory_space<hbm>>
    %dma_start3A_363 = arith.constant 0 : i32
    %dma_start3A_364 = tpu.memref_slice %arg5[%add3A_360, %dma_start3A_363] : memref<204800x128xf32, #tpu.memory_space<hbm>> -> memref<400x64xf32, #tpu.memory_space<hbm>>
    tpu.enqueue_dma source(%arg7 : memref<400x64xf32, #tpu.memory_space<vmem>>) target(%dma_start3A_364 : memref<400x64xf32, #tpu.memory_space<hbm>>) target_semaphore(%arg19 : memref<!tpu.dma_semaphore, #tpu.memory_space<semaphore_mem>>)
    %dma_wait3A_365 = arith.constant 0 : i32
    %dma_wait3A_366 = tpu.memref_slice %arg5[%add3A_286, %dma_wait3A_365] : memref<204800x128xf32, #tpu.memory_space<hbm>> -> memref<400x64xf32, #tpu.memory_space<hbm>>
    %dma_wait3A_367 = arith.constant 0 : i32
    %dma_wait3A_368 = tpu.memref_slice %arg5[%add3A_286, %dma_wait3A_367] : memref<204800x128xf32, #tpu.memory_space<hbm>> -> memref<400x64xf32, #tpu.memory_space<hbm>>
    tpu.wait_dma2 semaphore(%arg22 : memref<!tpu.dma_semaphore, #tpu.memory_space<semaphore_mem>>) src(%arg10 : memref<400x64xf32, #tpu.memory_space<vmem>>) dst(%dma_wait3A_368 : memref<400x64xf32, #tpu.memory_space<hbm>>)
    tpu.enqueue_dma source(%arg23 : memref<400x64xf32, #tpu.memory_space<vmem_shared>>) target(%arg10 : memref<400x64xf32, #tpu.memory_space<vmem>>) target_semaphore(%arg14 : memref<!tpu.dma_semaphore, #tpu.memory_space<semaphore_mem>>)
    tpu.wait_dma2 semaphore(%arg12 : memref<!tpu.dma_semaphore, #tpu.memory_space<semaphore_mem>>) src(%arg23 : memref<400x64xf32, #tpu.memory_space<vmem_shared>>) dst(%arg8 : memref<400x64xf32, #tpu.memory_space<vmem>>)
    %dma_start3A_369 = arith.constant 0 : i32
    %dma_start3A_370 = arith.constant 0 : i32
    %dma_start3A_371 = tpu.memref_slice %arg8[%dma_start3A_369, %dma_start3A_370] : memref<400x64xf32, #tpu.memory_space<vmem>> -> memref<128x64xf32, #tpu.memory_space<vmem>>
    %dma_start3A_372 = arith.constant 2000 : i32
    %dma_start3A_373 = tpu.memref_slice %arg6[%dma_start3A_372] : memref<6400xi32, #tpu.memory_space<vmem>> -> memref<128xi32, #tpu.memory_space<vmem>>
    %dma_start3A_374 = arith.constant 0 : i32
    %dma_start3A_375 = arith.constant 0 : i32
    %dma_start3A_376 = tpu.memref_slice %arg3[%dma_start3A_374, %dma_start3A_375] : memref<1000000x64xf32, #tpu.memory_space<hbm>> -> memref<1000000x64xf32, #tpu.memory_space<hbm>>
    tpu.enqueue_indirect_dma source(%dma_start3A_376 : memref<1000000x64xf32, #tpu.memory_space<hbm>>) target(%dma_start3A_371 : memref<128x64xf32, #tpu.memory_space<vmem>>) offsets(%dma_start3A_373 : memref<128xi32, #tpu.memory_space<vmem>>) semaphore(%arg16 : memref<!tpu.dma_semaphore, #tpu.memory_space<semaphore_mem>>) {add = true}
    %dma_start3A_377 = arith.constant 128 : i32
    %dma_start3A_378 = arith.constant 0 : i32
    %dma_start3A_379 = tpu.memref_slice %arg8[%dma_start3A_377, %dma_start3A_378] : memref<400x64xf32, #tpu.memory_space<vmem>> -> memref<128x64xf32, #tpu.memory_space<vmem>>
    %dma_start3A_380 = arith.constant 2128 : i32
    %dma_start3A_381 = tpu.memref_slice %arg6[%dma_start3A_380] : memref<6400xi32, #tpu.memory_space<vmem>> -> memref<128xi32, #tpu.memory_space<vmem>>
    %dma_start3A_382 = arith.constant 0 : i32
    %dma_start3A_383 = arith.constant 0 : i32
    %dma_start3A_384 = tpu.memref_slice %arg3[%dma_start3A_382, %dma_start3A_383] : memref<1000000x64xf32, #tpu.memory_space<hbm>> -> memref<1000000x64xf32, #tpu.memory_space<hbm>>
    tpu.enqueue_indirect_dma source(%dma_start3A_384 : memref<1000000x64xf32, #tpu.memory_space<hbm>>) target(%dma_start3A_379 : memref<128x64xf32, #tpu.memory_space<vmem>>) offsets(%dma_start3A_381 : memref<128xi32, #tpu.memory_space<vmem>>) semaphore(%arg16 : memref<!tpu.dma_semaphore, #tpu.memory_space<semaphore_mem>>) {add = true}
    %dma_start3A_385 = arith.constant 256 : i32
    %dma_start3A_386 = arith.constant 0 : i32
    %dma_start3A_387 = tpu.memref_slice %arg8[%dma_start3A_385, %dma_start3A_386] : memref<400x64xf32, #tpu.memory_space<vmem>> -> memref<128x64xf32, #tpu.memory_space<vmem>>
    %dma_start3A_388 = arith.constant 2256 : i32
    %dma_start3A_389 = tpu.memref_slice %arg6[%dma_start3A_388] : memref<6400xi32, #tpu.memory_space<vmem>> -> memref<128xi32, #tpu.memory_space<vmem>>
    %dma_start3A_390 = arith.constant 0 : i32
    %dma_start3A_391 = arith.constant 0 : i32
    %dma_start3A_392 = tpu.memref_slice %arg3[%dma_start3A_390, %dma_start3A_391] : memref<1000000x64xf32, #tpu.memory_space<hbm>> -> memref<1000000x64xf32, #tpu.memory_space<hbm>>
    tpu.enqueue_indirect_dma source(%dma_start3A_392 : memref<1000000x64xf32, #tpu.memory_space<hbm>>) target(%dma_start3A_387 : memref<128x64xf32, #tpu.memory_space<vmem>>) offsets(%dma_start3A_389 : memref<128xi32, #tpu.memory_space<vmem>>) semaphore(%arg16 : memref<!tpu.dma_semaphore, #tpu.memory_space<semaphore_mem>>) {add = true}
    %dma_start3A_393 = arith.constant 384 : i32
    %dma_start3A_394 = arith.constant 0 : i32
    %dma_start3A_395 = tpu.memref_slice %arg8[%dma_start3A_393, %dma_start3A_394] : memref<400x64xf32, #tpu.memory_space<vmem>> -> memref<16x64xf32, #tpu.memory_space<vmem>>
    %dma_start3A_396 = arith.constant 2384 : i32
    %dma_start3A_397 = tpu.memref_slice %arg6[%dma_start3A_396] : memref<6400xi32, #tpu.memory_space<vmem>> -> memref<16xi32, #tpu.memory_space<vmem>>
    %dma_start3A_398 = arith.constant 0 : i32
    %dma_start3A_399 = arith.constant 0 : i32
    %dma_start3A_400 = tpu.memref_slice %arg3[%dma_start3A_398, %dma_start3A_399] : memref<1000000x64xf32, #tpu.memory_space<hbm>> -> memref<1000000x64xf32, #tpu.memory_space<hbm>>
    tpu.enqueue_indirect_dma source(%dma_start3A_400 : memref<1000000x64xf32, #tpu.memory_space<hbm>>) target(%dma_start3A_395 : memref<16x64xf32, #tpu.memory_space<vmem>>) offsets(%dma_start3A_397 : memref<16xi32, #tpu.memory_space<vmem>>) semaphore(%arg16 : memref<!tpu.dma_semaphore, #tpu.memory_space<semaphore_mem>>) {add = true}
    %dma_wait3A_401 = arith.constant 0 : i32
    %dma_wait3A_402 = arith.constant 0 : i32
    %dma_wait3A_403 = tpu.memref_slice %arg8[%dma_wait3A_401, %dma_wait3A_402] : memref<400x64xf32, #tpu.memory_space<vmem>> -> memref<128x64xf32, #tpu.memory_space<vmem>>
    %dma_wait3A_404 = arith.constant 2000 : i32
    %dma_wait3A_405 = tpu.memref_slice %arg6[%dma_wait3A_404] : memref<6400xi32, #tpu.memory_space<vmem>> -> memref<128xi32, #tpu.memory_space<vmem>>
    %dma_wait3A_406 = arith.constant 0 : i32
    %dma_wait3A_407 = arith.constant 0 : i32
    %dma_wait3A_408 = tpu.memref_slice %arg3[%dma_wait3A_406, %dma_wait3A_407] : memref<1000000x64xf32, #tpu.memory_space<hbm>> -> memref<1000000x64xf32, #tpu.memory_space<hbm>>
    tpu.wait_indirect_dma semaphore(%arg16 : memref<!tpu.dma_semaphore, #tpu.memory_space<semaphore_mem>>) src(%dma_wait3A_408 : memref<1000000x64xf32, #tpu.memory_space<hbm>>) dst(%dma_wait3A_403 : memref<128x64xf32, #tpu.memory_space<vmem>>)
    %dma_wait3A_409 = arith.constant 128 : i32
    %dma_wait3A_410 = arith.constant 0 : i32
    %dma_wait3A_411 = tpu.memref_slice %arg8[%dma_wait3A_409, %dma_wait3A_410] : memref<400x64xf32, #tpu.memory_space<vmem>> -> memref<128x64xf32, #tpu.memory_space<vmem>>
    %dma_wait3A_412 = arith.constant 2128 : i32
    %dma_wait3A_413 = tpu.memref_slice %arg6[%dma_wait3A_412] : memref<6400xi32, #tpu.memory_space<vmem>> -> memref<128xi32, #tpu.memory_space<vmem>>
    %dma_wait3A_414 = arith.constant 0 : i32
    %dma_wait3A_415 = arith.constant 0 : i32
    %dma_wait3A_416 = tpu.memref_slice %arg3[%dma_wait3A_414, %dma_wait3A_415] : memref<1000000x64xf32, #tpu.memory_space<hbm>> -> memref<1000000x64xf32, #tpu.memory_space<hbm>>
    tpu.wait_indirect_dma semaphore(%arg16 : memref<!tpu.dma_semaphore, #tpu.memory_space<semaphore_mem>>) src(%dma_wait3A_416 : memref<1000000x64xf32, #tpu.memory_space<hbm>>) dst(%dma_wait3A_411 : memref<128x64xf32, #tpu.memory_space<vmem>>)
    %dma_wait3A_417 = arith.constant 256 : i32
    %dma_wait3A_418 = arith.constant 0 : i32
    %dma_wait3A_419 = tpu.memref_slice %arg8[%dma_wait3A_417, %dma_wait3A_418] : memref<400x64xf32, #tpu.memory_space<vmem>> -> memref<128x64xf32, #tpu.memory_space<vmem>>
    %dma_wait3A_420 = arith.constant 2256 : i32
    %dma_wait3A_421 = tpu.memref_slice %arg6[%dma_wait3A_420] : memref<6400xi32, #tpu.memory_space<vmem>> -> memref<128xi32, #tpu.memory_space<vmem>>
    %dma_wait3A_422 = arith.constant 0 : i32
    %dma_wait3A_423 = arith.constant 0 : i32
    %dma_wait3A_424 = tpu.memref_slice %arg3[%dma_wait3A_422, %dma_wait3A_423] : memref<1000000x64xf32, #tpu.memory_space<hbm>> -> memref<1000000x64xf32, #tpu.memory_space<hbm>>
    tpu.wait_indirect_dma semaphore(%arg16 : memref<!tpu.dma_semaphore, #tpu.memory_space<semaphore_mem>>) src(%dma_wait3A_424 : memref<1000000x64xf32, #tpu.memory_space<hbm>>) dst(%dma_wait3A_419 : memref<128x64xf32, #tpu.memory_space<vmem>>)
    %dma_wait3A_425 = arith.constant 384 : i32
    %dma_wait3A_426 = arith.constant 0 : i32
    %dma_wait3A_427 = tpu.memref_slice %arg8[%dma_wait3A_425, %dma_wait3A_426] : memref<400x64xf32, #tpu.memory_space<vmem>> -> memref<16x64xf32, #tpu.memory_space<vmem>>
    %dma_wait3A_428 = arith.constant 2384 : i32
    %dma_wait3A_429 = tpu.memref_slice %arg6[%dma_wait3A_428] : memref<6400xi32, #tpu.memory_space<vmem>> -> memref<16xi32, #tpu.memory_space<vmem>>
    %dma_wait3A_430 = arith.constant 0 : i32
    %dma_wait3A_431 = arith.constant 0 : i32
    %dma_wait3A_432 = tpu.memref_slice %arg3[%dma_wait3A_430, %dma_wait3A_431] : memref<1000000x64xf32, #tpu.memory_space<hbm>> -> memref<1000000x64xf32, #tpu.memory_space<hbm>>
    tpu.wait_indirect_dma semaphore(%arg16 : memref<!tpu.dma_semaphore, #tpu.memory_space<semaphore_mem>>) src(%dma_wait3A_432 : memref<1000000x64xf32, #tpu.memory_space<hbm>>) dst(%dma_wait3A_427 : memref<16x64xf32, #tpu.memory_space<vmem>>)
    %add3A_433 = arith.constant 2000 : i32
    %add3A_434 = arith.addi %mul3A_2, %add3A_433 : i32
    %dma_start3A_435 = arith.constant 0 : i32
    %dma_start3A_436 = tpu.memref_slice %arg5[%add3A_434, %dma_start3A_435] : memref<204800x128xf32, #tpu.memory_space<hbm>> -> memref<400x64xf32, #tpu.memory_space<hbm>>
    %dma_start3A_437 = arith.constant 0 : i32
    %dma_start3A_438 = tpu.memref_slice %arg5[%add3A_434, %dma_start3A_437] : memref<204800x128xf32, #tpu.memory_space<hbm>> -> memref<400x64xf32, #tpu.memory_space<hbm>>
    tpu.enqueue_dma source(%arg8 : memref<400x64xf32, #tpu.memory_space<vmem>>) target(%dma_start3A_438 : memref<400x64xf32, #tpu.memory_space<hbm>>) target_semaphore(%arg20 : memref<!tpu.dma_semaphore, #tpu.memory_space<semaphore_mem>>)
    %dma_wait3A_439 = arith.constant 0 : i32
    %dma_wait3A_440 = tpu.memref_slice %arg5[%add3A_360, %dma_wait3A_439] : memref<204800x128xf32, #tpu.memory_space<hbm>> -> memref<400x64xf32, #tpu.memory_space<hbm>>
    %dma_wait3A_441 = arith.constant 0 : i32
    %dma_wait3A_442 = tpu.memref_slice %arg5[%add3A_360, %dma_wait3A_441] : memref<204800x128xf32, #tpu.memory_space<hbm>> -> memref<400x64xf32, #tpu.memory_space<hbm>>
    tpu.wait_dma2 semaphore(%arg19 : memref<!tpu.dma_semaphore, #tpu.memory_space<semaphore_mem>>) src(%arg7 : memref<400x64xf32, #tpu.memory_space<vmem>>) dst(%dma_wait3A_442 : memref<400x64xf32, #tpu.memory_space<hbm>>)
    tpu.enqueue_dma source(%arg23 : memref<400x64xf32, #tpu.memory_space<vmem_shared>>) target(%arg7 : memref<400x64xf32, #tpu.memory_space<vmem>>) target_semaphore(%arg11 : memref<!tpu.dma_semaphore, #tpu.memory_space<semaphore_mem>>)
    tpu.wait_dma2 semaphore(%arg13 : memref<!tpu.dma_semaphore, #tpu.memory_space<semaphore_mem>>) src(%arg23 : memref<400x64xf32, #tpu.memory_space<vmem_shared>>) dst(%arg9 : memref<400x64xf32, #tpu.memory_space<vmem>>)
    %dma_start3A_443 = arith.constant 0 : i32
    %dma_start3A_444 = arith.constant 0 : i32
    %dma_start3A_445 = tpu.memref_slice %arg9[%dma_start3A_443, %dma_start3A_444] : memref<400x64xf32, #tpu.memory_space<vmem>> -> memref<128x64xf32, #tpu.memory_space<vmem>>
    %dma_start3A_446 = arith.constant 2400 : i32
    %dma_start3A_447 = tpu.memref_slice %arg6[%dma_start3A_446] : memref<6400xi32, #tpu.memory_space<vmem>> -> memref<128xi32, #tpu.memory_space<vmem>>
    %dma_start3A_448 = arith.constant 0 : i32
    %dma_start3A_449 = arith.constant 0 : i32
    %dma_start3A_450 = tpu.memref_slice %arg3[%dma_start3A_448, %dma_start3A_449] : memref<1000000x64xf32, #tpu.memory_space<hbm>> -> memref<1000000x64xf32, #tpu.memory_space<hbm>>
    tpu.enqueue_indirect_dma source(%dma_start3A_450 : memref<1000000x64xf32, #tpu.memory_space<hbm>>) target(%dma_start3A_445 : memref<128x64xf32, #tpu.memory_space<vmem>>) offsets(%dma_start3A_447 : memref<128xi32, #tpu.memory_space<vmem>>) semaphore(%arg17 : memref<!tpu.dma_semaphore, #tpu.memory_space<semaphore_mem>>) {add = true}
    %dma_start3A_451 = arith.constant 128 : i32
    %dma_start3A_452 = arith.constant 0 : i32
    %dma_start3A_453 = tpu.memref_slice %arg9[%dma_start3A_451, %dma_start3A_452] : memref<400x64xf32, #tpu.memory_space<vmem>> -> memref<128x64xf32, #tpu.memory_space<vmem>>
    %dma_start3A_454 = arith.constant 2528 : i32
    %dma_start3A_455 = tpu.memref_slice %arg6[%dma_start3A_454] : memref<6400xi32, #tpu.memory_space<vmem>> -> memref<128xi32, #tpu.memory_space<vmem>>
    %dma_start3A_456 = arith.constant 0 : i32
    %dma_start3A_457 = arith.constant 0 : i32
    %dma_start3A_458 = tpu.memref_slice %arg3[%dma_start3A_456, %dma_start3A_457] : memref<1000000x64xf32, #tpu.memory_space<hbm>> -> memref<1000000x64xf32, #tpu.memory_space<hbm>>
    tpu.enqueue_indirect_dma source(%dma_start3A_458 : memref<1000000x64xf32, #tpu.memory_space<hbm>>) target(%dma_start3A_453 : memref<128x64xf32, #tpu.memory_space<vmem>>) offsets(%dma_start3A_455 : memref<128xi32, #tpu.memory_space<vmem>>) semaphore(%arg17 : memref<!tpu.dma_semaphore, #tpu.memory_space<semaphore_mem>>) {add = true}
    %dma_start3A_459 = arith.constant 256 : i32
    %dma_start3A_460 = arith.constant 0 : i32
    %dma_start3A_461 = tpu.memref_slice %arg9[%dma_start3A_459, %dma_start3A_460] : memref<400x64xf32, #tpu.memory_space<vmem>> -> memref<128x64xf32, #tpu.memory_space<vmem>>
    %dma_start3A_462 = arith.constant 2656 : i32
    %dma_start3A_463 = tpu.memref_slice %arg6[%dma_start3A_462] : memref<6400xi32, #tpu.memory_space<vmem>> -> memref<128xi32, #tpu.memory_space<vmem>>
    %dma_start3A_464 = arith.constant 0 : i32
    %dma_start3A_465 = arith.constant 0 : i32
    %dma_start3A_466 = tpu.memref_slice %arg3[%dma_start3A_464, %dma_start3A_465] : memref<1000000x64xf32, #tpu.memory_space<hbm>> -> memref<1000000x64xf32, #tpu.memory_space<hbm>>
    tpu.enqueue_indirect_dma source(%dma_start3A_466 : memref<1000000x64xf32, #tpu.memory_space<hbm>>) target(%dma_start3A_461 : memref<128x64xf32, #tpu.memory_space<vmem>>) offsets(%dma_start3A_463 : memref<128xi32, #tpu.memory_space<vmem>>) semaphore(%arg17 : memref<!tpu.dma_semaphore, #tpu.memory_space<semaphore_mem>>) {add = true}
    %dma_start3A_467 = arith.constant 384 : i32
    %dma_start3A_468 = arith.constant 0 : i32
    %dma_start3A_469 = tpu.memref_slice %arg9[%dma_start3A_467, %dma_start3A_468] : memref<400x64xf32, #tpu.memory_space<vmem>> -> memref<16x64xf32, #tpu.memory_space<vmem>>
    %dma_start3A_470 = arith.constant 2784 : i32
    %dma_start3A_471 = tpu.memref_slice %arg6[%dma_start3A_470] : memref<6400xi32, #tpu.memory_space<vmem>> -> memref<16xi32, #tpu.memory_space<vmem>>
    %dma_start3A_472 = arith.constant 0 : i32
    %dma_start3A_473 = arith.constant 0 : i32
    %dma_start3A_474 = tpu.memref_slice %arg3[%dma_start3A_472, %dma_start3A_473] : memref<1000000x64xf32, #tpu.memory_space<hbm>> -> memref<1000000x64xf32, #tpu.memory_space<hbm>>
    tpu.enqueue_indirect_dma source(%dma_start3A_474 : memref<1000000x64xf32, #tpu.memory_space<hbm>>) target(%dma_start3A_469 : memref<16x64xf32, #tpu.memory_space<vmem>>) offsets(%dma_start3A_471 : memref<16xi32, #tpu.memory_space<vmem>>) semaphore(%arg17 : memref<!tpu.dma_semaphore, #tpu.memory_space<semaphore_mem>>) {add = true}
    %dma_wait3A_475 = arith.constant 0 : i32
    %dma_wait3A_476 = arith.constant 0 : i32
    %dma_wait3A_477 = tpu.memref_slice %arg9[%dma_wait3A_475, %dma_wait3A_476] : memref<400x64xf32, #tpu.memory_space<vmem>> -> memref<128x64xf32, #tpu.memory_space<vmem>>
    %dma_wait3A_478 = arith.constant 2400 : i32
    %dma_wait3A_479 = tpu.memref_slice %arg6[%dma_wait3A_478] : memref<6400xi32, #tpu.memory_space<vmem>> -> memref<128xi32, #tpu.memory_space<vmem>>
    %dma_wait3A_480 = arith.constant 0 : i32
    %dma_wait3A_481 = arith.constant 0 : i32
    %dma_wait3A_482 = tpu.memref_slice %arg3[%dma_wait3A_480, %dma_wait3A_481] : memref<1000000x64xf32, #tpu.memory_space<hbm>> -> memref<1000000x64xf32, #tpu.memory_space<hbm>>
    tpu.wait_indirect_dma semaphore(%arg17 : memref<!tpu.dma_semaphore, #tpu.memory_space<semaphore_mem>>) src(%dma_wait3A_482 : memref<1000000x64xf32, #tpu.memory_space<hbm>>) dst(%dma_wait3A_477 : memref<128x64xf32, #tpu.memory_space<vmem>>)
    %dma_wait3A_483 = arith.constant 128 : i32
    %dma_wait3A_484 = arith.constant 0 : i32
    %dma_wait3A_485 = tpu.memref_slice %arg9[%dma_wait3A_483, %dma_wait3A_484] : memref<400x64xf32, #tpu.memory_space<vmem>> -> memref<128x64xf32, #tpu.memory_space<vmem>>
    %dma_wait3A_486 = arith.constant 2528 : i32
    %dma_wait3A_487 = tpu.memref_slice %arg6[%dma_wait3A_486] : memref<6400xi32, #tpu.memory_space<vmem>> -> memref<128xi32, #tpu.memory_space<vmem>>
    %dma_wait3A_488 = arith.constant 0 : i32
    %dma_wait3A_489 = arith.constant 0 : i32
    %dma_wait3A_490 = tpu.memref_slice %arg3[%dma_wait3A_488, %dma_wait3A_489] : memref<1000000x64xf32, #tpu.memory_space<hbm>> -> memref<1000000x64xf32, #tpu.memory_space<hbm>>
    tpu.wait_indirect_dma semaphore(%arg17 : memref<!tpu.dma_semaphore, #tpu.memory_space<semaphore_mem>>) src(%dma_wait3A_490 : memref<1000000x64xf32, #tpu.memory_space<hbm>>) dst(%dma_wait3A_485 : memref<128x64xf32, #tpu.memory_space<vmem>>)
    %dma_wait3A_491 = arith.constant 256 : i32
    %dma_wait3A_492 = arith.constant 0 : i32
    %dma_wait3A_493 = tpu.memref_slice %arg9[%dma_wait3A_491, %dma_wait3A_492] : memref<400x64xf32, #tpu.memory_space<vmem>> -> memref<128x64xf32, #tpu.memory_space<vmem>>
    %dma_wait3A_494 = arith.constant 2656 : i32
    %dma_wait3A_495 = tpu.memref_slice %arg6[%dma_wait3A_494] : memref<6400xi32, #tpu.memory_space<vmem>> -> memref<128xi32, #tpu.memory_space<vmem>>
    %dma_wait3A_496 = arith.constant 0 : i32
    %dma_wait3A_497 = arith.constant 0 : i32
    %dma_wait3A_498 = tpu.memref_slice %arg3[%dma_wait3A_496, %dma_wait3A_497] : memref<1000000x64xf32, #tpu.memory_space<hbm>> -> memref<1000000x64xf32, #tpu.memory_space<hbm>>
    tpu.wait_indirect_dma semaphore(%arg17 : memref<!tpu.dma_semaphore, #tpu.memory_space<semaphore_mem>>) src(%dma_wait3A_498 : memref<1000000x64xf32, #tpu.memory_space<hbm>>) dst(%dma_wait3A_493 : memref<128x64xf32, #tpu.memory_space<vmem>>)
    %dma_wait3A_499 = arith.constant 384 : i32
    %dma_wait3A_500 = arith.constant 0 : i32
    %dma_wait3A_501 = tpu.memref_slice %arg9[%dma_wait3A_499, %dma_wait3A_500] : memref<400x64xf32, #tpu.memory_space<vmem>> -> memref<16x64xf32, #tpu.memory_space<vmem>>
    %dma_wait3A_502 = arith.constant 2784 : i32
    %dma_wait3A_503 = tpu.memref_slice %arg6[%dma_wait3A_502] : memref<6400xi32, #tpu.memory_space<vmem>> -> memref<16xi32, #tpu.memory_space<vmem>>
    %dma_wait3A_504 = arith.constant 0 : i32
    %dma_wait3A_505 = arith.constant 0 : i32
    %dma_wait3A_506 = tpu.memref_slice %arg3[%dma_wait3A_504, %dma_wait3A_505] : memref<1000000x64xf32, #tpu.memory_space<hbm>> -> memref<1000000x64xf32, #tpu.memory_space<hbm>>
    tpu.wait_indirect_dma semaphore(%arg17 : memref<!tpu.dma_semaphore, #tpu.memory_space<semaphore_mem>>) src(%dma_wait3A_506 : memref<1000000x64xf32, #tpu.memory_space<hbm>>) dst(%dma_wait3A_501 : memref<16x64xf32, #tpu.memory_space<vmem>>)
    %add3A_507 = arith.constant 2400 : i32
    %add3A_508 = arith.addi %mul3A_2, %add3A_507 : i32
    %dma_start3A_509 = arith.constant 0 : i32
    %dma_start3A_510 = tpu.memref_slice %arg5[%add3A_508, %dma_start3A_509] : memref<204800x128xf32, #tpu.memory_space<hbm>> -> memref<400x64xf32, #tpu.memory_space<hbm>>
    %dma_start3A_511 = arith.constant 0 : i32
    %dma_start3A_512 = tpu.memref_slice %arg5[%add3A_508, %dma_start3A_511] : memref<204800x128xf32, #tpu.memory_space<hbm>> -> memref<400x64xf32, #tpu.memory_space<hbm>>
    tpu.enqueue_dma source(%arg9 : memref<400x64xf32, #tpu.memory_space<vmem>>) target(%dma_start3A_512 : memref<400x64xf32, #tpu.memory_space<hbm>>) target_semaphore(%arg21 : memref<!tpu.dma_semaphore, #tpu.memory_space<semaphore_mem>>)
    %dma_wait3A_513 = arith.constant 0 : i32
    %dma_wait3A_514 = tpu.memref_slice %arg5[%add3A_434, %dma_wait3A_513] : memref<204800x128xf32, #tpu.memory_space<hbm>> -> memref<400x64xf32, #tpu.memory_space<hbm>>
    %dma_wait3A_515 = arith.constant 0 : i32
    %dma_wait3A_516 = tpu.memref_slice %arg5[%add3A_434, %dma_wait3A_515] : memref<204800x128xf32, #tpu.memory_space<hbm>> -> memref<400x64xf32, #tpu.memory_space<hbm>>
    tpu.wait_dma2 semaphore(%arg20 : memref<!tpu.dma_semaphore, #tpu.memory_space<semaphore_mem>>) src(%arg8 : memref<400x64xf32, #tpu.memory_space<vmem>>) dst(%dma_wait3A_516 : memref<400x64xf32, #tpu.memory_space<hbm>>)
    tpu.enqueue_dma source(%arg23 : memref<400x64xf32, #tpu.memory_space<vmem_shared>>) target(%arg8 : memref<400x64xf32, #tpu.memory_space<vmem>>) target_semaphore(%arg12 : memref<!tpu.dma_semaphore, #tpu.memory_space<semaphore_mem>>)
    tpu.wait_dma2 semaphore(%arg14 : memref<!tpu.dma_semaphore, #tpu.memory_space<semaphore_mem>>) src(%arg23 : memref<400x64xf32, #tpu.memory_space<vmem_shared>>) dst(%arg10 : memref<400x64xf32, #tpu.memory_space<vmem>>)
    %dma_start3A_517 = arith.constant 0 : i32
    %dma_start3A_518 = arith.constant 0 : i32
    %dma_start3A_519 = tpu.memref_slice %arg10[%dma_start3A_517, %dma_start3A_518] : memref<400x64xf32, #tpu.memory_space<vmem>> -> memref<128x64xf32, #tpu.memory_space<vmem>>
    %dma_start3A_520 = arith.constant 2800 : i32
    %dma_start3A_521 = tpu.memref_slice %arg6[%dma_start3A_520] : memref<6400xi32, #tpu.memory_space<vmem>> -> memref<128xi32, #tpu.memory_space<vmem>>
    %dma_start3A_522 = arith.constant 0 : i32
    %dma_start3A_523 = arith.constant 0 : i32
    %dma_start3A_524 = tpu.memref_slice %arg3[%dma_start3A_522, %dma_start3A_523] : memref<1000000x64xf32, #tpu.memory_space<hbm>> -> memref<1000000x64xf32, #tpu.memory_space<hbm>>
    tpu.enqueue_indirect_dma source(%dma_start3A_524 : memref<1000000x64xf32, #tpu.memory_space<hbm>>) target(%dma_start3A_519 : memref<128x64xf32, #tpu.memory_space<vmem>>) offsets(%dma_start3A_521 : memref<128xi32, #tpu.memory_space<vmem>>) semaphore(%arg18 : memref<!tpu.dma_semaphore, #tpu.memory_space<semaphore_mem>>) {add = true}
    %dma_start3A_525 = arith.constant 128 : i32
    %dma_start3A_526 = arith.constant 0 : i32
    %dma_start3A_527 = tpu.memref_slice %arg10[%dma_start3A_525, %dma_start3A_526] : memref<400x64xf32, #tpu.memory_space<vmem>> -> memref<128x64xf32, #tpu.memory_space<vmem>>
    %dma_start3A_528 = arith.constant 2928 : i32
    %dma_start3A_529 = tpu.memref_slice %arg6[%dma_start3A_528] : memref<6400xi32, #tpu.memory_space<vmem>> -> memref<128xi32, #tpu.memory_space<vmem>>
    %dma_start3A_530 = arith.constant 0 : i32
    %dma_start3A_531 = arith.constant 0 : i32
    %dma_start3A_532 = tpu.memref_slice %arg3[%dma_start3A_530, %dma_start3A_531] : memref<1000000x64xf32, #tpu.memory_space<hbm>> -> memref<1000000x64xf32, #tpu.memory_space<hbm>>
    tpu.enqueue_indirect_dma source(%dma_start3A_532 : memref<1000000x64xf32, #tpu.memory_space<hbm>>) target(%dma_start3A_527 : memref<128x64xf32, #tpu.memory_space<vmem>>) offsets(%dma_start3A_529 : memref<128xi32, #tpu.memory_space<vmem>>) semaphore(%arg18 : memref<!tpu.dma_semaphore, #tpu.memory_space<semaphore_mem>>) {add = true}
    %dma_start3A_533 = arith.constant 256 : i32
    %dma_start3A_534 = arith.constant 0 : i32
    %dma_start3A_535 = tpu.memref_slice %arg10[%dma_start3A_533, %dma_start3A_534] : memref<400x64xf32, #tpu.memory_space<vmem>> -> memref<128x64xf32, #tpu.memory_space<vmem>>
    %dma_start3A_536 = arith.constant 3056 : i32
    %dma_start3A_537 = tpu.memref_slice %arg6[%dma_start3A_536] : memref<6400xi32, #tpu.memory_space<vmem>> -> memref<128xi32, #tpu.memory_space<vmem>>
    %dma_start3A_538 = arith.constant 0 : i32
    %dma_start3A_539 = arith.constant 0 : i32
    %dma_start3A_540 = tpu.memref_slice %arg3[%dma_start3A_538, %dma_start3A_539] : memref<1000000x64xf32, #tpu.memory_space<hbm>> -> memref<1000000x64xf32, #tpu.memory_space<hbm>>
    tpu.enqueue_indirect_dma source(%dma_start3A_540 : memref<1000000x64xf32, #tpu.memory_space<hbm>>) target(%dma_start3A_535 : memref<128x64xf32, #tpu.memory_space<vmem>>) offsets(%dma_start3A_537 : memref<128xi32, #tpu.memory_space<vmem>>) semaphore(%arg18 : memref<!tpu.dma_semaphore, #tpu.memory_space<semaphore_mem>>) {add = true}
    %dma_start3A_541 = arith.constant 384 : i32
    %dma_start3A_542 = arith.constant 0 : i32
    %dma_start3A_543 = tpu.memref_slice %arg10[%dma_start3A_541, %dma_start3A_542] : memref<400x64xf32, #tpu.memory_space<vmem>> -> memref<16x64xf32, #tpu.memory_space<vmem>>
    %dma_start3A_544 = arith.constant 3184 : i32
    %dma_start3A_545 = tpu.memref_slice %arg6[%dma_start3A_544] : memref<6400xi32, #tpu.memory_space<vmem>> -> memref<16xi32, #tpu.memory_space<vmem>>
    %dma_start3A_546 = arith.constant 0 : i32
    %dma_start3A_547 = arith.constant 0 : i32
    %dma_start3A_548 = tpu.memref_slice %arg3[%dma_start3A_546, %dma_start3A_547] : memref<1000000x64xf32, #tpu.memory_space<hbm>> -> memref<1000000x64xf32, #tpu.memory_space<hbm>>
    tpu.enqueue_indirect_dma source(%dma_start3A_548 : memref<1000000x64xf32, #tpu.memory_space<hbm>>) target(%dma_start3A_543 : memref<16x64xf32, #tpu.memory_space<vmem>>) offsets(%dma_start3A_545 : memref<16xi32, #tpu.memory_space<vmem>>) semaphore(%arg18 : memref<!tpu.dma_semaphore, #tpu.memory_space<semaphore_mem>>) {add = true}
    %dma_wait3A_549 = arith.constant 0 : i32
    %dma_wait3A_550 = arith.constant 0 : i32
    %dma_wait3A_551 = tpu.memref_slice %arg10[%dma_wait3A_549, %dma_wait3A_550] : memref<400x64xf32, #tpu.memory_space<vmem>> -> memref<128x64xf32, #tpu.memory_space<vmem>>
    %dma_wait3A_552 = arith.constant 2800 : i32
    %dma_wait3A_553 = tpu.memref_slice %arg6[%dma_wait3A_552] : memref<6400xi32, #tpu.memory_space<vmem>> -> memref<128xi32, #tpu.memory_space<vmem>>
    %dma_wait3A_554 = arith.constant 0 : i32
    %dma_wait3A_555 = arith.constant 0 : i32
    %dma_wait3A_556 = tpu.memref_slice %arg3[%dma_wait3A_554, %dma_wait3A_555] : memref<1000000x64xf32, #tpu.memory_space<hbm>> -> memref<1000000x64xf32, #tpu.memory_space<hbm>>
    tpu.wait_indirect_dma semaphore(%arg18 : memref<!tpu.dma_semaphore, #tpu.memory_space<semaphore_mem>>) src(%dma_wait3A_556 : memref<1000000x64xf32, #tpu.memory_space<hbm>>) dst(%dma_wait3A_551 : memref<128x64xf32, #tpu.memory_space<vmem>>)
    %dma_wait3A_557 = arith.constant 128 : i32
    %dma_wait3A_558 = arith.constant 0 : i32
    %dma_wait3A_559 = tpu.memref_slice %arg10[%dma_wait3A_557, %dma_wait3A_558] : memref<400x64xf32, #tpu.memory_space<vmem>> -> memref<128x64xf32, #tpu.memory_space<vmem>>
    %dma_wait3A_560 = arith.constant 2928 : i32
    %dma_wait3A_561 = tpu.memref_slice %arg6[%dma_wait3A_560] : memref<6400xi32, #tpu.memory_space<vmem>> -> memref<128xi32, #tpu.memory_space<vmem>>
    %dma_wait3A_562 = arith.constant 0 : i32
    %dma_wait3A_563 = arith.constant 0 : i32
    %dma_wait3A_564 = tpu.memref_slice %arg3[%dma_wait3A_562, %dma_wait3A_563] : memref<1000000x64xf32, #tpu.memory_space<hbm>> -> memref<1000000x64xf32, #tpu.memory_space<hbm>>
    tpu.wait_indirect_dma semaphore(%arg18 : memref<!tpu.dma_semaphore, #tpu.memory_space<semaphore_mem>>) src(%dma_wait3A_564 : memref<1000000x64xf32, #tpu.memory_space<hbm>>) dst(%dma_wait3A_559 : memref<128x64xf32, #tpu.memory_space<vmem>>)
    %dma_wait3A_565 = arith.constant 256 : i32
    %dma_wait3A_566 = arith.constant 0 : i32
    %dma_wait3A_567 = tpu.memref_slice %arg10[%dma_wait3A_565, %dma_wait3A_566] : memref<400x64xf32, #tpu.memory_space<vmem>> -> memref<128x64xf32, #tpu.memory_space<vmem>>
    %dma_wait3A_568 = arith.constant 3056 : i32
    %dma_wait3A_569 = tpu.memref_slice %arg6[%dma_wait3A_568] : memref<6400xi32, #tpu.memory_space<vmem>> -> memref<128xi32, #tpu.memory_space<vmem>>
    %dma_wait3A_570 = arith.constant 0 : i32
    %dma_wait3A_571 = arith.constant 0 : i32
    %dma_wait3A_572 = tpu.memref_slice %arg3[%dma_wait3A_570, %dma_wait3A_571] : memref<1000000x64xf32, #tpu.memory_space<hbm>> -> memref<1000000x64xf32, #tpu.memory_space<hbm>>
    tpu.wait_indirect_dma semaphore(%arg18 : memref<!tpu.dma_semaphore, #tpu.memory_space<semaphore_mem>>) src(%dma_wait3A_572 : memref<1000000x64xf32, #tpu.memory_space<hbm>>) dst(%dma_wait3A_567 : memref<128x64xf32, #tpu.memory_space<vmem>>)
    %dma_wait3A_573 = arith.constant 384 : i32
    %dma_wait3A_574 = arith.constant 0 : i32
    %dma_wait3A_575 = tpu.memref_slice %arg10[%dma_wait3A_573, %dma_wait3A_574] : memref<400x64xf32, #tpu.memory_space<vmem>> -> memref<16x64xf32, #tpu.memory_space<vmem>>
    %dma_wait3A_576 = arith.constant 3184 : i32
    %dma_wait3A_577 = tpu.memref_slice %arg6[%dma_wait3A_576] : memref<6400xi32, #tpu.memory_space<vmem>> -> memref<16xi32, #tpu.memory_space<vmem>>
    %dma_wait3A_578 = arith.constant 0 : i32
    %dma_wait3A_579 = arith.constant 0 : i32
    %dma_wait3A_580 = tpu.memref_slice %arg3[%dma_wait3A_578, %dma_wait3A_579] : memref<1000000x64xf32, #tpu.memory_space<hbm>> -> memref<1000000x64xf32, #tpu.memory_space<hbm>>
    tpu.wait_indirect_dma semaphore(%arg18 : memref<!tpu.dma_semaphore, #tpu.memory_space<semaphore_mem>>) src(%dma_wait3A_580 : memref<1000000x64xf32, #tpu.memory_space<hbm>>) dst(%dma_wait3A_575 : memref<16x64xf32, #tpu.memory_space<vmem>>)
    %add3A_581 = arith.constant 2800 : i32
    %add3A_582 = arith.addi %mul3A_2, %add3A_581 : i32
    %dma_start3A_583 = arith.constant 0 : i32
    %dma_start3A_584 = tpu.memref_slice %arg5[%add3A_582, %dma_start3A_583] : memref<204800x128xf32, #tpu.memory_space<hbm>> -> memref<400x64xf32, #tpu.memory_space<hbm>>
    %dma_start3A_585 = arith.constant 0 : i32
    %dma_start3A_586 = tpu.memref_slice %arg5[%add3A_582, %dma_start3A_585] : memref<204800x128xf32, #tpu.memory_space<hbm>> -> memref<400x64xf32, #tpu.memory_space<hbm>>
    tpu.enqueue_dma source(%arg10 : memref<400x64xf32, #tpu.memory_space<vmem>>) target(%dma_start3A_586 : memref<400x64xf32, #tpu.memory_space<hbm>>) target_semaphore(%arg22 : memref<!tpu.dma_semaphore, #tpu.memory_space<semaphore_mem>>)
    %dma_wait3A_587 = arith.constant 0 : i32
    %dma_wait3A_588 = tpu.memref_slice %arg5[%add3A_508, %dma_wait3A_587] : memref<204800x128xf32, #tpu.memory_space<hbm>> -> memref<400x64xf32, #tpu.memory_space<hbm>>
    %dma_wait3A_589 = arith.constant 0 : i32
    %dma_wait3A_590 = tpu.memref_slice %arg5[%add3A_508, %dma_wait3A_589] : memref<204800x128xf32, #tpu.memory_space<hbm>> -> memref<400x64xf32, #tpu.memory_space<hbm>>
    tpu.wait_dma2 semaphore(%arg21 : memref<!tpu.dma_semaphore, #tpu.memory_space<semaphore_mem>>) src(%arg9 : memref<400x64xf32, #tpu.memory_space<vmem>>) dst(%dma_wait3A_590 : memref<400x64xf32, #tpu.memory_space<hbm>>)
    tpu.enqueue_dma source(%arg23 : memref<400x64xf32, #tpu.memory_space<vmem_shared>>) target(%arg9 : memref<400x64xf32, #tpu.memory_space<vmem>>) target_semaphore(%arg13 : memref<!tpu.dma_semaphore, #tpu.memory_space<semaphore_mem>>)
    tpu.wait_dma2 semaphore(%arg11 : memref<!tpu.dma_semaphore, #tpu.memory_space<semaphore_mem>>) src(%arg23 : memref<400x64xf32, #tpu.memory_space<vmem_shared>>) dst(%arg7 : memref<400x64xf32, #tpu.memory_space<vmem>>)
    %dma_start3A_591 = arith.constant 0 : i32
    %dma_start3A_592 = arith.constant 0 : i32
    %dma_start3A_593 = tpu.memref_slice %arg7[%dma_start3A_591, %dma_start3A_592] : memref<400x64xf32, #tpu.memory_space<vmem>> -> memref<128x64xf32, #tpu.memory_space<vmem>>
    %dma_start3A_594 = arith.constant 3200 : i32
    %dma_start3A_595 = tpu.memref_slice %arg6[%dma_start3A_594] : memref<6400xi32, #tpu.memory_space<vmem>> -> memref<128xi32, #tpu.memory_space<vmem>>
    %dma_start3A_596 = arith.constant 0 : i32
    %dma_start3A_597 = arith.constant 0 : i32
    %dma_start3A_598 = tpu.memref_slice %arg3[%dma_start3A_596, %dma_start3A_597] : memref<1000000x64xf32, #tpu.memory_space<hbm>> -> memref<1000000x64xf32, #tpu.memory_space<hbm>>
    tpu.enqueue_indirect_dma source(%dma_start3A_598 : memref<1000000x64xf32, #tpu.memory_space<hbm>>) target(%dma_start3A_593 : memref<128x64xf32, #tpu.memory_space<vmem>>) offsets(%dma_start3A_595 : memref<128xi32, #tpu.memory_space<vmem>>) semaphore(%arg15 : memref<!tpu.dma_semaphore, #tpu.memory_space<semaphore_mem>>) {add = true}
    %dma_start3A_599 = arith.constant 128 : i32
    %dma_start3A_600 = arith.constant 0 : i32
    %dma_start3A_601 = tpu.memref_slice %arg7[%dma_start3A_599, %dma_start3A_600] : memref<400x64xf32, #tpu.memory_space<vmem>> -> memref<128x64xf32, #tpu.memory_space<vmem>>
    %dma_start3A_602 = arith.constant 3328 : i32
    %dma_start3A_603 = tpu.memref_slice %arg6[%dma_start3A_602] : memref<6400xi32, #tpu.memory_space<vmem>> -> memref<128xi32, #tpu.memory_space<vmem>>
    %dma_start3A_604 = arith.constant 0 : i32
    %dma_start3A_605 = arith.constant 0 : i32
    %dma_start3A_606 = tpu.memref_slice %arg3[%dma_start3A_604, %dma_start3A_605] : memref<1000000x64xf32, #tpu.memory_space<hbm>> -> memref<1000000x64xf32, #tpu.memory_space<hbm>>
    tpu.enqueue_indirect_dma source(%dma_start3A_606 : memref<1000000x64xf32, #tpu.memory_space<hbm>>) target(%dma_start3A_601 : memref<128x64xf32, #tpu.memory_space<vmem>>) offsets(%dma_start3A_603 : memref<128xi32, #tpu.memory_space<vmem>>) semaphore(%arg15 : memref<!tpu.dma_semaphore, #tpu.memory_space<semaphore_mem>>) {add = true}
    %dma_start3A_607 = arith.constant 256 : i32
    %dma_start3A_608 = arith.constant 0 : i32
    %dma_start3A_609 = tpu.memref_slice %arg7[%dma_start3A_607, %dma_start3A_608] : memref<400x64xf32, #tpu.memory_space<vmem>> -> memref<128x64xf32, #tpu.memory_space<vmem>>
    %dma_start3A_610 = arith.constant 3456 : i32
    %dma_start3A_611 = tpu.memref_slice %arg6[%dma_start3A_610] : memref<6400xi32, #tpu.memory_space<vmem>> -> memref<128xi32, #tpu.memory_space<vmem>>
    %dma_start3A_612 = arith.constant 0 : i32
    %dma_start3A_613 = arith.constant 0 : i32
    %dma_start3A_614 = tpu.memref_slice %arg3[%dma_start3A_612, %dma_start3A_613] : memref<1000000x64xf32, #tpu.memory_space<hbm>> -> memref<1000000x64xf32, #tpu.memory_space<hbm>>
    tpu.enqueue_indirect_dma source(%dma_start3A_614 : memref<1000000x64xf32, #tpu.memory_space<hbm>>) target(%dma_start3A_609 : memref<128x64xf32, #tpu.memory_space<vmem>>) offsets(%dma_start3A_611 : memref<128xi32, #tpu.memory_space<vmem>>) semaphore(%arg15 : memref<!tpu.dma_semaphore, #tpu.memory_space<semaphore_mem>>) {add = true}
    %dma_start3A_615 = arith.constant 384 : i32
    %dma_start3A_616 = arith.constant 0 : i32
    %dma_start3A_617 = tpu.memref_slice %arg7[%dma_start3A_615, %dma_start3A_616] : memref<400x64xf32, #tpu.memory_space<vmem>> -> memref<16x64xf32, #tpu.memory_space<vmem>>
    %dma_start3A_618 = arith.constant 3584 : i32
    %dma_start3A_619 = tpu.memref_slice %arg6[%dma_start3A_618] : memref<6400xi32, #tpu.memory_space<vmem>> -> memref<16xi32, #tpu.memory_space<vmem>>
    %dma_start3A_620 = arith.constant 0 : i32
    %dma_start3A_621 = arith.constant 0 : i32
    %dma_start3A_622 = tpu.memref_slice %arg3[%dma_start3A_620, %dma_start3A_621] : memref<1000000x64xf32, #tpu.memory_space<hbm>> -> memref<1000000x64xf32, #tpu.memory_space<hbm>>
    tpu.enqueue_indirect_dma source(%dma_start3A_622 : memref<1000000x64xf32, #tpu.memory_space<hbm>>) target(%dma_start3A_617 : memref<16x64xf32, #tpu.memory_space<vmem>>) offsets(%dma_start3A_619 : memref<16xi32, #tpu.memory_space<vmem>>) semaphore(%arg15 : memref<!tpu.dma_semaphore, #tpu.memory_space<semaphore_mem>>) {add = true}
    %dma_wait3A_623 = arith.constant 0 : i32
    %dma_wait3A_624 = arith.constant 0 : i32
    %dma_wait3A_625 = tpu.memref_slice %arg7[%dma_wait3A_623, %dma_wait3A_624] : memref<400x64xf32, #tpu.memory_space<vmem>> -> memref<128x64xf32, #tpu.memory_space<vmem>>
    %dma_wait3A_626 = arith.constant 3200 : i32
    %dma_wait3A_627 = tpu.memref_slice %arg6[%dma_wait3A_626] : memref<6400xi32, #tpu.memory_space<vmem>> -> memref<128xi32, #tpu.memory_space<vmem>>
    %dma_wait3A_628 = arith.constant 0 : i32
    %dma_wait3A_629 = arith.constant 0 : i32
    %dma_wait3A_630 = tpu.memref_slice %arg3[%dma_wait3A_628, %dma_wait3A_629] : memref<1000000x64xf32, #tpu.memory_space<hbm>> -> memref<1000000x64xf32, #tpu.memory_space<hbm>>
    tpu.wait_indirect_dma semaphore(%arg15 : memref<!tpu.dma_semaphore, #tpu.memory_space<semaphore_mem>>) src(%dma_wait3A_630 : memref<1000000x64xf32, #tpu.memory_space<hbm>>) dst(%dma_wait3A_625 : memref<128x64xf32, #tpu.memory_space<vmem>>)
    %dma_wait3A_631 = arith.constant 128 : i32
    %dma_wait3A_632 = arith.constant 0 : i32
    %dma_wait3A_633 = tpu.memref_slice %arg7[%dma_wait3A_631, %dma_wait3A_632] : memref<400x64xf32, #tpu.memory_space<vmem>> -> memref<128x64xf32, #tpu.memory_space<vmem>>
    %dma_wait3A_634 = arith.constant 3328 : i32
    %dma_wait3A_635 = tpu.memref_slice %arg6[%dma_wait3A_634] : memref<6400xi32, #tpu.memory_space<vmem>> -> memref<128xi32, #tpu.memory_space<vmem>>
    %dma_wait3A_636 = arith.constant 0 : i32
    %dma_wait3A_637 = arith.constant 0 : i32
    %dma_wait3A_638 = tpu.memref_slice %arg3[%dma_wait3A_636, %dma_wait3A_637] : memref<1000000x64xf32, #tpu.memory_space<hbm>> -> memref<1000000x64xf32, #tpu.memory_space<hbm>>
    tpu.wait_indirect_dma semaphore(%arg15 : memref<!tpu.dma_semaphore, #tpu.memory_space<semaphore_mem>>) src(%dma_wait3A_638 : memref<1000000x64xf32, #tpu.memory_space<hbm>>) dst(%dma_wait3A_633 : memref<128x64xf32, #tpu.memory_space<vmem>>)
    %dma_wait3A_639 = arith.constant 256 : i32
    %dma_wait3A_640 = arith.constant 0 : i32
    %dma_wait3A_641 = tpu.memref_slice %arg7[%dma_wait3A_639, %dma_wait3A_640] : memref<400x64xf32, #tpu.memory_space<vmem>> -> memref<128x64xf32, #tpu.memory_space<vmem>>
    %dma_wait3A_642 = arith.constant 3456 : i32
    %dma_wait3A_643 = tpu.memref_slice %arg6[%dma_wait3A_642] : memref<6400xi32, #tpu.memory_space<vmem>> -> memref<128xi32, #tpu.memory_space<vmem>>
    %dma_wait3A_644 = arith.constant 0 : i32
    %dma_wait3A_645 = arith.constant 0 : i32
    %dma_wait3A_646 = tpu.memref_slice %arg3[%dma_wait3A_644, %dma_wait3A_645] : memref<1000000x64xf32, #tpu.memory_space<hbm>> -> memref<1000000x64xf32, #tpu.memory_space<hbm>>
    tpu.wait_indirect_dma semaphore(%arg15 : memref<!tpu.dma_semaphore, #tpu.memory_space<semaphore_mem>>) src(%dma_wait3A_646 : memref<1000000x64xf32, #tpu.memory_space<hbm>>) dst(%dma_wait3A_641 : memref<128x64xf32, #tpu.memory_space<vmem>>)
    %dma_wait3A_647 = arith.constant 384 : i32
    %dma_wait3A_648 = arith.constant 0 : i32
    %dma_wait3A_649 = tpu.memref_slice %arg7[%dma_wait3A_647, %dma_wait3A_648] : memref<400x64xf32, #tpu.memory_space<vmem>> -> memref<16x64xf32, #tpu.memory_space<vmem>>
    %dma_wait3A_650 = arith.constant 3584 : i32
    %dma_wait3A_651 = tpu.memref_slice %arg6[%dma_wait3A_650] : memref<6400xi32, #tpu.memory_space<vmem>> -> memref<16xi32, #tpu.memory_space<vmem>>
    %dma_wait3A_652 = arith.constant 0 : i32
    %dma_wait3A_653 = arith.constant 0 : i32
    %dma_wait3A_654 = tpu.memref_slice %arg3[%dma_wait3A_652, %dma_wait3A_653] : memref<1000000x64xf32, #tpu.memory_space<hbm>> -> memref<1000000x64xf32, #tpu.memory_space<hbm>>
    tpu.wait_indirect_dma semaphore(%arg15 : memref<!tpu.dma_semaphore, #tpu.memory_space<semaphore_mem>>) src(%dma_wait3A_654 : memref<1000000x64xf32, #tpu.memory_space<hbm>>) dst(%dma_wait3A_649 : memref<16x64xf32, #tpu.memory_space<vmem>>)
    %add3A_655 = arith.constant 3200 : i32
    %add3A_656 = arith.addi %mul3A_2, %add3A_655 : i32
    %dma_start3A_657 = arith.constant 0 : i32
    %dma_start3A_658 = tpu.memref_slice %arg5[%add3A_656, %dma_start3A_657] : memref<204800x128xf32, #tpu.memory_space<hbm>> -> memref<400x64xf32, #tpu.memory_space<hbm>>
    %dma_start3A_659 = arith.constant 0 : i32
    %dma_start3A_660 = tpu.memref_slice %arg5[%add3A_656, %dma_start3A_659] : memref<204800x128xf32, #tpu.memory_space<hbm>> -> memref<400x64xf32, #tpu.memory_space<hbm>>
    tpu.enqueue_dma source(%arg7 : memref<400x64xf32, #tpu.memory_space<vmem>>) target(%dma_start3A_660 : memref<400x64xf32, #tpu.memory_space<hbm>>) target_semaphore(%arg19 : memref<!tpu.dma_semaphore, #tpu.memory_space<semaphore_mem>>)
    %dma_wait3A_661 = arith.constant 0 : i32
    %dma_wait3A_662 = tpu.memref_slice %arg5[%add3A_582, %dma_wait3A_661] : memref<204800x128xf32, #tpu.memory_space<hbm>> -> memref<400x64xf32, #tpu.memory_space<hbm>>
    %dma_wait3A_663 = arith.constant 0 : i32
    %dma_wait3A_664 = tpu.memref_slice %arg5[%add3A_582, %dma_wait3A_663] : memref<204800x128xf32, #tpu.memory_space<hbm>> -> memref<400x64xf32, #tpu.memory_space<hbm>>
    tpu.wait_dma2 semaphore(%arg22 : memref<!tpu.dma_semaphore, #tpu.memory_space<semaphore_mem>>) src(%arg10 : memref<400x64xf32, #tpu.memory_space<vmem>>) dst(%dma_wait3A_664 : memref<400x64xf32, #tpu.memory_space<hbm>>)
    tpu.enqueue_dma source(%arg23 : memref<400x64xf32, #tpu.memory_space<vmem_shared>>) target(%arg10 : memref<400x64xf32, #tpu.memory_space<vmem>>) target_semaphore(%arg14 : memref<!tpu.dma_semaphore, #tpu.memory_space<semaphore_mem>>)
    tpu.wait_dma2 semaphore(%arg12 : memref<!tpu.dma_semaphore, #tpu.memory_space<semaphore_mem>>) src(%arg23 : memref<400x64xf32, #tpu.memory_space<vmem_shared>>) dst(%arg8 : memref<400x64xf32, #tpu.memory_space<vmem>>)
    %dma_start3A_665 = arith.constant 0 : i32
    %dma_start3A_666 = arith.constant 0 : i32
    %dma_start3A_667 = tpu.memref_slice %arg8[%dma_start3A_665, %dma_start3A_666] : memref<400x64xf32, #tpu.memory_space<vmem>> -> memref<128x64xf32, #tpu.memory_space<vmem>>
    %dma_start3A_668 = arith.constant 3600 : i32
    %dma_start3A_669 = tpu.memref_slice %arg6[%dma_start3A_668] : memref<6400xi32, #tpu.memory_space<vmem>> -> memref<128xi32, #tpu.memory_space<vmem>>
    %dma_start3A_670 = arith.constant 0 : i32
    %dma_start3A_671 = arith.constant 0 : i32
    %dma_start3A_672 = tpu.memref_slice %arg3[%dma_start3A_670, %dma_start3A_671] : memref<1000000x64xf32, #tpu.memory_space<hbm>> -> memref<1000000x64xf32, #tpu.memory_space<hbm>>
    tpu.enqueue_indirect_dma source(%dma_start3A_672 : memref<1000000x64xf32, #tpu.memory_space<hbm>>) target(%dma_start3A_667 : memref<128x64xf32, #tpu.memory_space<vmem>>) offsets(%dma_start3A_669 : memref<128xi32, #tpu.memory_space<vmem>>) semaphore(%arg16 : memref<!tpu.dma_semaphore, #tpu.memory_space<semaphore_mem>>) {add = true}
    %dma_start3A_673 = arith.constant 128 : i32
    %dma_start3A_674 = arith.constant 0 : i32
    %dma_start3A_675 = tpu.memref_slice %arg8[%dma_start3A_673, %dma_start3A_674] : memref<400x64xf32, #tpu.memory_space<vmem>> -> memref<128x64xf32, #tpu.memory_space<vmem>>
    %dma_start3A_676 = arith.constant 3728 : i32
    %dma_start3A_677 = tpu.memref_slice %arg6[%dma_start3A_676] : memref<6400xi32, #tpu.memory_space<vmem>> -> memref<128xi32, #tpu.memory_space<vmem>>
    %dma_start3A_678 = arith.constant 0 : i32
    %dma_start3A_679 = arith.constant 0 : i32
    %dma_start3A_680 = tpu.memref_slice %arg3[%dma_start3A_678, %dma_start3A_679] : memref<1000000x64xf32, #tpu.memory_space<hbm>> -> memref<1000000x64xf32, #tpu.memory_space<hbm>>
    tpu.enqueue_indirect_dma source(%dma_start3A_680 : memref<1000000x64xf32, #tpu.memory_space<hbm>>) target(%dma_start3A_675 : memref<128x64xf32, #tpu.memory_space<vmem>>) offsets(%dma_start3A_677 : memref<128xi32, #tpu.memory_space<vmem>>) semaphore(%arg16 : memref<!tpu.dma_semaphore, #tpu.memory_space<semaphore_mem>>) {add = true}
    %dma_start3A_681 = arith.constant 256 : i32
    %dma_start3A_682 = arith.constant 0 : i32
    %dma_start3A_683 = tpu.memref_slice %arg8[%dma_start3A_681, %dma_start3A_682] : memref<400x64xf32, #tpu.memory_space<vmem>> -> memref<128x64xf32, #tpu.memory_space<vmem>>
    %dma_start3A_684 = arith.constant 3856 : i32
    %dma_start3A_685 = tpu.memref_slice %arg6[%dma_start3A_684] : memref<6400xi32, #tpu.memory_space<vmem>> -> memref<128xi32, #tpu.memory_space<vmem>>
    %dma_start3A_686 = arith.constant 0 : i32
    %dma_start3A_687 = arith.constant 0 : i32
    %dma_start3A_688 = tpu.memref_slice %arg3[%dma_start3A_686, %dma_start3A_687] : memref<1000000x64xf32, #tpu.memory_space<hbm>> -> memref<1000000x64xf32, #tpu.memory_space<hbm>>
    tpu.enqueue_indirect_dma source(%dma_start3A_688 : memref<1000000x64xf32, #tpu.memory_space<hbm>>) target(%dma_start3A_683 : memref<128x64xf32, #tpu.memory_space<vmem>>) offsets(%dma_start3A_685 : memref<128xi32, #tpu.memory_space<vmem>>) semaphore(%arg16 : memref<!tpu.dma_semaphore, #tpu.memory_space<semaphore_mem>>) {add = true}
    %dma_start3A_689 = arith.constant 384 : i32
    %dma_start3A_690 = arith.constant 0 : i32
    %dma_start3A_691 = tpu.memref_slice %arg8[%dma_start3A_689, %dma_start3A_690] : memref<400x64xf32, #tpu.memory_space<vmem>> -> memref<16x64xf32, #tpu.memory_space<vmem>>
    %dma_start3A_692 = arith.constant 3984 : i32
    %dma_start3A_693 = tpu.memref_slice %arg6[%dma_start3A_692] : memref<6400xi32, #tpu.memory_space<vmem>> -> memref<16xi32, #tpu.memory_space<vmem>>
    %dma_start3A_694 = arith.constant 0 : i32
    %dma_start3A_695 = arith.constant 0 : i32
    %dma_start3A_696 = tpu.memref_slice %arg3[%dma_start3A_694, %dma_start3A_695] : memref<1000000x64xf32, #tpu.memory_space<hbm>> -> memref<1000000x64xf32, #tpu.memory_space<hbm>>
    tpu.enqueue_indirect_dma source(%dma_start3A_696 : memref<1000000x64xf32, #tpu.memory_space<hbm>>) target(%dma_start3A_691 : memref<16x64xf32, #tpu.memory_space<vmem>>) offsets(%dma_start3A_693 : memref<16xi32, #tpu.memory_space<vmem>>) semaphore(%arg16 : memref<!tpu.dma_semaphore, #tpu.memory_space<semaphore_mem>>) {add = true}
    %dma_wait3A_697 = arith.constant 0 : i32
    %dma_wait3A_698 = arith.constant 0 : i32
    %dma_wait3A_699 = tpu.memref_slice %arg8[%dma_wait3A_697, %dma_wait3A_698] : memref<400x64xf32, #tpu.memory_space<vmem>> -> memref<128x64xf32, #tpu.memory_space<vmem>>
    %dma_wait3A_700 = arith.constant 3600 : i32
    %dma_wait3A_701 = tpu.memref_slice %arg6[%dma_wait3A_700] : memref<6400xi32, #tpu.memory_space<vmem>> -> memref<128xi32, #tpu.memory_space<vmem>>
    %dma_wait3A_702 = arith.constant 0 : i32
    %dma_wait3A_703 = arith.constant 0 : i32
    %dma_wait3A_704 = tpu.memref_slice %arg3[%dma_wait3A_702, %dma_wait3A_703] : memref<1000000x64xf32, #tpu.memory_space<hbm>> -> memref<1000000x64xf32, #tpu.memory_space<hbm>>
    tpu.wait_indirect_dma semaphore(%arg16 : memref<!tpu.dma_semaphore, #tpu.memory_space<semaphore_mem>>) src(%dma_wait3A_704 : memref<1000000x64xf32, #tpu.memory_space<hbm>>) dst(%dma_wait3A_699 : memref<128x64xf32, #tpu.memory_space<vmem>>)
    %dma_wait3A_705 = arith.constant 128 : i32
    %dma_wait3A_706 = arith.constant 0 : i32
    %dma_wait3A_707 = tpu.memref_slice %arg8[%dma_wait3A_705, %dma_wait3A_706] : memref<400x64xf32, #tpu.memory_space<vmem>> -> memref<128x64xf32, #tpu.memory_space<vmem>>
    %dma_wait3A_708 = arith.constant 3728 : i32
    %dma_wait3A_709 = tpu.memref_slice %arg6[%dma_wait3A_708] : memref<6400xi32, #tpu.memory_space<vmem>> -> memref<128xi32, #tpu.memory_space<vmem>>
    %dma_wait3A_710 = arith.constant 0 : i32
    %dma_wait3A_711 = arith.constant 0 : i32
    %dma_wait3A_712 = tpu.memref_slice %arg3[%dma_wait3A_710, %dma_wait3A_711] : memref<1000000x64xf32, #tpu.memory_space<hbm>> -> memref<1000000x64xf32, #tpu.memory_space<hbm>>
    tpu.wait_indirect_dma semaphore(%arg16 : memref<!tpu.dma_semaphore, #tpu.memory_space<semaphore_mem>>) src(%dma_wait3A_712 : memref<1000000x64xf32, #tpu.memory_space<hbm>>) dst(%dma_wait3A_707 : memref<128x64xf32, #tpu.memory_space<vmem>>)
    %dma_wait3A_713 = arith.constant 256 : i32
    %dma_wait3A_714 = arith.constant 0 : i32
    %dma_wait3A_715 = tpu.memref_slice %arg8[%dma_wait3A_713, %dma_wait3A_714] : memref<400x64xf32, #tpu.memory_space<vmem>> -> memref<128x64xf32, #tpu.memory_space<vmem>>
    %dma_wait3A_716 = arith.constant 3856 : i32
    %dma_wait3A_717 = tpu.memref_slice %arg6[%dma_wait3A_716] : memref<6400xi32, #tpu.memory_space<vmem>> -> memref<128xi32, #tpu.memory_space<vmem>>
    %dma_wait3A_718 = arith.constant 0 : i32
    %dma_wait3A_719 = arith.constant 0 : i32
    %dma_wait3A_720 = tpu.memref_slice %arg3[%dma_wait3A_718, %dma_wait3A_719] : memref<1000000x64xf32, #tpu.memory_space<hbm>> -> memref<1000000x64xf32, #tpu.memory_space<hbm>>
    tpu.wait_indirect_dma semaphore(%arg16 : memref<!tpu.dma_semaphore, #tpu.memory_space<semaphore_mem>>) src(%dma_wait3A_720 : memref<1000000x64xf32, #tpu.memory_space<hbm>>) dst(%dma_wait3A_715 : memref<128x64xf32, #tpu.memory_space<vmem>>)
    %dma_wait3A_721 = arith.constant 384 : i32
    %dma_wait3A_722 = arith.constant 0 : i32
    %dma_wait3A_723 = tpu.memref_slice %arg8[%dma_wait3A_721, %dma_wait3A_722] : memref<400x64xf32, #tpu.memory_space<vmem>> -> memref<16x64xf32, #tpu.memory_space<vmem>>
    %dma_wait3A_724 = arith.constant 3984 : i32
    %dma_wait3A_725 = tpu.memref_slice %arg6[%dma_wait3A_724] : memref<6400xi32, #tpu.memory_space<vmem>> -> memref<16xi32, #tpu.memory_space<vmem>>
    %dma_wait3A_726 = arith.constant 0 : i32
    %dma_wait3A_727 = arith.constant 0 : i32
    %dma_wait3A_728 = tpu.memref_slice %arg3[%dma_wait3A_726, %dma_wait3A_727] : memref<1000000x64xf32, #tpu.memory_space<hbm>> -> memref<1000000x64xf32, #tpu.memory_space<hbm>>
    tpu.wait_indirect_dma semaphore(%arg16 : memref<!tpu.dma_semaphore, #tpu.memory_space<semaphore_mem>>) src(%dma_wait3A_728 : memref<1000000x64xf32, #tpu.memory_space<hbm>>) dst(%dma_wait3A_723 : memref<16x64xf32, #tpu.memory_space<vmem>>)
    %add3A_729 = arith.constant 3600 : i32
    %add3A_730 = arith.addi %mul3A_2, %add3A_729 : i32
    %dma_start3A_731 = arith.constant 0 : i32
    %dma_start3A_732 = tpu.memref_slice %arg5[%add3A_730, %dma_start3A_731] : memref<204800x128xf32, #tpu.memory_space<hbm>> -> memref<400x64xf32, #tpu.memory_space<hbm>>
    %dma_start3A_733 = arith.constant 0 : i32
    %dma_start3A_734 = tpu.memref_slice %arg5[%add3A_730, %dma_start3A_733] : memref<204800x128xf32, #tpu.memory_space<hbm>> -> memref<400x64xf32, #tpu.memory_space<hbm>>
    tpu.enqueue_dma source(%arg8 : memref<400x64xf32, #tpu.memory_space<vmem>>) target(%dma_start3A_734 : memref<400x64xf32, #tpu.memory_space<hbm>>) target_semaphore(%arg20 : memref<!tpu.dma_semaphore, #tpu.memory_space<semaphore_mem>>)
    %dma_wait3A_735 = arith.constant 0 : i32
    %dma_wait3A_736 = tpu.memref_slice %arg5[%add3A_656, %dma_wait3A_735] : memref<204800x128xf32, #tpu.memory_space<hbm>> -> memref<400x64xf32, #tpu.memory_space<hbm>>
    %dma_wait3A_737 = arith.constant 0 : i32
    %dma_wait3A_738 = tpu.memref_slice %arg5[%add3A_656, %dma_wait3A_737] : memref<204800x128xf32, #tpu.memory_space<hbm>> -> memref<400x64xf32, #tpu.memory_space<hbm>>
    tpu.wait_dma2 semaphore(%arg19 : memref<!tpu.dma_semaphore, #tpu.memory_space<semaphore_mem>>) src(%arg7 : memref<400x64xf32, #tpu.memory_space<vmem>>) dst(%dma_wait3A_738 : memref<400x64xf32, #tpu.memory_space<hbm>>)
    tpu.enqueue_dma source(%arg23 : memref<400x64xf32, #tpu.memory_space<vmem_shared>>) target(%arg7 : memref<400x64xf32, #tpu.memory_space<vmem>>) target_semaphore(%arg11 : memref<!tpu.dma_semaphore, #tpu.memory_space<semaphore_mem>>)
    tpu.wait_dma2 semaphore(%arg13 : memref<!tpu.dma_semaphore, #tpu.memory_space<semaphore_mem>>) src(%arg23 : memref<400x64xf32, #tpu.memory_space<vmem_shared>>) dst(%arg9 : memref<400x64xf32, #tpu.memory_space<vmem>>)
    %dma_start3A_739 = arith.constant 0 : i32
    %dma_start3A_740 = arith.constant 0 : i32
    %dma_start3A_741 = tpu.memref_slice %arg9[%dma_start3A_739, %dma_start3A_740] : memref<400x64xf32, #tpu.memory_space<vmem>> -> memref<128x64xf32, #tpu.memory_space<vmem>>
    %dma_start3A_742 = arith.constant 4000 : i32
    %dma_start3A_743 = tpu.memref_slice %arg6[%dma_start3A_742] : memref<6400xi32, #tpu.memory_space<vmem>> -> memref<128xi32, #tpu.memory_space<vmem>>
    %dma_start3A_744 = arith.constant 0 : i32
    %dma_start3A_745 = arith.constant 0 : i32
    %dma_start3A_746 = tpu.memref_slice %arg3[%dma_start3A_744, %dma_start3A_745] : memref<1000000x64xf32, #tpu.memory_space<hbm>> -> memref<1000000x64xf32, #tpu.memory_space<hbm>>
    tpu.enqueue_indirect_dma source(%dma_start3A_746 : memref<1000000x64xf32, #tpu.memory_space<hbm>>) target(%dma_start3A_741 : memref<128x64xf32, #tpu.memory_space<vmem>>) offsets(%dma_start3A_743 : memref<128xi32, #tpu.memory_space<vmem>>) semaphore(%arg17 : memref<!tpu.dma_semaphore, #tpu.memory_space<semaphore_mem>>) {add = true}
    %dma_start3A_747 = arith.constant 128 : i32
    %dma_start3A_748 = arith.constant 0 : i32
    %dma_start3A_749 = tpu.memref_slice %arg9[%dma_start3A_747, %dma_start3A_748] : memref<400x64xf32, #tpu.memory_space<vmem>> -> memref<128x64xf32, #tpu.memory_space<vmem>>
    %dma_start3A_750 = arith.constant 4128 : i32
    %dma_start3A_751 = tpu.memref_slice %arg6[%dma_start3A_750] : memref<6400xi32, #tpu.memory_space<vmem>> -> memref<128xi32, #tpu.memory_space<vmem>>
    %dma_start3A_752 = arith.constant 0 : i32
    %dma_start3A_753 = arith.constant 0 : i32
    %dma_start3A_754 = tpu.memref_slice %arg3[%dma_start3A_752, %dma_start3A_753] : memref<1000000x64xf32, #tpu.memory_space<hbm>> -> memref<1000000x64xf32, #tpu.memory_space<hbm>>
    tpu.enqueue_indirect_dma source(%dma_start3A_754 : memref<1000000x64xf32, #tpu.memory_space<hbm>>) target(%dma_start3A_749 : memref<128x64xf32, #tpu.memory_space<vmem>>) offsets(%dma_start3A_751 : memref<128xi32, #tpu.memory_space<vmem>>) semaphore(%arg17 : memref<!tpu.dma_semaphore, #tpu.memory_space<semaphore_mem>>) {add = true}
    %dma_start3A_755 = arith.constant 256 : i32
    %dma_start3A_756 = arith.constant 0 : i32
    %dma_start3A_757 = tpu.memref_slice %arg9[%dma_start3A_755, %dma_start3A_756] : memref<400x64xf32, #tpu.memory_space<vmem>> -> memref<128x64xf32, #tpu.memory_space<vmem>>
    %dma_start3A_758 = arith.constant 4256 : i32
    %dma_start3A_759 = tpu.memref_slice %arg6[%dma_start3A_758] : memref<6400xi32, #tpu.memory_space<vmem>> -> memref<128xi32, #tpu.memory_space<vmem>>
    %dma_start3A_760 = arith.constant 0 : i32
    %dma_start3A_761 = arith.constant 0 : i32
    %dma_start3A_762 = tpu.memref_slice %arg3[%dma_start3A_760, %dma_start3A_761] : memref<1000000x64xf32, #tpu.memory_space<hbm>> -> memref<1000000x64xf32, #tpu.memory_space<hbm>>
    tpu.enqueue_indirect_dma source(%dma_start3A_762 : memref<1000000x64xf32, #tpu.memory_space<hbm>>) target(%dma_start3A_757 : memref<128x64xf32, #tpu.memory_space<vmem>>) offsets(%dma_start3A_759 : memref<128xi32, #tpu.memory_space<vmem>>) semaphore(%arg17 : memref<!tpu.dma_semaphore, #tpu.memory_space<semaphore_mem>>) {add = true}
    %dma_start3A_763 = arith.constant 384 : i32
    %dma_start3A_764 = arith.constant 0 : i32
    %dma_start3A_765 = tpu.memref_slice %arg9[%dma_start3A_763, %dma_start3A_764] : memref<400x64xf32, #tpu.memory_space<vmem>> -> memref<16x64xf32, #tpu.memory_space<vmem>>
    %dma_start3A_766 = arith.constant 4384 : i32
    %dma_start3A_767 = tpu.memref_slice %arg6[%dma_start3A_766] : memref<6400xi32, #tpu.memory_space<vmem>> -> memref<16xi32, #tpu.memory_space<vmem>>
    %dma_start3A_768 = arith.constant 0 : i32
    %dma_start3A_769 = arith.constant 0 : i32
    %dma_start3A_770 = tpu.memref_slice %arg3[%dma_start3A_768, %dma_start3A_769] : memref<1000000x64xf32, #tpu.memory_space<hbm>> -> memref<1000000x64xf32, #tpu.memory_space<hbm>>
    tpu.enqueue_indirect_dma source(%dma_start3A_770 : memref<1000000x64xf32, #tpu.memory_space<hbm>>) target(%dma_start3A_765 : memref<16x64xf32, #tpu.memory_space<vmem>>) offsets(%dma_start3A_767 : memref<16xi32, #tpu.memory_space<vmem>>) semaphore(%arg17 : memref<!tpu.dma_semaphore, #tpu.memory_space<semaphore_mem>>) {add = true}
    %dma_wait3A_771 = arith.constant 0 : i32
    %dma_wait3A_772 = arith.constant 0 : i32
    %dma_wait3A_773 = tpu.memref_slice %arg9[%dma_wait3A_771, %dma_wait3A_772] : memref<400x64xf32, #tpu.memory_space<vmem>> -> memref<128x64xf32, #tpu.memory_space<vmem>>
    %dma_wait3A_774 = arith.constant 4000 : i32
    %dma_wait3A_775 = tpu.memref_slice %arg6[%dma_wait3A_774] : memref<6400xi32, #tpu.memory_space<vmem>> -> memref<128xi32, #tpu.memory_space<vmem>>
    %dma_wait3A_776 = arith.constant 0 : i32
    %dma_wait3A_777 = arith.constant 0 : i32
    %dma_wait3A_778 = tpu.memref_slice %arg3[%dma_wait3A_776, %dma_wait3A_777] : memref<1000000x64xf32, #tpu.memory_space<hbm>> -> memref<1000000x64xf32, #tpu.memory_space<hbm>>
    tpu.wait_indirect_dma semaphore(%arg17 : memref<!tpu.dma_semaphore, #tpu.memory_space<semaphore_mem>>) src(%dma_wait3A_778 : memref<1000000x64xf32, #tpu.memory_space<hbm>>) dst(%dma_wait3A_773 : memref<128x64xf32, #tpu.memory_space<vmem>>)
    %dma_wait3A_779 = arith.constant 128 : i32
    %dma_wait3A_780 = arith.constant 0 : i32
    %dma_wait3A_781 = tpu.memref_slice %arg9[%dma_wait3A_779, %dma_wait3A_780] : memref<400x64xf32, #tpu.memory_space<vmem>> -> memref<128x64xf32, #tpu.memory_space<vmem>>
    %dma_wait3A_782 = arith.constant 4128 : i32
    %dma_wait3A_783 = tpu.memref_slice %arg6[%dma_wait3A_782] : memref<6400xi32, #tpu.memory_space<vmem>> -> memref<128xi32, #tpu.memory_space<vmem>>
    %dma_wait3A_784 = arith.constant 0 : i32
    %dma_wait3A_785 = arith.constant 0 : i32
    %dma_wait3A_786 = tpu.memref_slice %arg3[%dma_wait3A_784, %dma_wait3A_785] : memref<1000000x64xf32, #tpu.memory_space<hbm>> -> memref<1000000x64xf32, #tpu.memory_space<hbm>>
    tpu.wait_indirect_dma semaphore(%arg17 : memref<!tpu.dma_semaphore, #tpu.memory_space<semaphore_mem>>) src(%dma_wait3A_786 : memref<1000000x64xf32, #tpu.memory_space<hbm>>) dst(%dma_wait3A_781 : memref<128x64xf32, #tpu.memory_space<vmem>>)
    %dma_wait3A_787 = arith.constant 256 : i32
    %dma_wait3A_788 = arith.constant 0 : i32
    %dma_wait3A_789 = tpu.memref_slice %arg9[%dma_wait3A_787, %dma_wait3A_788] : memref<400x64xf32, #tpu.memory_space<vmem>> -> memref<128x64xf32, #tpu.memory_space<vmem>>
    %dma_wait3A_790 = arith.constant 4256 : i32
    %dma_wait3A_791 = tpu.memref_slice %arg6[%dma_wait3A_790] : memref<6400xi32, #tpu.memory_space<vmem>> -> memref<128xi32, #tpu.memory_space<vmem>>
    %dma_wait3A_792 = arith.constant 0 : i32
    %dma_wait3A_793 = arith.constant 0 : i32
    %dma_wait3A_794 = tpu.memref_slice %arg3[%dma_wait3A_792, %dma_wait3A_793] : memref<1000000x64xf32, #tpu.memory_space<hbm>> -> memref<1000000x64xf32, #tpu.memory_space<hbm>>
    tpu.wait_indirect_dma semaphore(%arg17 : memref<!tpu.dma_semaphore, #tpu.memory_space<semaphore_mem>>) src(%dma_wait3A_794 : memref<1000000x64xf32, #tpu.memory_space<hbm>>) dst(%dma_wait3A_789 : memref<128x64xf32, #tpu.memory_space<vmem>>)
    %dma_wait3A_795 = arith.constant 384 : i32
    %dma_wait3A_796 = arith.constant 0 : i32
    %dma_wait3A_797 = tpu.memref_slice %arg9[%dma_wait3A_795, %dma_wait3A_796] : memref<400x64xf32, #tpu.memory_space<vmem>> -> memref<16x64xf32, #tpu.memory_space<vmem>>
    %dma_wait3A_798 = arith.constant 4384 : i32
    %dma_wait3A_799 = tpu.memref_slice %arg6[%dma_wait3A_798] : memref<6400xi32, #tpu.memory_space<vmem>> -> memref<16xi32, #tpu.memory_space<vmem>>
    %dma_wait3A_800 = arith.constant 0 : i32
    %dma_wait3A_801 = arith.constant 0 : i32
    %dma_wait3A_802 = tpu.memref_slice %arg3[%dma_wait3A_800, %dma_wait3A_801] : memref<1000000x64xf32, #tpu.memory_space<hbm>> -> memref<1000000x64xf32, #tpu.memory_space<hbm>>
    tpu.wait_indirect_dma semaphore(%arg17 : memref<!tpu.dma_semaphore, #tpu.memory_space<semaphore_mem>>) src(%dma_wait3A_802 : memref<1000000x64xf32, #tpu.memory_space<hbm>>) dst(%dma_wait3A_797 : memref<16x64xf32, #tpu.memory_space<vmem>>)
    %add3A_803 = arith.constant 4000 : i32
    %add3A_804 = arith.addi %mul3A_2, %add3A_803 : i32
    %dma_start3A_805 = arith.constant 0 : i32
    %dma_start3A_806 = tpu.memref_slice %arg5[%add3A_804, %dma_start3A_805] : memref<204800x128xf32, #tpu.memory_space<hbm>> -> memref<400x64xf32, #tpu.memory_space<hbm>>
    %dma_start3A_807 = arith.constant 0 : i32
    %dma_start3A_808 = tpu.memref_slice %arg5[%add3A_804, %dma_start3A_807] : memref<204800x128xf32, #tpu.memory_space<hbm>> -> memref<400x64xf32, #tpu.memory_space<hbm>>
    tpu.enqueue_dma source(%arg9 : memref<400x64xf32, #tpu.memory_space<vmem>>) target(%dma_start3A_808 : memref<400x64xf32, #tpu.memory_space<hbm>>) target_semaphore(%arg21 : memref<!tpu.dma_semaphore, #tpu.memory_space<semaphore_mem>>)
    %dma_wait3A_809 = arith.constant 0 : i32
    %dma_wait3A_810 = tpu.memref_slice %arg5[%add3A_730, %dma_wait3A_809] : memref<204800x128xf32, #tpu.memory_space<hbm>> -> memref<400x64xf32, #tpu.memory_space<hbm>>
    %dma_wait3A_811 = arith.constant 0 : i32
    %dma_wait3A_812 = tpu.memref_slice %arg5[%add3A_730, %dma_wait3A_811] : memref<204800x128xf32, #tpu.memory_space<hbm>> -> memref<400x64xf32, #tpu.memory_space<hbm>>
    tpu.wait_dma2 semaphore(%arg20 : memref<!tpu.dma_semaphore, #tpu.memory_space<semaphore_mem>>) src(%arg8 : memref<400x64xf32, #tpu.memory_space<vmem>>) dst(%dma_wait3A_812 : memref<400x64xf32, #tpu.memory_space<hbm>>)
    tpu.enqueue_dma source(%arg23 : memref<400x64xf32, #tpu.memory_space<vmem_shared>>) target(%arg8 : memref<400x64xf32, #tpu.memory_space<vmem>>) target_semaphore(%arg12 : memref<!tpu.dma_semaphore, #tpu.memory_space<semaphore_mem>>)
    tpu.wait_dma2 semaphore(%arg14 : memref<!tpu.dma_semaphore, #tpu.memory_space<semaphore_mem>>) src(%arg23 : memref<400x64xf32, #tpu.memory_space<vmem_shared>>) dst(%arg10 : memref<400x64xf32, #tpu.memory_space<vmem>>)
    %dma_start3A_813 = arith.constant 0 : i32
    %dma_start3A_814 = arith.constant 0 : i32
    %dma_start3A_815 = tpu.memref_slice %arg10[%dma_start3A_813, %dma_start3A_814] : memref<400x64xf32, #tpu.memory_space<vmem>> -> memref<128x64xf32, #tpu.memory_space<vmem>>
    %dma_start3A_816 = arith.constant 4400 : i32
    %dma_start3A_817 = tpu.memref_slice %arg6[%dma_start3A_816] : memref<6400xi32, #tpu.memory_space<vmem>> -> memref<128xi32, #tpu.memory_space<vmem>>
    %dma_start3A_818 = arith.constant 0 : i32
    %dma_start3A_819 = arith.constant 0 : i32
    %dma_start3A_820 = tpu.memref_slice %arg3[%dma_start3A_818, %dma_start3A_819] : memref<1000000x64xf32, #tpu.memory_space<hbm>> -> memref<1000000x64xf32, #tpu.memory_space<hbm>>
    tpu.enqueue_indirect_dma source(%dma_start3A_820 : memref<1000000x64xf32, #tpu.memory_space<hbm>>) target(%dma_start3A_815 : memref<128x64xf32, #tpu.memory_space<vmem>>) offsets(%dma_start3A_817 : memref<128xi32, #tpu.memory_space<vmem>>) semaphore(%arg18 : memref<!tpu.dma_semaphore, #tpu.memory_space<semaphore_mem>>) {add = true}
    %dma_start3A_821 = arith.constant 128 : i32
    %dma_start3A_822 = arith.constant 0 : i32
    %dma_start3A_823 = tpu.memref_slice %arg10[%dma_start3A_821, %dma_start3A_822] : memref<400x64xf32, #tpu.memory_space<vmem>> -> memref<128x64xf32, #tpu.memory_space<vmem>>
    %dma_start3A_824 = arith.constant 4528 : i32
    %dma_start3A_825 = tpu.memref_slice %arg6[%dma_start3A_824] : memref<6400xi32, #tpu.memory_space<vmem>> -> memref<128xi32, #tpu.memory_space<vmem>>
    %dma_start3A_826 = arith.constant 0 : i32
    %dma_start3A_827 = arith.constant 0 : i32
    %dma_start3A_828 = tpu.memref_slice %arg3[%dma_start3A_826, %dma_start3A_827] : memref<1000000x64xf32, #tpu.memory_space<hbm>> -> memref<1000000x64xf32, #tpu.memory_space<hbm>>
    tpu.enqueue_indirect_dma source(%dma_start3A_828 : memref<1000000x64xf32, #tpu.memory_space<hbm>>) target(%dma_start3A_823 : memref<128x64xf32, #tpu.memory_space<vmem>>) offsets(%dma_start3A_825 : memref<128xi32, #tpu.memory_space<vmem>>) semaphore(%arg18 : memref<!tpu.dma_semaphore, #tpu.memory_space<semaphore_mem>>) {add = true}
    %dma_start3A_829 = arith.constant 256 : i32
    %dma_start3A_830 = arith.constant 0 : i32
    %dma_start3A_831 = tpu.memref_slice %arg10[%dma_start3A_829, %dma_start3A_830] : memref<400x64xf32, #tpu.memory_space<vmem>> -> memref<128x64xf32, #tpu.memory_space<vmem>>
    %dma_start3A_832 = arith.constant 4656 : i32
    %dma_start3A_833 = tpu.memref_slice %arg6[%dma_start3A_832] : memref<6400xi32, #tpu.memory_space<vmem>> -> memref<128xi32, #tpu.memory_space<vmem>>
    %dma_start3A_834 = arith.constant 0 : i32
    %dma_start3A_835 = arith.constant 0 : i32
    %dma_start3A_836 = tpu.memref_slice %arg3[%dma_start3A_834, %dma_start3A_835] : memref<1000000x64xf32, #tpu.memory_space<hbm>> -> memref<1000000x64xf32, #tpu.memory_space<hbm>>
    tpu.enqueue_indirect_dma source(%dma_start3A_836 : memref<1000000x64xf32, #tpu.memory_space<hbm>>) target(%dma_start3A_831 : memref<128x64xf32, #tpu.memory_space<vmem>>) offsets(%dma_start3A_833 : memref<128xi32, #tpu.memory_space<vmem>>) semaphore(%arg18 : memref<!tpu.dma_semaphore, #tpu.memory_space<semaphore_mem>>) {add = true}
    %dma_start3A_837 = arith.constant 384 : i32
    %dma_start3A_838 = arith.constant 0 : i32
    %dma_start3A_839 = tpu.memref_slice %arg10[%dma_start3A_837, %dma_start3A_838] : memref<400x64xf32, #tpu.memory_space<vmem>> -> memref<16x64xf32, #tpu.memory_space<vmem>>
    %dma_start3A_840 = arith.constant 4784 : i32
    %dma_start3A_841 = tpu.memref_slice %arg6[%dma_start3A_840] : memref<6400xi32, #tpu.memory_space<vmem>> -> memref<16xi32, #tpu.memory_space<vmem>>
    %dma_start3A_842 = arith.constant 0 : i32
    %dma_start3A_843 = arith.constant 0 : i32
    %dma_start3A_844 = tpu.memref_slice %arg3[%dma_start3A_842, %dma_start3A_843] : memref<1000000x64xf32, #tpu.memory_space<hbm>> -> memref<1000000x64xf32, #tpu.memory_space<hbm>>
    tpu.enqueue_indirect_dma source(%dma_start3A_844 : memref<1000000x64xf32, #tpu.memory_space<hbm>>) target(%dma_start3A_839 : memref<16x64xf32, #tpu.memory_space<vmem>>) offsets(%dma_start3A_841 : memref<16xi32, #tpu.memory_space<vmem>>) semaphore(%arg18 : memref<!tpu.dma_semaphore, #tpu.memory_space<semaphore_mem>>) {add = true}
    %dma_wait3A_845 = arith.constant 0 : i32
    %dma_wait3A_846 = arith.constant 0 : i32
    %dma_wait3A_847 = tpu.memref_slice %arg10[%dma_wait3A_845, %dma_wait3A_846] : memref<400x64xf32, #tpu.memory_space<vmem>> -> memref<128x64xf32, #tpu.memory_space<vmem>>
    %dma_wait3A_848 = arith.constant 4400 : i32
    %dma_wait3A_849 = tpu.memref_slice %arg6[%dma_wait3A_848] : memref<6400xi32, #tpu.memory_space<vmem>> -> memref<128xi32, #tpu.memory_space<vmem>>
    %dma_wait3A_850 = arith.constant 0 : i32
    %dma_wait3A_851 = arith.constant 0 : i32
    %dma_wait3A_852 = tpu.memref_slice %arg3[%dma_wait3A_850, %dma_wait3A_851] : memref<1000000x64xf32, #tpu.memory_space<hbm>> -> memref<1000000x64xf32, #tpu.memory_space<hbm>>
    tpu.wait_indirect_dma semaphore(%arg18 : memref<!tpu.dma_semaphore, #tpu.memory_space<semaphore_mem>>) src(%dma_wait3A_852 : memref<1000000x64xf32, #tpu.memory_space<hbm>>) dst(%dma_wait3A_847 : memref<128x64xf32, #tpu.memory_space<vmem>>)
    %dma_wait3A_853 = arith.constant 128 : i32
    %dma_wait3A_854 = arith.constant 0 : i32
    %dma_wait3A_855 = tpu.memref_slice %arg10[%dma_wait3A_853, %dma_wait3A_854] : memref<400x64xf32, #tpu.memory_space<vmem>> -> memref<128x64xf32, #tpu.memory_space<vmem>>
    %dma_wait3A_856 = arith.constant 4528 : i32
    %dma_wait3A_857 = tpu.memref_slice %arg6[%dma_wait3A_856] : memref<6400xi32, #tpu.memory_space<vmem>> -> memref<128xi32, #tpu.memory_space<vmem>>
    %dma_wait3A_858 = arith.constant 0 : i32
    %dma_wait3A_859 = arith.constant 0 : i32
    %dma_wait3A_860 = tpu.memref_slice %arg3[%dma_wait3A_858, %dma_wait3A_859] : memref<1000000x64xf32, #tpu.memory_space<hbm>> -> memref<1000000x64xf32, #tpu.memory_space<hbm>>
    tpu.wait_indirect_dma semaphore(%arg18 : memref<!tpu.dma_semaphore, #tpu.memory_space<semaphore_mem>>) src(%dma_wait3A_860 : memref<1000000x64xf32, #tpu.memory_space<hbm>>) dst(%dma_wait3A_855 : memref<128x64xf32, #tpu.memory_space<vmem>>)
    %dma_wait3A_861 = arith.constant 256 : i32
    %dma_wait3A_862 = arith.constant 0 : i32
    %dma_wait3A_863 = tpu.memref_slice %arg10[%dma_wait3A_861, %dma_wait3A_862] : memref<400x64xf32, #tpu.memory_space<vmem>> -> memref<128x64xf32, #tpu.memory_space<vmem>>
    %dma_wait3A_864 = arith.constant 4656 : i32
    %dma_wait3A_865 = tpu.memref_slice %arg6[%dma_wait3A_864] : memref<6400xi32, #tpu.memory_space<vmem>> -> memref<128xi32, #tpu.memory_space<vmem>>
    %dma_wait3A_866 = arith.constant 0 : i32
    %dma_wait3A_867 = arith.constant 0 : i32
    %dma_wait3A_868 = tpu.memref_slice %arg3[%dma_wait3A_866, %dma_wait3A_867] : memref<1000000x64xf32, #tpu.memory_space<hbm>> -> memref<1000000x64xf32, #tpu.memory_space<hbm>>
    tpu.wait_indirect_dma semaphore(%arg18 : memref<!tpu.dma_semaphore, #tpu.memory_space<semaphore_mem>>) src(%dma_wait3A_868 : memref<1000000x64xf32, #tpu.memory_space<hbm>>) dst(%dma_wait3A_863 : memref<128x64xf32, #tpu.memory_space<vmem>>)
    %dma_wait3A_869 = arith.constant 384 : i32
    %dma_wait3A_870 = arith.constant 0 : i32
    %dma_wait3A_871 = tpu.memref_slice %arg10[%dma_wait3A_869, %dma_wait3A_870] : memref<400x64xf32, #tpu.memory_space<vmem>> -> memref<16x64xf32, #tpu.memory_space<vmem>>
    %dma_wait3A_872 = arith.constant 4784 : i32
    %dma_wait3A_873 = tpu.memref_slice %arg6[%dma_wait3A_872] : memref<6400xi32, #tpu.memory_space<vmem>> -> memref<16xi32, #tpu.memory_space<vmem>>
    %dma_wait3A_874 = arith.constant 0 : i32
    %dma_wait3A_875 = arith.constant 0 : i32
    %dma_wait3A_876 = tpu.memref_slice %arg3[%dma_wait3A_874, %dma_wait3A_875] : memref<1000000x64xf32, #tpu.memory_space<hbm>> -> memref<1000000x64xf32, #tpu.memory_space<hbm>>
    tpu.wait_indirect_dma semaphore(%arg18 : memref<!tpu.dma_semaphore, #tpu.memory_space<semaphore_mem>>) src(%dma_wait3A_876 : memref<1000000x64xf32, #tpu.memory_space<hbm>>) dst(%dma_wait3A_871 : memref<16x64xf32, #tpu.memory_space<vmem>>)
    %add3A_877 = arith.constant 4400 : i32
    %add3A_878 = arith.addi %mul3A_2, %add3A_877 : i32
    %dma_start3A_879 = arith.constant 0 : i32
    %dma_start3A_880 = tpu.memref_slice %arg5[%add3A_878, %dma_start3A_879] : memref<204800x128xf32, #tpu.memory_space<hbm>> -> memref<400x64xf32, #tpu.memory_space<hbm>>
    %dma_start3A_881 = arith.constant 0 : i32
    %dma_start3A_882 = tpu.memref_slice %arg5[%add3A_878, %dma_start3A_881] : memref<204800x128xf32, #tpu.memory_space<hbm>> -> memref<400x64xf32, #tpu.memory_space<hbm>>
    tpu.enqueue_dma source(%arg10 : memref<400x64xf32, #tpu.memory_space<vmem>>) target(%dma_start3A_882 : memref<400x64xf32, #tpu.memory_space<hbm>>) target_semaphore(%arg22 : memref<!tpu.dma_semaphore, #tpu.memory_space<semaphore_mem>>)
    %dma_wait3A_883 = arith.constant 0 : i32
    %dma_wait3A_884 = tpu.memref_slice %arg5[%add3A_804, %dma_wait3A_883] : memref<204800x128xf32, #tpu.memory_space<hbm>> -> memref<400x64xf32, #tpu.memory_space<hbm>>
    %dma_wait3A_885 = arith.constant 0 : i32
    %dma_wait3A_886 = tpu.memref_slice %arg5[%add3A_804, %dma_wait3A_885] : memref<204800x128xf32, #tpu.memory_space<hbm>> -> memref<400x64xf32, #tpu.memory_space<hbm>>
    tpu.wait_dma2 semaphore(%arg21 : memref<!tpu.dma_semaphore, #tpu.memory_space<semaphore_mem>>) src(%arg9 : memref<400x64xf32, #tpu.memory_space<vmem>>) dst(%dma_wait3A_886 : memref<400x64xf32, #tpu.memory_space<hbm>>)
    tpu.enqueue_dma source(%arg23 : memref<400x64xf32, #tpu.memory_space<vmem_shared>>) target(%arg9 : memref<400x64xf32, #tpu.memory_space<vmem>>) target_semaphore(%arg13 : memref<!tpu.dma_semaphore, #tpu.memory_space<semaphore_mem>>)
    tpu.wait_dma2 semaphore(%arg11 : memref<!tpu.dma_semaphore, #tpu.memory_space<semaphore_mem>>) src(%arg23 : memref<400x64xf32, #tpu.memory_space<vmem_shared>>) dst(%arg7 : memref<400x64xf32, #tpu.memory_space<vmem>>)
    %dma_start3A_887 = arith.constant 0 : i32
    %dma_start3A_888 = arith.constant 0 : i32
    %dma_start3A_889 = tpu.memref_slice %arg7[%dma_start3A_887, %dma_start3A_888] : memref<400x64xf32, #tpu.memory_space<vmem>> -> memref<128x64xf32, #tpu.memory_space<vmem>>
    %dma_start3A_890 = arith.constant 4800 : i32
    %dma_start3A_891 = tpu.memref_slice %arg6[%dma_start3A_890] : memref<6400xi32, #tpu.memory_space<vmem>> -> memref<128xi32, #tpu.memory_space<vmem>>
    %dma_start3A_892 = arith.constant 0 : i32
    %dma_start3A_893 = arith.constant 0 : i32
    %dma_start3A_894 = tpu.memref_slice %arg3[%dma_start3A_892, %dma_start3A_893] : memref<1000000x64xf32, #tpu.memory_space<hbm>> -> memref<1000000x64xf32, #tpu.memory_space<hbm>>
    tpu.enqueue_indirect_dma source(%dma_start3A_894 : memref<1000000x64xf32, #tpu.memory_space<hbm>>) target(%dma_start3A_889 : memref<128x64xf32, #tpu.memory_space<vmem>>) offsets(%dma_start3A_891 : memref<128xi32, #tpu.memory_space<vmem>>) semaphore(%arg15 : memref<!tpu.dma_semaphore, #tpu.memory_space<semaphore_mem>>) {add = true}
    %dma_start3A_895 = arith.constant 128 : i32
    %dma_start3A_896 = arith.constant 0 : i32
    %dma_start3A_897 = tpu.memref_slice %arg7[%dma_start3A_895, %dma_start3A_896] : memref<400x64xf32, #tpu.memory_space<vmem>> -> memref<128x64xf32, #tpu.memory_space<vmem>>
    %dma_start3A_898 = arith.constant 4928 : i32
    %dma_start3A_899 = tpu.memref_slice %arg6[%dma_start3A_898] : memref<6400xi32, #tpu.memory_space<vmem>> -> memref<128xi32, #tpu.memory_space<vmem>>
    %dma_start3A_900 = arith.constant 0 : i32
    %dma_start3A_901 = arith.constant 0 : i32
    %dma_start3A_902 = tpu.memref_slice %arg3[%dma_start3A_900, %dma_start3A_901] : memref<1000000x64xf32, #tpu.memory_space<hbm>> -> memref<1000000x64xf32, #tpu.memory_space<hbm>>
    tpu.enqueue_indirect_dma source(%dma_start3A_902 : memref<1000000x64xf32, #tpu.memory_space<hbm>>) target(%dma_start3A_897 : memref<128x64xf32, #tpu.memory_space<vmem>>) offsets(%dma_start3A_899 : memref<128xi32, #tpu.memory_space<vmem>>) semaphore(%arg15 : memref<!tpu.dma_semaphore, #tpu.memory_space<semaphore_mem>>) {add = true}
    %dma_start3A_903 = arith.constant 256 : i32
    %dma_start3A_904 = arith.constant 0 : i32
    %dma_start3A_905 = tpu.memref_slice %arg7[%dma_start3A_903, %dma_start3A_904] : memref<400x64xf32, #tpu.memory_space<vmem>> -> memref<128x64xf32, #tpu.memory_space<vmem>>
    %dma_start3A_906 = arith.constant 5056 : i32
    %dma_start3A_907 = tpu.memref_slice %arg6[%dma_start3A_906] : memref<6400xi32, #tpu.memory_space<vmem>> -> memref<128xi32, #tpu.memory_space<vmem>>
    %dma_start3A_908 = arith.constant 0 : i32
    %dma_start3A_909 = arith.constant 0 : i32
    %dma_start3A_910 = tpu.memref_slice %arg3[%dma_start3A_908, %dma_start3A_909] : memref<1000000x64xf32, #tpu.memory_space<hbm>> -> memref<1000000x64xf32, #tpu.memory_space<hbm>>
    tpu.enqueue_indirect_dma source(%dma_start3A_910 : memref<1000000x64xf32, #tpu.memory_space<hbm>>) target(%dma_start3A_905 : memref<128x64xf32, #tpu.memory_space<vmem>>) offsets(%dma_start3A_907 : memref<128xi32, #tpu.memory_space<vmem>>) semaphore(%arg15 : memref<!tpu.dma_semaphore, #tpu.memory_space<semaphore_mem>>) {add = true}
    %dma_start3A_911 = arith.constant 384 : i32
    %dma_start3A_912 = arith.constant 0 : i32
    %dma_start3A_913 = tpu.memref_slice %arg7[%dma_start3A_911, %dma_start3A_912] : memref<400x64xf32, #tpu.memory_space<vmem>> -> memref<16x64xf32, #tpu.memory_space<vmem>>
    %dma_start3A_914 = arith.constant 5184 : i32
    %dma_start3A_915 = tpu.memref_slice %arg6[%dma_start3A_914] : memref<6400xi32, #tpu.memory_space<vmem>> -> memref<16xi32, #tpu.memory_space<vmem>>
    %dma_start3A_916 = arith.constant 0 : i32
    %dma_start3A_917 = arith.constant 0 : i32
    %dma_start3A_918 = tpu.memref_slice %arg3[%dma_start3A_916, %dma_start3A_917] : memref<1000000x64xf32, #tpu.memory_space<hbm>> -> memref<1000000x64xf32, #tpu.memory_space<hbm>>
    tpu.enqueue_indirect_dma source(%dma_start3A_918 : memref<1000000x64xf32, #tpu.memory_space<hbm>>) target(%dma_start3A_913 : memref<16x64xf32, #tpu.memory_space<vmem>>) offsets(%dma_start3A_915 : memref<16xi32, #tpu.memory_space<vmem>>) semaphore(%arg15 : memref<!tpu.dma_semaphore, #tpu.memory_space<semaphore_mem>>) {add = true}
    %dma_wait3A_919 = arith.constant 0 : i32
    %dma_wait3A_920 = arith.constant 0 : i32
    %dma_wait3A_921 = tpu.memref_slice %arg7[%dma_wait3A_919, %dma_wait3A_920] : memref<400x64xf32, #tpu.memory_space<vmem>> -> memref<128x64xf32, #tpu.memory_space<vmem>>
    %dma_wait3A_922 = arith.constant 4800 : i32
    %dma_wait3A_923 = tpu.memref_slice %arg6[%dma_wait3A_922] : memref<6400xi32, #tpu.memory_space<vmem>> -> memref<128xi32, #tpu.memory_space<vmem>>
    %dma_wait3A_924 = arith.constant 0 : i32
    %dma_wait3A_925 = arith.constant 0 : i32
    %dma_wait3A_926 = tpu.memref_slice %arg3[%dma_wait3A_924, %dma_wait3A_925] : memref<1000000x64xf32, #tpu.memory_space<hbm>> -> memref<1000000x64xf32, #tpu.memory_space<hbm>>
    tpu.wait_indirect_dma semaphore(%arg15 : memref<!tpu.dma_semaphore, #tpu.memory_space<semaphore_mem>>) src(%dma_wait3A_926 : memref<1000000x64xf32, #tpu.memory_space<hbm>>) dst(%dma_wait3A_921 : memref<128x64xf32, #tpu.memory_space<vmem>>)
    %dma_wait3A_927 = arith.constant 128 : i32
    %dma_wait3A_928 = arith.constant 0 : i32
    %dma_wait3A_929 = tpu.memref_slice %arg7[%dma_wait3A_927, %dma_wait3A_928] : memref<400x64xf32, #tpu.memory_space<vmem>> -> memref<128x64xf32, #tpu.memory_space<vmem>>
    %dma_wait3A_930 = arith.constant 4928 : i32
    %dma_wait3A_931 = tpu.memref_slice %arg6[%dma_wait3A_930] : memref<6400xi32, #tpu.memory_space<vmem>> -> memref<128xi32, #tpu.memory_space<vmem>>
    %dma_wait3A_932 = arith.constant 0 : i32
    %dma_wait3A_933 = arith.constant 0 : i32
    %dma_wait3A_934 = tpu.memref_slice %arg3[%dma_wait3A_932, %dma_wait3A_933] : memref<1000000x64xf32, #tpu.memory_space<hbm>> -> memref<1000000x64xf32, #tpu.memory_space<hbm>>
    tpu.wait_indirect_dma semaphore(%arg15 : memref<!tpu.dma_semaphore, #tpu.memory_space<semaphore_mem>>) src(%dma_wait3A_934 : memref<1000000x64xf32, #tpu.memory_space<hbm>>) dst(%dma_wait3A_929 : memref<128x64xf32, #tpu.memory_space<vmem>>)
    %dma_wait3A_935 = arith.constant 256 : i32
    %dma_wait3A_936 = arith.constant 0 : i32
    %dma_wait3A_937 = tpu.memref_slice %arg7[%dma_wait3A_935, %dma_wait3A_936] : memref<400x64xf32, #tpu.memory_space<vmem>> -> memref<128x64xf32, #tpu.memory_space<vmem>>
    %dma_wait3A_938 = arith.constant 5056 : i32
    %dma_wait3A_939 = tpu.memref_slice %arg6[%dma_wait3A_938] : memref<6400xi32, #tpu.memory_space<vmem>> -> memref<128xi32, #tpu.memory_space<vmem>>
    %dma_wait3A_940 = arith.constant 0 : i32
    %dma_wait3A_941 = arith.constant 0 : i32
    %dma_wait3A_942 = tpu.memref_slice %arg3[%dma_wait3A_940, %dma_wait3A_941] : memref<1000000x64xf32, #tpu.memory_space<hbm>> -> memref<1000000x64xf32, #tpu.memory_space<hbm>>
    tpu.wait_indirect_dma semaphore(%arg15 : memref<!tpu.dma_semaphore, #tpu.memory_space<semaphore_mem>>) src(%dma_wait3A_942 : memref<1000000x64xf32, #tpu.memory_space<hbm>>) dst(%dma_wait3A_937 : memref<128x64xf32, #tpu.memory_space<vmem>>)
    %dma_wait3A_943 = arith.constant 384 : i32
    %dma_wait3A_944 = arith.constant 0 : i32
    %dma_wait3A_945 = tpu.memref_slice %arg7[%dma_wait3A_943, %dma_wait3A_944] : memref<400x64xf32, #tpu.memory_space<vmem>> -> memref<16x64xf32, #tpu.memory_space<vmem>>
    %dma_wait3A_946 = arith.constant 5184 : i32
    %dma_wait3A_947 = tpu.memref_slice %arg6[%dma_wait3A_946] : memref<6400xi32, #tpu.memory_space<vmem>> -> memref<16xi32, #tpu.memory_space<vmem>>
    %dma_wait3A_948 = arith.constant 0 : i32
    %dma_wait3A_949 = arith.constant 0 : i32
    %dma_wait3A_950 = tpu.memref_slice %arg3[%dma_wait3A_948, %dma_wait3A_949] : memref<1000000x64xf32, #tpu.memory_space<hbm>> -> memref<1000000x64xf32, #tpu.memory_space<hbm>>
    tpu.wait_indirect_dma semaphore(%arg15 : memref<!tpu.dma_semaphore, #tpu.memory_space<semaphore_mem>>) src(%dma_wait3A_950 : memref<1000000x64xf32, #tpu.memory_space<hbm>>) dst(%dma_wait3A_945 : memref<16x64xf32, #tpu.memory_space<vmem>>)
    %add3A_951 = arith.constant 4800 : i32
    %add3A_952 = arith.addi %mul3A_2, %add3A_951 : i32
    %dma_start3A_953 = arith.constant 0 : i32
    %dma_start3A_954 = tpu.memref_slice %arg5[%add3A_952, %dma_start3A_953] : memref<204800x128xf32, #tpu.memory_space<hbm>> -> memref<400x64xf32, #tpu.memory_space<hbm>>
    %dma_start3A_955 = arith.constant 0 : i32
    %dma_start3A_956 = tpu.memref_slice %arg5[%add3A_952, %dma_start3A_955] : memref<204800x128xf32, #tpu.memory_space<hbm>> -> memref<400x64xf32, #tpu.memory_space<hbm>>
    tpu.enqueue_dma source(%arg7 : memref<400x64xf32, #tpu.memory_space<vmem>>) target(%dma_start3A_956 : memref<400x64xf32, #tpu.memory_space<hbm>>) target_semaphore(%arg19 : memref<!tpu.dma_semaphore, #tpu.memory_space<semaphore_mem>>)
    %dma_wait3A_957 = arith.constant 0 : i32
    %dma_wait3A_958 = tpu.memref_slice %arg5[%add3A_878, %dma_wait3A_957] : memref<204800x128xf32, #tpu.memory_space<hbm>> -> memref<400x64xf32, #tpu.memory_space<hbm>>
    %dma_wait3A_959 = arith.constant 0 : i32
    %dma_wait3A_960 = tpu.memref_slice %arg5[%add3A_878, %dma_wait3A_959] : memref<204800x128xf32, #tpu.memory_space<hbm>> -> memref<400x64xf32, #tpu.memory_space<hbm>>
    tpu.wait_dma2 semaphore(%arg22 : memref<!tpu.dma_semaphore, #tpu.memory_space<semaphore_mem>>) src(%arg10 : memref<400x64xf32, #tpu.memory_space<vmem>>) dst(%dma_wait3A_960 : memref<400x64xf32, #tpu.memory_space<hbm>>)
    tpu.enqueue_dma source(%arg23 : memref<400x64xf32, #tpu.memory_space<vmem_shared>>) target(%arg10 : memref<400x64xf32, #tpu.memory_space<vmem>>) target_semaphore(%arg14 : memref<!tpu.dma_semaphore, #tpu.memory_space<semaphore_mem>>)
    tpu.wait_dma2 semaphore(%arg12 : memref<!tpu.dma_semaphore, #tpu.memory_space<semaphore_mem>>) src(%arg23 : memref<400x64xf32, #tpu.memory_space<vmem_shared>>) dst(%arg8 : memref<400x64xf32, #tpu.memory_space<vmem>>)
    %dma_start3A_961 = arith.constant 0 : i32
    %dma_start3A_962 = arith.constant 0 : i32
    %dma_start3A_963 = tpu.memref_slice %arg8[%dma_start3A_961, %dma_start3A_962] : memref<400x64xf32, #tpu.memory_space<vmem>> -> memref<128x64xf32, #tpu.memory_space<vmem>>
    %dma_start3A_964 = arith.constant 5200 : i32
    %dma_start3A_965 = tpu.memref_slice %arg6[%dma_start3A_964] : memref<6400xi32, #tpu.memory_space<vmem>> -> memref<128xi32, #tpu.memory_space<vmem>>
    %dma_start3A_966 = arith.constant 0 : i32
    %dma_start3A_967 = arith.constant 0 : i32
    %dma_start3A_968 = tpu.memref_slice %arg3[%dma_start3A_966, %dma_start3A_967] : memref<1000000x64xf32, #tpu.memory_space<hbm>> -> memref<1000000x64xf32, #tpu.memory_space<hbm>>
    tpu.enqueue_indirect_dma source(%dma_start3A_968 : memref<1000000x64xf32, #tpu.memory_space<hbm>>) target(%dma_start3A_963 : memref<128x64xf32, #tpu.memory_space<vmem>>) offsets(%dma_start3A_965 : memref<128xi32, #tpu.memory_space<vmem>>) semaphore(%arg16 : memref<!tpu.dma_semaphore, #tpu.memory_space<semaphore_mem>>) {add = true}
    %dma_start3A_969 = arith.constant 128 : i32
    %dma_start3A_970 = arith.constant 0 : i32
    %dma_start3A_971 = tpu.memref_slice %arg8[%dma_start3A_969, %dma_start3A_970] : memref<400x64xf32, #tpu.memory_space<vmem>> -> memref<128x64xf32, #tpu.memory_space<vmem>>
    %dma_start3A_972 = arith.constant 5328 : i32
    %dma_start3A_973 = tpu.memref_slice %arg6[%dma_start3A_972] : memref<6400xi32, #tpu.memory_space<vmem>> -> memref<128xi32, #tpu.memory_space<vmem>>
    %dma_start3A_974 = arith.constant 0 : i32
    %dma_start3A_975 = arith.constant 0 : i32
    %dma_start3A_976 = tpu.memref_slice %arg3[%dma_start3A_974, %dma_start3A_975] : memref<1000000x64xf32, #tpu.memory_space<hbm>> -> memref<1000000x64xf32, #tpu.memory_space<hbm>>
    tpu.enqueue_indirect_dma source(%dma_start3A_976 : memref<1000000x64xf32, #tpu.memory_space<hbm>>) target(%dma_start3A_971 : memref<128x64xf32, #tpu.memory_space<vmem>>) offsets(%dma_start3A_973 : memref<128xi32, #tpu.memory_space<vmem>>) semaphore(%arg16 : memref<!tpu.dma_semaphore, #tpu.memory_space<semaphore_mem>>) {add = true}
    %dma_start3A_977 = arith.constant 256 : i32
    %dma_start3A_978 = arith.constant 0 : i32
    %dma_start3A_979 = tpu.memref_slice %arg8[%dma_start3A_977, %dma_start3A_978] : memref<400x64xf32, #tpu.memory_space<vmem>> -> memref<128x64xf32, #tpu.memory_space<vmem>>
    %dma_start3A_980 = arith.constant 5456 : i32
    %dma_start3A_981 = tpu.memref_slice %arg6[%dma_start3A_980] : memref<6400xi32, #tpu.memory_space<vmem>> -> memref<128xi32, #tpu.memory_space<vmem>>
    %dma_start3A_982 = arith.constant 0 : i32
    %dma_start3A_983 = arith.constant 0 : i32
    %dma_start3A_984 = tpu.memref_slice %arg3[%dma_start3A_982, %dma_start3A_983] : memref<1000000x64xf32, #tpu.memory_space<hbm>> -> memref<1000000x64xf32, #tpu.memory_space<hbm>>
    tpu.enqueue_indirect_dma source(%dma_start3A_984 : memref<1000000x64xf32, #tpu.memory_space<hbm>>) target(%dma_start3A_979 : memref<128x64xf32, #tpu.memory_space<vmem>>) offsets(%dma_start3A_981 : memref<128xi32, #tpu.memory_space<vmem>>) semaphore(%arg16 : memref<!tpu.dma_semaphore, #tpu.memory_space<semaphore_mem>>) {add = true}
    %dma_start3A_985 = arith.constant 384 : i32
    %dma_start3A_986 = arith.constant 0 : i32
    %dma_start3A_987 = tpu.memref_slice %arg8[%dma_start3A_985, %dma_start3A_986] : memref<400x64xf32, #tpu.memory_space<vmem>> -> memref<16x64xf32, #tpu.memory_space<vmem>>
    %dma_start3A_988 = arith.constant 5584 : i32
    %dma_start3A_989 = tpu.memref_slice %arg6[%dma_start3A_988] : memref<6400xi32, #tpu.memory_space<vmem>> -> memref<16xi32, #tpu.memory_space<vmem>>
    %dma_start3A_990 = arith.constant 0 : i32
    %dma_start3A_991 = arith.constant 0 : i32
    %dma_start3A_992 = tpu.memref_slice %arg3[%dma_start3A_990, %dma_start3A_991] : memref<1000000x64xf32, #tpu.memory_space<hbm>> -> memref<1000000x64xf32, #tpu.memory_space<hbm>>
    tpu.enqueue_indirect_dma source(%dma_start3A_992 : memref<1000000x64xf32, #tpu.memory_space<hbm>>) target(%dma_start3A_987 : memref<16x64xf32, #tpu.memory_space<vmem>>) offsets(%dma_start3A_989 : memref<16xi32, #tpu.memory_space<vmem>>) semaphore(%arg16 : memref<!tpu.dma_semaphore, #tpu.memory_space<semaphore_mem>>) {add = true}
    %dma_wait3A_993 = arith.constant 0 : i32
    %dma_wait3A_994 = arith.constant 0 : i32
    %dma_wait3A_995 = tpu.memref_slice %arg8[%dma_wait3A_993, %dma_wait3A_994] : memref<400x64xf32, #tpu.memory_space<vmem>> -> memref<128x64xf32, #tpu.memory_space<vmem>>
    %dma_wait3A_996 = arith.constant 5200 : i32
    %dma_wait3A_997 = tpu.memref_slice %arg6[%dma_wait3A_996] : memref<6400xi32, #tpu.memory_space<vmem>> -> memref<128xi32, #tpu.memory_space<vmem>>
    %dma_wait3A_998 = arith.constant 0 : i32
    %dma_wait3A_999 = arith.constant 0 : i32
    %dma_wait3A_1000 = tpu.memref_slice %arg3[%dma_wait3A_998, %dma_wait3A_999] : memref<1000000x64xf32, #tpu.memory_space<hbm>> -> memref<1000000x64xf32, #tpu.memory_space<hbm>>
    tpu.wait_indirect_dma semaphore(%arg16 : memref<!tpu.dma_semaphore, #tpu.memory_space<semaphore_mem>>) src(%dma_wait3A_1000 : memref<1000000x64xf32, #tpu.memory_space<hbm>>) dst(%dma_wait3A_995 : memref<128x64xf32, #tpu.memory_space<vmem>>)
    %dma_wait3A_1001 = arith.constant 128 : i32
    %dma_wait3A_1002 = arith.constant 0 : i32
    %dma_wait3A_1003 = tpu.memref_slice %arg8[%dma_wait3A_1001, %dma_wait3A_1002] : memref<400x64xf32, #tpu.memory_space<vmem>> -> memref<128x64xf32, #tpu.memory_space<vmem>>
    %dma_wait3A_1004 = arith.constant 5328 : i32
    %dma_wait3A_1005 = tpu.memref_slice %arg6[%dma_wait3A_1004] : memref<6400xi32, #tpu.memory_space<vmem>> -> memref<128xi32, #tpu.memory_space<vmem>>
    %dma_wait3A_1006 = arith.constant 0 : i32
    %dma_wait3A_1007 = arith.constant 0 : i32
    %dma_wait3A_1008 = tpu.memref_slice %arg3[%dma_wait3A_1006, %dma_wait3A_1007] : memref<1000000x64xf32, #tpu.memory_space<hbm>> -> memref<1000000x64xf32, #tpu.memory_space<hbm>>
    tpu.wait_indirect_dma semaphore(%arg16 : memref<!tpu.dma_semaphore, #tpu.memory_space<semaphore_mem>>) src(%dma_wait3A_1008 : memref<1000000x64xf32, #tpu.memory_space<hbm>>) dst(%dma_wait3A_1003 : memref<128x64xf32, #tpu.memory_space<vmem>>)
    %dma_wait3A_1009 = arith.constant 256 : i32
    %dma_wait3A_1010 = arith.constant 0 : i32
    %dma_wait3A_1011 = tpu.memref_slice %arg8[%dma_wait3A_1009, %dma_wait3A_1010] : memref<400x64xf32, #tpu.memory_space<vmem>> -> memref<128x64xf32, #tpu.memory_space<vmem>>
    %dma_wait3A_1012 = arith.constant 5456 : i32
    %dma_wait3A_1013 = tpu.memref_slice %arg6[%dma_wait3A_1012] : memref<6400xi32, #tpu.memory_space<vmem>> -> memref<128xi32, #tpu.memory_space<vmem>>
    %dma_wait3A_1014 = arith.constant 0 : i32
    %dma_wait3A_1015 = arith.constant 0 : i32
    %dma_wait3A_1016 = tpu.memref_slice %arg3[%dma_wait3A_1014, %dma_wait3A_1015] : memref<1000000x64xf32, #tpu.memory_space<hbm>> -> memref<1000000x64xf32, #tpu.memory_space<hbm>>
    tpu.wait_indirect_dma semaphore(%arg16 : memref<!tpu.dma_semaphore, #tpu.memory_space<semaphore_mem>>) src(%dma_wait3A_1016 : memref<1000000x64xf32, #tpu.memory_space<hbm>>) dst(%dma_wait3A_1011 : memref<128x64xf32, #tpu.memory_space<vmem>>)
    %dma_wait3A_1017 = arith.constant 384 : i32
    %dma_wait3A_1018 = arith.constant 0 : i32
    %dma_wait3A_1019 = tpu.memref_slice %arg8[%dma_wait3A_1017, %dma_wait3A_1018] : memref<400x64xf32, #tpu.memory_space<vmem>> -> memref<16x64xf32, #tpu.memory_space<vmem>>
    %dma_wait3A_1020 = arith.constant 5584 : i32
    %dma_wait3A_1021 = tpu.memref_slice %arg6[%dma_wait3A_1020] : memref<6400xi32, #tpu.memory_space<vmem>> -> memref<16xi32, #tpu.memory_space<vmem>>
    %dma_wait3A_1022 = arith.constant 0 : i32
    %dma_wait3A_1023 = arith.constant 0 : i32
    %dma_wait3A_1024 = tpu.memref_slice %arg3[%dma_wait3A_1022, %dma_wait3A_1023] : memref<1000000x64xf32, #tpu.memory_space<hbm>> -> memref<1000000x64xf32, #tpu.memory_space<hbm>>
    tpu.wait_indirect_dma semaphore(%arg16 : memref<!tpu.dma_semaphore, #tpu.memory_space<semaphore_mem>>) src(%dma_wait3A_1024 : memref<1000000x64xf32, #tpu.memory_space<hbm>>) dst(%dma_wait3A_1019 : memref<16x64xf32, #tpu.memory_space<vmem>>)
    %add3A_1025 = arith.constant 5200 : i32
    %add3A_1026 = arith.addi %mul3A_2, %add3A_1025 : i32
    %dma_start3A_1027 = arith.constant 0 : i32
    %dma_start3A_1028 = tpu.memref_slice %arg5[%add3A_1026, %dma_start3A_1027] : memref<204800x128xf32, #tpu.memory_space<hbm>> -> memref<400x64xf32, #tpu.memory_space<hbm>>
    %dma_start3A_1029 = arith.constant 0 : i32
    %dma_start3A_1030 = tpu.memref_slice %arg5[%add3A_1026, %dma_start3A_1029] : memref<204800x128xf32, #tpu.memory_space<hbm>> -> memref<400x64xf32, #tpu.memory_space<hbm>>
    tpu.enqueue_dma source(%arg8 : memref<400x64xf32, #tpu.memory_space<vmem>>) target(%dma_start3A_1030 : memref<400x64xf32, #tpu.memory_space<hbm>>) target_semaphore(%arg20 : memref<!tpu.dma_semaphore, #tpu.memory_space<semaphore_mem>>)
    tpu.wait_dma2 semaphore(%arg13 : memref<!tpu.dma_semaphore, #tpu.memory_space<semaphore_mem>>) src(%arg23 : memref<400x64xf32, #tpu.memory_space<vmem_shared>>) dst(%arg9 : memref<400x64xf32, #tpu.memory_space<vmem>>)
    %dma_start3A_1031 = arith.constant 0 : i32
    %dma_start3A_1032 = arith.constant 0 : i32
    %dma_start3A_1033 = tpu.memref_slice %arg9[%dma_start3A_1031, %dma_start3A_1032] : memref<400x64xf32, #tpu.memory_space<vmem>> -> memref<128x64xf32, #tpu.memory_space<vmem>>
    %dma_start3A_1034 = arith.constant 5600 : i32
    %dma_start3A_1035 = tpu.memref_slice %arg6[%dma_start3A_1034] : memref<6400xi32, #tpu.memory_space<vmem>> -> memref<128xi32, #tpu.memory_space<vmem>>
    %dma_start3A_1036 = arith.constant 0 : i32
    %dma_start3A_1037 = arith.constant 0 : i32
    %dma_start3A_1038 = tpu.memref_slice %arg3[%dma_start3A_1036, %dma_start3A_1037] : memref<1000000x64xf32, #tpu.memory_space<hbm>> -> memref<1000000x64xf32, #tpu.memory_space<hbm>>
    tpu.enqueue_indirect_dma source(%dma_start3A_1038 : memref<1000000x64xf32, #tpu.memory_space<hbm>>) target(%dma_start3A_1033 : memref<128x64xf32, #tpu.memory_space<vmem>>) offsets(%dma_start3A_1035 : memref<128xi32, #tpu.memory_space<vmem>>) semaphore(%arg17 : memref<!tpu.dma_semaphore, #tpu.memory_space<semaphore_mem>>) {add = true}
    %dma_start3A_1039 = arith.constant 128 : i32
    %dma_start3A_1040 = arith.constant 0 : i32
    %dma_start3A_1041 = tpu.memref_slice %arg9[%dma_start3A_1039, %dma_start3A_1040] : memref<400x64xf32, #tpu.memory_space<vmem>> -> memref<128x64xf32, #tpu.memory_space<vmem>>
    %dma_start3A_1042 = arith.constant 5728 : i32
    %dma_start3A_1043 = tpu.memref_slice %arg6[%dma_start3A_1042] : memref<6400xi32, #tpu.memory_space<vmem>> -> memref<128xi32, #tpu.memory_space<vmem>>
    %dma_start3A_1044 = arith.constant 0 : i32
    %dma_start3A_1045 = arith.constant 0 : i32
    %dma_start3A_1046 = tpu.memref_slice %arg3[%dma_start3A_1044, %dma_start3A_1045] : memref<1000000x64xf32, #tpu.memory_space<hbm>> -> memref<1000000x64xf32, #tpu.memory_space<hbm>>
    tpu.enqueue_indirect_dma source(%dma_start3A_1046 : memref<1000000x64xf32, #tpu.memory_space<hbm>>) target(%dma_start3A_1041 : memref<128x64xf32, #tpu.memory_space<vmem>>) offsets(%dma_start3A_1043 : memref<128xi32, #tpu.memory_space<vmem>>) semaphore(%arg17 : memref<!tpu.dma_semaphore, #tpu.memory_space<semaphore_mem>>) {add = true}
    %dma_start3A_1047 = arith.constant 256 : i32
    %dma_start3A_1048 = arith.constant 0 : i32
    %dma_start3A_1049 = tpu.memref_slice %arg9[%dma_start3A_1047, %dma_start3A_1048] : memref<400x64xf32, #tpu.memory_space<vmem>> -> memref<128x64xf32, #tpu.memory_space<vmem>>
    %dma_start3A_1050 = arith.constant 5856 : i32
    %dma_start3A_1051 = tpu.memref_slice %arg6[%dma_start3A_1050] : memref<6400xi32, #tpu.memory_space<vmem>> -> memref<128xi32, #tpu.memory_space<vmem>>
    %dma_start3A_1052 = arith.constant 0 : i32
    %dma_start3A_1053 = arith.constant 0 : i32
    %dma_start3A_1054 = tpu.memref_slice %arg3[%dma_start3A_1052, %dma_start3A_1053] : memref<1000000x64xf32, #tpu.memory_space<hbm>> -> memref<1000000x64xf32, #tpu.memory_space<hbm>>
    tpu.enqueue_indirect_dma source(%dma_start3A_1054 : memref<1000000x64xf32, #tpu.memory_space<hbm>>) target(%dma_start3A_1049 : memref<128x64xf32, #tpu.memory_space<vmem>>) offsets(%dma_start3A_1051 : memref<128xi32, #tpu.memory_space<vmem>>) semaphore(%arg17 : memref<!tpu.dma_semaphore, #tpu.memory_space<semaphore_mem>>) {add = true}
    %dma_start3A_1055 = arith.constant 384 : i32
    %dma_start3A_1056 = arith.constant 0 : i32
    %dma_start3A_1057 = tpu.memref_slice %arg9[%dma_start3A_1055, %dma_start3A_1056] : memref<400x64xf32, #tpu.memory_space<vmem>> -> memref<16x64xf32, #tpu.memory_space<vmem>>
    %dma_start3A_1058 = arith.constant 5984 : i32
    %dma_start3A_1059 = tpu.memref_slice %arg6[%dma_start3A_1058] : memref<6400xi32, #tpu.memory_space<vmem>> -> memref<16xi32, #tpu.memory_space<vmem>>
    %dma_start3A_1060 = arith.constant 0 : i32
    %dma_start3A_1061 = arith.constant 0 : i32
    %dma_start3A_1062 = tpu.memref_slice %arg3[%dma_start3A_1060, %dma_start3A_1061] : memref<1000000x64xf32, #tpu.memory_space<hbm>> -> memref<1000000x64xf32, #tpu.memory_space<hbm>>
    tpu.enqueue_indirect_dma source(%dma_start3A_1062 : memref<1000000x64xf32, #tpu.memory_space<hbm>>) target(%dma_start3A_1057 : memref<16x64xf32, #tpu.memory_space<vmem>>) offsets(%dma_start3A_1059 : memref<16xi32, #tpu.memory_space<vmem>>) semaphore(%arg17 : memref<!tpu.dma_semaphore, #tpu.memory_space<semaphore_mem>>) {add = true}
    %dma_wait3A_1063 = arith.constant 0 : i32
    %dma_wait3A_1064 = arith.constant 0 : i32
    %dma_wait3A_1065 = tpu.memref_slice %arg9[%dma_wait3A_1063, %dma_wait3A_1064] : memref<400x64xf32, #tpu.memory_space<vmem>> -> memref<128x64xf32, #tpu.memory_space<vmem>>
    %dma_wait3A_1066 = arith.constant 5600 : i32
    %dma_wait3A_1067 = tpu.memref_slice %arg6[%dma_wait3A_1066] : memref<6400xi32, #tpu.memory_space<vmem>> -> memref<128xi32, #tpu.memory_space<vmem>>
    %dma_wait3A_1068 = arith.constant 0 : i32
    %dma_wait3A_1069 = arith.constant 0 : i32
    %dma_wait3A_1070 = tpu.memref_slice %arg3[%dma_wait3A_1068, %dma_wait3A_1069] : memref<1000000x64xf32, #tpu.memory_space<hbm>> -> memref<1000000x64xf32, #tpu.memory_space<hbm>>
    tpu.wait_indirect_dma semaphore(%arg17 : memref<!tpu.dma_semaphore, #tpu.memory_space<semaphore_mem>>) src(%dma_wait3A_1070 : memref<1000000x64xf32, #tpu.memory_space<hbm>>) dst(%dma_wait3A_1065 : memref<128x64xf32, #tpu.memory_space<vmem>>)
    %dma_wait3A_1071 = arith.constant 128 : i32
    %dma_wait3A_1072 = arith.constant 0 : i32
    %dma_wait3A_1073 = tpu.memref_slice %arg9[%dma_wait3A_1071, %dma_wait3A_1072] : memref<400x64xf32, #tpu.memory_space<vmem>> -> memref<128x64xf32, #tpu.memory_space<vmem>>
    %dma_wait3A_1074 = arith.constant 5728 : i32
    %dma_wait3A_1075 = tpu.memref_slice %arg6[%dma_wait3A_1074] : memref<6400xi32, #tpu.memory_space<vmem>> -> memref<128xi32, #tpu.memory_space<vmem>>
    %dma_wait3A_1076 = arith.constant 0 : i32
    %dma_wait3A_1077 = arith.constant 0 : i32
    %dma_wait3A_1078 = tpu.memref_slice %arg3[%dma_wait3A_1076, %dma_wait3A_1077] : memref<1000000x64xf32, #tpu.memory_space<hbm>> -> memref<1000000x64xf32, #tpu.memory_space<hbm>>
    tpu.wait_indirect_dma semaphore(%arg17 : memref<!tpu.dma_semaphore, #tpu.memory_space<semaphore_mem>>) src(%dma_wait3A_1078 : memref<1000000x64xf32, #tpu.memory_space<hbm>>) dst(%dma_wait3A_1073 : memref<128x64xf32, #tpu.memory_space<vmem>>)
    %dma_wait3A_1079 = arith.constant 256 : i32
    %dma_wait3A_1080 = arith.constant 0 : i32
    %dma_wait3A_1081 = tpu.memref_slice %arg9[%dma_wait3A_1079, %dma_wait3A_1080] : memref<400x64xf32, #tpu.memory_space<vmem>> -> memref<128x64xf32, #tpu.memory_space<vmem>>
    %dma_wait3A_1082 = arith.constant 5856 : i32
    %dma_wait3A_1083 = tpu.memref_slice %arg6[%dma_wait3A_1082] : memref<6400xi32, #tpu.memory_space<vmem>> -> memref<128xi32, #tpu.memory_space<vmem>>
    %dma_wait3A_1084 = arith.constant 0 : i32
    %dma_wait3A_1085 = arith.constant 0 : i32
    %dma_wait3A_1086 = tpu.memref_slice %arg3[%dma_wait3A_1084, %dma_wait3A_1085] : memref<1000000x64xf32, #tpu.memory_space<hbm>> -> memref<1000000x64xf32, #tpu.memory_space<hbm>>
    tpu.wait_indirect_dma semaphore(%arg17 : memref<!tpu.dma_semaphore, #tpu.memory_space<semaphore_mem>>) src(%dma_wait3A_1086 : memref<1000000x64xf32, #tpu.memory_space<hbm>>) dst(%dma_wait3A_1081 : memref<128x64xf32, #tpu.memory_space<vmem>>)
    %dma_wait3A_1087 = arith.constant 384 : i32
    %dma_wait3A_1088 = arith.constant 0 : i32
    %dma_wait3A_1089 = tpu.memref_slice %arg9[%dma_wait3A_1087, %dma_wait3A_1088] : memref<400x64xf32, #tpu.memory_space<vmem>> -> memref<16x64xf32, #tpu.memory_space<vmem>>
    %dma_wait3A_1090 = arith.constant 5984 : i32
    %dma_wait3A_1091 = tpu.memref_slice %arg6[%dma_wait3A_1090] : memref<6400xi32, #tpu.memory_space<vmem>> -> memref<16xi32, #tpu.memory_space<vmem>>
    %dma_wait3A_1092 = arith.constant 0 : i32
    %dma_wait3A_1093 = arith.constant 0 : i32
    %dma_wait3A_1094 = tpu.memref_slice %arg3[%dma_wait3A_1092, %dma_wait3A_1093] : memref<1000000x64xf32, #tpu.memory_space<hbm>> -> memref<1000000x64xf32, #tpu.memory_space<hbm>>
    tpu.wait_indirect_dma semaphore(%arg17 : memref<!tpu.dma_semaphore, #tpu.memory_space<semaphore_mem>>) src(%dma_wait3A_1094 : memref<1000000x64xf32, #tpu.memory_space<hbm>>) dst(%dma_wait3A_1089 : memref<16x64xf32, #tpu.memory_space<vmem>>)
    %add3A_1095 = arith.constant 5600 : i32
    %add3A_1096 = arith.addi %mul3A_2, %add3A_1095 : i32
    %dma_start3A_1097 = arith.constant 0 : i32
    %dma_start3A_1098 = tpu.memref_slice %arg5[%add3A_1096, %dma_start3A_1097] : memref<204800x128xf32, #tpu.memory_space<hbm>> -> memref<400x64xf32, #tpu.memory_space<hbm>>
    %dma_start3A_1099 = arith.constant 0 : i32
    %dma_start3A_1100 = tpu.memref_slice %arg5[%add3A_1096, %dma_start3A_1099] : memref<204800x128xf32, #tpu.memory_space<hbm>> -> memref<400x64xf32, #tpu.memory_space<hbm>>
    tpu.enqueue_dma source(%arg9 : memref<400x64xf32, #tpu.memory_space<vmem>>) target(%dma_start3A_1100 : memref<400x64xf32, #tpu.memory_space<hbm>>) target_semaphore(%arg21 : memref<!tpu.dma_semaphore, #tpu.memory_space<semaphore_mem>>)
    tpu.wait_dma2 semaphore(%arg14 : memref<!tpu.dma_semaphore, #tpu.memory_space<semaphore_mem>>) src(%arg23 : memref<400x64xf32, #tpu.memory_space<vmem_shared>>) dst(%arg10 : memref<400x64xf32, #tpu.memory_space<vmem>>)
    %dma_start3A_1101 = arith.constant 0 : i32
    %dma_start3A_1102 = arith.constant 0 : i32
    %dma_start3A_1103 = tpu.memref_slice %arg10[%dma_start3A_1101, %dma_start3A_1102] : memref<400x64xf32, #tpu.memory_space<vmem>> -> memref<128x64xf32, #tpu.memory_space<vmem>>
    %dma_start3A_1104 = arith.constant 6000 : i32
    %dma_start3A_1105 = tpu.memref_slice %arg6[%dma_start3A_1104] : memref<6400xi32, #tpu.memory_space<vmem>> -> memref<128xi32, #tpu.memory_space<vmem>>
    %dma_start3A_1106 = arith.constant 0 : i32
    %dma_start3A_1107 = arith.constant 0 : i32
    %dma_start3A_1108 = tpu.memref_slice %arg3[%dma_start3A_1106, %dma_start3A_1107] : memref<1000000x64xf32, #tpu.memory_space<hbm>> -> memref<1000000x64xf32, #tpu.memory_space<hbm>>
    tpu.enqueue_indirect_dma source(%dma_start3A_1108 : memref<1000000x64xf32, #tpu.memory_space<hbm>>) target(%dma_start3A_1103 : memref<128x64xf32, #tpu.memory_space<vmem>>) offsets(%dma_start3A_1105 : memref<128xi32, #tpu.memory_space<vmem>>) semaphore(%arg18 : memref<!tpu.dma_semaphore, #tpu.memory_space<semaphore_mem>>) {add = true}
    %dma_start3A_1109 = arith.constant 128 : i32
    %dma_start3A_1110 = arith.constant 0 : i32
    %dma_start3A_1111 = tpu.memref_slice %arg10[%dma_start3A_1109, %dma_start3A_1110] : memref<400x64xf32, #tpu.memory_space<vmem>> -> memref<128x64xf32, #tpu.memory_space<vmem>>
    %dma_start3A_1112 = arith.constant 6128 : i32
    %dma_start3A_1113 = tpu.memref_slice %arg6[%dma_start3A_1112] : memref<6400xi32, #tpu.memory_space<vmem>> -> memref<128xi32, #tpu.memory_space<vmem>>
    %dma_start3A_1114 = arith.constant 0 : i32
    %dma_start3A_1115 = arith.constant 0 : i32
    %dma_start3A_1116 = tpu.memref_slice %arg3[%dma_start3A_1114, %dma_start3A_1115] : memref<1000000x64xf32, #tpu.memory_space<hbm>> -> memref<1000000x64xf32, #tpu.memory_space<hbm>>
    tpu.enqueue_indirect_dma source(%dma_start3A_1116 : memref<1000000x64xf32, #tpu.memory_space<hbm>>) target(%dma_start3A_1111 : memref<128x64xf32, #tpu.memory_space<vmem>>) offsets(%dma_start3A_1113 : memref<128xi32, #tpu.memory_space<vmem>>) semaphore(%arg18 : memref<!tpu.dma_semaphore, #tpu.memory_space<semaphore_mem>>) {add = true}
    %dma_start3A_1117 = arith.constant 256 : i32
    %dma_start3A_1118 = arith.constant 0 : i32
    %dma_start3A_1119 = tpu.memref_slice %arg10[%dma_start3A_1117, %dma_start3A_1118] : memref<400x64xf32, #tpu.memory_space<vmem>> -> memref<128x64xf32, #tpu.memory_space<vmem>>
    %dma_start3A_1120 = arith.constant 6256 : i32
    %dma_start3A_1121 = tpu.memref_slice %arg6[%dma_start3A_1120] : memref<6400xi32, #tpu.memory_space<vmem>> -> memref<128xi32, #tpu.memory_space<vmem>>
    %dma_start3A_1122 = arith.constant 0 : i32
    %dma_start3A_1123 = arith.constant 0 : i32
    %dma_start3A_1124 = tpu.memref_slice %arg3[%dma_start3A_1122, %dma_start3A_1123] : memref<1000000x64xf32, #tpu.memory_space<hbm>> -> memref<1000000x64xf32, #tpu.memory_space<hbm>>
    tpu.enqueue_indirect_dma source(%dma_start3A_1124 : memref<1000000x64xf32, #tpu.memory_space<hbm>>) target(%dma_start3A_1119 : memref<128x64xf32, #tpu.memory_space<vmem>>) offsets(%dma_start3A_1121 : memref<128xi32, #tpu.memory_space<vmem>>) semaphore(%arg18 : memref<!tpu.dma_semaphore, #tpu.memory_space<semaphore_mem>>) {add = true}
    %dma_start3A_1125 = arith.constant 384 : i32
    %dma_start3A_1126 = arith.constant 0 : i32
    %dma_start3A_1127 = tpu.memref_slice %arg10[%dma_start3A_1125, %dma_start3A_1126] : memref<400x64xf32, #tpu.memory_space<vmem>> -> memref<16x64xf32, #tpu.memory_space<vmem>>
    %dma_start3A_1128 = arith.constant 6384 : i32
    %dma_start3A_1129 = tpu.memref_slice %arg6[%dma_start3A_1128] : memref<6400xi32, #tpu.memory_space<vmem>> -> memref<16xi32, #tpu.memory_space<vmem>>
    %dma_start3A_1130 = arith.constant 0 : i32
    %dma_start3A_1131 = arith.constant 0 : i32
    %dma_start3A_1132 = tpu.memref_slice %arg3[%dma_start3A_1130, %dma_start3A_1131] : memref<1000000x64xf32, #tpu.memory_space<hbm>> -> memref<1000000x64xf32, #tpu.memory_space<hbm>>
    tpu.enqueue_indirect_dma source(%dma_start3A_1132 : memref<1000000x64xf32, #tpu.memory_space<hbm>>) target(%dma_start3A_1127 : memref<16x64xf32, #tpu.memory_space<vmem>>) offsets(%dma_start3A_1129 : memref<16xi32, #tpu.memory_space<vmem>>) semaphore(%arg18 : memref<!tpu.dma_semaphore, #tpu.memory_space<semaphore_mem>>) {add = true}
    %dma_wait3A_1133 = arith.constant 0 : i32
    %dma_wait3A_1134 = arith.constant 0 : i32
    %dma_wait3A_1135 = tpu.memref_slice %arg10[%dma_wait3A_1133, %dma_wait3A_1134] : memref<400x64xf32, #tpu.memory_space<vmem>> -> memref<128x64xf32, #tpu.memory_space<vmem>>
    %dma_wait3A_1136 = arith.constant 6000 : i32
    %dma_wait3A_1137 = tpu.memref_slice %arg6[%dma_wait3A_1136] : memref<6400xi32, #tpu.memory_space<vmem>> -> memref<128xi32, #tpu.memory_space<vmem>>
    %dma_wait3A_1138 = arith.constant 0 : i32
    %dma_wait3A_1139 = arith.constant 0 : i32
    %dma_wait3A_1140 = tpu.memref_slice %arg3[%dma_wait3A_1138, %dma_wait3A_1139] : memref<1000000x64xf32, #tpu.memory_space<hbm>> -> memref<1000000x64xf32, #tpu.memory_space<hbm>>
    tpu.wait_indirect_dma semaphore(%arg18 : memref<!tpu.dma_semaphore, #tpu.memory_space<semaphore_mem>>) src(%dma_wait3A_1140 : memref<1000000x64xf32, #tpu.memory_space<hbm>>) dst(%dma_wait3A_1135 : memref<128x64xf32, #tpu.memory_space<vmem>>)
    %dma_wait3A_1141 = arith.constant 128 : i32
    %dma_wait3A_1142 = arith.constant 0 : i32
    %dma_wait3A_1143 = tpu.memref_slice %arg10[%dma_wait3A_1141, %dma_wait3A_1142] : memref<400x64xf32, #tpu.memory_space<vmem>> -> memref<128x64xf32, #tpu.memory_space<vmem>>
    %dma_wait3A_1144 = arith.constant 6128 : i32
    %dma_wait3A_1145 = tpu.memref_slice %arg6[%dma_wait3A_1144] : memref<6400xi32, #tpu.memory_space<vmem>> -> memref<128xi32, #tpu.memory_space<vmem>>
    %dma_wait3A_1146 = arith.constant 0 : i32
    %dma_wait3A_1147 = arith.constant 0 : i32
    %dma_wait3A_1148 = tpu.memref_slice %arg3[%dma_wait3A_1146, %dma_wait3A_1147] : memref<1000000x64xf32, #tpu.memory_space<hbm>> -> memref<1000000x64xf32, #tpu.memory_space<hbm>>
    tpu.wait_indirect_dma semaphore(%arg18 : memref<!tpu.dma_semaphore, #tpu.memory_space<semaphore_mem>>) src(%dma_wait3A_1148 : memref<1000000x64xf32, #tpu.memory_space<hbm>>) dst(%dma_wait3A_1143 : memref<128x64xf32, #tpu.memory_space<vmem>>)
    %dma_wait3A_1149 = arith.constant 256 : i32
    %dma_wait3A_1150 = arith.constant 0 : i32
    %dma_wait3A_1151 = tpu.memref_slice %arg10[%dma_wait3A_1149, %dma_wait3A_1150] : memref<400x64xf32, #tpu.memory_space<vmem>> -> memref<128x64xf32, #tpu.memory_space<vmem>>
    %dma_wait3A_1152 = arith.constant 6256 : i32
    %dma_wait3A_1153 = tpu.memref_slice %arg6[%dma_wait3A_1152] : memref<6400xi32, #tpu.memory_space<vmem>> -> memref<128xi32, #tpu.memory_space<vmem>>
    %dma_wait3A_1154 = arith.constant 0 : i32
    %dma_wait3A_1155 = arith.constant 0 : i32
    %dma_wait3A_1156 = tpu.memref_slice %arg3[%dma_wait3A_1154, %dma_wait3A_1155] : memref<1000000x64xf32, #tpu.memory_space<hbm>> -> memref<1000000x64xf32, #tpu.memory_space<hbm>>
    tpu.wait_indirect_dma semaphore(%arg18 : memref<!tpu.dma_semaphore, #tpu.memory_space<semaphore_mem>>) src(%dma_wait3A_1156 : memref<1000000x64xf32, #tpu.memory_space<hbm>>) dst(%dma_wait3A_1151 : memref<128x64xf32, #tpu.memory_space<vmem>>)
    %dma_wait3A_1157 = arith.constant 384 : i32
    %dma_wait3A_1158 = arith.constant 0 : i32
    %dma_wait3A_1159 = tpu.memref_slice %arg10[%dma_wait3A_1157, %dma_wait3A_1158] : memref<400x64xf32, #tpu.memory_space<vmem>> -> memref<16x64xf32, #tpu.memory_space<vmem>>
    %dma_wait3A_1160 = arith.constant 6384 : i32
    %dma_wait3A_1161 = tpu.memref_slice %arg6[%dma_wait3A_1160] : memref<6400xi32, #tpu.memory_space<vmem>> -> memref<16xi32, #tpu.memory_space<vmem>>
    %dma_wait3A_1162 = arith.constant 0 : i32
    %dma_wait3A_1163 = arith.constant 0 : i32
    %dma_wait3A_1164 = tpu.memref_slice %arg3[%dma_wait3A_1162, %dma_wait3A_1163] : memref<1000000x64xf32, #tpu.memory_space<hbm>> -> memref<1000000x64xf32, #tpu.memory_space<hbm>>
    tpu.wait_indirect_dma semaphore(%arg18 : memref<!tpu.dma_semaphore, #tpu.memory_space<semaphore_mem>>) src(%dma_wait3A_1164 : memref<1000000x64xf32, #tpu.memory_space<hbm>>) dst(%dma_wait3A_1159 : memref<16x64xf32, #tpu.memory_space<vmem>>)
    %add3A_1165 = arith.constant 6000 : i32
    %add3A_1166 = arith.addi %mul3A_2, %add3A_1165 : i32
    %dma_start3A_1167 = arith.constant 0 : i32
    %dma_start3A_1168 = tpu.memref_slice %arg5[%add3A_1166, %dma_start3A_1167] : memref<204800x128xf32, #tpu.memory_space<hbm>> -> memref<400x64xf32, #tpu.memory_space<hbm>>
    %dma_start3A_1169 = arith.constant 0 : i32
    %dma_start3A_1170 = tpu.memref_slice %arg5[%add3A_1166, %dma_start3A_1169] : memref<204800x128xf32, #tpu.memory_space<hbm>> -> memref<400x64xf32, #tpu.memory_space<hbm>>
    tpu.enqueue_dma source(%arg10 : memref<400x64xf32, #tpu.memory_space<vmem>>) target(%dma_start3A_1170 : memref<400x64xf32, #tpu.memory_space<hbm>>) target_semaphore(%arg22 : memref<!tpu.dma_semaphore, #tpu.memory_space<semaphore_mem>>)
    %dma_wait3A_1171 = arith.constant 0 : i32
    %dma_wait3A_1172 = tpu.memref_slice %arg5[%add3A_952, %dma_wait3A_1171] : memref<204800x128xf32, #tpu.memory_space<hbm>> -> memref<400x64xf32, #tpu.memory_space<hbm>>
    %dma_wait3A_1173 = arith.constant 0 : i32
    %dma_wait3A_1174 = tpu.memref_slice %arg5[%add3A_952, %dma_wait3A_1173] : memref<204800x128xf32, #tpu.memory_space<hbm>> -> memref<400x64xf32, #tpu.memory_space<hbm>>
    tpu.wait_dma2 semaphore(%arg19 : memref<!tpu.dma_semaphore, #tpu.memory_space<semaphore_mem>>) src(%arg7 : memref<400x64xf32, #tpu.memory_space<vmem>>) dst(%dma_wait3A_1174 : memref<400x64xf32, #tpu.memory_space<hbm>>)
    %dma_wait3A_1175 = arith.constant 0 : i32
    %dma_wait3A_1176 = tpu.memref_slice %arg5[%add3A_1026, %dma_wait3A_1175] : memref<204800x128xf32, #tpu.memory_space<hbm>> -> memref<400x64xf32, #tpu.memory_space<hbm>>
    %dma_wait3A_1177 = arith.constant 0 : i32
    %dma_wait3A_1178 = tpu.memref_slice %arg5[%add3A_1026, %dma_wait3A_1177] : memref<204800x128xf32, #tpu.memory_space<hbm>> -> memref<400x64xf32, #tpu.memory_space<hbm>>
    tpu.wait_dma2 semaphore(%arg20 : memref<!tpu.dma_semaphore, #tpu.memory_space<semaphore_mem>>) src(%arg8 : memref<400x64xf32, #tpu.memory_space<vmem>>) dst(%dma_wait3A_1178 : memref<400x64xf32, #tpu.memory_space<hbm>>)
    %dma_wait3A_1179 = arith.constant 0 : i32
    %dma_wait3A_1180 = tpu.memref_slice %arg5[%add3A_1096, %dma_wait3A_1179] : memref<204800x128xf32, #tpu.memory_space<hbm>> -> memref<400x64xf32, #tpu.memory_space<hbm>>
    %dma_wait3A_1181 = arith.constant 0 : i32
    %dma_wait3A_1182 = tpu.memref_slice %arg5[%add3A_1096, %dma_wait3A_1181] : memref<204800x128xf32, #tpu.memory_space<hbm>> -> memref<400x64xf32, #tpu.memory_space<hbm>>
    tpu.wait_dma2 semaphore(%arg21 : memref<!tpu.dma_semaphore, #tpu.memory_space<semaphore_mem>>) src(%arg9 : memref<400x64xf32, #tpu.memory_space<vmem>>) dst(%dma_wait3A_1182 : memref<400x64xf32, #tpu.memory_space<hbm>>)
    %dma_wait3A_1183 = arith.constant 0 : i32
    %dma_wait3A_1184 = tpu.memref_slice %arg5[%add3A_1166, %dma_wait3A_1183] : memref<204800x128xf32, #tpu.memory_space<hbm>> -> memref<400x64xf32, #tpu.memory_space<hbm>>
    %dma_wait3A_1185 = arith.constant 0 : i32
    %dma_wait3A_1186 = tpu.memref_slice %arg5[%add3A_1166, %dma_wait3A_1185] : memref<204800x128xf32, #tpu.memory_space<hbm>> -> memref<400x64xf32, #tpu.memory_space<hbm>>
    tpu.wait_dma2 semaphore(%arg22 : memref<!tpu.dma_semaphore, #tpu.memory_space<semaphore_mem>>) src(%arg10 : memref<400x64xf32, #tpu.memory_space<vmem>>) dst(%dma_wait3A_1186 : memref<400x64xf32, #tpu.memory_space<hbm>>)
    return
  }
}

</mosaic_0001>

<sc_bundles>
// kernel: kernel.3.cloned.1.call-start
scs
__scs_entry_jumppad:
0x0: {  	(pc) =	sbr.rel $0x88, $3  }
0x1: {  	(tag) =	ssettag $0x0;
	lr =	simm.s32 $0x1  }
0x2: {  	[smem:$0x3F9E] =	sst lr;
	_ =	strace $0xD0000000  }
0x3: {  	_ = 	snop  }
0x4: {  	_ = 	snop  }
0x5: {  	_ = 	snop  }
0x6: {  	_ = 	snop  }
0x7: {  	_ = 	snop  }
__scs_overlays_trampoline_lowered:
0x8: {  	[smem:$0x3FAD] =	sst s0  }
0x9: {  	[smem:$0x3FAE] =	sst s1  }
0xa: {  	[smem:$0x3FAF] =	sst s2  }
0xb: {  	[smem:$0x3FB0] =	sst s3  }
0xc: {  	[smem:$0x3FB1] =	sst s4  }
0xd: {  	[smem:$0x3FB2] =	sst s5  }
0xe: {  	[smem:$0x3FB3] =	sst s6  }
0xf: {  	[smem:$0x3FB4] =	sst s7  }
0x10: {  	[smem:$0x3FB5] =	sst s8  }
0x11: {  	[smem:$0x3FB6] =	sst s9;
	s0 =	simm.s32 @!p0 $0x0  }
0x12: {  	s1 =	sld [smem:$0x3F9C];
	s0 =	simm.s32 @p0 $0x1  }
0x13: {  	[smem:$0x3FB7] =	sst s0;
	s0 =	simm.s32 @!p1 $0x0  }
0x14: {  	s2 =	sld [smem:$0x3F9B];
	s0 =	simm.s32 @p1 $0x1  }
0x15: {  	[smem:$0x3FB8] =	sst s0;
	s0 =	simm.s32 @!p2 $0x0  }
0x16: {  	s3 =	sld [smem:$0x3FDB];
	s0 =	simm.s32 @p2 $0x1  }
0x17: {  	s4 =	simm.s32 $0x1BF5;
	[smem:$0x3FBA] =	sst s0  }
0x18: {  	s0 =	sld [smem:$0x3F9D];
	_ =	swait.ge [sflag:s4], $0x0  }
0x19: {  	s7 =	sld [smem:$0x3F9E]  }
0x1a: {  	s8 =	sadd.s32 $0xFFFFE003, lr  }
0x1b: {  	s9 =	sadd.s32 $0xFFFFFEF7, lr;
	s5 =	simm.s32 $0xFFFFFFFF;
	p2 =	slt.u32 s8, $0xFFFFF086  }
0x1c: {  	p1 =	slt.u32 s9, $0xF7A;
	s5 =	simm.s32 @!p2 $0x0  }
0x1d: {  	s5 =	simm.s32 @p1 $0x1;
	p0 =	seq.s32 s7, s2  }
0x1e: {  	s7 =	smul.u32 @!p0 $0xF7A, s2;
	p2 =	seq.s32 @!p0 s5, $0x0  }
0x1f: {  	s9 =	smul.u32 $0xF7A, s1;
	s8 =	simm.s32 @!p0 $0x1BF5;
	p2 =	por !p2, p0  }
0x20: {  	[sflag:s8] =	ssyncset.s32 @!p0 $0xFFFFF086;
	s6 =	sadd.s32 @!p0 s3, s7;
	s7 =	simm.s32 @!p0 $0x108  }
0x21: {  	s3 =	sadd.s32 s3, s9;
	s6 =	sadd.s32 @!p0 $0x88, s6;
	s7 =	simm.s32 @p2 $0x1082  }
0x22: {  	[simem:s7], [sflag:s8] =	dma.local @!p0 [hbm:s6], $0xF7A  }
0x23: {  	s9 =	sor.u32 $0xD0000000, s2;
	s6 =	simm.s32 $0x108;
	_ =	swait.ge @!p0 [sflag:s8], $0x0  }
0x24: {  	s3 =	sadd.s32 $0x88, s3;
	s6 =	simm.s32 @!p1 $0x1082;
	[sflag:s4] =	ssyncset.s32 $0xFFFFF086  }
0x25: {  	[simem:s6], [sflag:s4] =	dma.local [hbm:s3], $0xF7A  }
0x26: {  	[smem:$0x3F9E] =	sst s1;
	(tag) =	ssettag s2;
	_ =	strace s9  }
0x27: {  	s1 =	sld [smem:$0x3FAE]  }
0x28: {  	s2 =	sld [smem:$0x3FAF]  }
0x29: {  	s4 =	sld [smem:$0x3FB1]  }
0x2a: {  	p0 =	seq.s32 s5, $0x0;
	s5 =	sld [smem:$0x3FB2]  }
0x2b: {  	s6 =	sld [smem:$0x3FB3]  }
0x2c: {  	s7 =	sld [smem:$0x3FB4]  }
0x2d: {  	s3 =	simm.s32 $0x108;
	s8 =	sld [smem:$0x3FB5]  }
0x2e: {  	s3 =	simm.s32 @!p0 $0x1082;
	s9 =	sld [smem:$0x3FB6]  }
0x2f: {  	lr =	sadd.s32 s0, s3;
	s0 =	sld [smem:$0x3FAD]  }
0x30: {  	s3 =	sld [smem:$0x3FB0]  }
0x31: {  	[smem:$0x3FB9] =	sst s10  }
0x32: {  	s10 =	sld [smem:$0x3FB7];
	_ =	sdelay $0x3  }
0x33: {  	p0 =	seq.s32 s10, $0x1;
	s10 =	sld [smem:$0x3FB9];
	_ =	sdelay $0x3  }
0x34: {  	[smem:$0x3FB9] =	sst s10  }
0x35: {  	s10 =	sld [smem:$0x3FB8];
	_ =	sdelay $0x3  }
0x36: {  	p1 =	seq.s32 s10, $0x1;
	s10 =	sld [smem:$0x3FB9];
	_ =	sdelay $0x3  }
0x37: {  	[smem:$0x3FB9] =	sst s10  }
0x38: {  	s10 =	sld [smem:$0x3FBA]  }
0x39: {  	_ = 	snop;
	(pc) =	sbr.ind lr, $3  }
0x3a: {  	_ = 	snop  }
0x3b: {  	_ = 	snop  }
0x3c: {  	p2 =	seq.s32 s10, $0x1;
	s10 =	sld [smem:$0x3FB9]  }
0x3d: {  	_ =	shalt  }
0x3e: {  	_ =	shalt  }
0x3f: {  	_ =	shalt  }
0x40: {  	_ =	shalt  }
0x41: {  	_ =	shalt  }
0x42: {  	_ =	shalt  }
0x43: {  	_ =	shalt  }
0x44: {  	_ =	shalt  }
0x45: {  	_ =	shalt  }
0x46: {  	_ =	shalt  }
0x47: {  	_ =	shalt  }
0x48: {  	_ =	shalt  }
0x49: {  	_ =	shalt  }
0x4a: {  	_ =	shalt  }
0x4b: {  	_ =	shalt  }
0x4c: {  	_ =	shalt  }
0x4d: {  	_ =	shalt  }
0x4e: {  	_ =	shalt  }
0x4f: {  	_ =	shalt  }
0x50: {  	_ =	shalt  }
0x51: {  	_ =	shalt  }
0x52: {  	_ =	shalt  }
0x53: {  	_ =	shalt  }
0x54: {  	_ =	shalt  }
0x55: {  	_ =	shalt  }
0x56: {  	_ =	shalt  }
0x57: {  	_ =	shalt  }
0x58: {  	_ =	shalt  }
0x59: {  	_ =	shalt  }
0x5a: {  	_ =	shalt  }
0x5b: {  	_ =	shalt  }
0x5c: {  	_ =	shalt  }
0x5d: {  	_ =	shalt  }
0x5e: {  	_ =	shalt  }
0x5f: {  	_ =	shalt  }
0x60: {  	_ =	shalt  }
0x61: {  	_ =	shalt  }
0x62: {  	_ =	shalt  }
0x63: {  	_ =	shalt  }
0x64: {  	_ =	shalt  }
0x65: {  	_ =	shalt  }
0x66: {  	_ =	shalt  }
0x67: {  	_ =	shalt  }
0x68: {  	_ =	shalt  }
0x69: {  	_ =	shalt  }
0x6a: {  	_ =	shalt  }
0x6b: {  	_ =	shalt  }
0x6c: {  	_ =	shalt  }
0x6d: {  	_ =	shalt  }
0x6e: {  	_ =	shalt  }
0x6f: {  	_ =	shalt  }
0x70: {  	_ =	shalt  }
0x71: {  	_ =	shalt  }
0x72: {  	_ =	shalt  }
0x73: {  	_ =	shalt  }
0x74: {  	_ =	shalt  }
0x75: {  	_ =	shalt  }
0x76: {  	_ =	shalt  }
0x77: {  	_ =	shalt  }
0x78: {  	_ =	shalt  }
0x79: {  	_ =	shalt  }
0x7a: {  	_ =	shalt  }
0x7b: {  	_ =	shalt  }
0x7c: {  	_ =	shalt  }
0x7d: {  	_ =	shalt  }
0x7e: {  	_ =	shalt  }
0x7f: {  	_ =	shalt  }
0x80: {  	_ =	shalt  }
0x81: {  	_ =	shalt  }
0x82: {  	_ =	shalt  }
0x83: {  	_ =	shalt  }
0x84: {  	_ =	shalt  }
0x85: {  	_ =	shalt  }
0x86: {  	_ =	shalt  }
0x87: {  	_ =	shalt  }
.Lfunc_end0:
.L_simem_size_0:
called_computation.1_lowered:
.L_overlay_start_0:
0x88: {  	s2 =	sld [smem:$0x3FD9]  }
0x89: {  	s3 =	sld [smem:$0x3FFE];
	_ =	sdelay $0x1  }
0x8a: {  	s1 =	srdreg.scid  }
0x8b: {  	s0 =	sand.u32 $0x1, s1  }
0x8c: {  	s17 =	sshll.u32 s0, $0xA;
	s2 =	sadd.s32 s3, s2  }
0x8d: {  	s2 =	sadd.s32 s2, s17  }
0x8e: {  	[smem:$0x3FC5] =	sst s2  }
0x8f: {  	_ = 	snop  }
0x90: {  	s2 =	sld [smem:$0x3FD0];
	(tm) =	ssettm $0x1  }
0x91: {  	s18 =	sld [smem:$0x3FFB];
	_ =	sdelay $0x3  }
0x92: {  	_ =	strace s18  }
0x93: {  	s3 =	sld [smem:$0x3FFC];
	_ =	sdelay $0x3  }
0x94: {  	_ =	strace s3  }
0x95: {  	s3 =	sld [smem:$0x3FFD];
	_ =	sdelay $0x3  }
0x96: {  	_ =	strace s3  }
0x97: {  	_ =	strace $0x8FFFFFFF  }
0x98: {  	s19 =	sld [smem:$0x3FDB];
	_ =	sdelay $0x1  }
0x99: {  	s4 =	simm.s32 $_scs_section_size  }
0x9a: {  	s5 =	simm.s32 $_size__tile_overlayer_lowered;
	s6 =	simm.s32 $_tile_overlayer_lowered  }
0x9b: {  	s22 =	simm.s32 $0x1BFF;
	s21 =	sshll.u32 s6, $0x1;
	s3 =	sadd.s32 s4, s19  }
0x9c: {  	s7 =	simm.s32 $0x0;
	s20 =	sshll.u32 s5, $0x1;
	s5 =	sadd.s32 s21, s3  }
0x9d: {  	[timem:s7], [sflag:s22] =	dma.local [hbm:s5], s20  }
0x9e: {  	_ =	swait.ge [sflag:s22], s20  }
0x9f: {  	s4 =	ssub.s32 $0x0, s20;
	[sflag:s22] =	ssyncset.done $0x0  }
0xa0: {  	[sflag:s22] =	ssyncadd.s32 s4;
	_ =	sdelay $0x1  }
0xa1: {  	s23 =	simm.s32 $0x1B8B  }
0xa2: {  	_ =	swait.ge [sflag:s23], $0x1  }
0xa3: {  	[sflag:s23] =	ssyncset.done $0x0  }
0xa4: {  	s25 =	simm.s32 $0x1B8E;
	s24 =	sld [smem:$0x3FFE];
	[sflag:s23] =	ssyncadd.s32 $0xFFFFFFFF  }
0xa5: {  	s26 =	simm.s32 $execute0_lowered;
	[smem:$0x3FD2] =	sst s25  }
0xa6: {  	s5 =	sshll.u32 s26, $0x1;
	_ =	strace $0x80000046;
	[dreg:$0x1] =	wrdreg $0xFFFFFFFF  }
0xa7: {  	s28 =	simm.s32 $_size_execute0_lowered;
	s3 =	sadd.s32 s3, s5;
	[dreg:$0x0] =	wrdreg $0x0  }
0xa8: {  	s5 =	sshll.u32 s28, $0x1;
	[dreg:$0x2] =	wrdreg s3  }
0xa9: {  	[dreg:$0x3] =	wrdreg s5  }
0xaa: {  	[dreg:$0x4] =	wrdreg $0xC0  }
0xab: {  	_ =	task [dreg:s7], $0x5FFFF  }
0xac: {  	[dreg:$0x1] =	wrdreg $0xFFFFFFFF  }
0xad: {  	[dreg:$0x0] =	wrdreg $0x60  }
0xae: {  	[dreg:$0x2] =	wrdreg s2  }
0xaf: {  	[dreg:$0x3] =	wrdreg s24  }
0xb0: {  	[dreg:$0x4] =	wrdreg $0x1A9000  }
0xb1: {  	[dreg:$0x5] =	wrdreg $0x9  }
0xb2: {  	_ =	task.clear_ibuf [dreg:s7], $0x6FFFF;
	_ =	strace $0x90000046  }
0xb3: {  	s29 =	simm.s32 $0x9;
	_ =	strace $0x80000048  }
0xb4: {  	_ =	swait.ge [sflag:s29], $0x1  }
0xb5: {  	[sflag:s29] =	ssyncadd.s32 $0xFFFFFFFF  }
0xb6: {  	_ =	strace $0x90000048  }
0xb7: {  	_ =	sfence  }
0xb8: {  	s30 =	sld [smem:$0x0];
	_ =	sdelay $0x2  }
0xb9: {  	s31 =	sshll.u32 s1, $0xD;
	s1 =	sshrl.u32 s1, $0x2  }
0xba: {  	s3 =	sand.u32 $0x4000, s31;
	s1 =	sadd.s32 s1, s30  }
0xbb: {  	s0 =	sor.u32 s3, s0;
	s1 =	sshll.u32 s1, $0x11  }
0xbc: {  	s0 =	sor.u32 s1, s0  }
0xbd: {  	s0 =	sadd.s32 $0x8F2B, s0  }
0xbe: {  	[sflag:s0] =	ssyncadd.remote.s32 $0x1  }
0xbf: {  	_ =	sfence.sel $0xFFFF  }
0xc0: {  	[dreg:$0x0] =	wrdreg $0xFFFFFFFF;
	(pc) =	sbr.abs _section_cstart, $3  }
0xc1: {  	[dreg:$0x1] =	wrdreg $0xFFFFFFFF  }
0xc2: {  	_ =	task.clear_ibuf [dreg:s7], $0x2FFFF;
	_ =	strace $0x9FFFFFFF  }
0xc3: {  	(tm) =	ssettm $0x7FFFFFFF  }
tec
execute0_lowered:
.L_overlay_start_1:
0x0: {  	(tag) =	ssettag $0x1  }
0x1: {  	s2 =	rddreg [dreg:$0x0]  }
0x2: {  	s0 =	rddreg [dreg:$0x1];
	s3 =	srdreg.scid  }
0x3: {  	s4 =	stileid.u32;
	s24 =	rddreg [dreg:$0x2]  }
0x4: {  	s6 =	simm.s32 $0x0;
	s3 =	sand.u32 $0x1, s3;
	s5 =	sshll.u32 s4, $0x1  }
0x5: {  	[smem:$0x7FF] =	sst s6;
	s7 =	sadd.s32 $0xC00, s0;
	p0 =	sne.s32 s4, $0x0  }
0x6: {  	s4 =	simm.s32 $0x8D0;
	_ =	strace $0x80000047;
	[dreg:$0x4] =	wrdreg s7  }
0x7: {  	s5 =	sor.u32 s3, s5;
	s7 =	simm.s32 $0x100;
	[smem:$0x7D4] =	sst s4  }
0x8: {  	s4 =	simm.s32 $0x11B0;
	s1 =	smul.u32 $0x320, s5;
	[dreg:$0x17] =	wrdreg s7  }
0x9: {  	s8 =	smul.u32 $0xC8000, s5;
	s7 =	simm.s32 $0x9E0;
	[smem:$0x7EB] =	sst s4  }
0xa: {  	s5 =	smul.u32 $0x19000, s5;
	[smem:$0x7D7] =	sst s7;
	s7 =	simm.s32 $0x12C0  }
0xb: {  	s9 =	sadd.s32 $0x1A00, s0;
	s2 =	sadd.s32 s2, s1;
	[smem:$0x7EE] =	sst s7  }
0xc: {  	s11 =	sadd.s32 s9, s5;
	[dreg:$0x5] =	wrdreg s2  }
0xd: {  	s10 =	sshrl.u32 s8, $0x3;
	s8 =	simm.s32 $0x180;
	[dreg:$0x6] =	wrdreg s11  }
0xe: {  	s5 =	simm.s32 $0x950;
	[dreg:$0x18] =	wrdreg s8  }
0xf: {  	s2 =	sshrl.u32 @!p0 s24, $0x3;
	[smem:$0x7D5] =	sst s5  }
0x10: {  	s12 =	sadd.s32 s9, s10;
	s9 =	simm.s32 $0x190;
	[dreg:$0x16] =	wrdreg s2  }
0x11: {  	s10 =	simm.s32 $0x210;
	[dreg:$0x19] =	wrdreg s9  }
0x12: {  	s11 =	simm.s32 $0x290;
	[dreg:$0x1a] =	wrdreg s10  }
0x13: {  	s8 =	simm.s32 $0xA60;
	[dreg:$0x1b] =	wrdreg s11  }
0x14: {  	s5 =	simm.s32 $0x1230;
	[smem:$0x7D8] =	sst s8  }
0x15: {  	s13 =	sadd.s32 $0x1900, s12;
	[smem:$0x7EC] =	sst s5  }
0x16: {  	s14 =	sadd.s32 $0x3200, s12;
	[dreg:$0x7] =	wrdreg s13  }
0x17: {  	s15 =	sadd.s32 $0x4B00, s12;
	[dreg:$0x8] =	wrdreg s14  }
0x18: {  	s16 =	sadd.s32 $0x6400, s12;
	[dreg:$0x9] =	wrdreg s15  }
0x19: {  	s17 =	sadd.s32 $0x7D00, s12;
	[dreg:$0xa] =	wrdreg s16  }
0x1a: {  	s18 =	sadd.s32 $0x9600, s12;
	[dreg:$0xb] =	wrdreg s17  }
0x1b: {  	s19 =	sadd.s32 $0xAF00, s12;
	[dreg:$0xc] =	wrdreg s18  }
0x1c: {  	s20 =	sadd.s32 $0xC800, s12;
	[dreg:$0xd] =	wrdreg s19  }
0x1d: {  	s21 =	sadd.s32 $0xE100, s12;
	[dreg:$0xe] =	wrdreg s20  }
0x1e: {  	s22 =	sadd.s32 $0xFA00, s12;
	[dreg:$0xf] =	wrdreg s21  }
0x1f: {  	s23 =	sadd.s32 $0x11300, s12;
	[dreg:$0x10] =	wrdreg s22  }
0x20: {  	s25 =	sadd.s32 $0x12C00, s12;
	[dreg:$0x11] =	wrdreg s23  }
0x21: {  	s26 =	sadd.s32 $0x14500, s12;
	[dreg:$0x12] =	wrdreg s25  }
0x22: {  	s1 =	sadd.s32 $0x15E00, s12;
	[dreg:$0x13] =	wrdreg s26  }
0x23: {  	s6 =	sadd.s32 $0x17700, s12;
	[dreg:$0x14] =	wrdreg s1  }
0x24: {  	s12 =	simm.s32 $0x310;
	[dreg:$0x15] =	wrdreg s6  }
0x25: {  	s9 =	simm.s32 $0xAE0;
	[dreg:$0x1c] =	wrdreg s12  }
0x26: {  	s10 =	simm.s32 $0xAF0;
	[smem:$0x7D9] =	sst s9  }
0x27: {  	s11 =	simm.s32 $0xB70;
	[smem:$0x7DA] =	sst s10  }
0x28: {  	s8 =	simm.s32 $0x1340;
	[smem:$0x7DB] =	sst s11  }
0x29: {  	s13 =	simm.s32 $0x320;
	[smem:$0x7EF] =	sst s8  }
0x2a: {  	s14 =	simm.s32 $0x3A0;
	[dreg:$0x1d] =	wrdreg s13  }
0x2b: {  	s15 =	simm.s32 $0x420;
	[dreg:$0x1e] =	wrdreg s14  }
0x2c: {  	s16 =	simm.s32 $0x4A0;
	[dreg:$0x1f] =	wrdreg s15  }
0x2d: {  	s17 =	simm.s32 $0x4B0;
	[smem:$0x7C9] =	sst s16  }
0x2e: {  	s18 =	simm.s32 $0x530;
	[smem:$0x7CA] =	sst s17  }
0x2f: {  	s19 =	simm.s32 $0x5B0;
	[smem:$0x7CB] =	sst s18  }
0x30: {  	s20 =	simm.s32 $0x630;
	[smem:$0x7CC] =	sst s19  }
0x31: {  	s21 =	simm.s32 $0x640;
	[smem:$0x7CD] =	sst s20  }
0x32: {  	s22 =	simm.s32 $0x6C0;
	[smem:$0x7CE] =	sst s21  }
0x33: {  	s23 =	simm.s32 $0x740;
	[smem:$0x7CF] =	sst s22  }
0x34: {  	s25 =	simm.s32 $0x7C0;
	[smem:$0x7D0] =	sst s23  }
0x35: {  	s26 =	simm.s32 $0x7D0;
	[smem:$0x7D1] =	sst s25  }
0x36: {  	s1 =	simm.s32 $0x850;
	[smem:$0x7D2] =	sst s26  }
0x37: {  	s6 =	simm.s32 $0x960;
	[smem:$0x7D3] =	sst s1  }
0x38: {  	s12 =	simm.s32 $0xBF0;
	[smem:$0x7D6] =	sst s6  }
0x39: {  	s11 =	simm.s32 $0x13C0;
	[smem:$0x7DC] =	sst s12  }
0x3a: {  	s13 =	simm.s32 $0xC70;
	[smem:$0x7F0] =	sst s11  }
0x3b: {  	s30 =	simm.s32 $0x1;
	s14 =	simm.s32 $0xC80;
	[smem:$0x7DD] =	sst s13  }
0x3c: {  	s28 =	simm.s32 $0x2;
	s15 =	simm.s32 $0xD00;
	[smem:$0x7DE] =	sst s14  }
0x3d: {  	s31 =	simm.s32 $0x9D00;
	s16 =	simm.s32 $0xD80;
	[smem:$0x7DF] =	sst s15  }
0x3e: {  	p1 =	por $0x0, $0x0;
	s17 =	simm.s32 $0xE00;
	[smem:$0x7E0] =	sst s16  }
0x3f: {  	s29 =	simm.s32 $0x12100;
	s18 =	simm.s32 $0xE10;
	[smem:$0x7E1] =	sst s17  }
0x40: {  	s3 =	ssub.s32 $0x2, s3;
	s19 =	simm.s32 $0xE90;
	[smem:$0x7E2] =	sst s18  }
0x41: {  	s4 =	simm.s32 $0xBD00;
	s20 =	simm.s32 $0xF10;
	[smem:$0x7E3] =	sst s19  }
0x42: {  	s7 =	simm.s32 $0x10;
	s21 =	simm.s32 $0xF90;
	[smem:$0x7E4] =	sst s20  }
0x43: {  	s2 =	sadd.s32 $0xF43000, s0;
	s22 =	simm.s32 $0xFA0;
	[smem:$0x7E5] =	sst s21  }
0x44: {  	s5 =	simm.s32 $0xE100;
	s23 =	simm.s32 $0x1020;
	[smem:$0x7E6] =	sst s22  }
0x45: {  	s0 =	simm.s32 $0x14100;
	s26 =	simm.s32 $0x10A0;
	[smem:$0x7E7] =	sst s23  }
0x46: {  	s9 =	simm.s32 $0x7D00;
	s1 =	simm.s32 $0x1120;
	[smem:$0x7E8] =	sst s26  }
0x47: {  	s8 =	simm.s32 $0x9;
	s6 =	simm.s32 $0x12B0;
	[smem:$0x7E9] =	sst s1  }
0x48: {  	s25 =	sshrl.u32 s3, $0x1;
	s12 =	simm.s32 $0x1440;
	[smem:$0x7ED] =	sst s6  }
0x49: {  	s11 =	simm.s32 $0x1870;
	s3 =	ssub.s32 s3, s25;
	[smem:$0x7F1] =	sst s12  }
0x4a: {  	s14 =	simm.s32 $0x1900;
	s13 =	simm.s32 $0x1450;
	[smem:$0x7FC] =	sst s11  }
0x4b: {  	s15 =	simm.s32 $0x14D0;
	s16 =	simm.s32 $0x1550;
	[smem:$0x7F2] =	sst s13  }
0x4c: {  	s26 =	simm.s32 $0x5;
	s17 =	simm.s32 $0x15D0;
	[smem:$0x7F3] =	sst s15  }
0x4d: {  	s18 =	simm.s32 $0x15E0;
	s6 =	simm.s32 $0x14500;
	[smem:$0x7F4] =	sst s16  }
0x4e: {  	s19 =	simm.s32 $0x1660;
	s20 =	simm.s32 $0x16E0;
	[smem:$0x7F5] =	sst s17  }
0x4f: {  	s21 =	simm.s32 $0x1760;
	s22 =	simm.s32 $0x1770;
	[smem:$0x7F6] =	sst s18  }
0x50: {  	s23 =	simm.s32 $0x17F0;
	s25 =	simm.s32 $0x18F0;
	[smem:$0x7F7] =	sst s19  }
0x51: {  	s12 =	simm.s32 $0xB;
	s10 =	smax.u32 s3, $0x1;
	[smem:$0x7F8] =	sst s20  }
0x52: {  	s11 =	simm.s32 $0xC;
	[smem:$0x7F9] =	sst s21;
	s17 =	sadd.s32 $0xFFFFFFFF, s10  }
0x53: {  	s3 =	simm.s32 $0x1130;
	[smem:$0x7FA] =	sst s22;
	p2 =	sne.s32 s17, $0x0  }
.Ltmp0:
0x54: {  	s16 =	simm.s32 $0x40;
	[smem:$0x7FB] =	sst s23;
	(pc) =	sbr.rel @!p2 .LBB2_5-.Ltmp0, $4  }
0x55: {  	s20 =	simm.s32 $0x6;
	s22 =	simm.s32 $0x3;
	[smem:$0x7FD] =	sst s25  }
0x56: {  	s25 =	simm.s32 $0x10100;
	s19 =	simm.s32 $0x7;
	s18 =	simm.s32 $0x4  }
0x57: {  	s15 =	simm.s32 $0x1A500;
	s13 =	simm.s32 $0x8;
	s21 =	rddreg [dreg:$0x16]  }
0x58: {  	[smem:$0x7EA] =	sst s3;
	s3 =	simm.s32 $0x80;
	s10 =	simm.s32 $0xA  }
0x59: {  	[smem:$0x7C8] =	sst s17  }
0x5a: {  	s17 =	rddreg [dreg:$0x4];
	s23 =	simm.s32 @!p0 $0x1C0D;
	s15 =	simm.s32 @!p0 $0xD  }
0x5b: {  	[spmem:s21], [sflag:s23] =	dma.local @!p0 [hbm:s17], $0xC80  }
0x5c: {  	_ =	swait.ge @!p0 [sflag:s15], $0xC80  }
0x5d: {  	s23 =	simm.s32 $0xD;
	[sflag:s15] =	ssyncset.done @!p0 $0x0  }
0x5e: {  	s1 =	rddreg [dreg:$0x5];
	[sflag:s15] =	ssyncadd.s32 @!p0 $0xFFFFF380;
	s15 =	simm.s32 $0x0  }
0x5f: {  	[tilespmem:s15], [sflag:$0xD] =	stream.linear.gather [hbm4b:s1+s15], $0x1900, $0x38;
	[tilespmem:$0x1AF40] =	vst v63  }
0x60: {  	_ =	swait.ge [sflag:s23], $0x1900  }
0x61: {  	[sflag:s23] =	ssyncset.done $0x0  }
0x62: {  	[sflag:s23] =	ssyncadd.s32 $0xFFFFE700  }
0x63: {  	[bflag:$0x0] =	sbarrier.arrive $0xFFFF  }
0x64: {  	[tilespmem:s14], [sflag:$0x1] =	stream.linear.gather [spmem:s24], $0x6400, $0x38;
	[tilespmem:$0x1AF40] =	vst v63  }
0x65: {  	_ = 	snop  }
0x66: {  	[tilespmem:s9], [sflag:$0x2] =	stream.linear.gather [spmem:s24], $0x6400, $0x38;
	[tilespmem:$0x1AF40] =	vst v63  }
0x67: {  	_ = 	snop  }
0x68: {  	[tilespmem:s5], [sflag:$0x3] =	stream.linear.gather [spmem:s24], $0x6400, $0x38;
	[tilespmem:$0x1AF40] =	vst v63  }
0x69: {  	_ =	swait.ge [sflag:s30], $0x6400  }
0x6a: {  	[sflag:s30] =	ssyncset.done $0x0  }
0x6b: {  	[sflag:s30] =	ssyncadd.s32 $0xFFFF9C00  }
0x6c: {  	[tilespmem:s14], [sflag:$0x5] =	stream.indirect.gather.add.f32 [hbm:s2], $0x40, s15, s3, $0xb8;
	[tilespmem:$0x1AF40] =	vst v63  }
0x6d: {  	s21 =	simm.s32 $0x3900  }
0x6e: {  	[tilespmem:s21], [sflag:$0x5] =	stream.indirect.gather.add.f32 [hbm:s2], $0x40, s3, s3, $0xb8;
	[tilespmem:$0x1AF40] =	vst v63  }
0x6f: {  	s23 =	simm.s32 $0x5900;
	s1 =	rddreg [dreg:$0x17]  }
0x70: {  	[tilespmem:s23], [sflag:$0x5] =	stream.indirect.gather.add.f32 [hbm:s2], $0x40, s1, s3, $0xb8;
	[tilespmem:$0x1AF40] =	vst v63  }
0x71: {  	s21 =	rddreg [dreg:$0x18];
	s1 =	simm.s32 $0x7900  }
0x72: {  	[tilespmem:s1], [sflag:$0x5] =	stream.indirect.gather.add.f32 [hbm:s2], $0x40, s21, s7, $0xb8;
	[tilespmem:$0x1AF40] =	vst v63  }
0x73: {  	_ =	swait.ge [sflag:s26], $0x2000  }
0x74: {  	[sflag:s26] =	ssyncset.done $0x0  }
0x75: {  	[sflag:s26] =	ssyncadd.s32 $0xFFFFE000  }
0x76: {  	_ =	swait.ge [sflag:s26], $0x2000  }
0x77: {  	[sflag:s26] =	ssyncset.done $0x0  }
0x78: {  	[sflag:s26] =	ssyncadd.s32 $0xFFFFE000  }
0x79: {  	_ =	swait.ge [sflag:s26], $0x2000  }
0x7a: {  	[sflag:s26] =	ssyncset.done $0x0  }
0x7b: {  	[sflag:s26] =	ssyncadd.s32 $0xFFFFE000  }
0x7c: {  	_ =	swait.ge [sflag:s26], $0x400  }
0x7d: {  	[sflag:s26] =	ssyncset.done $0x0  }
0x7e: {  	s15 =	rddreg [dreg:$0x6];
	[sflag:s26] =	ssyncadd.s32 $0xFFFFFC00  }
0x7f: {  	[hbm4b:s15+s16] =	stream.strided.scatter [tilespmem:s14], [sflag:$0x9], $0x6400, s3, s16, $0x38;
	[tilespmem:$0x1AF40] =	vst v63  }
0x80: {  	_ = 	snop  }
0x81: {  	[tilespmem:s6], [sflag:$0x4] =	stream.linear.gather [spmem:s24], $0x6400, $0x38;
	[tilespmem:$0x1AF40] =	vst v63  }
0x82: {  	_ =	swait.ge [sflag:s28], $0x6400  }
0x83: {  	[sflag:s28] =	ssyncset.done $0x0  }
0x84: {  	s21 =	rddreg [dreg:$0x19];
	[sflag:s28] =	ssyncadd.s32 $0xFFFF9C00  }
0x85: {  	[tilespmem:s9], [sflag:$0x6] =	stream.indirect.gather.add.f32 [hbm:s2], $0x40, s21, s3, $0xb8;
	[tilespmem:$0x1AF40] =	vst v63  }
0x86: {  	s23 =	rddreg [dreg:$0x1a]  }
0x87: {  	[tilespmem:s31], [sflag:$0x6] =	stream.indirect.gather.add.f32 [hbm:s2], $0x40, s23, s3, $0xb8;
	[tilespmem:$0x1AF40] =	vst v63  }
0x88: {  	s1 =	rddreg [dreg:$0x1b]  }
0x89: {  	[tilespmem:s4], [sflag:$0x6] =	stream.indirect.gather.add.f32 [hbm:s2], $0x40, s1, s3, $0xb8;
	[tilespmem:$0x1AF40] =	vst v63  }
0x8a: {  	s17 =	simm.s32 $0xDD00;
	s15 =	rddreg [dreg:$0x1c]  }
0x8b: {  	[tilespmem:s17], [sflag:$0x6] =	stream.indirect.gather.add.f32 [hbm:s2], $0x40, s15, s7, $0xb8;
	[tilespmem:$0x1AF40] =	vst v63  }
0x8c: {  	_ =	swait.ge [sflag:s20], $0x2000  }
0x8d: {  	[sflag:s20] =	ssyncset.done $0x0  }
0x8e: {  	[sflag:s20] =	ssyncadd.s32 $0xFFFFE000  }
0x8f: {  	_ =	swait.ge [sflag:s20], $0x2000  }
0x90: {  	[sflag:s20] =	ssyncset.done $0x0  }
0x91: {  	[sflag:s20] =	ssyncadd.s32 $0xFFFFE000  }
0x92: {  	_ =	swait.ge [sflag:s20], $0x2000  }
0x93: {  	[sflag:s20] =	ssyncset.done $0x0  }
0x94: {  	[sflag:s20] =	ssyncadd.s32 $0xFFFFE000  }
0x95: {  	_ =	swait.ge [sflag:s20], $0x400  }
0x96: {  	[sflag:s20] =	ssyncset.done $0x0  }
0x97: {  	s23 =	rddreg [dreg:$0x7];
	[sflag:s20] =	ssyncadd.s32 $0xFFFFFC00  }
0x98: {  	[hbm4b:s23+s16] =	stream.strided.scatter [tilespmem:s9], [sflag:$0xA], $0x6400, s3, s16, $0x38;
	[tilespmem:$0x1AF40] =	vst v63  }
0x99: {  	_ =	swait.ge [sflag:s8], $0x6400  }
0x9a: {  	[sflag:s8] =	ssyncset.done $0x0  }
0x9b: {  	[sflag:s8] =	ssyncadd.s32 $0xFFFF9C00  }
0x9c: {  	[tilespmem:s14], [sflag:$0x1] =	stream.linear.gather [spmem:s24], $0x6400, $0x38;
	[tilespmem:$0x1AF40] =	vst v63  }
0x9d: {  	_ =	swait.ge [sflag:s22], $0x6400  }
0x9e: {  	s1 =	rddreg [dreg:$0x1d];
	[sflag:s22] =	ssyncset.done $0x0  }
0x9f: {  	s15 =	rddreg [dreg:$0x1e];
	[sflag:s22] =	ssyncadd.s32 $0xFFFF9C00  }
0xa0: {  	[tilespmem:s5], [sflag:$0x7] =	stream.indirect.gather.add.f32 [hbm:s2], $0x40, s1, s3, $0xb8;
	[tilespmem:$0x1AF40] =	vst v63  }
0xa1: {  	s23 =	rddreg [dreg:$0x1f]  }
0xa2: {  	[tilespmem:s25], [sflag:$0x7] =	stream.indirect.gather.add.f32 [hbm:s2], $0x40, s15, s3, $0xb8;
	[tilespmem:$0x1AF40] =	vst v63  }
0xa3: {  	s1 =	sld [smem:$0x7C9]  }
0xa4: {  	[tilespmem:s29], [sflag:$0x7] =	stream.indirect.gather.add.f32 [hbm:s2], $0x40, s23, s3, $0xb8;
	[tilespmem:$0x1AF40] =	vst v63  }
0xa5: {  	_ = 	snop  }
0xa6: {  	[tilespmem:s0], [sflag:$0x7] =	stream.indirect.gather.add.f32 [hbm:s2], $0x40, s1, s7, $0xb8;
	[tilespmem:$0x1AF40] =	vst v63  }
0xa7: {  	_ =	swait.ge [sflag:s19], $0x2000  }
0xa8: {  	[sflag:s19] =	ssyncset.done $0x0  }
0xa9: {  	[sflag:s19] =	ssyncadd.s32 $0xFFFFE000  }
0xaa: {  	_ =	swait.ge [sflag:s19], $0x2000  }
0xab: {  	[sflag:s19] =	ssyncset.done $0x0  }
0xac: {  	[sflag:s19] =	ssyncadd.s32 $0xFFFFE000  }
0xad: {  	_ =	swait.ge [sflag:s19], $0x2000  }
0xae: {  	[sflag:s19] =	ssyncset.done $0x0  }
0xaf: {  	[sflag:s19] =	ssyncadd.s32 $0xFFFFE000  }
0xb0: {  	_ =	swait.ge [sflag:s19], $0x400  }
0xb1: {  	[sflag:s19] =	ssyncset.done $0x0  }
0xb2: {  	s15 =	rddreg [dreg:$0x8];
	[sflag:s19] =	ssyncadd.s32 $0xFFFFFC00  }
0xb3: {  	[hbm4b:s15+s16] =	stream.strided.scatter [tilespmem:s5], [sflag:$0xB], $0x6400, s3, s16, $0x38;
	[tilespmem:$0x1AF40] =	vst v63  }
0xb4: {  	_ =	swait.ge [sflag:s10], $0x6400  }
0xb5: {  	[sflag:s10] =	ssyncset.done $0x0  }
0xb6: {  	[sflag:s10] =	ssyncadd.s32 $0xFFFF9C00  }
0xb7: {  	[tilespmem:s9], [sflag:$0x2] =	stream.linear.gather [spmem:s24], $0x6400, $0x38;
	[tilespmem:$0x1AF40] =	vst v63  }
0xb8: {  	_ =	swait.ge [sflag:s18], $0x6400  }
0xb9: {  	s21 =	sld [smem:$0x7CA]  }
0xba: {  	[sflag:s18] =	ssyncset.done $0x0  }
0xbb: {  	s23 =	sld [smem:$0x7CB];
	[sflag:s18] =	ssyncadd.s32 $0xFFFF9C00  }
0xbc: {  	[tilespmem:s6], [sflag:$0x8] =	stream.indirect.gather.add.f32 [hbm:s2], $0x40, s21, s3, $0xb8;
	[tilespmem:$0x1AF40] =	vst v63  }
0xbd: {  	s1 =	simm.s32 $0x16500;
	s17 =	sld [smem:$0x7CC]  }
0xbe: {  	[tilespmem:s1], [sflag:$0x8] =	stream.indirect.gather.add.f32 [hbm:s2], $0x40, s23, s3, $0xb8;
	[tilespmem:$0x1AF40] =	vst v63  }
0xbf: {  	s15 =	sld [smem:$0x7CD];
	s23 =	simm.s32 $0x18500  }
0xc0: {  	[tilespmem:s23], [sflag:$0x8] =	stream.indirect.gather.add.f32 [hbm:s2], $0x40, s17, s3, $0xb8;
	[tilespmem:$0x1AF40] =	vst v63  }
0xc1: {  	s17 =	simm.s32 $0x1A500  }
0xc2: {  	[tilespmem:s17], [sflag:$0x8] =	stream.indirect.gather.add.f32 [hbm:s2], $0x40, s15, s7, $0xb8;
	[tilespmem:$0x1AF40] =	vst v63  }
0xc3: {  	_ =	swait.ge [sflag:s13], $0x2000  }
0xc4: {  	[sflag:s13] =	ssyncset.done $0x0  }
0xc5: {  	[sflag:s13] =	ssyncadd.s32 $0xFFFFE000  }
0xc6: {  	_ =	swait.ge [sflag:s13], $0x2000  }
0xc7: {  	[sflag:s13] =	ssyncset.done $0x0  }
0xc8: {  	[sflag:s13] =	ssyncadd.s32 $0xFFFFE000  }
0xc9: {  	_ =	swait.ge [sflag:s13], $0x2000  }
0xca: {  	[sflag:s13] =	ssyncset.done $0x0  }
0xcb: {  	[sflag:s13] =	ssyncadd.s32 $0xFFFFE000  }
0xcc: {  	_ =	swait.ge [sflag:s13], $0x400  }
0xcd: {  	[sflag:s13] =	ssyncset.done $0x0  }
0xce: {  	s21 =	rddreg [dreg:$0x9];
	[sflag:s13] =	ssyncadd.s32 $0xFFFFFC00  }
0xcf: {  	[hbm4b:s21+s16] =	stream.strided.scatter [tilespmem:s6], [sflag:$0xC], $0x6400, s3, s16, $0x38;
	[tilespmem:$0x1AF40] =	vst v63  }
0xd0: {  	_ =	swait.ge [sflag:s12], $0x6400  }
0xd1: {  	[sflag:s12] =	ssyncset.done $0x0  }
0xd2: {  	[sflag:s12] =	ssyncadd.s32 $0xFFFF9C00  }
0xd3: {  	[tilespmem:s5], [sflag:$0x3] =	stream.linear.gather [spmem:s24], $0x6400, $0x38;
	[tilespmem:$0x1AF40] =	vst v63  }
0xd4: {  	_ =	swait.ge [sflag:s30], $0x6400  }
0xd5: {  	s15 =	sld [smem:$0x7CE]  }
0xd6: {  	[sflag:s30] =	ssyncset.done $0x0  }
0xd7: {  	s21 =	sld [smem:$0x7CF];
	[sflag:s30] =	ssyncadd.s32 $0xFFFF9C00  }
0xd8: {  	[tilespmem:s14], [sflag:$0x5] =	stream.indirect.gather.add.f32 [hbm:s2], $0x40, s15, s3, $0xb8;
	[tilespmem:$0x1AF40] =	vst v63  }
0xd9: {  	s17 =	sld [smem:$0x7D0];
	s15 =	simm.s32 $0x3900  }
0xda: {  	[tilespmem:s15], [sflag:$0x5] =	stream.indirect.gather.add.f32 [hbm:s2], $0x40, s21, s3, $0xb8;
	[tilespmem:$0x1AF40] =	vst v63  }
0xdb: {  	s21 =	sld [smem:$0x7D1];
	s15 =	simm.s32 $0x5900  }
0xdc: {  	[tilespmem:s15], [sflag:$0x5] =	stream.indirect.gather.add.f32 [hbm:s2], $0x40, s17, s3, $0xb8;
	[tilespmem:$0x1AF40] =	vst v63  }
0xdd: {  	s17 =	simm.s32 $0x7900  }
0xde: {  	[tilespmem:s17], [sflag:$0x5] =	stream.indirect.gather.add.f32 [hbm:s2], $0x40, s21, s7, $0xb8;
	[tilespmem:$0x1AF40] =	vst v63  }
0xdf: {  	_ =	swait.ge [sflag:s26], $0x2000  }
0xe0: {  	[sflag:s26] =	ssyncset.done $0x0  }
0xe1: {  	[sflag:s26] =	ssyncadd.s32 $0xFFFFE000  }
0xe2: {  	_ =	swait.ge [sflag:s26], $0x2000  }
0xe3: {  	[sflag:s26] =	ssyncset.done $0x0  }
0xe4: {  	[sflag:s26] =	ssyncadd.s32 $0xFFFFE000  }
0xe5: {  	_ =	swait.ge [sflag:s26], $0x2000  }
0xe6: {  	[sflag:s26] =	ssyncset.done $0x0  }
0xe7: {  	[sflag:s26] =	ssyncadd.s32 $0xFFFFE000  }
0xe8: {  	_ =	swait.ge [sflag:s26], $0x400  }
0xe9: {  	[sflag:s26] =	ssyncset.done $0x0  }
0xea: {  	s15 =	rddreg [dreg:$0xa];
	[sflag:s26] =	ssyncadd.s32 $0xFFFFFC00  }
0xeb: {  	[hbm4b:s15+s16] =	stream.strided.scatter [tilespmem:s14], [sflag:$0x9], $0x6400, s3, s16, $0x38;
	[tilespmem:$0x1AF40] =	vst v63  }
0xec: {  	_ =	swait.ge [sflag:s11], $0x6400  }
0xed: {  	[sflag:s11] =	ssyncset.done $0x0  }
0xee: {  	[sflag:s11] =	ssyncadd.s32 $0xFFFF9C00  }
0xef: {  	[tilespmem:s6], [sflag:$0x4] =	stream.linear.gather [spmem:s24], $0x6400, $0x38;
	[tilespmem:$0x1AF40] =	vst v63  }
0xf0: {  	_ =	swait.ge [sflag:s28], $0x6400  }
0xf1: {  	s21 =	sld [smem:$0x7D2]  }
0xf2: {  	[sflag:s28] =	ssyncset.done $0x0  }
0xf3: {  	s15 =	sld [smem:$0x7D3];
	[sflag:s28] =	ssyncadd.s32 $0xFFFF9C00  }
0xf4: {  	[tilespmem:s9], [sflag:$0x6] =	stream.indirect.gather.add.f32 [hbm:s2], $0x40, s21, s3, $0xb8;
	[tilespmem:$0x1AF40] =	vst v63  }
0xf5: {  	s17 =	sld [smem:$0x7D4]  }
0xf6: {  	[tilespmem:s31], [sflag:$0x6] =	stream.indirect.gather.add.f32 [hbm:s2], $0x40, s15, s3, $0xb8;
	[tilespmem:$0x1AF40] =	vst v63  }
0xf7: {  	s15 =	sld [smem:$0x7D5]  }
0xf8: {  	[tilespmem:s4], [sflag:$0x6] =	stream.indirect.gather.add.f32 [hbm:s2], $0x40, s17, s3, $0xb8;
	[tilespmem:$0x1AF40] =	vst v63  }
0xf9: {  	s17 =	simm.s32 $0xDD00  }
0xfa: {  	[tilespmem:s17], [sflag:$0x6] =	stream.indirect.gather.add.f32 [hbm:s2], $0x40, s15, s7, $0xb8;
	[tilespmem:$0x1AF40] =	vst v63  }
0xfb: {  	_ =	swait.ge [sflag:s20], $0x2000  }
0xfc: {  	[sflag:s20] =	ssyncset.done $0x0  }
0xfd: {  	[sflag:s20] =	ssyncadd.s32 $0xFFFFE000  }
0xfe: {  	_ =	swait.ge [sflag:s20], $0x2000  }
0xff: {  	[sflag:s20] =	ssyncset.done $0x0  }
0x100: {  	[sflag:s20] =	ssyncadd.s32 $0xFFFFE000  }
0x101: {  	_ =	swait.ge [sflag:s20], $0x2000  }
0x102: {  	[sflag:s20] =	ssyncset.done $0x0  }
0x103: {  	[sflag:s20] =	ssyncadd.s32 $0xFFFFE000  }
0x104: {  	_ =	swait.ge [sflag:s20], $0x400  }
0x105: {  	[sflag:s20] =	ssyncset.done $0x0  }
0x106: {  	s15 =	rddreg [dreg:$0xb];
	[sflag:s20] =	ssyncadd.s32 $0xFFFFFC00  }
0x107: {  	[hbm4b:s15+s16] =	stream.strided.scatter [tilespmem:s9], [sflag:$0xA], $0x6400, s3, s16, $0x38;
	[tilespmem:$0x1AF40] =	vst v63  }
0x108: {  	_ =	swait.ge [sflag:s8], $0x6400  }
0x109: {  	[sflag:s8] =	ssyncset.done $0x0  }
0x10a: {  	[sflag:s8] =	ssyncadd.s32 $0xFFFF9C00  }
0x10b: {  	[tilespmem:s14], [sflag:$0x1] =	stream.linear.gather [spmem:s24], $0x6400, $0x38;
	[tilespmem:$0x1AF40] =	vst v63  }
0x10c: {  	_ =	swait.ge [sflag:s22], $0x6400  }
0x10d: {  	s21 =	sld [smem:$0x7D6]  }
0x10e: {  	[sflag:s22] =	ssyncset.done $0x0  }
0x10f: {  	s15 =	sld [smem:$0x7D7];
	[sflag:s22] =	ssyncadd.s32 $0xFFFF9C00  }
0x110: {  	[tilespmem:s5], [sflag:$0x7] =	stream.indirect.gather.add.f32 [hbm:s2], $0x40, s21, s3, $0xb8;
	[tilespmem:$0x1AF40] =	vst v63  }
0x111: {  	s17 =	sld [smem:$0x7D8]  }
0x112: {  	[tilespmem:s25], [sflag:$0x7] =	stream.indirect.gather.add.f32 [hbm:s2], $0x40, s15, s3, $0xb8;
	[tilespmem:$0x1AF40] =	vst v63  }
0x113: {  	s15 =	sld [smem:$0x7D9]  }
0x114: {  	[tilespmem:s29], [sflag:$0x7] =	stream.indirect.gather.add.f32 [hbm:s2], $0x40, s17, s3, $0xb8;
	[tilespmem:$0x1AF40] =	vst v63  }
0x115: {  	_ = 	snop  }
0x116: {  	[tilespmem:s0], [sflag:$0x7] =	stream.indirect.gather.add.f32 [hbm:s2], $0x40, s15, s7, $0xb8;
	[tilespmem:$0x1AF40] =	vst v63  }
0x117: {  	_ =	swait.ge [sflag:s19], $0x2000  }
0x118: {  	[sflag:s19] =	ssyncset.done $0x0  }
0x119: {  	[sflag:s19] =	ssyncadd.s32 $0xFFFFE000  }
0x11a: {  	_ =	swait.ge [sflag:s19], $0x2000  }
0x11b: {  	[sflag:s19] =	ssyncset.done $0x0  }
0x11c: {  	[sflag:s19] =	ssyncadd.s32 $0xFFFFE000  }
0x11d: {  	_ =	swait.ge [sflag:s19], $0x2000  }
0x11e: {  	[sflag:s19] =	ssyncset.done $0x0  }
0x11f: {  	[sflag:s19] =	ssyncadd.s32 $0xFFFFE000  }
0x120: {  	_ =	swait.ge [sflag:s19], $0x400  }
0x121: {  	[sflag:s19] =	ssyncset.done $0x0  }
0x122: {  	s15 =	rddreg [dreg:$0xc];
	[sflag:s19] =	ssyncadd.s32 $0xFFFFFC00  }
0x123: {  	[hbm4b:s15+s16] =	stream.strided.scatter [tilespmem:s5], [sflag:$0xB], $0x6400, s3, s16, $0x38;
	[tilespmem:$0x1AF40] =	vst v63  }
0x124: {  	_ =	swait.ge [sflag:s10], $0x6400  }
0x125: {  	[sflag:s10] =	ssyncset.done $0x0  }
0x126: {  	[sflag:s10] =	ssyncadd.s32 $0xFFFF9C00  }
0x127: {  	[tilespmem:s9], [sflag:$0x2] =	stream.linear.gather [spmem:s24], $0x6400, $0x38;
	[tilespmem:$0x1AF40] =	vst v63  }
0x128: {  	_ =	swait.ge [sflag:s18], $0x6400  }
0x129: {  	s21 =	sld [smem:$0x7DA]  }
0x12a: {  	[sflag:s18] =	ssyncset.done $0x0  }
0x12b: {  	s15 =	sld [smem:$0x7DB];
	[sflag:s18] =	ssyncadd.s32 $0xFFFF9C00  }
0x12c: {  	[tilespmem:s6], [sflag:$0x8] =	stream.indirect.gather.add.f32 [hbm:s2], $0x40, s21, s3, $0xb8;
	[tilespmem:$0x1AF40] =	vst v63  }
0x12d: {  	s1 =	simm.s32 $0x16500;
	s17 =	sld [smem:$0x7DC]  }
0x12e: {  	[tilespmem:s1], [sflag:$0x8] =	stream.indirect.gather.add.f32 [hbm:s2], $0x40, s15, s3, $0xb8;
	[tilespmem:$0x1AF40] =	vst v63  }
0x12f: {  	s15 =	sld [smem:$0x7DD]  }
0x130: {  	[tilespmem:s23], [sflag:$0x8] =	stream.indirect.gather.add.f32 [hbm:s2], $0x40, s17, s3, $0xb8;
	[tilespmem:$0x1AF40] =	vst v63  }
0x131: {  	s17 =	simm.s32 $0x1A500  }
0x132: {  	[tilespmem:s17], [sflag:$0x8] =	stream.indirect.gather.add.f32 [hbm:s2], $0x40, s15, s7, $0xb8;
	[tilespmem:$0x1AF40] =	vst v63  }
0x133: {  	_ =	swait.ge [sflag:s13], $0x2000  }
0x134: {  	[sflag:s13] =	ssyncset.done $0x0  }
0x135: {  	[sflag:s13] =	ssyncadd.s32 $0xFFFFE000  }
0x136: {  	_ =	swait.ge [sflag:s13], $0x2000  }
0x137: {  	[sflag:s13] =	ssyncset.done $0x0  }
0x138: {  	[sflag:s13] =	ssyncadd.s32 $0xFFFFE000  }
0x139: {  	_ =	swait.ge [sflag:s13], $0x2000  }
0x13a: {  	[sflag:s13] =	ssyncset.done $0x0  }
0x13b: {  	[sflag:s13] =	ssyncadd.s32 $0xFFFFE000  }
0x13c: {  	_ =	swait.ge [sflag:s13], $0x400  }
0x13d: {  	[sflag:s13] =	ssyncset.done $0x0  }
0x13e: {  	s21 =	rddreg [dreg:$0xd];
	[sflag:s13] =	ssyncadd.s32 $0xFFFFFC00  }
0x13f: {  	[hbm4b:s21+s16] =	stream.strided.scatter [tilespmem:s6], [sflag:$0xC], $0x6400, s3, s16, $0x38;
	[tilespmem:$0x1AF40] =	vst v63  }
0x140: {  	_ =	swait.ge [sflag:s12], $0x6400  }
0x141: {  	[sflag:s12] =	ssyncset.done $0x0  }
0x142: {  	[sflag:s12] =	ssyncadd.s32 $0xFFFF9C00  }
0x143: {  	[tilespmem:s5], [sflag:$0x3] =	stream.linear.gather [spmem:s24], $0x6400, $0x38;
	[tilespmem:$0x1AF40] =	vst v63  }
0x144: {  	_ =	swait.ge [sflag:s30], $0x6400  }
0x145: {  	s23 =	sld [smem:$0x7DE]  }
0x146: {  	[sflag:s30] =	ssyncset.done $0x0  }
0x147: {  	s1 =	sld [smem:$0x7DF];
	[sflag:s30] =	ssyncadd.s32 $0xFFFF9C00  }
0x148: {  	[tilespmem:s14], [sflag:$0x5] =	stream.indirect.gather.add.f32 [hbm:s2], $0x40, s23, s3, $0xb8;
	[tilespmem:$0x1AF40] =	vst v63  }
0x149: {  	s15 =	simm.s32 $0x3900;
	s23 =	sld [smem:$0x7E0]  }
0x14a: {  	[tilespmem:s15], [sflag:$0x5] =	stream.indirect.gather.add.f32 [hbm:s2], $0x40, s1, s3, $0xb8;
	[tilespmem:$0x1AF40] =	vst v63  }
0x14b: {  	s21 =	sld [smem:$0x7E1];
	s1 =	simm.s32 $0x5900  }
0x14c: {  	[tilespmem:s1], [sflag:$0x5] =	stream.indirect.gather.add.f32 [hbm:s2], $0x40, s23, s3, $0xb8;
	[tilespmem:$0x1AF40] =	vst v63  }
0x14d: {  	s1 =	simm.s32 $0x7900  }
0x14e: {  	[tilespmem:s1], [sflag:$0x5] =	stream.indirect.gather.add.f32 [hbm:s2], $0x40, s21, s7, $0xb8;
	[tilespmem:$0x1AF40] =	vst v63  }
0x14f: {  	_ =	swait.ge [sflag:s26], $0x2000  }
0x150: {  	[sflag:s26] =	ssyncset.done $0x0  }
0x151: {  	[sflag:s26] =	ssyncadd.s32 $0xFFFFE000  }
0x152: {  	_ =	swait.ge [sflag:s26], $0x2000  }
0x153: {  	[sflag:s26] =	ssyncset.done $0x0  }
0x154: {  	[sflag:s26] =	ssyncadd.s32 $0xFFFFE000  }
0x155: {  	_ =	swait.ge [sflag:s26], $0x2000  }
0x156: {  	[sflag:s26] =	ssyncset.done $0x0  }
0x157: {  	[sflag:s26] =	ssyncadd.s32 $0xFFFFE000  }
0x158: {  	_ =	swait.ge [sflag:s26], $0x400  }
0x159: {  	[sflag:s26] =	ssyncset.done $0x0  }
0x15a: {  	s21 =	rddreg [dreg:$0xe];
	[sflag:s26] =	ssyncadd.s32 $0xFFFFFC00  }
0x15b: {  	[hbm4b:s21+s16] =	stream.strided.scatter [tilespmem:s14], [sflag:$0x9], $0x6400, s3, s16, $0x38;
	[tilespmem:$0x1AF40] =	vst v63  }
0x15c: {  	_ =	swait.ge [sflag:s11], $0x6400  }
0x15d: {  	[sflag:s11] =	ssyncset.done $0x0  }
0x15e: {  	[sflag:s11] =	ssyncadd.s32 $0xFFFF9C00  }
0x15f: {  	[tilespmem:s6], [sflag:$0x4] =	stream.linear.gather [spmem:s24], $0x6400, $0x38;
	[tilespmem:$0x1AF40] =	vst v63  }
0x160: {  	_ =	swait.ge [sflag:s28], $0x6400  }
0x161: {  	s23 =	sld [smem:$0x7E2]  }
0x162: {  	[sflag:s28] =	ssyncset.done $0x0  }
0x163: {  	s1 =	sld [smem:$0x7E3];
	[sflag:s28] =	ssyncadd.s32 $0xFFFF9C00  }
0x164: {  	[tilespmem:s9], [sflag:$0x6] =	stream.indirect.gather.add.f32 [hbm:s2], $0x40, s23, s3, $0xb8;
	[tilespmem:$0x1AF40] =	vst v63  }
0x165: {  	s23 =	sld [smem:$0x7E4]  }
0x166: {  	[tilespmem:s31], [sflag:$0x6] =	stream.indirect.gather.add.f32 [hbm:s2], $0x40, s1, s3, $0xb8;
	[tilespmem:$0x1AF40] =	vst v63  }
0x167: {  	s1 =	sld [smem:$0x7E5]  }
0x168: {  	[tilespmem:s4], [sflag:$0x6] =	stream.indirect.gather.add.f32 [hbm:s2], $0x40, s23, s3, $0xb8;
	[tilespmem:$0x1AF40] =	vst v63  }
0x169: {  	s23 =	simm.s32 $0xDD00  }
0x16a: {  	[tilespmem:s23], [sflag:$0x6] =	stream.indirect.gather.add.f32 [hbm:s2], $0x40, s1, s7, $0xb8;
	[tilespmem:$0x1AF40] =	vst v63  }
0x16b: {  	_ =	swait.ge [sflag:s20], $0x2000  }
0x16c: {  	[sflag:s20] =	ssyncset.done $0x0  }
0x16d: {  	[sflag:s20] =	ssyncadd.s32 $0xFFFFE000  }
0x16e: {  	_ =	swait.ge [sflag:s20], $0x2000  }
0x16f: {  	[sflag:s20] =	ssyncset.done $0x0  }
0x170: {  	[sflag:s20] =	ssyncadd.s32 $0xFFFFE000  }
0x171: {  	_ =	swait.ge [sflag:s20], $0x2000  }
0x172: {  	[sflag:s20] =	ssyncset.done $0x0  }
0x173: {  	[sflag:s20] =	ssyncadd.s32 $0xFFFFE000  }
0x174: {  	_ =	swait.ge [sflag:s20], $0x400  }
0x175: {  	[sflag:s20] =	ssyncset.done $0x0  }
0x176: {  	s1 =	rddreg [dreg:$0xf];
	[sflag:s20] =	ssyncadd.s32 $0xFFFFFC00  }
0x177: {  	[hbm4b:s1+s16] =	stream.strided.scatter [tilespmem:s9], [sflag:$0xA], $0x6400, s3, s16, $0x38;
	[tilespmem:$0x1AF40] =	vst v63  }
0x178: {  	_ =	swait.ge [sflag:s8], $0x6400  }
0x179: {  	[sflag:s8] =	ssyncset.done $0x0  }
0x17a: {  	[sflag:s8] =	ssyncadd.s32 $0xFFFF9C00  }
0x17b: {  	[tilespmem:s14], [sflag:$0x1] =	stream.linear.gather [spmem:s24], $0x6400, $0x38;
	[tilespmem:$0x1AF40] =	vst v63  }
0x17c: {  	_ =	swait.ge [sflag:s22], $0x6400  }
0x17d: {  	s21 =	sld [smem:$0x7E6]  }
0x17e: {  	[sflag:s22] =	ssyncset.done $0x0  }
0x17f: {  	s1 =	sld [smem:$0x7E7];
	[sflag:s22] =	ssyncadd.s32 $0xFFFF9C00  }
0x180: {  	[tilespmem:s5], [sflag:$0x7] =	stream.indirect.gather.add.f32 [hbm:s2], $0x40, s21, s3, $0xb8;
	[tilespmem:$0x1AF40] =	vst v63  }
0x181: {  	s17 =	sld [smem:$0x7E8]  }
0x182: {  	[tilespmem:s25], [sflag:$0x7] =	stream.indirect.gather.add.f32 [hbm:s2], $0x40, s1, s3, $0xb8;
	[tilespmem:$0x1AF40] =	vst v63  }
0x183: {  	s1 =	sld [smem:$0x7E9]  }
0x184: {  	[tilespmem:s29], [sflag:$0x7] =	stream.indirect.gather.add.f32 [hbm:s2], $0x40, s17, s3, $0xb8;
	[tilespmem:$0x1AF40] =	vst v63  }
0x185: {  	_ = 	snop  }
0x186: {  	[tilespmem:s0], [sflag:$0x7] =	stream.indirect.gather.add.f32 [hbm:s2], $0x40, s1, s7, $0xb8;
	[tilespmem:$0x1AF40] =	vst v63  }
0x187: {  	_ =	swait.ge [sflag:s19], $0x2000  }
0x188: {  	[sflag:s19] =	ssyncset.done $0x0  }
0x189: {  	[sflag:s19] =	ssyncadd.s32 $0xFFFFE000  }
0x18a: {  	_ =	swait.ge [sflag:s19], $0x2000  }
0x18b: {  	[sflag:s19] =	ssyncset.done $0x0  }
0x18c: {  	[sflag:s19] =	ssyncadd.s32 $0xFFFFE000  }
0x18d: {  	_ =	swait.ge [sflag:s19], $0x2000  }
0x18e: {  	[sflag:s19] =	ssyncset.done $0x0  }
0x18f: {  	[sflag:s19] =	ssyncadd.s32 $0xFFFFE000  }
0x190: {  	_ =	swait.ge [sflag:s19], $0x400  }
0x191: {  	[sflag:s19] =	ssyncset.done $0x0  }
0x192: {  	s21 =	rddreg [dreg:$0x10];
	[sflag:s19] =	ssyncadd.s32 $0xFFFFFC00  }
0x193: {  	[hbm4b:s21+s16] =	stream.strided.scatter [tilespmem:s5], [sflag:$0xB], $0x6400, s3, s16, $0x38;
	[tilespmem:$0x1AF40] =	vst v63  }
0x194: {  	_ =	swait.ge [sflag:s10], $0x6400  }
0x195: {  	[sflag:s10] =	ssyncset.done $0x0  }
0x196: {  	[sflag:s10] =	ssyncadd.s32 $0xFFFF9C00  }
0x197: {  	[tilespmem:s9], [sflag:$0x2] =	stream.linear.gather [spmem:s24], $0x6400, $0x38;
	[tilespmem:$0x1AF40] =	vst v63  }
0x198: {  	_ =	swait.ge [sflag:s18], $0x6400  }
0x199: {  	s1 =	sld [smem:$0x7EA]  }
0x19a: {  	[sflag:s18] =	ssyncset.done $0x0  }
0x19b: {  	s21 =	sld [smem:$0x7EB];
	[sflag:s18] =	ssyncadd.s32 $0xFFFF9C00  }
0x19c: {  	[tilespmem:s6], [sflag:$0x8] =	stream.indirect.gather.add.f32 [hbm:s2], $0x40, s1, s3, $0xb8;
	[tilespmem:$0x1AF40] =	vst v63  }
0x19d: {  	s17 =	sld [smem:$0x7EC];
	s1 =	simm.s32 $0x16500  }
0x19e: {  	[tilespmem:s1], [sflag:$0x8] =	stream.indirect.gather.add.f32 [hbm:s2], $0x40, s21, s3, $0xb8;
	[tilespmem:$0x1AF40] =	vst v63  }
0x19f: {  	s21 =	sld [smem:$0x7ED];
	s1 =	simm.s32 $0x18500  }
0x1a0: {  	[tilespmem:s1], [sflag:$0x8] =	stream.indirect.gather.add.f32 [hbm:s2], $0x40, s17, s3, $0xb8;
	[tilespmem:$0x1AF40] =	vst v63  }
0x1a1: {  	s1 =	simm.s32 $0x1A500  }
0x1a2: {  	[tilespmem:s1], [sflag:$0x8] =	stream.indirect.gather.add.f32 [hbm:s2], $0x40, s21, s7, $0xb8;
	[tilespmem:$0x1AF40] =	vst v63  }
0x1a3: {  	_ =	swait.ge [sflag:s13], $0x2000  }
0x1a4: {  	[sflag:s13] =	ssyncset.done $0x0  }
0x1a5: {  	[sflag:s13] =	ssyncadd.s32 $0xFFFFE000  }
0x1a6: {  	_ =	swait.ge [sflag:s13], $0x2000  }
0x1a7: {  	[sflag:s13] =	ssyncset.done $0x0  }
0x1a8: {  	[sflag:s13] =	ssyncadd.s32 $0xFFFFE000  }
0x1a9: {  	_ =	swait.ge [sflag:s13], $0x2000  }
0x1aa: {  	[sflag:s13] =	ssyncset.done $0x0  }
0x1ab: {  	[sflag:s13] =	ssyncadd.s32 $0xFFFFE000  }
0x1ac: {  	_ =	swait.ge [sflag:s13], $0x400  }
0x1ad: {  	[sflag:s13] =	ssyncset.done $0x0  }
0x1ae: {  	s21 =	rddreg [dreg:$0x11];
	[sflag:s13] =	ssyncadd.s32 $0xFFFFFC00  }
0x1af: {  	[hbm4b:s21+s16] =	stream.strided.scatter [tilespmem:s6], [sflag:$0xC], $0x6400, s3, s16, $0x38;
	[tilespmem:$0x1AF40] =	vst v63  }
0x1b0: {  	_ =	swait.ge [sflag:s12], $0x6400  }
0x1b1: {  	[sflag:s12] =	ssyncset.done $0x0  }
0x1b2: {  	[sflag:s12] =	ssyncadd.s32 $0xFFFF9C00  }
0x1b3: {  	[tilespmem:s5], [sflag:$0x3] =	stream.linear.gather [spmem:s24], $0x6400, $0x38;
	[tilespmem:$0x1AF40] =	vst v63  }
0x1b4: {  	_ =	swait.ge [sflag:s30], $0x6400  }
0x1b5: {  	s17 =	sld [smem:$0x7EE]  }
0x1b6: {  	[sflag:s30] =	ssyncset.done $0x0  }
0x1b7: {  	s21 =	sld [smem:$0x7EF];
	[sflag:s30] =	ssyncadd.s32 $0xFFFF9C00  }
0x1b8: {  	[tilespmem:s14], [sflag:$0x5] =	stream.indirect.gather.add.f32 [hbm:s2], $0x40, s17, s3, $0xb8;
	[tilespmem:$0x1AF40] =	vst v63  }
0x1b9: {  	s17 =	sld [smem:$0x7F0]  }
0x1ba: {  	[tilespmem:s15], [sflag:$0x5] =	stream.indirect.gather.add.f32 [hbm:s2], $0x40, s21, s3, $0xb8;
	[tilespmem:$0x1AF40] =	vst v63  }
0x1bb: {  	s21 =	sld [smem:$0x7F1];
	s15 =	simm.s32 $0x5900  }
0x1bc: {  	[tilespmem:s15], [sflag:$0x5] =	stream.indirect.gather.add.f32 [hbm:s2], $0x40, s17, s3, $0xb8;
	[tilespmem:$0x1AF40] =	vst v63  }
0x1bd: {  	s17 =	simm.s32 $0x7900  }
0x1be: {  	[tilespmem:s17], [sflag:$0x5] =	stream.indirect.gather.add.f32 [hbm:s2], $0x40, s21, s7, $0xb8;
	[tilespmem:$0x1AF40] =	vst v63  }
0x1bf: {  	_ =	swait.ge [sflag:s26], $0x2000  }
0x1c0: {  	[sflag:s26] =	ssyncset.done $0x0  }
0x1c1: {  	[sflag:s26] =	ssyncadd.s32 $0xFFFFE000  }
0x1c2: {  	_ =	swait.ge [sflag:s26], $0x2000  }
0x1c3: {  	[sflag:s26] =	ssyncset.done $0x0  }
0x1c4: {  	[sflag:s26] =	ssyncadd.s32 $0xFFFFE000  }
0x1c5: {  	_ =	swait.ge [sflag:s26], $0x2000  }
0x1c6: {  	[sflag:s26] =	ssyncset.done $0x0  }
0x1c7: {  	[sflag:s26] =	ssyncadd.s32 $0xFFFFE000  }
0x1c8: {  	_ =	swait.ge [sflag:s26], $0x400  }
0x1c9: {  	[sflag:s26] =	ssyncset.done $0x0  }
0x1ca: {  	s15 =	rddreg [dreg:$0x12];
	[sflag:s26] =	ssyncadd.s32 $0xFFFFFC00  }
0x1cb: {  	[hbm4b:s15+s16] =	stream.strided.scatter [tilespmem:s14], [sflag:$0x9], $0x6400, s3, s16, $0x38;
	[tilespmem:$0x1AF40] =	vst v63  }
0x1cc: {  	_ =	swait.ge [sflag:s11], $0x6400  }
0x1cd: {  	[sflag:s11] =	ssyncset.done $0x0  }
0x1ce: {  	[sflag:s11] =	ssyncadd.s32 $0xFFFF9C00  }
0x1cf: {  	[tilespmem:s6], [sflag:$0x4] =	stream.linear.gather [spmem:s24], $0x6400, $0x38;
	[tilespmem:$0x1AF40] =	vst v63  }
0x1d0: {  	_ =	swait.ge [sflag:s28], $0x6400  }
0x1d1: {  	s21 =	sld [smem:$0x7F2]  }
0x1d2: {  	[sflag:s28] =	ssyncset.done $0x0  }
0x1d3: {  	s14 =	sld [smem:$0x7F3];
	[sflag:s28] =	ssyncadd.s32 $0xFFFF9C00  }
0x1d4: {  	[tilespmem:s9], [sflag:$0x6] =	stream.indirect.gather.add.f32 [hbm:s2], $0x40, s21, s3, $0xb8;
	[tilespmem:$0x1AF40] =	vst v63  }
0x1d5: {  	s15 =	sld [smem:$0x7F4]  }
0x1d6: {  	[tilespmem:s31], [sflag:$0x6] =	stream.indirect.gather.add.f32 [hbm:s2], $0x40, s14, s3, $0xb8;
	[tilespmem:$0x1AF40] =	vst v63  }
0x1d7: {  	s14 =	sld [smem:$0x7F5]  }
0x1d8: {  	[tilespmem:s4], [sflag:$0x6] =	stream.indirect.gather.add.f32 [hbm:s2], $0x40, s15, s3, $0xb8;
	[tilespmem:$0x1AF40] =	vst v63  }
0x1d9: {  	_ = 	snop  }
0x1da: {  	[tilespmem:s23], [sflag:$0x6] =	stream.indirect.gather.add.f32 [hbm:s2], $0x40, s14, s7, $0xb8;
	[tilespmem:$0x1AF40] =	vst v63  }
0x1db: {  	_ =	swait.ge [sflag:s20], $0x2000  }
0x1dc: {  	[sflag:s20] =	ssyncset.done $0x0  }
0x1dd: {  	[sflag:s20] =	ssyncadd.s32 $0xFFFFE000  }
0x1de: {  	_ =	swait.ge [sflag:s20], $0x2000  }
0x1df: {  	[sflag:s20] =	ssyncset.done $0x0  }
0x1e0: {  	[sflag:s20] =	ssyncadd.s32 $0xFFFFE000  }
0x1e1: {  	_ =	swait.ge [sflag:s20], $0x2000  }
0x1e2: {  	[sflag:s20] =	ssyncset.done $0x0  }
0x1e3: {  	[sflag:s20] =	ssyncadd.s32 $0xFFFFE000  }
0x1e4: {  	_ =	swait.ge [sflag:s20], $0x400  }
0x1e5: {  	[sflag:s20] =	ssyncset.done $0x0  }
0x1e6: {  	s15 =	rddreg [dreg:$0x13];
	[sflag:s20] =	ssyncadd.s32 $0xFFFFFC00  }
0x1e7: {  	[hbm4b:s15+s16] =	stream.strided.scatter [tilespmem:s9], [sflag:$0xA], $0x6400, s3, s16, $0x38;
	[tilespmem:$0x1AF40] =	vst v63  }
0x1e8: {  	_ =	swait.ge [sflag:s22], $0x6400  }
0x1e9: {  	s21 =	sld [smem:$0x7F6]  }
0x1ea: {  	[sflag:s22] =	ssyncset.done $0x0  }
0x1eb: {  	s23 =	sld [smem:$0x7F7];
	[sflag:s22] =	ssyncadd.s32 $0xFFFF9C00  }
0x1ec: {  	[tilespmem:s5], [sflag:$0x7] =	stream.indirect.gather.add.f32 [hbm:s2], $0x40, s21, s3, $0xb8;
	[tilespmem:$0x1AF40] =	vst v63  }
0x1ed: {  	s31 =	sld [smem:$0x7F8]  }
0x1ee: {  	[tilespmem:s25], [sflag:$0x7] =	stream.indirect.gather.add.f32 [hbm:s2], $0x40, s23, s3, $0xb8;
	[tilespmem:$0x1AF40] =	vst v63  }
0x1ef: {  	s4 =	sld [smem:$0x7F9]  }
0x1f0: {  	[tilespmem:s29], [sflag:$0x7] =	stream.indirect.gather.add.f32 [hbm:s2], $0x40, s31, s3, $0xb8;
	[tilespmem:$0x1AF40] =	vst v63  }
0x1f1: {  	_ = 	snop  }
0x1f2: {  	[tilespmem:s0], [sflag:$0x7] =	stream.indirect.gather.add.f32 [hbm:s2], $0x40, s4, s7, $0xb8;
	[tilespmem:$0x1AF40] =	vst v63  }
0x1f3: {  	_ =	swait.ge [sflag:s19], $0x2000  }
0x1f4: {  	[sflag:s19] =	ssyncset.done $0x0  }
0x1f5: {  	[sflag:s19] =	ssyncadd.s32 $0xFFFFE000  }
0x1f6: {  	_ =	swait.ge [sflag:s19], $0x2000  }
0x1f7: {  	[sflag:s19] =	ssyncset.done $0x0  }
0x1f8: {  	[sflag:s19] =	ssyncadd.s32 $0xFFFFE000  }
0x1f9: {  	_ =	swait.ge [sflag:s19], $0x2000  }
0x1fa: {  	[sflag:s19] =	ssyncset.done $0x0  }
0x1fb: {  	[sflag:s19] =	ssyncadd.s32 $0xFFFFE000  }
0x1fc: {  	_ =	swait.ge [sflag:s19], $0x400  }
0x1fd: {  	[sflag:s19] =	ssyncset.done $0x0  }
0x1fe: {  	s9 =	rddreg [dreg:$0x14];
	[sflag:s19] =	ssyncadd.s32 $0xFFFFFC00  }
0x1ff: {  	[hbm4b:s9+s16] =	stream.strided.scatter [tilespmem:s5], [sflag:$0xB], $0x6400, s3, s16, $0x38;
	[tilespmem:$0x1AF40] =	vst v63  }
0x200: {  	_ =	swait.ge [sflag:s18], $0x6400  }
0x201: {  	s14 =	sld [smem:$0x7FA]  }
0x202: {  	[sflag:s18] =	ssyncset.done $0x0  }
0x203: {  	s15 =	sld [smem:$0x7FB];
	[sflag:s18] =	ssyncadd.s32 $0xFFFF9C00  }
0x204: {  	[tilespmem:s6], [sflag:$0x8] =	stream.indirect.gather.add.f32 [hbm:s2], $0x40, s14, s3, $0xb8;
	[tilespmem:$0x1AF40] =	vst v63  }
0x205: {  	s22 =	simm.s32 $0x16500;
	s18 =	sld [smem:$0x7FC]  }
0x206: {  	[tilespmem:s22], [sflag:$0x8] =	stream.indirect.gather.add.f32 [hbm:s2], $0x40, s15, s3, $0xb8;
	[tilespmem:$0x1AF40] =	vst v63  }
0x207: {  	s25 =	simm.s32 $0x18500;
	s23 =	sld [smem:$0x7FD]  }
0x208: {  	[tilespmem:s25], [sflag:$0x8] =	stream.indirect.gather.add.f32 [hbm:s2], $0x40, s18, s3, $0xb8;
	[tilespmem:$0x1AF40] =	vst v63  }
0x209: {  	_ = 	snop  }
0x20a: {  	[tilespmem:s1], [sflag:$0x8] =	stream.indirect.gather.add.f32 [hbm:s2], $0x40, s23, s7, $0xb8;
	[tilespmem:$0x1AF40] =	vst v63  }
0x20b: {  	_ =	swait.ge [sflag:s13], $0x2000  }
0x20c: {  	[sflag:s13] =	ssyncset.done $0x0  }
0x20d: {  	[sflag:s13] =	ssyncadd.s32 $0xFFFFE000  }
0x20e: {  	_ =	swait.ge [sflag:s13], $0x2000  }
0x20f: {  	[sflag:s13] =	ssyncset.done $0x0  }
0x210: {  	[sflag:s13] =	ssyncadd.s32 $0xFFFFE000  }
0x211: {  	_ =	swait.ge [sflag:s13], $0x2000  }
0x212: {  	[sflag:s13] =	ssyncset.done $0x0  }
0x213: {  	[sflag:s13] =	ssyncadd.s32 $0xFFFFE000  }
0x214: {  	_ =	swait.ge [sflag:s13], $0x400  }
0x215: {  	[sflag:s13] =	ssyncset.done $0x0  }
0x216: {  	s29 =	rddreg [dreg:$0x15];
	[sflag:s13] =	ssyncadd.s32 $0xFFFFFC00  }
0x217: {  	[hbm4b:s29+s16] =	stream.strided.scatter [tilespmem:s6], [sflag:$0xC], $0x6400, s3, s16, $0x38;
	[tilespmem:$0x1AF40] =	vst v63  }
0x218: {  	_ =	swait.ge [sflag:s8], $0x6400  }
0x219: {  	[sflag:s8] =	ssyncset.done $0x0  }
0x21a: {  	[sflag:s8] =	ssyncadd.s32 $0xFFFF9C00  }
0x21b: {  	_ =	swait.ge [sflag:s10], $0x6400  }
0x21c: {  	[sflag:s10] =	ssyncset.done $0x0  }
0x21d: {  	[sflag:s10] =	ssyncadd.s32 $0xFFFF9C00  }
0x21e: {  	_ =	swait.ge [sflag:s12], $0x6400  }
0x21f: {  	s31 =	sld [smem:$0x7C8];
	_ =	sdelay $0x2  }
0x220: {  	s17 =	sadd.s32 $0xFFFFFFFF, s31  }
0x221: {  	p1 =	por $0x1, $0x1;
	s30 =	simm.s32 $0x2;
	p2 =	sne.s32 s17, $0x0  }
.Ltmp1:
0x222: {  	s28 =	simm.s32 $0x3;
	s9 =	simm.s32 $0x9;
	(pc) =	sbr.rel @!p2 .LBB2_2-.Ltmp1, $4  }
0x223: {  	s14 =	simm.s32 $0xB;
	s22 =	simm.s32 $0x4;
	[sflag:s12] =	ssyncset.done $0x0  }
0x224: {  	s25 =	simm.s32 $0x1;
	s18 =	simm.s32 $0x1900;
	[sflag:s12] =	ssyncadd.s32 $0xFFFF9C00  }
0x225: {  	s10 =	simm.s32 $0x7D00;
	s12 =	simm.s32 $0xC;
	_ =	swait.ge [sflag:s11], $0x6400  }
0x226: {  	s21 =	rddreg [dreg:$0x16];
	[sflag:s11] =	ssyncset.done $0x0;
	s11 =	simm.s32 $0xA  }
.LBB2_3:
0x227: {  	s23 =	rddreg [dreg:$0x4];
	[sflag:s12] =	ssyncadd.s32 $0xFFFF9C00;
	s0 =	simm.s32 @!p0 $0x1C0D  }
0x228: {  	[spmem:s21], [sflag:s0] =	dma.local @!p0 [hbm:s23], $0xC80  }
0x229: {  	s0 =	simm.s32 @!p0 $0xD  }
0x22a: {  	_ =	swait.ge @!p0 [sflag:s0], $0xC80  }
0x22b: {  	s1 =	simm.s32 $0xD;
	[sflag:s0] =	ssyncset.done @!p0 $0x0  }
0x22c: {  	s31 =	rddreg [dreg:$0x5];
	[sflag:s0] =	ssyncadd.s32 @!p0 $0xFFFFF380;
	s0 =	simm.s32 $0x0  }
0x22d: {  	[tilespmem:s0], [sflag:$0xD] =	stream.linear.gather [hbm4b:s31+s0], $0x1900, $0x38;
	[tilespmem:$0x1AF40] =	vst v63  }
0x22e: {  	_ =	swait.ge [sflag:s1], $0x1900  }
0x22f: {  	[sflag:s1] =	ssyncset.done $0x0  }
0x230: {  	[sflag:s1] =	ssyncadd.s32 $0xFFFFE700  }
0x231: {  	[bflag:$0x0] =	sbarrier.arrive $0xFFFF  }
0x232: {  	[tilespmem:s18], [sflag:$0x1] =	stream.linear.gather [spmem:s24], $0x6400, $0x38;
	[tilespmem:$0x1AF40] =	vst v63  }
0x233: {  	_ = 	snop  }
0x234: {  	[tilespmem:s10], [sflag:$0x2] =	stream.linear.gather [spmem:s24], $0x6400, $0x38;
	[tilespmem:$0x1AF40] =	vst v63  }
0x235: {  	_ = 	snop  }
0x236: {  	[tilespmem:s5], [sflag:$0x3] =	stream.linear.gather [spmem:s24], $0x6400, $0x38;
	[tilespmem:$0x1AF40] =	vst v63  }
0x237: {  	_ =	swait.ge [sflag:s25], $0x6400  }
0x238: {  	[sflag:s25] =	ssyncset.done $0x0  }
0x239: {  	[sflag:s25] =	ssyncadd.s32 $0xFFFF9C00  }
0x23a: {  	[tilespmem:s18], [sflag:$0x5] =	stream.indirect.gather.add.f32 [hbm:s2], $0x40, s0, s3, $0xb8;
	[tilespmem:$0x1AF40] =	vst v63  }
0x23b: {  	s5 =	simm.s32 $0x3900  }
0x23c: {  	[tilespmem:s5], [sflag:$0x5] =	stream.indirect.gather.add.f32 [hbm:s2], $0x40, s3, s3, $0xb8;
	[tilespmem:$0x1AF40] =	vst v63  }
0x23d: {  	s15 =	simm.s32 $0x5900;
	s4 =	rddreg [dreg:$0x17]  }
0x23e: {  	[tilespmem:s15], [sflag:$0x5] =	stream.indirect.gather.add.f32 [hbm:s2], $0x40, s4, s3, $0xb8;
	[tilespmem:$0x1AF40] =	vst v63  }
0x23f: {  	s29 =	simm.s32 $0x7900;
	s8 =	rddreg [dreg:$0x18]  }
0x240: {  	[tilespmem:s29], [sflag:$0x5] =	stream.indirect.gather.add.f32 [hbm:s2], $0x40, s8, s7, $0xb8;
	[tilespmem:$0x1AF40] =	vst v63  }
0x241: {  	_ =	swait.ge [sflag:s26], $0x2000  }
0x242: {  	[sflag:s26] =	ssyncset.done $0x0  }
0x243: {  	[sflag:s26] =	ssyncadd.s32 $0xFFFFE000  }
0x244: {  	_ =	swait.ge [sflag:s26], $0x2000  }
0x245: {  	[sflag:s26] =	ssyncset.done $0x0  }
0x246: {  	[sflag:s26] =	ssyncadd.s32 $0xFFFFE000  }
0x247: {  	_ =	swait.ge [sflag:s26], $0x2000  }
0x248: {  	[sflag:s26] =	ssyncset.done $0x0  }
0x249: {  	[sflag:s26] =	ssyncadd.s32 $0xFFFFE000  }
0x24a: {  	_ =	swait.ge [sflag:s26], $0x400  }
0x24b: {  	[sflag:s26] =	ssyncset.done $0x0  }
0x24c: {  	s31 =	rddreg [dreg:$0x6];
	[sflag:s26] =	ssyncadd.s32 $0xFFFFFC00  }
0x24d: {  	[hbm4b:s31+s16] =	stream.strided.scatter [tilespmem:s18], [sflag:$0x9], $0x6400, s3, s16, $0x38;
	[tilespmem:$0x1AF40] =	vst v63  }
0x24e: {  	_ = 	snop  }
0x24f: {  	[tilespmem:s6], [sflag:$0x4] =	stream.linear.gather [spmem:s24], $0x6400, $0x38;
	[tilespmem:$0x1AF40] =	vst v63  }
0x250: {  	_ =	swait.ge [sflag:s30], $0x6400  }
0x251: {  	[sflag:s30] =	ssyncset.done $0x0  }
0x252: {  	s0 =	rddreg [dreg:$0x19];
	[sflag:s30] =	ssyncadd.s32 $0xFFFF9C00  }
0x253: {  	[tilespmem:s10], [sflag:$0x6] =	stream.indirect.gather.add.f32 [hbm:s2], $0x40, s0, s3, $0xb8;
	[tilespmem:$0x1AF40] =	vst v63  }
0x254: {  	s15 =	simm.s32 $0x9D00;
	s4 =	rddreg [dreg:$0x1a]  }
0x255: {  	[tilespmem:s15], [sflag:$0x6] =	stream.indirect.gather.add.f32 [hbm:s2], $0x40, s4, s3, $0xb8;
	[tilespmem:$0x1AF40] =	vst v63  }
0x256: {  	s5 =	rddreg [dreg:$0x1b];
	s4 =	simm.s32 $0xBD00  }
0x257: {  	[tilespmem:s4], [sflag:$0x6] =	stream.indirect.gather.add.f32 [hbm:s2], $0x40, s5, s3, $0xb8;
	[tilespmem:$0x1AF40] =	vst v63  }
0x258: {  	s31 =	rddreg [dreg:$0x1c];
	s5 =	simm.s32 $0xDD00  }
0x259: {  	[tilespmem:s5], [sflag:$0x6] =	stream.indirect.gather.add.f32 [hbm:s2], $0x40, s31, s7, $0xb8;
	[tilespmem:$0x1AF40] =	vst v63  }
0x25a: {  	_ =	swait.ge [sflag:s20], $0x2000  }
0x25b: {  	[sflag:s20] =	ssyncset.done $0x0  }
0x25c: {  	[sflag:s20] =	ssyncadd.s32 $0xFFFFE000  }
0x25d: {  	_ =	swait.ge [sflag:s20], $0x2000  }
0x25e: {  	[sflag:s20] =	ssyncset.done $0x0  }
0x25f: {  	[sflag:s20] =	ssyncadd.s32 $0xFFFFE000  }
0x260: {  	_ =	swait.ge [sflag:s20], $0x2000  }
0x261: {  	[sflag:s20] =	ssyncset.done $0x0  }
0x262: {  	[sflag:s20] =	ssyncadd.s32 $0xFFFFE000  }
0x263: {  	_ =	swait.ge [sflag:s20], $0x400  }
0x264: {  	[sflag:s20] =	ssyncset.done $0x0  }
0x265: {  	s15 =	rddreg [dreg:$0x7];
	[sflag:s20] =	ssyncadd.s32 $0xFFFFFC00  }
0x266: {  	[hbm4b:s15+s16] =	stream.strided.scatter [tilespmem:s10], [sflag:$0xA], $0x6400, s3, s16, $0x38;
	[tilespmem:$0x1AF40] =	vst v63  }
0x267: {  	_ =	swait.ge [sflag:s9], $0x6400  }
0x268: {  	[sflag:s9] =	ssyncset.done $0x0  }
0x269: {  	[sflag:s9] =	ssyncadd.s32 $0xFFFF9C00  }
0x26a: {  	[tilespmem:s18], [sflag:$0x1] =	stream.linear.gather [spmem:s24], $0x6400, $0x38;
	[tilespmem:$0x1AF40] =	vst v63  }
0x26b: {  	_ =	swait.ge [sflag:s28], $0x6400  }
0x26c: {  	s23 =	rddreg [dreg:$0x1d];
	[sflag:s28] =	ssyncset.done $0x0  }
0x26d: {  	s6 =	simm.s32 $0xE100;
	s31 =	rddreg [dreg:$0x1e];
	[sflag:s28] =	ssyncadd.s32 $0xFFFF9C00  }
0x26e: {  	[tilespmem:s6], [sflag:$0x7] =	stream.indirect.gather.add.f32 [hbm:s2], $0x40, s23, s3, $0xb8;
	[tilespmem:$0x1AF40] =	vst v63  }
0x26f: {  	s15 =	simm.s32 $0x10100;
	s4 =	rddreg [dreg:$0x1f]  }
0x270: {  	[tilespmem:s15], [sflag:$0x7] =	stream.indirect.gather.add.f32 [hbm:s2], $0x40, s31, s3, $0xb8;
	[tilespmem:$0x1AF40] =	vst v63  }
0x271: {  	s5 =	simm.s32 $0x12100;
	s31 =	sld [smem:$0x7C9]  }
0x272: {  	[tilespmem:s5], [sflag:$0x7] =	stream.indirect.gather.add.f32 [hbm:s2], $0x40, s4, s3, $0xb8;
	[tilespmem:$0x1AF40] =	vst v63  }
0x273: {  	s21 =	simm.s32 $0x14100  }
0x274: {  	[tilespmem:s21], [sflag:$0x7] =	stream.indirect.gather.add.f32 [hbm:s2], $0x40, s31, s7, $0xb8;
	[tilespmem:$0x1AF40] =	vst v63  }
0x275: {  	_ =	swait.ge [sflag:s19], $0x2000  }
0x276: {  	[sflag:s19] =	ssyncset.done $0x0  }
0x277: {  	[sflag:s19] =	ssyncadd.s32 $0xFFFFE000  }
0x278: {  	_ =	swait.ge [sflag:s19], $0x2000  }
0x279: {  	[sflag:s19] =	ssyncset.done $0x0  }
0x27a: {  	[sflag:s19] =	ssyncadd.s32 $0xFFFFE000  }
0x27b: {  	_ =	swait.ge [sflag:s19], $0x2000  }
0x27c: {  	[sflag:s19] =	ssyncset.done $0x0  }
0x27d: {  	[sflag:s19] =	ssyncadd.s32 $0xFFFFE000  }
0x27e: {  	_ =	swait.ge [sflag:s19], $0x400  }
0x27f: {  	[sflag:s19] =	ssyncset.done $0x0  }
0x280: {  	s23 =	rddreg [dreg:$0x8];
	[sflag:s19] =	ssyncadd.s32 $0xFFFFFC00  }
0x281: {  	[hbm4b:s23+s16] =	stream.strided.scatter [tilespmem:s6], [sflag:$0xB], $0x6400, s3, s16, $0x38;
	[tilespmem:$0x1AF40] =	vst v63  }
0x282: {  	_ =	swait.ge [sflag:s11], $0x6400  }
0x283: {  	[sflag:s11] =	ssyncset.done $0x0  }
0x284: {  	[sflag:s11] =	ssyncadd.s32 $0xFFFF9C00  }
0x285: {  	[tilespmem:s10], [sflag:$0x2] =	stream.linear.gather [spmem:s24], $0x6400, $0x38;
	[tilespmem:$0x1AF40] =	vst v63  }
0x286: {  	_ =	swait.ge [sflag:s22], $0x6400  }
0x287: {  	s31 =	sld [smem:$0x7CA]  }
0x288: {  	[sflag:s22] =	ssyncset.done $0x0  }
0x289: {  	s8 =	simm.s32 $0x14500;
	s9 =	sld [smem:$0x7CB];
	[sflag:s22] =	ssyncadd.s32 $0xFFFF9C00  }
0x28a: {  	[tilespmem:s8], [sflag:$0x8] =	stream.indirect.gather.add.f32 [hbm:s2], $0x40, s31, s3, $0xb8;
	[tilespmem:$0x1AF40] =	vst v63  }
0x28b: {  	s21 =	sld [smem:$0x7CC];
	s31 =	simm.s32 $0x16500  }
0x28c: {  	[tilespmem:s31], [sflag:$0x8] =	stream.indirect.gather.add.f32 [hbm:s2], $0x40, s9, s3, $0xb8;
	[tilespmem:$0x1AF40] =	vst v63  }
0x28d: {  	s23 =	sld [smem:$0x7CD];
	s31 =	simm.s32 $0x18500  }
0x28e: {  	[tilespmem:s31], [sflag:$0x8] =	stream.indirect.gather.add.f32 [hbm:s2], $0x40, s21, s3, $0xb8;
	[tilespmem:$0x1AF40] =	vst v63  }
0x28f: {  	s31 =	simm.s32 $0x1A500  }
0x290: {  	[tilespmem:s31], [sflag:$0x8] =	stream.indirect.gather.add.f32 [hbm:s2], $0x40, s23, s7, $0xb8;
	[tilespmem:$0x1AF40] =	vst v63  }
0x291: {  	_ =	swait.ge [sflag:s13], $0x2000  }
0x292: {  	[sflag:s13] =	ssyncset.done $0x0  }
0x293: {  	[sflag:s13] =	ssyncadd.s32 $0xFFFFE000  }
0x294: {  	_ =	swait.ge [sflag:s13], $0x2000  }
0x295: {  	[sflag:s13] =	ssyncset.done $0x0  }
0x296: {  	[sflag:s13] =	ssyncadd.s32 $0xFFFFE000  }
0x297: {  	_ =	swait.ge [sflag:s13], $0x2000  }
0x298: {  	[sflag:s13] =	ssyncset.done $0x0  }
0x299: {  	[sflag:s13] =	ssyncadd.s32 $0xFFFFE000  }
0x29a: {  	_ =	swait.ge [sflag:s13], $0x400  }
0x29b: {  	[sflag:s13] =	ssyncset.done $0x0  }
0x29c: {  	s23 =	rddreg [dreg:$0x9];
	[sflag:s13] =	ssyncadd.s32 $0xFFFFFC00  }
0x29d: {  	[hbm4b:s23+s16] =	stream.strided.scatter [tilespmem:s8], [sflag:$0xC], $0x6400, s3, s16, $0x38;
	[tilespmem:$0x1AF40] =	vst v63  }
0x29e: {  	_ =	swait.ge [sflag:s14], $0x6400  }
0x29f: {  	[sflag:s14] =	ssyncset.done $0x0  }
0x2a0: {  	[sflag:s14] =	ssyncadd.s32 $0xFFFF9C00  }
0x2a1: {  	[tilespmem:s6], [sflag:$0x3] =	stream.linear.gather [spmem:s24], $0x6400, $0x38;
	[tilespmem:$0x1AF40] =	vst v63  }
0x2a2: {  	_ =	swait.ge [sflag:s25], $0x6400  }
0x2a3: {  	s31 =	sld [smem:$0x7CE]  }
0x2a4: {  	[sflag:s25] =	ssyncset.done $0x0  }
0x2a5: {  	s23 =	sld [smem:$0x7CF];
	[sflag:s25] =	ssyncadd.s32 $0xFFFF9C00  }
0x2a6: {  	[tilespmem:s18], [sflag:$0x5] =	stream.indirect.gather.add.f32 [hbm:s2], $0x40, s31, s3, $0xb8;
	[tilespmem:$0x1AF40] =	vst v63  }
0x2a7: {  	s21 =	sld [smem:$0x7D0];
	s31 =	simm.s32 $0x3900  }
0x2a8: {  	[tilespmem:s31], [sflag:$0x5] =	stream.indirect.gather.add.f32 [hbm:s2], $0x40, s23, s3, $0xb8;
	[tilespmem:$0x1AF40] =	vst v63  }
0x2a9: {  	s1 =	simm.s32 $0x5900;
	s23 =	sld [smem:$0x7D1]  }
0x2aa: {  	[tilespmem:s1], [sflag:$0x5] =	stream.indirect.gather.add.f32 [hbm:s2], $0x40, s21, s3, $0xb8;
	[tilespmem:$0x1AF40] =	vst v63  }
0x2ab: {  	s29 =	simm.s32 $0x7900  }
0x2ac: {  	[tilespmem:s29], [sflag:$0x5] =	stream.indirect.gather.add.f32 [hbm:s2], $0x40, s23, s7, $0xb8;
	[tilespmem:$0x1AF40] =	vst v63  }
0x2ad: {  	_ =	swait.ge [sflag:s26], $0x2000  }
0x2ae: {  	[sflag:s26] =	ssyncset.done $0x0  }
0x2af: {  	[sflag:s26] =	ssyncadd.s32 $0xFFFFE000  }
0x2b0: {  	_ =	swait.ge [sflag:s26], $0x2000  }
0x2b1: {  	[sflag:s26] =	ssyncset.done $0x0  }
0x2b2: {  	[sflag:s26] =	ssyncadd.s32 $0xFFFFE000  }
0x2b3: {  	_ =	swait.ge [sflag:s26], $0x2000  }
0x2b4: {  	[sflag:s26] =	ssyncset.done $0x0  }
0x2b5: {  	[sflag:s26] =	ssyncadd.s32 $0xFFFFE000  }
0x2b6: {  	_ =	swait.ge [sflag:s26], $0x400  }
0x2b7: {  	[sflag:s26] =	ssyncset.done $0x0  }
0x2b8: {  	s1 =	rddreg [dreg:$0xa];
	[sflag:s26] =	ssyncadd.s32 $0xFFFFFC00  }
0x2b9: {  	[hbm4b:s1+s16] =	stream.strided.scatter [tilespmem:s18], [sflag:$0x9], $0x6400, s3, s16, $0x38;
	[tilespmem:$0x1AF40] =	vst v63  }
0x2ba: {  	_ =	swait.ge [sflag:s12], $0x6400  }
0x2bb: {  	[sflag:s12] =	ssyncset.done $0x0  }
0x2bc: {  	[sflag:s12] =	ssyncadd.s32 $0xFFFF9C00  }
0x2bd: {  	[tilespmem:s8], [sflag:$0x4] =	stream.linear.gather [spmem:s24], $0x6400, $0x38;
	[tilespmem:$0x1AF40] =	vst v63  }
0x2be: {  	_ =	swait.ge [sflag:s30], $0x6400  }
0x2bf: {  	s23 =	sld [smem:$0x7D2]  }
0x2c0: {  	[sflag:s30] =	ssyncset.done $0x0  }
0x2c1: {  	s29 =	sld [smem:$0x7D3];
	[sflag:s30] =	ssyncadd.s32 $0xFFFF9C00  }
0x2c2: {  	[tilespmem:s10], [sflag:$0x6] =	stream.indirect.gather.add.f32 [hbm:s2], $0x40, s23, s3, $0xb8;
	[tilespmem:$0x1AF40] =	vst v63  }
0x2c3: {  	s1 =	simm.s32 $0x9D00;
	s21 =	sld [smem:$0x7D4]  }
0x2c4: {  	[tilespmem:s1], [sflag:$0x6] =	stream.indirect.gather.add.f32 [hbm:s2], $0x40, s29, s3, $0xb8;
	[tilespmem:$0x1AF40] =	vst v63  }
0x2c5: {  	s23 =	sld [smem:$0x7D5];
	s29 =	simm.s32 $0xBD00  }
0x2c6: {  	[tilespmem:s29], [sflag:$0x6] =	stream.indirect.gather.add.f32 [hbm:s2], $0x40, s21, s3, $0xb8;
	[tilespmem:$0x1AF40] =	vst v63  }
0x2c7: {  	s0 =	simm.s32 $0xDD00  }
0x2c8: {  	[tilespmem:s0], [sflag:$0x6] =	stream.indirect.gather.add.f32 [hbm:s2], $0x40, s23, s7, $0xb8;
	[tilespmem:$0x1AF40] =	vst v63  }
0x2c9: {  	_ =	swait.ge [sflag:s20], $0x2000  }
0x2ca: {  	[sflag:s20] =	ssyncset.done $0x0  }
0x2cb: {  	[sflag:s20] =	ssyncadd.s32 $0xFFFFE000  }
0x2cc: {  	_ =	swait.ge [sflag:s20], $0x2000  }
0x2cd: {  	[sflag:s20] =	ssyncset.done $0x0  }
0x2ce: {  	[sflag:s20] =	ssyncadd.s32 $0xFFFFE000  }
0x2cf: {  	_ =	swait.ge [sflag:s20], $0x2000  }
0x2d0: {  	[sflag:s20] =	ssyncset.done $0x0  }
0x2d1: {  	[sflag:s20] =	ssyncadd.s32 $0xFFFFE000  }
0x2d2: {  	_ =	swait.ge [sflag:s20], $0x400  }
0x2d3: {  	[sflag:s20] =	ssyncset.done $0x0  }
0x2d4: {  	s9 =	simm.s32 $0x9;
	s23 =	rddreg [dreg:$0xb];
	[sflag:s20] =	ssyncadd.s32 $0xFFFFFC00  }
0x2d5: {  	[hbm4b:s23+s16] =	stream.strided.scatter [tilespmem:s10], [sflag:$0xA], $0x6400, s3, s16, $0x38;
	[tilespmem:$0x1AF40] =	vst v63  }
0x2d6: {  	_ =	swait.ge [sflag:s9], $0x6400  }
0x2d7: {  	[sflag:s9] =	ssyncset.done $0x0  }
0x2d8: {  	[sflag:s9] =	ssyncadd.s32 $0xFFFF9C00  }
0x2d9: {  	[tilespmem:s18], [sflag:$0x1] =	stream.linear.gather [spmem:s24], $0x6400, $0x38;
	[tilespmem:$0x1AF40] =	vst v63  }
0x2da: {  	_ =	swait.ge [sflag:s28], $0x6400  }
0x2db: {  	s0 =	sld [smem:$0x7D6]  }
0x2dc: {  	[sflag:s28] =	ssyncset.done $0x0  }
0x2dd: {  	s23 =	sld [smem:$0x7D7];
	[sflag:s28] =	ssyncadd.s32 $0xFFFF9C00  }
0x2de: {  	[tilespmem:s6], [sflag:$0x7] =	stream.indirect.gather.add.f32 [hbm:s2], $0x40, s0, s3, $0xb8;
	[tilespmem:$0x1AF40] =	vst v63  }
0x2df: {  	s15 =	simm.s32 $0x10100;
	s0 =	sld [smem:$0x7D8]  }
0x2e0: {  	[tilespmem:s15], [sflag:$0x7] =	stream.indirect.gather.add.f32 [hbm:s2], $0x40, s23, s3, $0xb8;
	[tilespmem:$0x1AF40] =	vst v63  }
0x2e1: {  	s4 =	simm.s32 $0x12100;
	s15 =	sld [smem:$0x7D9]  }
0x2e2: {  	[tilespmem:s4], [sflag:$0x7] =	stream.indirect.gather.add.f32 [hbm:s2], $0x40, s0, s3, $0xb8;
	[tilespmem:$0x1AF40] =	vst v63  }
0x2e3: {  	s5 =	simm.s32 $0x14100  }
0x2e4: {  	[tilespmem:s5], [sflag:$0x7] =	stream.indirect.gather.add.f32 [hbm:s2], $0x40, s15, s7, $0xb8;
	[tilespmem:$0x1AF40] =	vst v63  }
0x2e5: {  	_ =	swait.ge [sflag:s19], $0x2000  }
0x2e6: {  	[sflag:s19] =	ssyncset.done $0x0  }
0x2e7: {  	[sflag:s19] =	ssyncadd.s32 $0xFFFFE000  }
0x2e8: {  	_ =	swait.ge [sflag:s19], $0x2000  }
0x2e9: {  	[sflag:s19] =	ssyncset.done $0x0  }
0x2ea: {  	[sflag:s19] =	ssyncadd.s32 $0xFFFFE000  }
0x2eb: {  	_ =	swait.ge [sflag:s19], $0x2000  }
0x2ec: {  	[sflag:s19] =	ssyncset.done $0x0  }
0x2ed: {  	[sflag:s19] =	ssyncadd.s32 $0xFFFFE000  }
0x2ee: {  	_ =	swait.ge [sflag:s19], $0x400  }
0x2ef: {  	[sflag:s19] =	ssyncset.done $0x0  }
0x2f0: {  	s23 =	rddreg [dreg:$0xc];
	[sflag:s19] =	ssyncadd.s32 $0xFFFFFC00  }
0x2f1: {  	[hbm4b:s23+s16] =	stream.strided.scatter [tilespmem:s6], [sflag:$0xB], $0x6400, s3, s16, $0x38;
	[tilespmem:$0x1AF40] =	vst v63  }
0x2f2: {  	_ =	swait.ge [sflag:s11], $0x6400  }
0x2f3: {  	[sflag:s11] =	ssyncset.done $0x0  }
0x2f4: {  	[sflag:s11] =	ssyncadd.s32 $0xFFFF9C00  }
0x2f5: {  	[tilespmem:s10], [sflag:$0x2] =	stream.linear.gather [spmem:s24], $0x6400, $0x38;
	[tilespmem:$0x1AF40] =	vst v63  }
0x2f6: {  	_ =	swait.ge [sflag:s22], $0x6400  }
0x2f7: {  	s0 =	sld [smem:$0x7DA]  }
0x2f8: {  	[sflag:s22] =	ssyncset.done $0x0  }
0x2f9: {  	s5 =	sld [smem:$0x7DB];
	[sflag:s22] =	ssyncadd.s32 $0xFFFF9C00  }
0x2fa: {  	[tilespmem:s8], [sflag:$0x8] =	stream.indirect.gather.add.f32 [hbm:s2], $0x40, s0, s3, $0xb8;
	[tilespmem:$0x1AF40] =	vst v63  }
0x2fb: {  	s15 =	simm.s32 $0x16500;
	s21 =	sld [smem:$0x7DC]  }
0x2fc: {  	[tilespmem:s15], [sflag:$0x8] =	stream.indirect.gather.add.f32 [hbm:s2], $0x40, s5, s3, $0xb8;
	[tilespmem:$0x1AF40] =	vst v63  }
0x2fd: {  	s5 =	sld [smem:$0x7DD];
	s15 =	simm.s32 $0x18500  }
0x2fe: {  	[tilespmem:s15], [sflag:$0x8] =	stream.indirect.gather.add.f32 [hbm:s2], $0x40, s21, s3, $0xb8;
	[tilespmem:$0x1AF40] =	vst v63  }
0x2ff: {  	s21 =	simm.s32 $0x1A500  }
0x300: {  	[tilespmem:s21], [sflag:$0x8] =	stream.indirect.gather.add.f32 [hbm:s2], $0x40, s5, s7, $0xb8;
	[tilespmem:$0x1AF40] =	vst v63  }
0x301: {  	_ =	swait.ge [sflag:s13], $0x2000  }
0x302: {  	[sflag:s13] =	ssyncset.done $0x0  }
0x303: {  	[sflag:s13] =	ssyncadd.s32 $0xFFFFE000  }
0x304: {  	_ =	swait.ge [sflag:s13], $0x2000  }
0x305: {  	[sflag:s13] =	ssyncset.done $0x0  }
0x306: {  	[sflag:s13] =	ssyncadd.s32 $0xFFFFE000  }
0x307: {  	_ =	swait.ge [sflag:s13], $0x2000  }
0x308: {  	[sflag:s13] =	ssyncset.done $0x0  }
0x309: {  	[sflag:s13] =	ssyncadd.s32 $0xFFFFE000  }
0x30a: {  	_ =	swait.ge [sflag:s13], $0x400  }
0x30b: {  	[sflag:s13] =	ssyncset.done $0x0  }
0x30c: {  	s0 =	rddreg [dreg:$0xd];
	[sflag:s13] =	ssyncadd.s32 $0xFFFFFC00  }
0x30d: {  	[hbm4b:s0+s16] =	stream.strided.scatter [tilespmem:s8], [sflag:$0xC], $0x6400, s3, s16, $0x38;
	[tilespmem:$0x1AF40] =	vst v63  }
0x30e: {  	_ =	swait.ge [sflag:s14], $0x6400  }
0x30f: {  	[sflag:s14] =	ssyncset.done $0x0  }
0x310: {  	[sflag:s14] =	ssyncadd.s32 $0xFFFF9C00  }
0x311: {  	[tilespmem:s6], [sflag:$0x3] =	stream.linear.gather [spmem:s24], $0x6400, $0x38;
	[tilespmem:$0x1AF40] =	vst v63  }
0x312: {  	_ =	swait.ge [sflag:s25], $0x6400  }
0x313: {  	s5 =	sld [smem:$0x7DE]  }
0x314: {  	[sflag:s25] =	ssyncset.done $0x0  }
0x315: {  	s15 =	sld [smem:$0x7DF];
	[sflag:s25] =	ssyncadd.s32 $0xFFFF9C00  }
0x316: {  	[tilespmem:s18], [sflag:$0x5] =	stream.indirect.gather.add.f32 [hbm:s2], $0x40, s5, s3, $0xb8;
	[tilespmem:$0x1AF40] =	vst v63  }
0x317: {  	s0 =	sld [smem:$0x7E0]  }
0x318: {  	[tilespmem:s31], [sflag:$0x5] =	stream.indirect.gather.add.f32 [hbm:s2], $0x40, s15, s3, $0xb8;
	[tilespmem:$0x1AF40] =	vst v63  }
0x319: {  	s23 =	sld [smem:$0x7E1];
	s15 =	simm.s32 $0x5900  }
0x31a: {  	[tilespmem:s15], [sflag:$0x5] =	stream.indirect.gather.add.f32 [hbm:s2], $0x40, s0, s3, $0xb8;
	[tilespmem:$0x1AF40] =	vst v63  }
0x31b: {  	s21 =	simm.s32 $0x7900  }
0x31c: {  	[tilespmem:s21], [sflag:$0x5] =	stream.indirect.gather.add.f32 [hbm:s2], $0x40, s23, s7, $0xb8;
	[tilespmem:$0x1AF40] =	vst v63  }
0x31d: {  	_ =	swait.ge [sflag:s26], $0x2000  }
0x31e: {  	[sflag:s26] =	ssyncset.done $0x0  }
0x31f: {  	[sflag:s26] =	ssyncadd.s32 $0xFFFFE000  }
0x320: {  	_ =	swait.ge [sflag:s26], $0x2000  }
0x321: {  	[sflag:s26] =	ssyncset.done $0x0  }
0x322: {  	[sflag:s26] =	ssyncadd.s32 $0xFFFFE000  }
0x323: {  	_ =	swait.ge [sflag:s26], $0x2000  }
0x324: {  	[sflag:s26] =	ssyncset.done $0x0  }
0x325: {  	[sflag:s26] =	ssyncadd.s32 $0xFFFFE000  }
0x326: {  	_ =	swait.ge [sflag:s26], $0x400  }
0x327: {  	[sflag:s26] =	ssyncset.done $0x0  }
0x328: {  	s23 =	rddreg [dreg:$0xe];
	[sflag:s26] =	ssyncadd.s32 $0xFFFFFC00  }
0x329: {  	[hbm4b:s23+s16] =	stream.strided.scatter [tilespmem:s18], [sflag:$0x9], $0x6400, s3, s16, $0x38;
	[tilespmem:$0x1AF40] =	vst v63  }
0x32a: {  	_ =	swait.ge [sflag:s12], $0x6400  }
0x32b: {  	[sflag:s12] =	ssyncset.done $0x0  }
0x32c: {  	[sflag:s12] =	ssyncadd.s32 $0xFFFF9C00  }
0x32d: {  	[tilespmem:s8], [sflag:$0x4] =	stream.linear.gather [spmem:s24], $0x6400, $0x38;
	[tilespmem:$0x1AF40] =	vst v63  }
0x32e: {  	_ =	swait.ge [sflag:s30], $0x6400  }
0x32f: {  	s0 =	sld [smem:$0x7E2]  }
0x330: {  	[sflag:s30] =	ssyncset.done $0x0  }
0x331: {  	s15 =	sld [smem:$0x7E3];
	[sflag:s30] =	ssyncadd.s32 $0xFFFF9C00  }
0x332: {  	[tilespmem:s10], [sflag:$0x6] =	stream.indirect.gather.add.f32 [hbm:s2], $0x40, s0, s3, $0xb8;
	[tilespmem:$0x1AF40] =	vst v63  }
0x333: {  	s0 =	sld [smem:$0x7E4]  }
0x334: {  	[tilespmem:s1], [sflag:$0x6] =	stream.indirect.gather.add.f32 [hbm:s2], $0x40, s15, s3, $0xb8;
	[tilespmem:$0x1AF40] =	vst v63  }
0x335: {  	s15 =	sld [smem:$0x7E5]  }
0x336: {  	[tilespmem:s29], [sflag:$0x6] =	stream.indirect.gather.add.f32 [hbm:s2], $0x40, s0, s3, $0xb8;
	[tilespmem:$0x1AF40] =	vst v63  }
0x337: {  	s0 =	simm.s32 $0xDD00  }
0x338: {  	[tilespmem:s0], [sflag:$0x6] =	stream.indirect.gather.add.f32 [hbm:s2], $0x40, s15, s7, $0xb8;
	[tilespmem:$0x1AF40] =	vst v63  }
0x339: {  	_ =	swait.ge [sflag:s20], $0x2000  }
0x33a: {  	[sflag:s20] =	ssyncset.done $0x0  }
0x33b: {  	[sflag:s20] =	ssyncadd.s32 $0xFFFFE000  }
0x33c: {  	_ =	swait.ge [sflag:s20], $0x2000  }
0x33d: {  	[sflag:s20] =	ssyncset.done $0x0  }
0x33e: {  	[sflag:s20] =	ssyncadd.s32 $0xFFFFE000  }
0x33f: {  	_ =	swait.ge [sflag:s20], $0x2000  }
0x340: {  	[sflag:s20] =	ssyncset.done $0x0  }
0x341: {  	[sflag:s20] =	ssyncadd.s32 $0xFFFFE000  }
0x342: {  	_ =	swait.ge [sflag:s20], $0x400  }
0x343: {  	[sflag:s20] =	ssyncset.done $0x0  }
0x344: {  	s1 =	rddreg [dreg:$0xf];
	[sflag:s20] =	ssyncadd.s32 $0xFFFFFC00  }
0x345: {  	[hbm4b:s1+s16] =	stream.strided.scatter [tilespmem:s10], [sflag:$0xA], $0x6400, s3, s16, $0x38;
	[tilespmem:$0x1AF40] =	vst v63  }
0x346: {  	_ =	swait.ge [sflag:s9], $0x6400  }
0x347: {  	[sflag:s9] =	ssyncset.done $0x0  }
0x348: {  	[sflag:s9] =	ssyncadd.s32 $0xFFFF9C00  }
0x349: {  	[tilespmem:s18], [sflag:$0x1] =	stream.linear.gather [spmem:s24], $0x6400, $0x38;
	[tilespmem:$0x1AF40] =	vst v63  }
0x34a: {  	_ =	swait.ge [sflag:s28], $0x6400  }
0x34b: {  	s9 =	sld [smem:$0x7E6]  }
0x34c: {  	[sflag:s28] =	ssyncset.done $0x0  }
0x34d: {  	s15 =	sld [smem:$0x7E7];
	[sflag:s28] =	ssyncadd.s32 $0xFFFF9C00  }
0x34e: {  	[tilespmem:s6], [sflag:$0x7] =	stream.indirect.gather.add.f32 [hbm:s2], $0x40, s9, s3, $0xb8;
	[tilespmem:$0x1AF40] =	vst v63  }
0x34f: {  	s0 =	simm.s32 $0x10100;
	s29 =	sld [smem:$0x7E8]  }
0x350: {  	[tilespmem:s0], [sflag:$0x7] =	stream.indirect.gather.add.f32 [hbm:s2], $0x40, s15, s3, $0xb8;
	[tilespmem:$0x1AF40] =	vst v63  }
0x351: {  	s4 =	simm.s32 $0x12100;
	s1 =	sld [smem:$0x7E9]  }
0x352: {  	[tilespmem:s4], [sflag:$0x7] =	stream.indirect.gather.add.f32 [hbm:s2], $0x40, s29, s3, $0xb8;
	[tilespmem:$0x1AF40] =	vst v63  }
0x353: {  	s9 =	simm.s32 $0x14100  }
0x354: {  	[tilespmem:s9], [sflag:$0x7] =	stream.indirect.gather.add.f32 [hbm:s2], $0x40, s1, s7, $0xb8;
	[tilespmem:$0x1AF40] =	vst v63  }
0x355: {  	_ =	swait.ge [sflag:s19], $0x2000  }
0x356: {  	[sflag:s19] =	ssyncset.done $0x0  }
0x357: {  	[sflag:s19] =	ssyncadd.s32 $0xFFFFE000  }
0x358: {  	_ =	swait.ge [sflag:s19], $0x2000  }
0x359: {  	[sflag:s19] =	ssyncset.done $0x0  }
0x35a: {  	[sflag:s19] =	ssyncadd.s32 $0xFFFFE000  }
0x35b: {  	_ =	swait.ge [sflag:s19], $0x2000  }
0x35c: {  	[sflag:s19] =	ssyncset.done $0x0  }
0x35d: {  	[sflag:s19] =	ssyncadd.s32 $0xFFFFE000  }
0x35e: {  	_ =	swait.ge [sflag:s19], $0x400  }
0x35f: {  	[sflag:s19] =	ssyncset.done $0x0  }
0x360: {  	s15 =	rddreg [dreg:$0x10];
	[sflag:s19] =	ssyncadd.s32 $0xFFFFFC00  }
0x361: {  	[hbm4b:s15+s16] =	stream.strided.scatter [tilespmem:s6], [sflag:$0xB], $0x6400, s3, s16, $0x38;
	[tilespmem:$0x1AF40] =	vst v63  }
0x362: {  	_ =	swait.ge [sflag:s11], $0x6400  }
0x363: {  	[sflag:s11] =	ssyncset.done $0x0  }
0x364: {  	[sflag:s11] =	ssyncadd.s32 $0xFFFF9C00  }
0x365: {  	[tilespmem:s10], [sflag:$0x2] =	stream.linear.gather [spmem:s24], $0x6400, $0x38;
	[tilespmem:$0x1AF40] =	vst v63  }
0x366: {  	_ =	swait.ge [sflag:s22], $0x6400  }
0x367: {  	s23 =	sld [smem:$0x7EA]  }
0x368: {  	[sflag:s22] =	ssyncset.done $0x0  }
0x369: {  	s1 =	sld [smem:$0x7EB];
	[sflag:s22] =	ssyncadd.s32 $0xFFFF9C00  }
0x36a: {  	[tilespmem:s8], [sflag:$0x8] =	stream.indirect.gather.add.f32 [hbm:s2], $0x40, s23, s3, $0xb8;
	[tilespmem:$0x1AF40] =	vst v63  }
0x36b: {  	s4 =	simm.s32 $0x16500;
	s21 =	sld [smem:$0x7EC]  }
0x36c: {  	[tilespmem:s4], [sflag:$0x8] =	stream.indirect.gather.add.f32 [hbm:s2], $0x40, s1, s3, $0xb8;
	[tilespmem:$0x1AF40] =	vst v63  }
0x36d: {  	s15 =	simm.s32 $0x18500;
	s23 =	sld [smem:$0x7ED]  }
0x36e: {  	[tilespmem:s15], [sflag:$0x8] =	stream.indirect.gather.add.f32 [hbm:s2], $0x40, s21, s3, $0xb8;
	[tilespmem:$0x1AF40] =	vst v63  }
0x36f: {  	s21 =	simm.s32 $0x1A500  }
0x370: {  	[tilespmem:s21], [sflag:$0x8] =	stream.indirect.gather.add.f32 [hbm:s2], $0x40, s23, s7, $0xb8;
	[tilespmem:$0x1AF40] =	vst v63  }
0x371: {  	_ =	swait.ge [sflag:s13], $0x2000  }
0x372: {  	[sflag:s13] =	ssyncset.done $0x0  }
0x373: {  	[sflag:s13] =	ssyncadd.s32 $0xFFFFE000  }
0x374: {  	_ =	swait.ge [sflag:s13], $0x2000  }
0x375: {  	[sflag:s13] =	ssyncset.done $0x0  }
0x376: {  	[sflag:s13] =	ssyncadd.s32 $0xFFFFE000  }
0x377: {  	_ =	swait.ge [sflag:s13], $0x2000  }
0x378: {  	[sflag:s13] =	ssyncset.done $0x0  }
0x379: {  	[sflag:s13] =	ssyncadd.s32 $0xFFFFE000  }
0x37a: {  	_ =	swait.ge [sflag:s13], $0x400  }
0x37b: {  	[sflag:s13] =	ssyncset.done $0x0  }
0x37c: {  	s23 =	rddreg [dreg:$0x11];
	[sflag:s13] =	ssyncadd.s32 $0xFFFFFC00  }
0x37d: {  	[hbm4b:s23+s16] =	stream.strided.scatter [tilespmem:s8], [sflag:$0xC], $0x6400, s3, s16, $0x38;
	[tilespmem:$0x1AF40] =	vst v63  }
0x37e: {  	_ =	swait.ge [sflag:s14], $0x6400  }
0x37f: {  	[sflag:s14] =	ssyncset.done $0x0  }
0x380: {  	[sflag:s14] =	ssyncadd.s32 $0xFFFF9C00  }
0x381: {  	[tilespmem:s6], [sflag:$0x3] =	stream.linear.gather [spmem:s24], $0x6400, $0x38;
	[tilespmem:$0x1AF40] =	vst v63  }
0x382: {  	_ =	swait.ge [sflag:s25], $0x6400  }
0x383: {  	s23 =	sld [smem:$0x7EE]  }
0x384: {  	[sflag:s25] =	ssyncset.done $0x0  }
0x385: {  	s8 =	sld [smem:$0x7EF];
	[sflag:s25] =	ssyncadd.s32 $0xFFFF9C00  }
0x386: {  	[tilespmem:s18], [sflag:$0x5] =	stream.indirect.gather.add.f32 [hbm:s2], $0x40, s23, s3, $0xb8;
	[tilespmem:$0x1AF40] =	vst v63  }
0x387: {  	s5 =	simm.s32 $0x3900;
	s21 =	sld [smem:$0x7F0]  }
0x388: {  	[tilespmem:s5], [sflag:$0x5] =	stream.indirect.gather.add.f32 [hbm:s2], $0x40, s8, s3, $0xb8;
	[tilespmem:$0x1AF40] =	vst v63  }
0x389: {  	s31 =	simm.s32 $0x5900;
	s8 =	sld [smem:$0x7F1]  }
0x38a: {  	[tilespmem:s31], [sflag:$0x5] =	stream.indirect.gather.add.f32 [hbm:s2], $0x40, s21, s3, $0xb8;
	[tilespmem:$0x1AF40] =	vst v63  }
0x38b: {  	s21 =	simm.s32 $0x7900  }
0x38c: {  	[tilespmem:s21], [sflag:$0x5] =	stream.indirect.gather.add.f32 [hbm:s2], $0x40, s8, s7, $0xb8;
	[tilespmem:$0x1AF40] =	vst v63  }
0x38d: {  	_ =	swait.ge [sflag:s26], $0x2000  }
0x38e: {  	[sflag:s26] =	ssyncset.done $0x0  }
0x38f: {  	[sflag:s26] =	ssyncadd.s32 $0xFFFFE000  }
0x390: {  	_ =	swait.ge [sflag:s26], $0x2000  }
0x391: {  	[sflag:s26] =	ssyncset.done $0x0  }
0x392: {  	[sflag:s26] =	ssyncadd.s32 $0xFFFFE000  }
0x393: {  	_ =	swait.ge [sflag:s26], $0x2000  }
0x394: {  	[sflag:s26] =	ssyncset.done $0x0  }
0x395: {  	[sflag:s26] =	ssyncadd.s32 $0xFFFFE000  }
0x396: {  	_ =	swait.ge [sflag:s26], $0x400  }
0x397: {  	[sflag:s26] =	ssyncset.done $0x0  }
0x398: {  	s23 =	rddreg [dreg:$0x12];
	[sflag:s26] =	ssyncadd.s32 $0xFFFFFC00  }
0x399: {  	[hbm4b:s23+s16] =	stream.strided.scatter [tilespmem:s18], [sflag:$0x9], $0x6400, s3, s16, $0x38;
	[tilespmem:$0x1AF40] =	vst v63  }
0x39a: {  	_ =	swait.ge [sflag:s12], $0x6400  }
0x39b: {  	[sflag:s12] =	ssyncset.done $0x0  }
0x39c: {  	s6 =	simm.s32 $0x14500;
	[sflag:s12] =	ssyncadd.s32 $0xFFFF9C00  }
0x39d: {  	[tilespmem:s6], [sflag:$0x4] =	stream.linear.gather [spmem:s24], $0x6400, $0x38;
	[tilespmem:$0x1AF40] =	vst v63  }
0x39e: {  	_ =	swait.ge [sflag:s30], $0x6400  }
0x39f: {  	s31 =	sld [smem:$0x7F2]  }
0x3a0: {  	[sflag:s30] =	ssyncset.done $0x0  }
0x3a1: {  	s5 =	sld [smem:$0x7F3];
	[sflag:s30] =	ssyncadd.s32 $0xFFFF9C00  }
0x3a2: {  	[tilespmem:s10], [sflag:$0x6] =	stream.indirect.gather.add.f32 [hbm:s2], $0x40, s31, s3, $0xb8;
	[tilespmem:$0x1AF40] =	vst v63  }
0x3a3: {  	s8 =	simm.s32 $0x9D00;
	s21 =	sld [smem:$0x7F4]  }
0x3a4: {  	[tilespmem:s8], [sflag:$0x6] =	stream.indirect.gather.add.f32 [hbm:s2], $0x40, s5, s3, $0xb8;
	[tilespmem:$0x1AF40] =	vst v63  }
0x3a5: {  	s31 =	sld [smem:$0x7F5];
	s8 =	simm.s32 $0xBD00  }
0x3a6: {  	[tilespmem:s8], [sflag:$0x6] =	stream.indirect.gather.add.f32 [hbm:s2], $0x40, s21, s3, $0xb8;
	[tilespmem:$0x1AF40] =	vst v63  }
0x3a7: {  	s21 =	simm.s32 $0xDD00  }
0x3a8: {  	[tilespmem:s21], [sflag:$0x6] =	stream.indirect.gather.add.f32 [hbm:s2], $0x40, s31, s7, $0xb8;
	[tilespmem:$0x1AF40] =	vst v63  }
0x3a9: {  	_ =	swait.ge [sflag:s20], $0x2000  }
0x3aa: {  	[sflag:s20] =	ssyncset.done $0x0  }
0x3ab: {  	[sflag:s20] =	ssyncadd.s32 $0xFFFFE000  }
0x3ac: {  	_ =	swait.ge [sflag:s20], $0x2000  }
0x3ad: {  	[sflag:s20] =	ssyncset.done $0x0  }
0x3ae: {  	[sflag:s20] =	ssyncadd.s32 $0xFFFFE000  }
0x3af: {  	_ =	swait.ge [sflag:s20], $0x2000  }
0x3b0: {  	[sflag:s20] =	ssyncset.done $0x0  }
0x3b1: {  	[sflag:s20] =	ssyncadd.s32 $0xFFFFE000  }
0x3b2: {  	_ =	swait.ge [sflag:s20], $0x400  }
0x3b3: {  	[sflag:s20] =	ssyncset.done $0x0  }
0x3b4: {  	s23 =	rddreg [dreg:$0x13];
	[sflag:s20] =	ssyncadd.s32 $0xFFFFFC00  }
0x3b5: {  	[hbm4b:s23+s16] =	stream.strided.scatter [tilespmem:s10], [sflag:$0xA], $0x6400, s3, s16, $0x38;
	[tilespmem:$0x1AF40] =	vst v63  }
0x3b6: {  	_ =	swait.ge [sflag:s28], $0x6400  }
0x3b7: {  	s31 =	sld [smem:$0x7F6]  }
0x3b8: {  	[sflag:s28] =	ssyncset.done $0x0  }
0x3b9: {  	s5 =	simm.s32 $0xE100;
	s8 =	sld [smem:$0x7F7];
	[sflag:s28] =	ssyncadd.s32 $0xFFFF9C00  }
0x3ba: {  	[tilespmem:s5], [sflag:$0x7] =	stream.indirect.gather.add.f32 [hbm:s2], $0x40, s31, s3, $0xb8;
	[tilespmem:$0x1AF40] =	vst v63  }
0x3bb: {  	s31 =	sld [smem:$0x7F8]  }
0x3bc: {  	[tilespmem:s0], [sflag:$0x7] =	stream.indirect.gather.add.f32 [hbm:s2], $0x40, s8, s3, $0xb8;
	[tilespmem:$0x1AF40] =	vst v63  }
0x3bd: {  	s29 =	simm.s32 $0x12100;
	s8 =	sld [smem:$0x7F9]  }
0x3be: {  	[tilespmem:s29], [sflag:$0x7] =	stream.indirect.gather.add.f32 [hbm:s2], $0x40, s31, s3, $0xb8;
	[tilespmem:$0x1AF40] =	vst v63  }
0x3bf: {  	_ = 	snop  }
0x3c0: {  	[tilespmem:s9], [sflag:$0x7] =	stream.indirect.gather.add.f32 [hbm:s2], $0x40, s8, s7, $0xb8;
	[tilespmem:$0x1AF40] =	vst v63  }
0x3c1: {  	_ =	swait.ge [sflag:s19], $0x2000  }
0x3c2: {  	[sflag:s19] =	ssyncset.done $0x0  }
0x3c3: {  	[sflag:s19] =	ssyncadd.s32 $0xFFFFE000  }
0x3c4: {  	_ =	swait.ge [sflag:s19], $0x2000  }
0x3c5: {  	[sflag:s19] =	ssyncset.done $0x0  }
0x3c6: {  	[sflag:s19] =	ssyncadd.s32 $0xFFFFE000  }
0x3c7: {  	_ =	swait.ge [sflag:s19], $0x2000  }
0x3c8: {  	[sflag:s19] =	ssyncset.done $0x0  }
0x3c9: {  	[sflag:s19] =	ssyncadd.s32 $0xFFFFE000  }
0x3ca: {  	_ =	swait.ge [sflag:s19], $0x400  }
0x3cb: {  	[sflag:s19] =	ssyncset.done $0x0  }
0x3cc: {  	s31 =	rddreg [dreg:$0x14];
	[sflag:s19] =	ssyncadd.s32 $0xFFFFFC00  }
0x3cd: {  	[hbm4b:s31+s16] =	stream.strided.scatter [tilespmem:s5], [sflag:$0xB], $0x6400, s3, s16, $0x38;
	[tilespmem:$0x1AF40] =	vst v63  }
0x3ce: {  	_ =	swait.ge [sflag:s22], $0x6400  }
0x3cf: {  	s0 =	sld [smem:$0x7FA]  }
0x3d0: {  	[sflag:s22] =	ssyncset.done $0x0  }
0x3d1: {  	s8 =	sld [smem:$0x7FB];
	[sflag:s22] =	ssyncadd.s32 $0xFFFF9C00  }
0x3d2: {  	[tilespmem:s6], [sflag:$0x8] =	stream.indirect.gather.add.f32 [hbm:s2], $0x40, s0, s3, $0xb8;
	[tilespmem:$0x1AF40] =	vst v63  }
0x3d3: {  	s4 =	simm.s32 $0x16500;
	s9 =	sld [smem:$0x7FC]  }
0x3d4: {  	[tilespmem:s4], [sflag:$0x8] =	stream.indirect.gather.add.f32 [hbm:s2], $0x40, s8, s3, $0xb8;
	[tilespmem:$0x1AF40] =	vst v63  }
0x3d5: {  	s15 =	simm.s32 $0x18500;
	s29 =	sld [smem:$0x7FD]  }
0x3d6: {  	[tilespmem:s15], [sflag:$0x8] =	stream.indirect.gather.add.f32 [hbm:s2], $0x40, s9, s3, $0xb8;
	[tilespmem:$0x1AF40] =	vst v63  }
0x3d7: {  	s1 =	simm.s32 $0x1A500  }
0x3d8: {  	[tilespmem:s1], [sflag:$0x8] =	stream.indirect.gather.add.f32 [hbm:s2], $0x40, s29, s7, $0xb8;
	[tilespmem:$0x1AF40] =	vst v63  }
0x3d9: {  	_ =	swait.ge [sflag:s13], $0x2000  }
0x3da: {  	[sflag:s13] =	ssyncset.done $0x0  }
0x3db: {  	[sflag:s13] =	ssyncadd.s32 $0xFFFFE000  }
0x3dc: {  	_ =	swait.ge [sflag:s13], $0x2000  }
0x3dd: {  	[sflag:s13] =	ssyncset.done $0x0  }
0x3de: {  	[sflag:s13] =	ssyncadd.s32 $0xFFFFE000  }
0x3df: {  	_ =	swait.ge [sflag:s13], $0x2000  }
0x3e0: {  	[sflag:s13] =	ssyncset.done $0x0  }
0x3e1: {  	[sflag:s13] =	ssyncadd.s32 $0xFFFFE000  }
0x3e2: {  	_ =	swait.ge [sflag:s13], $0x400  }
0x3e3: {  	[sflag:s13] =	ssyncset.done $0x0  }
0x3e4: {  	s9 =	simm.s32 $0x9;
	s31 =	rddreg [dreg:$0x15];
	[sflag:s13] =	ssyncadd.s32 $0xFFFFFC00  }
0x3e5: {  	[hbm4b:s31+s16] =	stream.strided.scatter [tilespmem:s6], [sflag:$0xC], $0x6400, s3, s16, $0x38;
	[tilespmem:$0x1AF40] =	vst v63  }
0x3e6: {  	_ =	swait.ge [sflag:s9], $0x6400  }
0x3e7: {  	[sflag:s9] =	ssyncset.done $0x0  }
0x3e8: {  	[sflag:s9] =	ssyncadd.s32 $0xFFFF9C00  }
0x3e9: {  	_ =	swait.ge [sflag:s11], $0x6400  }
0x3ea: {  	s17 =	sadd.s32 $0xFFFFFFFF, s17;
	[sflag:s11] =	ssyncset.done $0x0  }
0x3eb: {  	p2 =	sne.s32 s17, $0x0;
	[sflag:s11] =	ssyncadd.s32 $0xFFFF9C00  }
.Ltmp2:
0x3ec: {  	_ =	swait.ge [sflag:s14], $0x6400;
	(pc) =	sbr.rel @p2 .LBB2_3-.Ltmp2, $4  }
0x3ed: {  	[sflag:s14] =	ssyncset.done $0x0  }
0x3ee: {  	[sflag:s14] =	ssyncadd.s32 $0xFFFF9C00  }
0x3ef: {  	_ =	swait.ge [sflag:s12], $0x6400  }
0x3f0: {  	s21 =	rddreg [dreg:$0x16];
	[sflag:s12] =	ssyncset.done $0x0  }
0x3f1: {  	s15 =	simm.s32 $0x1A500;
	s25 =	simm.s32 $0x10100;
	s29 =	simm.s32 $0x12100  }
0x3f2: {  	s0 =	simm.s32 $0x14100;
	s31 =	simm.s32 $0x9D00;
	s4 =	simm.s32 $0xBD00  }
0x3f3: {  	s9 =	simm.s32 $0x7D00;
	s10 =	simm.s32 $0xA;
	s11 =	simm.s32 $0xC  }
0x3f4: {  	s12 =	simm.s32 $0xB;
	s14 =	simm.s32 $0x1900;
	s18 =	simm.s32 $0x4  }
0x3f5: {  	s22 =	simm.s32 $0x3;
	s28 =	simm.s32 $0x2;
	s30 =	simm.s32 $0x1  }
.LBB2_5:
0x3f6: {  	s17 =	rddreg [dreg:$0x4];
	[sflag:s11] =	ssyncadd.s32 @p1 $0xFFFF9C00;
	s23 =	simm.s32 @!p0 $0x1C0D  }
0x3f7: {  	[spmem:s21], [sflag:s23] =	dma.local @!p0 [hbm:s17], $0xC80  }
0x3f8: {  	s17 =	simm.s32 @!p0 $0xD  }
0x3f9: {  	_ =	swait.ge @!p0 [sflag:s17], $0xC80  }
0x3fa: {  	s1 =	simm.s32 $0x0;
	[sflag:s17] =	ssyncset.done @!p0 $0x0  }
0x3fb: {  	s8 =	simm.s32 $0xD;
	s23 =	rddreg [dreg:$0x5];
	[sflag:s17] =	ssyncadd.s32 @!p0 $0xFFFFF380  }
0x3fc: {  	[tilespmem:s1], [sflag:$0xD] =	stream.linear.gather [hbm4b:s23+s1], $0x1900, $0x38;
	[tilespmem:$0x1AF40] =	vst v63  }
0x3fd: {  	_ =	swait.ge [sflag:s8], $0x1900  }
0x3fe: {  	[sflag:s8] =	ssyncset.done $0x0  }
0x3ff: {  	[sflag:s8] =	ssyncadd.s32 $0xFFFFE700  }
0x400: {  	[bflag:$0x0] =	sbarrier.arrive $0xFFFF  }
0x401: {  	[tilespmem:s14], [sflag:$0x1] =	stream.linear.gather [spmem:s24], $0x6400, $0x38;
	[tilespmem:$0x1AF40] =	vst v63  }
0x402: {  	_ = 	snop  }
0x403: {  	[tilespmem:s9], [sflag:$0x2] =	stream.linear.gather [spmem:s24], $0x6400, $0x38;
	[tilespmem:$0x1AF40] =	vst v63  }
0x404: {  	_ = 	snop  }
0x405: {  	[tilespmem:s5], [sflag:$0x3] =	stream.linear.gather [spmem:s24], $0x6400, $0x38;
	[tilespmem:$0x1AF40] =	vst v63  }
0x406: {  	_ =	swait.ge [sflag:s30], $0x6400  }
0x407: {  	[sflag:s30] =	ssyncset.done $0x0  }
0x408: {  	[sflag:s30] =	ssyncadd.s32 $0xFFFF9C00  }
0x409: {  	[tilespmem:s14], [sflag:$0x5] =	stream.indirect.gather.add.f32 [hbm:s2], $0x40, s1, s3, $0xb8;
	[tilespmem:$0x1AF40] =	vst v63  }
0x40a: {  	s8 =	simm.s32 $0x3900  }
0x40b: {  	[tilespmem:s8], [sflag:$0x5] =	stream.indirect.gather.add.f32 [hbm:s2], $0x40, s3, s3, $0xb8;
	[tilespmem:$0x1AF40] =	vst v63  }
0x40c: {  	s21 =	rddreg [dreg:$0x17];
	s1 =	simm.s32 $0x5900  }
0x40d: {  	[tilespmem:s1], [sflag:$0x5] =	stream.indirect.gather.add.f32 [hbm:s2], $0x40, s21, s3, $0xb8;
	[tilespmem:$0x1AF40] =	vst v63  }
0x40e: {  	s17 =	simm.s32 $0x7900;
	s23 =	rddreg [dreg:$0x18]  }
0x40f: {  	[tilespmem:s17], [sflag:$0x5] =	stream.indirect.gather.add.f32 [hbm:s2], $0x40, s23, s7, $0xb8;
	[tilespmem:$0x1AF40] =	vst v63  }
0x410: {  	_ =	swait.ge [sflag:s26], $0x2000  }
0x411: {  	[sflag:s26] =	ssyncset.done $0x0  }
0x412: {  	[sflag:s26] =	ssyncadd.s32 $0xFFFFE000  }
0x413: {  	_ =	swait.ge [sflag:s26], $0x2000  }
0x414: {  	[sflag:s26] =	ssyncset.done $0x0  }
0x415: {  	[sflag:s26] =	ssyncadd.s32 $0xFFFFE000  }
0x416: {  	_ =	swait.ge [sflag:s26], $0x2000  }
0x417: {  	[sflag:s26] =	ssyncset.done $0x0  }
0x418: {  	[sflag:s26] =	ssyncadd.s32 $0xFFFFE000  }
0x419: {  	_ =	swait.ge [sflag:s26], $0x400  }
0x41a: {  	[sflag:s26] =	ssyncset.done $0x0  }
0x41b: {  	s21 =	rddreg [dreg:$0x6];
	[sflag:s26] =	ssyncadd.s32 $0xFFFFFC00  }
0x41c: {  	[hbm4b:s21+s16] =	stream.strided.scatter [tilespmem:s14], [sflag:$0x9], $0x6400, s3, s16, $0x38;
	[tilespmem:$0x1AF40] =	vst v63  }
0x41d: {  	_ = 	snop  }
0x41e: {  	[tilespmem:s6], [sflag:$0x4] =	stream.linear.gather [spmem:s24], $0x6400, $0x38;
	[tilespmem:$0x1AF40] =	vst v63  }
0x41f: {  	_ =	swait.ge [sflag:s28], $0x6400  }
0x420: {  	[sflag:s28] =	ssyncset.done $0x0  }
0x421: {  	s23 =	rddreg [dreg:$0x19];
	[sflag:s28] =	ssyncadd.s32 $0xFFFF9C00  }
0x422: {  	[tilespmem:s9], [sflag:$0x6] =	stream.indirect.gather.add.f32 [hbm:s2], $0x40, s23, s3, $0xb8;
	[tilespmem:$0x1AF40] =	vst v63  }
0x423: {  	s1 =	rddreg [dreg:$0x1a]  }
0x424: {  	[tilespmem:s31], [sflag:$0x6] =	stream.indirect.gather.add.f32 [hbm:s2], $0x40, s1, s3, $0xb8;
	[tilespmem:$0x1AF40] =	vst v63  }
0x425: {  	s8 =	rddreg [dreg:$0x1b]  }
0x426: {  	[tilespmem:s4], [sflag:$0x6] =	stream.indirect.gather.add.f32 [hbm:s2], $0x40, s8, s3, $0xb8;
	[tilespmem:$0x1AF40] =	vst v63  }
0x427: {  	s23 =	rddreg [dreg:$0x1c];
	s1 =	simm.s32 $0xDD00  }
0x428: {  	[tilespmem:s1], [sflag:$0x6] =	stream.indirect.gather.add.f32 [hbm:s2], $0x40, s23, s7, $0xb8;
	[tilespmem:$0x1AF40] =	vst v63  }
0x429: {  	_ =	swait.ge [sflag:s20], $0x2000  }
0x42a: {  	[sflag:s20] =	ssyncset.done $0x0  }
0x42b: {  	[sflag:s20] =	ssyncadd.s32 $0xFFFFE000  }
0x42c: {  	_ =	swait.ge [sflag:s20], $0x2000  }
0x42d: {  	[sflag:s20] =	ssyncset.done $0x0  }
0x42e: {  	[sflag:s20] =	ssyncadd.s32 $0xFFFFE000  }
0x42f: {  	_ =	swait.ge [sflag:s20], $0x2000  }
0x430: {  	[sflag:s20] =	ssyncset.done $0x0  }
0x431: {  	[sflag:s20] =	ssyncadd.s32 $0xFFFFE000  }
0x432: {  	_ =	swait.ge [sflag:s20], $0x400  }
0x433: {  	[sflag:s20] =	ssyncset.done $0x0  }
0x434: {  	s8 =	rddreg [dreg:$0x7];
	[sflag:s20] =	ssyncadd.s32 $0xFFFFFC00  }
0x435: {  	[hbm4b:s8+s16] =	stream.strided.scatter [tilespmem:s9], [sflag:$0xA], $0x6400, s3, s16, $0x38;
	[tilespmem:$0x1AF40] =	vst v63  }
0x436: {  	s8 =	simm.s32 $0x9  }
0x437: {  	_ =	swait.ge [sflag:s8], $0x6400  }
0x438: {  	[sflag:s8] =	ssyncset.done $0x0  }
0x439: {  	[sflag:s8] =	ssyncadd.s32 $0xFFFF9C00  }
0x43a: {  	[tilespmem:s14], [sflag:$0x1] =	stream.linear.gather [spmem:s24], $0x6400, $0x38;
	[tilespmem:$0x1AF40] =	vst v63  }
0x43b: {  	_ =	swait.ge [sflag:s22], $0x6400  }
0x43c: {  	s21 =	rddreg [dreg:$0x1d];
	[sflag:s22] =	ssyncset.done $0x0  }
0x43d: {  	s23 =	rddreg [dreg:$0x1e];
	[sflag:s22] =	ssyncadd.s32 $0xFFFF9C00  }
0x43e: {  	[tilespmem:s5], [sflag:$0x7] =	stream.indirect.gather.add.f32 [hbm:s2], $0x40, s21, s3, $0xb8;
	[tilespmem:$0x1AF40] =	vst v63  }
0x43f: {  	s1 =	rddreg [dreg:$0x1f]  }
0x440: {  	[tilespmem:s25], [sflag:$0x7] =	stream.indirect.gather.add.f32 [hbm:s2], $0x40, s23, s3, $0xb8;
	[tilespmem:$0x1AF40] =	vst v63  }
0x441: {  	s23 =	sld [smem:$0x7C9]  }
0x442: {  	[tilespmem:s29], [sflag:$0x7] =	stream.indirect.gather.add.f32 [hbm:s2], $0x40, s1, s3, $0xb8;
	[tilespmem:$0x1AF40] =	vst v63  }
0x443: {  	_ = 	snop  }
0x444: {  	[tilespmem:s0], [sflag:$0x7] =	stream.indirect.gather.add.f32 [hbm:s2], $0x40, s23, s7, $0xb8;
	[tilespmem:$0x1AF40] =	vst v63  }
0x445: {  	_ =	swait.ge [sflag:s19], $0x2000  }
0x446: {  	[sflag:s19] =	ssyncset.done $0x0  }
0x447: {  	[sflag:s19] =	ssyncadd.s32 $0xFFFFE000  }
0x448: {  	_ =	swait.ge [sflag:s19], $0x2000  }
0x449: {  	[sflag:s19] =	ssyncset.done $0x0  }
0x44a: {  	[sflag:s19] =	ssyncadd.s32 $0xFFFFE000  }
0x44b: {  	_ =	swait.ge [sflag:s19], $0x2000  }
0x44c: {  	[sflag:s19] =	ssyncset.done $0x0  }
0x44d: {  	[sflag:s19] =	ssyncadd.s32 $0xFFFFE000  }
0x44e: {  	_ =	swait.ge [sflag:s19], $0x400  }
0x44f: {  	[sflag:s19] =	ssyncset.done $0x0  }
0x450: {  	s1 =	rddreg [dreg:$0x8];
	[sflag:s19] =	ssyncadd.s32 $0xFFFFFC00  }
0x451: {  	[hbm4b:s1+s16] =	stream.strided.scatter [tilespmem:s5], [sflag:$0xB], $0x6400, s3, s16, $0x38;
	[tilespmem:$0x1AF40] =	vst v63  }
0x452: {  	_ =	swait.ge [sflag:s10], $0x6400  }
0x453: {  	[sflag:s10] =	ssyncset.done $0x0  }
0x454: {  	[sflag:s10] =	ssyncadd.s32 $0xFFFF9C00  }
0x455: {  	[tilespmem:s9], [sflag:$0x2] =	stream.linear.gather [spmem:s24], $0x6400, $0x38;
	[tilespmem:$0x1AF40] =	vst v63  }
0x456: {  	_ =	swait.ge [sflag:s18], $0x6400  }
0x457: {  	s21 =	sld [smem:$0x7CA]  }
0x458: {  	[sflag:s18] =	ssyncset.done $0x0  }
0x459: {  	s23 =	sld [smem:$0x7CB];
	[sflag:s18] =	ssyncadd.s32 $0xFFFF9C00  }
0x45a: {  	[tilespmem:s6], [sflag:$0x8] =	stream.indirect.gather.add.f32 [hbm:s2], $0x40, s21, s3, $0xb8;
	[tilespmem:$0x1AF40] =	vst v63  }
0x45b: {  	s1 =	simm.s32 $0x16500;
	s17 =	sld [smem:$0x7CC]  }
0x45c: {  	[tilespmem:s1], [sflag:$0x8] =	stream.indirect.gather.add.f32 [hbm:s2], $0x40, s23, s3, $0xb8;
	[tilespmem:$0x1AF40] =	vst v63  }
0x45d: {  	s21 =	sld [smem:$0x7CD];
	s23 =	simm.s32 $0x18500  }
0x45e: {  	[tilespmem:s23], [sflag:$0x8] =	stream.indirect.gather.add.f32 [hbm:s2], $0x40, s17, s3, $0xb8;
	[tilespmem:$0x1AF40] =	vst v63  }
0x45f: {  	_ = 	snop  }
0x460: {  	[tilespmem:s15], [sflag:$0x8] =	stream.indirect.gather.add.f32 [hbm:s2], $0x40, s21, s7, $0xb8;
	[tilespmem:$0x1AF40] =	vst v63  }
0x461: {  	_ =	swait.ge [sflag:s13], $0x2000  }
0x462: {  	[sflag:s13] =	ssyncset.done $0x0  }
0x463: {  	[sflag:s13] =	ssyncadd.s32 $0xFFFFE000  }
0x464: {  	_ =	swait.ge [sflag:s13], $0x2000  }
0x465: {  	[sflag:s13] =	ssyncset.done $0x0  }
0x466: {  	[sflag:s13] =	ssyncadd.s32 $0xFFFFE000  }
0x467: {  	_ =	swait.ge [sflag:s13], $0x2000  }
0x468: {  	[sflag:s13] =	ssyncset.done $0x0  }
0x469: {  	[sflag:s13] =	ssyncadd.s32 $0xFFFFE000  }
0x46a: {  	_ =	swait.ge [sflag:s13], $0x400  }
0x46b: {  	[sflag:s13] =	ssyncset.done $0x0  }
0x46c: {  	s21 =	rddreg [dreg:$0x9];
	[sflag:s13] =	ssyncadd.s32 $0xFFFFFC00  }
0x46d: {  	[hbm4b:s21+s16] =	stream.strided.scatter [tilespmem:s6], [sflag:$0xC], $0x6400, s3, s16, $0x38;
	[tilespmem:$0x1AF40] =	vst v63  }
0x46e: {  	_ =	swait.ge [sflag:s12], $0x6400  }
0x46f: {  	[sflag:s12] =	ssyncset.done $0x0  }
0x470: {  	[sflag:s12] =	ssyncadd.s32 $0xFFFF9C00  }
0x471: {  	[tilespmem:s5], [sflag:$0x3] =	stream.linear.gather [spmem:s24], $0x6400, $0x38;
	[tilespmem:$0x1AF40] =	vst v63  }
0x472: {  	_ =	swait.ge [sflag:s30], $0x6400  }
0x473: {  	s23 =	sld [smem:$0x7CE]  }
0x474: {  	[sflag:s30] =	ssyncset.done $0x0  }
0x475: {  	s21 =	sld [smem:$0x7CF];
	[sflag:s30] =	ssyncadd.s32 $0xFFFF9C00  }
0x476: {  	[tilespmem:s14], [sflag:$0x5] =	stream.indirect.gather.add.f32 [hbm:s2], $0x40, s23, s3, $0xb8;
	[tilespmem:$0x1AF40] =	vst v63  }
0x477: {  	s17 =	sld [smem:$0x7D0];
	s23 =	simm.s32 $0x3900  }
0x478: {  	[tilespmem:s23], [sflag:$0x5] =	stream.indirect.gather.add.f32 [hbm:s2], $0x40, s21, s3, $0xb8;
	[tilespmem:$0x1AF40] =	vst v63  }
0x479: {  	s21 =	sld [smem:$0x7D1];
	s23 =	simm.s32 $0x5900  }
0x47a: {  	[tilespmem:s23], [sflag:$0x5] =	stream.indirect.gather.add.f32 [hbm:s2], $0x40, s17, s3, $0xb8;
	[tilespmem:$0x1AF40] =	vst v63  }
0x47b: {  	s23 =	simm.s32 $0x7900  }
0x47c: {  	[tilespmem:s23], [sflag:$0x5] =	stream.indirect.gather.add.f32 [hbm:s2], $0x40, s21, s7, $0xb8;
	[tilespmem:$0x1AF40] =	vst v63  }
0x47d: {  	_ =	swait.ge [sflag:s26], $0x2000  }
0x47e: {  	[sflag:s26] =	ssyncset.done $0x0  }
0x47f: {  	[sflag:s26] =	ssyncadd.s32 $0xFFFFE000  }
0x480: {  	_ =	swait.ge [sflag:s26], $0x2000  }
0x481: {  	[sflag:s26] =	ssyncset.done $0x0  }
0x482: {  	[sflag:s26] =	ssyncadd.s32 $0xFFFFE000  }
0x483: {  	_ =	swait.ge [sflag:s26], $0x2000  }
0x484: {  	[sflag:s26] =	ssyncset.done $0x0  }
0x485: {  	[sflag:s26] =	ssyncadd.s32 $0xFFFFE000  }
0x486: {  	_ =	swait.ge [sflag:s26], $0x400  }
0x487: {  	[sflag:s26] =	ssyncset.done $0x0  }
0x488: {  	s21 =	rddreg [dreg:$0xa];
	[sflag:s26] =	ssyncadd.s32 $0xFFFFFC00  }
0x489: {  	[hbm4b:s21+s16] =	stream.strided.scatter [tilespmem:s14], [sflag:$0x9], $0x6400, s3, s16, $0x38;
	[tilespmem:$0x1AF40] =	vst v63  }
0x48a: {  	_ =	swait.ge [sflag:s11], $0x6400  }
0x48b: {  	[sflag:s11] =	ssyncset.done $0x0  }
0x48c: {  	[sflag:s11] =	ssyncadd.s32 $0xFFFF9C00  }
0x48d: {  	[tilespmem:s6], [sflag:$0x4] =	stream.linear.gather [spmem:s24], $0x6400, $0x38;
	[tilespmem:$0x1AF40] =	vst v63  }
0x48e: {  	_ =	swait.ge [sflag:s28], $0x6400  }
0x48f: {  	s23 =	sld [smem:$0x7D2]  }
0x490: {  	[sflag:s28] =	ssyncset.done $0x0  }
0x491: {  	s21 =	sld [smem:$0x7D3];
	[sflag:s28] =	ssyncadd.s32 $0xFFFF9C00  }
0x492: {  	[tilespmem:s9], [sflag:$0x6] =	stream.indirect.gather.add.f32 [hbm:s2], $0x40, s23, s3, $0xb8;
	[tilespmem:$0x1AF40] =	vst v63  }
0x493: {  	s23 =	sld [smem:$0x7D4]  }
0x494: {  	[tilespmem:s31], [sflag:$0x6] =	stream.indirect.gather.add.f32 [hbm:s2], $0x40, s21, s3, $0xb8;
	[tilespmem:$0x1AF40] =	vst v63  }
0x495: {  	s21 =	sld [smem:$0x7D5]  }
0x496: {  	[tilespmem:s4], [sflag:$0x6] =	stream.indirect.gather.add.f32 [hbm:s2], $0x40, s23, s3, $0xb8;
	[tilespmem:$0x1AF40] =	vst v63  }
0x497: {  	s23 =	simm.s32 $0xDD00  }
0x498: {  	[tilespmem:s23], [sflag:$0x6] =	stream.indirect.gather.add.f32 [hbm:s2], $0x40, s21, s7, $0xb8;
	[tilespmem:$0x1AF40] =	vst v63  }
0x499: {  	_ =	swait.ge [sflag:s20], $0x2000  }
0x49a: {  	[sflag:s20] =	ssyncset.done $0x0  }
0x49b: {  	[sflag:s20] =	ssyncadd.s32 $0xFFFFE000  }
0x49c: {  	_ =	swait.ge [sflag:s20], $0x2000  }
0x49d: {  	[sflag:s20] =	ssyncset.done $0x0  }
0x49e: {  	[sflag:s20] =	ssyncadd.s32 $0xFFFFE000  }
0x49f: {  	_ =	swait.ge [sflag:s20], $0x2000  }
0x4a0: {  	[sflag:s20] =	ssyncset.done $0x0  }
0x4a1: {  	[sflag:s20] =	ssyncadd.s32 $0xFFFFE000  }
0x4a2: {  	_ =	swait.ge [sflag:s20], $0x400  }
0x4a3: {  	[sflag:s20] =	ssyncset.done $0x0  }
0x4a4: {  	s23 =	rddreg [dreg:$0xb];
	[sflag:s20] =	ssyncadd.s32 $0xFFFFFC00  }
0x4a5: {  	[hbm4b:s23+s16] =	stream.strided.scatter [tilespmem:s9], [sflag:$0xA], $0x6400, s3, s16, $0x38;
	[tilespmem:$0x1AF40] =	vst v63  }
0x4a6: {  	_ =	swait.ge [sflag:s8], $0x6400  }
0x4a7: {  	[sflag:s8] =	ssyncset.done $0x0  }
0x4a8: {  	[sflag:s8] =	ssyncadd.s32 $0xFFFF9C00  }
0x4a9: {  	[tilespmem:s14], [sflag:$0x1] =	stream.linear.gather [spmem:s24], $0x6400, $0x38;
	[tilespmem:$0x1AF40] =	vst v63  }
0x4aa: {  	_ =	swait.ge [sflag:s22], $0x6400  }
0x4ab: {  	s21 =	sld [smem:$0x7D6]  }
0x4ac: {  	[sflag:s22] =	ssyncset.done $0x0  }
0x4ad: {  	s23 =	sld [smem:$0x7D7];
	[sflag:s22] =	ssyncadd.s32 $0xFFFF9C00  }
0x4ae: {  	[tilespmem:s5], [sflag:$0x7] =	stream.indirect.gather.add.f32 [hbm:s2], $0x40, s21, s3, $0xb8;
	[tilespmem:$0x1AF40] =	vst v63  }
0x4af: {  	s17 =	sld [smem:$0x7D8]  }
0x4b0: {  	[tilespmem:s25], [sflag:$0x7] =	stream.indirect.gather.add.f32 [hbm:s2], $0x40, s23, s3, $0xb8;
	[tilespmem:$0x1AF40] =	vst v63  }
0x4b1: {  	s23 =	sld [smem:$0x7D9]  }
0x4b2: {  	[tilespmem:s29], [sflag:$0x7] =	stream.indirect.gather.add.f32 [hbm:s2], $0x40, s17, s3, $0xb8;
	[tilespmem:$0x1AF40] =	vst v63  }
0x4b3: {  	_ = 	snop  }
0x4b4: {  	[tilespmem:s0], [sflag:$0x7] =	stream.indirect.gather.add.f32 [hbm:s2], $0x40, s23, s7, $0xb8;
	[tilespmem:$0x1AF40] =	vst v63  }
0x4b5: {  	_ =	swait.ge [sflag:s19], $0x2000  }
0x4b6: {  	[sflag:s19] =	ssyncset.done $0x0  }
0x4b7: {  	[sflag:s19] =	ssyncadd.s32 $0xFFFFE000  }
0x4b8: {  	_ =	swait.ge [sflag:s19], $0x2000  }
0x4b9: {  	[sflag:s19] =	ssyncset.done $0x0  }
0x4ba: {  	[sflag:s19] =	ssyncadd.s32 $0xFFFFE000  }
0x4bb: {  	_ =	swait.ge [sflag:s19], $0x2000  }
0x4bc: {  	[sflag:s19] =	ssyncset.done $0x0  }
0x4bd: {  	[sflag:s19] =	ssyncadd.s32 $0xFFFFE000  }
0x4be: {  	_ =	swait.ge [sflag:s19], $0x400  }
0x4bf: {  	[sflag:s19] =	ssyncset.done $0x0  }
0x4c0: {  	s23 =	rddreg [dreg:$0xc];
	[sflag:s19] =	ssyncadd.s32 $0xFFFFFC00  }
0x4c1: {  	[hbm4b:s23+s16] =	stream.strided.scatter [tilespmem:s5], [sflag:$0xB], $0x6400, s3, s16, $0x38;
	[tilespmem:$0x1AF40] =	vst v63  }
0x4c2: {  	_ =	swait.ge [sflag:s10], $0x6400  }
0x4c3: {  	[sflag:s10] =	ssyncset.done $0x0  }
0x4c4: {  	[sflag:s10] =	ssyncadd.s32 $0xFFFF9C00  }
0x4c5: {  	[tilespmem:s9], [sflag:$0x2] =	stream.linear.gather [spmem:s24], $0x6400, $0x38;
	[tilespmem:$0x1AF40] =	vst v63  }
0x4c6: {  	_ =	swait.ge [sflag:s18], $0x6400  }
0x4c7: {  	s21 =	sld [smem:$0x7DA]  }
0x4c8: {  	[sflag:s18] =	ssyncset.done $0x0  }
0x4c9: {  	s23 =	sld [smem:$0x7DB];
	[sflag:s18] =	ssyncadd.s32 $0xFFFF9C00  }
0x4ca: {  	[tilespmem:s6], [sflag:$0x8] =	stream.indirect.gather.add.f32 [hbm:s2], $0x40, s21, s3, $0xb8;
	[tilespmem:$0x1AF40] =	vst v63  }
0x4cb: {  	s17 =	sld [smem:$0x7DC]  }
0x4cc: {  	[tilespmem:s1], [sflag:$0x8] =	stream.indirect.gather.add.f32 [hbm:s2], $0x40, s23, s3, $0xb8;
	[tilespmem:$0x1AF40] =	vst v63  }
0x4cd: {  	s21 =	sld [smem:$0x7DD];
	s23 =	simm.s32 $0x18500  }
0x4ce: {  	[tilespmem:s23], [sflag:$0x8] =	stream.indirect.gather.add.f32 [hbm:s2], $0x40, s17, s3, $0xb8;
	[tilespmem:$0x1AF40] =	vst v63  }
0x4cf: {  	_ = 	snop  }
0x4d0: {  	[tilespmem:s15], [sflag:$0x8] =	stream.indirect.gather.add.f32 [hbm:s2], $0x40, s21, s7, $0xb8;
	[tilespmem:$0x1AF40] =	vst v63  }
0x4d1: {  	_ =	swait.ge [sflag:s13], $0x2000  }
0x4d2: {  	[sflag:s13] =	ssyncset.done $0x0  }
0x4d3: {  	[sflag:s13] =	ssyncadd.s32 $0xFFFFE000  }
0x4d4: {  	_ =	swait.ge [sflag:s13], $0x2000  }
0x4d5: {  	[sflag:s13] =	ssyncset.done $0x0  }
0x4d6: {  	[sflag:s13] =	ssyncadd.s32 $0xFFFFE000  }
0x4d7: {  	_ =	swait.ge [sflag:s13], $0x2000  }
0x4d8: {  	[sflag:s13] =	ssyncset.done $0x0  }
0x4d9: {  	[sflag:s13] =	ssyncadd.s32 $0xFFFFE000  }
0x4da: {  	_ =	swait.ge [sflag:s13], $0x400  }
0x4db: {  	[sflag:s13] =	ssyncset.done $0x0  }
0x4dc: {  	s21 =	rddreg [dreg:$0xd];
	[sflag:s13] =	ssyncadd.s32 $0xFFFFFC00  }
0x4dd: {  	[hbm4b:s21+s16] =	stream.strided.scatter [tilespmem:s6], [sflag:$0xC], $0x6400, s3, s16, $0x38;
	[tilespmem:$0x1AF40] =	vst v63  }
0x4de: {  	_ =	swait.ge [sflag:s12], $0x6400  }
0x4df: {  	[sflag:s12] =	ssyncset.done $0x0  }
0x4e0: {  	[sflag:s12] =	ssyncadd.s32 $0xFFFF9C00  }
0x4e1: {  	[tilespmem:s5], [sflag:$0x3] =	stream.linear.gather [spmem:s24], $0x6400, $0x38;
	[tilespmem:$0x1AF40] =	vst v63  }
0x4e2: {  	_ =	swait.ge [sflag:s30], $0x6400  }
0x4e3: {  	s23 =	sld [smem:$0x7DE]  }
0x4e4: {  	[sflag:s30] =	ssyncset.done $0x0  }
0x4e5: {  	s21 =	sld [smem:$0x7DF];
	[sflag:s30] =	ssyncadd.s32 $0xFFFF9C00  }
0x4e6: {  	[tilespmem:s14], [sflag:$0x5] =	stream.indirect.gather.add.f32 [hbm:s2], $0x40, s23, s3, $0xb8;
	[tilespmem:$0x1AF40] =	vst v63  }
0x4e7: {  	s17 =	sld [smem:$0x7E0];
	s23 =	simm.s32 $0x3900  }
0x4e8: {  	[tilespmem:s23], [sflag:$0x5] =	stream.indirect.gather.add.f32 [hbm:s2], $0x40, s21, s3, $0xb8;
	[tilespmem:$0x1AF40] =	vst v63  }
0x4e9: {  	s21 =	sld [smem:$0x7E1];
	s23 =	simm.s32 $0x5900  }
0x4ea: {  	[tilespmem:s23], [sflag:$0x5] =	stream.indirect.gather.add.f32 [hbm:s2], $0x40, s17, s3, $0xb8;
	[tilespmem:$0x1AF40] =	vst v63  }
0x4eb: {  	s23 =	simm.s32 $0x7900  }
0x4ec: {  	[tilespmem:s23], [sflag:$0x5] =	stream.indirect.gather.add.f32 [hbm:s2], $0x40, s21, s7, $0xb8;
	[tilespmem:$0x1AF40] =	vst v63  }
0x4ed: {  	_ =	swait.ge [sflag:s26], $0x2000  }
0x4ee: {  	[sflag:s26] =	ssyncset.done $0x0  }
0x4ef: {  	[sflag:s26] =	ssyncadd.s32 $0xFFFFE000  }
0x4f0: {  	_ =	swait.ge [sflag:s26], $0x2000  }
0x4f1: {  	[sflag:s26] =	ssyncset.done $0x0  }
0x4f2: {  	[sflag:s26] =	ssyncadd.s32 $0xFFFFE000  }
0x4f3: {  	_ =	swait.ge [sflag:s26], $0x2000  }
0x4f4: {  	[sflag:s26] =	ssyncset.done $0x0  }
0x4f5: {  	[sflag:s26] =	ssyncadd.s32 $0xFFFFE000  }
0x4f6: {  	_ =	swait.ge [sflag:s26], $0x400  }
0x4f7: {  	[sflag:s26] =	ssyncset.done $0x0  }
0x4f8: {  	s21 =	rddreg [dreg:$0xe];
	[sflag:s26] =	ssyncadd.s32 $0xFFFFFC00  }
0x4f9: {  	[hbm4b:s21+s16] =	stream.strided.scatter [tilespmem:s14], [sflag:$0x9], $0x6400, s3, s16, $0x38;
	[tilespmem:$0x1AF40] =	vst v63  }
0x4fa: {  	_ =	swait.ge [sflag:s11], $0x6400  }
0x4fb: {  	[sflag:s11] =	ssyncset.done $0x0  }
0x4fc: {  	[sflag:s11] =	ssyncadd.s32 $0xFFFF9C00  }
0x4fd: {  	[tilespmem:s6], [sflag:$0x4] =	stream.linear.gather [spmem:s24], $0x6400, $0x38;
	[tilespmem:$0x1AF40] =	vst v63  }
0x4fe: {  	_ =	swait.ge [sflag:s28], $0x6400  }
0x4ff: {  	s17 =	sld [smem:$0x7E2]  }
0x500: {  	[sflag:s28] =	ssyncset.done $0x0  }
0x501: {  	s21 =	sld [smem:$0x7E3];
	[sflag:s28] =	ssyncadd.s32 $0xFFFF9C00  }
0x502: {  	[tilespmem:s9], [sflag:$0x6] =	stream.indirect.gather.add.f32 [hbm:s2], $0x40, s17, s3, $0xb8;
	[tilespmem:$0x1AF40] =	vst v63  }
0x503: {  	s17 =	sld [smem:$0x7E4]  }
0x504: {  	[tilespmem:s31], [sflag:$0x6] =	stream.indirect.gather.add.f32 [hbm:s2], $0x40, s21, s3, $0xb8;
	[tilespmem:$0x1AF40] =	vst v63  }
0x505: {  	s21 =	sld [smem:$0x7E5]  }
0x506: {  	[tilespmem:s4], [sflag:$0x6] =	stream.indirect.gather.add.f32 [hbm:s2], $0x40, s17, s3, $0xb8;
	[tilespmem:$0x1AF40] =	vst v63  }
0x507: {  	s31 =	simm.s32 $0xDD00  }
0x508: {  	[tilespmem:s31], [sflag:$0x6] =	stream.indirect.gather.add.f32 [hbm:s2], $0x40, s21, s7, $0xb8;
	[tilespmem:$0x1AF40] =	vst v63  }
0x509: {  	_ =	swait.ge [sflag:s20], $0x2000  }
0x50a: {  	[sflag:s20] =	ssyncset.done $0x0  }
0x50b: {  	[sflag:s20] =	ssyncadd.s32 $0xFFFFE000  }
0x50c: {  	_ =	swait.ge [sflag:s20], $0x2000  }
0x50d: {  	[sflag:s20] =	ssyncset.done $0x0  }
0x50e: {  	[sflag:s20] =	ssyncadd.s32 $0xFFFFE000  }
0x50f: {  	_ =	swait.ge [sflag:s20], $0x2000  }
0x510: {  	[sflag:s20] =	ssyncset.done $0x0  }
0x511: {  	[sflag:s20] =	ssyncadd.s32 $0xFFFFE000  }
0x512: {  	_ =	swait.ge [sflag:s20], $0x400  }
0x513: {  	[sflag:s20] =	ssyncset.done $0x0  }
0x514: {  	s4 =	rddreg [dreg:$0xf];
	[sflag:s20] =	ssyncadd.s32 $0xFFFFFC00  }
0x515: {  	[hbm4b:s4+s16] =	stream.strided.scatter [tilespmem:s9], [sflag:$0xA], $0x6400, s3, s16, $0x38;
	[tilespmem:$0x1AF40] =	vst v63  }
0x516: {  	_ =	swait.ge [sflag:s8], $0x6400  }
0x517: {  	[sflag:s8] =	ssyncset.done $0x0  }
0x518: {  	[sflag:s8] =	ssyncadd.s32 $0xFFFF9C00  }
0x519: {  	[tilespmem:s14], [sflag:$0x1] =	stream.linear.gather [spmem:s24], $0x6400, $0x38;
	[tilespmem:$0x1AF40] =	vst v63  }
0x51a: {  	_ =	swait.ge [sflag:s22], $0x6400  }
0x51b: {  	s21 =	sld [smem:$0x7E6]  }
0x51c: {  	[sflag:s22] =	ssyncset.done $0x0  }
0x51d: {  	s4 =	sld [smem:$0x7E7];
	[sflag:s22] =	ssyncadd.s32 $0xFFFF9C00  }
0x51e: {  	[tilespmem:s5], [sflag:$0x7] =	stream.indirect.gather.add.f32 [hbm:s2], $0x40, s21, s3, $0xb8;
	[tilespmem:$0x1AF40] =	vst v63  }
0x51f: {  	s17 =	sld [smem:$0x7E8]  }
0x520: {  	[tilespmem:s25], [sflag:$0x7] =	stream.indirect.gather.add.f32 [hbm:s2], $0x40, s4, s3, $0xb8;
	[tilespmem:$0x1AF40] =	vst v63  }
0x521: {  	s4 =	sld [smem:$0x7E9]  }
0x522: {  	[tilespmem:s29], [sflag:$0x7] =	stream.indirect.gather.add.f32 [hbm:s2], $0x40, s17, s3, $0xb8;
	[tilespmem:$0x1AF40] =	vst v63  }
0x523: {  	_ = 	snop  }
0x524: {  	[tilespmem:s0], [sflag:$0x7] =	stream.indirect.gather.add.f32 [hbm:s2], $0x40, s4, s7, $0xb8;
	[tilespmem:$0x1AF40] =	vst v63  }
0x525: {  	_ =	swait.ge [sflag:s19], $0x2000  }
0x526: {  	[sflag:s19] =	ssyncset.done $0x0  }
0x527: {  	[sflag:s19] =	ssyncadd.s32 $0xFFFFE000  }
0x528: {  	_ =	swait.ge [sflag:s19], $0x2000  }
0x529: {  	[sflag:s19] =	ssyncset.done $0x0  }
0x52a: {  	[sflag:s19] =	ssyncadd.s32 $0xFFFFE000  }
0x52b: {  	_ =	swait.ge [sflag:s19], $0x2000  }
0x52c: {  	[sflag:s19] =	ssyncset.done $0x0  }
0x52d: {  	[sflag:s19] =	ssyncadd.s32 $0xFFFFE000  }
0x52e: {  	_ =	swait.ge [sflag:s19], $0x400  }
0x52f: {  	[sflag:s19] =	ssyncset.done $0x0  }
0x530: {  	s21 =	rddreg [dreg:$0x10];
	[sflag:s19] =	ssyncadd.s32 $0xFFFFFC00  }
0x531: {  	[hbm4b:s21+s16] =	stream.strided.scatter [tilespmem:s5], [sflag:$0xB], $0x6400, s3, s16, $0x38;
	[tilespmem:$0x1AF40] =	vst v63  }
0x532: {  	_ =	swait.ge [sflag:s10], $0x6400  }
0x533: {  	[sflag:s10] =	ssyncset.done $0x0  }
0x534: {  	[sflag:s10] =	ssyncadd.s32 $0xFFFF9C00  }
0x535: {  	[tilespmem:s9], [sflag:$0x2] =	stream.linear.gather [spmem:s24], $0x6400, $0x38;
	[tilespmem:$0x1AF40] =	vst v63  }
0x536: {  	_ =	swait.ge [sflag:s18], $0x6400  }
0x537: {  	s0 =	sld [smem:$0x7EA]  }
0x538: {  	[sflag:s18] =	ssyncset.done $0x0  }
0x539: {  	s4 =	sld [smem:$0x7EB];
	[sflag:s18] =	ssyncadd.s32 $0xFFFF9C00  }
0x53a: {  	[tilespmem:s6], [sflag:$0x8] =	stream.indirect.gather.add.f32 [hbm:s2], $0x40, s0, s3, $0xb8;
	[tilespmem:$0x1AF40] =	vst v63  }
0x53b: {  	s0 =	sld [smem:$0x7EC]  }
0x53c: {  	[tilespmem:s1], [sflag:$0x8] =	stream.indirect.gather.add.f32 [hbm:s2], $0x40, s4, s3, $0xb8;
	[tilespmem:$0x1AF40] =	vst v63  }
0x53d: {  	s1 =	sld [smem:$0x7ED];
	s4 =	simm.s32 $0x18500  }
0x53e: {  	[tilespmem:s4], [sflag:$0x8] =	stream.indirect.gather.add.f32 [hbm:s2], $0x40, s0, s3, $0xb8;
	[tilespmem:$0x1AF40] =	vst v63  }
0x53f: {  	_ = 	snop  }
0x540: {  	[tilespmem:s15], [sflag:$0x8] =	stream.indirect.gather.add.f32 [hbm:s2], $0x40, s1, s7, $0xb8;
	[tilespmem:$0x1AF40] =	vst v63  }
0x541: {  	_ =	swait.ge [sflag:s13], $0x2000  }
0x542: {  	[sflag:s13] =	ssyncset.done $0x0  }
0x543: {  	[sflag:s13] =	ssyncadd.s32 $0xFFFFE000  }
0x544: {  	_ =	swait.ge [sflag:s13], $0x2000  }
0x545: {  	[sflag:s13] =	ssyncset.done $0x0  }
0x546: {  	[sflag:s13] =	ssyncadd.s32 $0xFFFFE000  }
0x547: {  	_ =	swait.ge [sflag:s13], $0x2000  }
0x548: {  	[sflag:s13] =	ssyncset.done $0x0  }
0x549: {  	[sflag:s13] =	ssyncadd.s32 $0xFFFFE000  }
0x54a: {  	_ =	swait.ge [sflag:s13], $0x400  }
0x54b: {  	[sflag:s13] =	ssyncset.done $0x0  }
0x54c: {  	s21 =	rddreg [dreg:$0x11];
	[sflag:s13] =	ssyncadd.s32 $0xFFFFFC00  }
0x54d: {  	[hbm4b:s21+s16] =	stream.strided.scatter [tilespmem:s6], [sflag:$0xC], $0x6400, s3, s16, $0x38;
	[tilespmem:$0x1AF40] =	vst v63  }
0x54e: {  	_ =	swait.ge [sflag:s12], $0x6400  }
0x54f: {  	[sflag:s12] =	ssyncset.done $0x0  }
0x550: {  	[sflag:s12] =	ssyncadd.s32 $0xFFFF9C00  }
0x551: {  	[tilespmem:s5], [sflag:$0x3] =	stream.linear.gather [spmem:s24], $0x6400, $0x38;
	[tilespmem:$0x1AF40] =	vst v63  }
0x552: {  	_ =	swait.ge [sflag:s30], $0x6400  }
0x553: {  	s0 =	sld [smem:$0x7EE]  }
0x554: {  	[sflag:s30] =	ssyncset.done $0x0  }
0x555: {  	s1 =	sld [smem:$0x7EF];
	[sflag:s30] =	ssyncadd.s32 $0xFFFF9C00  }
0x556: {  	[tilespmem:s14], [sflag:$0x5] =	stream.indirect.gather.add.f32 [hbm:s2], $0x40, s0, s3, $0xb8;
	[tilespmem:$0x1AF40] =	vst v63  }
0x557: {  	s4 =	simm.s32 $0x3900;
	s17 =	sld [smem:$0x7F0]  }
0x558: {  	[tilespmem:s4], [sflag:$0x5] =	stream.indirect.gather.add.f32 [hbm:s2], $0x40, s1, s3, $0xb8;
	[tilespmem:$0x1AF40] =	vst v63  }
0x559: {  	s0 =	sld [smem:$0x7F1];
	s1 =	simm.s32 $0x5900  }
0x55a: {  	[tilespmem:s1], [sflag:$0x5] =	stream.indirect.gather.add.f32 [hbm:s2], $0x40, s17, s3, $0xb8;
	[tilespmem:$0x1AF40] =	vst v63  }
0x55b: {  	_ = 	snop  }
0x55c: {  	[tilespmem:s23], [sflag:$0x5] =	stream.indirect.gather.add.f32 [hbm:s2], $0x40, s0, s7, $0xb8;
	[tilespmem:$0x1AF40] =	vst v63  }
0x55d: {  	_ =	swait.ge [sflag:s26], $0x2000  }
0x55e: {  	[sflag:s26] =	ssyncset.done $0x0  }
0x55f: {  	[sflag:s26] =	ssyncadd.s32 $0xFFFFE000  }
0x560: {  	_ =	swait.ge [sflag:s26], $0x2000  }
0x561: {  	[sflag:s26] =	ssyncset.done $0x0  }
0x562: {  	[sflag:s26] =	ssyncadd.s32 $0xFFFFE000  }
0x563: {  	_ =	swait.ge [sflag:s26], $0x2000  }
0x564: {  	[sflag:s26] =	ssyncset.done $0x0  }
0x565: {  	[sflag:s26] =	ssyncadd.s32 $0xFFFFE000  }
0x566: {  	_ =	swait.ge [sflag:s26], $0x400  }
0x567: {  	[sflag:s26] =	ssyncset.done $0x0  }
0x568: {  	s23 =	rddreg [dreg:$0x12];
	[sflag:s26] =	ssyncadd.s32 $0xFFFFFC00  }
0x569: {  	[hbm4b:s23+s16] =	stream.strided.scatter [tilespmem:s14], [sflag:$0x9], $0x6400, s3, s16, $0x38;
	[tilespmem:$0x1AF40] =	vst v63  }
0x56a: {  	_ =	swait.ge [sflag:s11], $0x6400  }
0x56b: {  	[sflag:s11] =	ssyncset.done $0x0  }
0x56c: {  	[sflag:s11] =	ssyncadd.s32 $0xFFFF9C00  }
0x56d: {  	[tilespmem:s6], [sflag:$0x4] =	stream.linear.gather [spmem:s24], $0x6400, $0x38;
	[tilespmem:$0x1AF40] =	vst v63  }
0x56e: {  	_ =	swait.ge [sflag:s28], $0x6400  }
0x56f: {  	s24 =	sld [smem:$0x7F2]  }
0x570: {  	[sflag:s28] =	ssyncset.done $0x0  }
0x571: {  	s26 =	sld [smem:$0x7F3];
	[sflag:s28] =	ssyncadd.s32 $0xFFFF9C00  }
0x572: {  	[tilespmem:s9], [sflag:$0x6] =	stream.indirect.gather.add.f32 [hbm:s2], $0x40, s24, s3, $0xb8;
	[tilespmem:$0x1AF40] =	vst v63  }
0x573: {  	s4 =	simm.s32 $0x9D00;
	s28 =	sld [smem:$0x7F4]  }
0x574: {  	[tilespmem:s4], [sflag:$0x6] =	stream.indirect.gather.add.f32 [hbm:s2], $0x40, s26, s3, $0xb8;
	[tilespmem:$0x1AF40] =	vst v63  }
0x575: {  	s21 =	simm.s32 $0xBD00;
	s4 =	sld [smem:$0x7F5]  }
0x576: {  	[tilespmem:s21], [sflag:$0x6] =	stream.indirect.gather.add.f32 [hbm:s2], $0x40, s28, s3, $0xb8;
	[tilespmem:$0x1AF40] =	vst v63  }
0x577: {  	_ = 	snop  }
0x578: {  	[tilespmem:s31], [sflag:$0x6] =	stream.indirect.gather.add.f32 [hbm:s2], $0x40, s4, s7, $0xb8;
	[tilespmem:$0x1AF40] =	vst v63  }
0x579: {  	_ =	swait.ge [sflag:s20], $0x2000  }
0x57a: {  	[sflag:s20] =	ssyncset.done $0x0  }
0x57b: {  	[sflag:s20] =	ssyncadd.s32 $0xFFFFE000  }
0x57c: {  	_ =	swait.ge [sflag:s20], $0x2000  }
0x57d: {  	[sflag:s20] =	ssyncset.done $0x0  }
0x57e: {  	[sflag:s20] =	ssyncadd.s32 $0xFFFFE000  }
0x57f: {  	_ =	swait.ge [sflag:s20], $0x2000  }
0x580: {  	[sflag:s20] =	ssyncset.done $0x0  }
0x581: {  	[sflag:s20] =	ssyncadd.s32 $0xFFFFE000  }
0x582: {  	_ =	swait.ge [sflag:s20], $0x400  }
0x583: {  	[sflag:s20] =	ssyncset.done $0x0  }
0x584: {  	s17 =	rddreg [dreg:$0x13];
	[sflag:s20] =	ssyncadd.s32 $0xFFFFFC00  }
0x585: {  	[hbm4b:s17+s16] =	stream.strided.scatter [tilespmem:s9], [sflag:$0xA], $0x6400, s3, s16, $0x38;
	[tilespmem:$0x1AF40] =	vst v63  }
0x586: {  	_ =	swait.ge [sflag:s22], $0x6400  }
0x587: {  	s20 =	sld [smem:$0x7F6]  }
0x588: {  	[sflag:s22] =	ssyncset.done $0x0  }
0x589: {  	s21 =	sld [smem:$0x7F7];
	[sflag:s22] =	ssyncadd.s32 $0xFFFF9C00  }
0x58a: {  	[tilespmem:s5], [sflag:$0x7] =	stream.indirect.gather.add.f32 [hbm:s2], $0x40, s20, s3, $0xb8;
	[tilespmem:$0x1AF40] =	vst v63  }
0x58b: {  	s22 =	sld [smem:$0x7F8]  }
0x58c: {  	[tilespmem:s25], [sflag:$0x7] =	stream.indirect.gather.add.f32 [hbm:s2], $0x40, s21, s3, $0xb8;
	[tilespmem:$0x1AF40] =	vst v63  }
0x58d: {  	s23 =	sld [smem:$0x7F9]  }
0x58e: {  	[tilespmem:s29], [sflag:$0x7] =	stream.indirect.gather.add.f32 [hbm:s2], $0x40, s22, s3, $0xb8;
	[tilespmem:$0x1AF40] =	vst v63  }
0x58f: {  	s30 =	simm.s32 $0x14100  }
0x590: {  	[tilespmem:s30], [sflag:$0x7] =	stream.indirect.gather.add.f32 [hbm:s2], $0x40, s23, s7, $0xb8;
	[tilespmem:$0x1AF40] =	vst v63  }
0x591: {  	_ =	swait.ge [sflag:s19], $0x2000  }
0x592: {  	[sflag:s19] =	ssyncset.done $0x0  }
0x593: {  	[sflag:s19] =	ssyncadd.s32 $0xFFFFE000  }
0x594: {  	_ =	swait.ge [sflag:s19], $0x2000  }
0x595: {  	[sflag:s19] =	ssyncset.done $0x0  }
0x596: {  	[sflag:s19] =	ssyncadd.s32 $0xFFFFE000  }
0x597: {  	_ =	swait.ge [sflag:s19], $0x2000  }
0x598: {  	[sflag:s19] =	ssyncset.done $0x0  }
0x599: {  	[sflag:s19] =	ssyncadd.s32 $0xFFFFE000  }
0x59a: {  	_ =	swait.ge [sflag:s19], $0x400  }
0x59b: {  	[sflag:s19] =	ssyncset.done $0x0  }
0x59c: {  	s24 =	rddreg [dreg:$0x14];
	[sflag:s19] =	ssyncadd.s32 $0xFFFFFC00  }
0x59d: {  	[hbm4b:s24+s16] =	stream.strided.scatter [tilespmem:s5], [sflag:$0xB], $0x6400, s3, s16, $0x38;
	[tilespmem:$0x1AF40] =	vst v63  }
0x59e: {  	_ =	swait.ge [sflag:s18], $0x6400  }
0x59f: {  	s25 =	sld [smem:$0x7FA]  }
0x5a0: {  	[sflag:s18] =	ssyncset.done $0x0  }
0x5a1: {  	s26 =	sld [smem:$0x7FB];
	[sflag:s18] =	ssyncadd.s32 $0xFFFF9C00  }
0x5a2: {  	[tilespmem:s6], [sflag:$0x8] =	stream.indirect.gather.add.f32 [hbm:s2], $0x40, s25, s3, $0xb8;
	[tilespmem:$0x1AF40] =	vst v63  }
0x5a3: {  	s14 =	simm.s32 $0x16500;
	s28 =	sld [smem:$0x7FC]  }
0x5a4: {  	[tilespmem:s14], [sflag:$0x8] =	stream.indirect.gather.add.f32 [hbm:s2], $0x40, s26, s3, $0xb8;
	[tilespmem:$0x1AF40] =	vst v63  }
0x5a5: {  	s30 =	simm.s32 $0x18500;
	s29 =	sld [smem:$0x7FD]  }
0x5a6: {  	[tilespmem:s30], [sflag:$0x8] =	stream.indirect.gather.add.f32 [hbm:s2], $0x40, s28, s3, $0xb8;
	[tilespmem:$0x1AF40] =	vst v63  }
0x5a7: {  	_ = 	snop  }
0x5a8: {  	[tilespmem:s15], [sflag:$0x8] =	stream.indirect.gather.add.f32 [hbm:s2], $0x40, s29, s7, $0xb8;
	[tilespmem:$0x1AF40] =	vst v63  }
0x5a9: {  	_ =	swait.ge [sflag:s13], $0x2000  }
0x5aa: {  	[sflag:s13] =	ssyncset.done $0x0  }
0x5ab: {  	[sflag:s13] =	ssyncadd.s32 $0xFFFFE000  }
0x5ac: {  	_ =	swait.ge [sflag:s13], $0x2000  }
0x5ad: {  	[sflag:s13] =	ssyncset.done $0x0  }
0x5ae: {  	[sflag:s13] =	ssyncadd.s32 $0xFFFFE000  }
0x5af: {  	_ =	swait.ge [sflag:s13], $0x2000  }
0x5b0: {  	[sflag:s13] =	ssyncset.done $0x0  }
0x5b1: {  	[sflag:s13] =	ssyncadd.s32 $0xFFFFE000  }
0x5b2: {  	_ =	swait.ge [sflag:s13], $0x400  }
0x5b3: {  	[sflag:s13] =	ssyncset.done $0x0  }
0x5b4: {  	s31 =	rddreg [dreg:$0x15];
	[sflag:s13] =	ssyncadd.s32 $0xFFFFFC00  }
0x5b5: {  	[hbm4b:s31+s16] =	stream.strided.scatter [tilespmem:s6], [sflag:$0xC], $0x6400, s3, s16, $0x38;
	[tilespmem:$0x1AF40] =	vst v63  }
0x5b6: {  	_ =	swait.ge [sflag:s8], $0x6400  }
0x5b7: {  	[sflag:s8] =	ssyncset.done $0x0  }
0x5b8: {  	[sflag:s8] =	ssyncadd.s32 $0xFFFF9C00  }
0x5b9: {  	_ =	swait.ge [sflag:s10], $0x6400  }
0x5ba: {  	[sflag:s10] =	ssyncset.done $0x0  }
0x5bb: {  	[sflag:s10] =	ssyncadd.s32 $0xFFFF9C00  }
0x5bc: {  	_ =	swait.ge [sflag:s12], $0x6400  }
0x5bd: {  	[sflag:s12] =	ssyncset.done $0x0  }
0x5be: {  	[sflag:s12] =	ssyncadd.s32 $0xFFFF9C00  }
0x5bf: {  	_ =	swait.ge [sflag:s11], $0x6400  }
0x5c0: {  	[sflag:s11] =	ssyncset.done $0x0  }
0x5c1: {  	[sflag:s11] =	ssyncadd.s32 $0xFFFF9C00  }
0x5c2: {  	_ =	sfence.sel $0x180000  }
0x5c3: {  	[bflag:$0x0] =	sbarrier.arrive $0xFFFF  }
0x5c4: {  	_ =	strace $0x90000047  }
0x5c5: {  	[bflag:$0x2] =	sbarrier.arrive $0xFFFF  }
0x5c6: {  	s0 =	rddreg [dreg:$0x3]  }
0x5c7: {  	s0 =	sadd.s32 @!p0 $0x100000, s0  }
0x5c8: {  	[sflag:s0] =	ssyncadd.tile.s32 @!p0 $0x1;
	_ =	shalt  }
.LBB2_2:
0x5c9: {  	s15 =	simm.s32 $0x1A500  }
.Ltmp3:
0x5ca: {  	s25 =	simm.s32 $0x10100;
	s29 =	simm.s32 $0x12100;
	(pc) =	sbr.rel .LBB2_5-.Ltmp3, $4  }
0x5cb: {  	s0 =	simm.s32 $0x14100;
	s31 =	simm.s32 $0x9D00;
	s4 =	simm.s32 $0xBD00  }
0x5cc: {  	s9 =	simm.s32 $0x7D00;
	s10 =	simm.s32 $0xA;
	s11 =	simm.s32 $0xC  }
0x5cd: {  	s12 =	simm.s32 $0xB;
	s14 =	simm.s32 $0x1900;
	s18 =	simm.s32 $0x4  }
0x5ce: {  	s22 =	simm.s32 $0x3;
	s28 =	simm.s32 $0x2;
	s30 =	simm.s32 $0x1  }
.Lfunc_end2:
_tile_overlayer_lowered:
.L_overlay_start_2:
0x5cf: {  	(tag) =	ssettag $0x2  }
0x5d0: {  	s0 =	rddreg [dreg:$0x0];
	s2 =	stileid.u32  }
0x5d1: {  	s1 =	rddreg [dreg:$0x1];
	p0 =	sne.s32 s2, $0x0  }
0x5d2: {  	s3 =	rddreg [dreg:$0x2];
	[bflag:$0x3] =	sbarrier.arrive $0xFFFF;
	s2 =	simm.s32 @!p0 $0x1C0D  }
0x5d3: {  	[timem:s3], [sflag:s2] =	dma.local @!p0 [hbm:s0], s1  }
0x5d4: {  	s0 =	simm.s32 @!p0 $0xD  }
0x5d5: {  	_ =	swait.ge @!p0 [sflag:s0], s1  }
0x5d6: {  	s1 =	ssub.s32 @!p0 $0x0, s1;
	[sflag:s0] =	ssyncset.done @!p0 $0x0  }
0x5d7: {  	[sflag:s0] =	ssyncadd.s32 @!p0 s1  }
0x5d8: {  	[bflag:$0x3] =	sbarrier.arrive $0xFFFF  }
0x5d9: {  	_ =	shalt  }

// kernel: sparse-core-data-format-call.cloned.1.call-start
scs
called_computation_lowered:
.L_overlay_start_0:
0x0: {  	s2 =	sld [smem:$0x3FD9]  }
0x1: {  	s3 =	sld [smem:$0x3FFE];
	_ =	sdelay $0x1  }
0x2: {  	s1 =	srdreg.scid  }
0x3: {  	s0 =	sand.u32 $0x1, s1  }
0x4: {  	s18 =	sshll.u32 s0, $0xA;
	s2 =	sadd.s32 s3, s2  }
0x5: {  	s2 =	sadd.s32 s2, s18  }
0x6: {  	[smem:$0x3FC5] =	sst s2  }
0x7: {  	_ = 	snop  }
0x8: {  	s2 =	sld [smem:$0x3FD0];
	(tm) =	ssettm $0x1  }
0x9: {  	s19 =	sld [smem:$0x3FFB];
	_ =	sdelay $0x3  }
0xa: {  	_ =	strace s19  }
0xb: {  	s3 =	sld [smem:$0x3FFC];
	_ =	sdelay $0x3  }
0xc: {  	_ =	strace s3  }
0xd: {  	s3 =	sld [smem:$0x3FFD];
	_ =	sdelay $0x3  }
0xe: {  	_ =	strace s3  }
0xf: {  	_ =	strace $0x8FFFFFFF  }
0x10: {  	s20 =	sld [smem:$0x3FDB];
	_ =	sdelay $0x1  }
0x11: {  	s4 =	simm.s32 $_scs_section_size  }
0x12: {  	s5 =	simm.s32 $_size__tile_overlayer_lowered;
	s6 =	simm.s32 $_tile_overlayer_lowered  }
0x13: {  	s23 =	simm.s32 $0x1BFF;
	s22 =	sshll.u32 s6, $0x1;
	s3 =	sadd.s32 s4, s20  }
0x14: {  	s7 =	simm.s32 $0x0;
	s21 =	sshll.u32 s5, $0x1;
	s5 =	sadd.s32 s22, s3  }
0x15: {  	[timem:s7], [sflag:s23] =	dma.local [hbm:s5], s21  }
0x16: {  	_ =	swait.ge [sflag:s23], s21  }
0x17: {  	s4 =	ssub.s32 $0x0, s21;
	[sflag:s23] =	ssyncset.done $0x0  }
0x18: {  	[sflag:s23] =	ssyncadd.s32 s4;
	_ =	sdelay $0x1  }
0x19: {  	s24 =	simm.s32 $0x1B8B  }
0x1a: {  	_ =	swait.ge [sflag:s24], $0x1  }
0x1b: {  	[sflag:s24] =	ssyncset.done $0x0  }
0x1c: {  	s26 =	simm.s32 $0x1B8E;
	s25 =	sld [smem:$0x3FFE];
	[sflag:s24] =	ssyncadd.s32 $0xFFFFFFFF  }
0x1d: {  	s27 =	simm.s32 $execute0_lowered;
	[smem:$0x3FD2] =	sst s26  }
0x1e: {  	s5 =	sshll.u32 s27, $0x1;
	_ =	strace $0x80000049;
	[dreg:$0x1] =	wrdreg $0xFFFFFFFF  }
0x1f: {  	s28 =	simm.s32 $_size_execute0_lowered;
	s3 =	sadd.s32 s3, s5;
	[dreg:$0x0] =	wrdreg $0x0  }
0x20: {  	s5 =	sshll.u32 s28, $0x1;
	[dreg:$0x2] =	wrdreg s3  }
0x21: {  	[dreg:$0x3] =	wrdreg s5  }
0x22: {  	[dreg:$0x4] =	wrdreg $0xC0  }
0x23: {  	_ =	task [dreg:s7], $0x5FFFF  }
0x24: {  	[dreg:$0x1] =	wrdreg $0xFFFFFFFF  }
0x25: {  	[dreg:$0x0] =	wrdreg $0x60  }
0x26: {  	[dreg:$0x2] =	wrdreg s25  }
0x27: {  	[dreg:$0x3] =	wrdreg s2  }
0x28: {  	[dreg:$0x4] =	wrdreg $0x9  }
0x29: {  	_ =	task.clear_ibuf [dreg:s7], $0x5FFFF;
	_ =	strace $0x90000049  }
0x2a: {  	s29 =	simm.s32 $0x9;
	_ =	strace $0x8000004B  }
0x2b: {  	_ =	swait.ge [sflag:s29], $0x1  }
0x2c: {  	[sflag:s29] =	ssyncadd.s32 $0xFFFFFFFF  }
0x2d: {  	_ =	strace $0x9000004B  }
0x2e: {  	_ =	sfence  }
0x2f: {  	s30 =	sld [smem:$0x0];
	_ =	sdelay $0x2  }
0x30: {  	s31 =	sshll.u32 s1, $0xD;
	s1 =	sshrl.u32 s1, $0x2  }
0x31: {  	s3 =	sand.u32 $0x4000, s31;
	s1 =	sadd.s32 s1, s30  }
0x32: {  	s0 =	sor.u32 s3, s0;
	s1 =	sshll.u32 s1, $0x11  }
0x33: {  	s0 =	sor.u32 s1, s0  }
0x34: {  	s0 =	sadd.s32 $0x8F2B, s0  }
0x35: {  	[sflag:s0] =	ssyncadd.remote.s32 $0x1  }
0x36: {  	_ =	sfence.sel $0xFFFF  }
0x37: {  	[dreg:$0x0] =	wrdreg $0xFFFFFFFF;
	(pc) =	sbr.abs _section_cstart, $3  }
0x38: {  	[dreg:$0x1] =	wrdreg $0xFFFFFFFF  }
0x39: {  	_ =	task.clear_ibuf [dreg:s7], $0x2FFFF;
	_ =	strace $0x9FFFFFFF  }
0x3a: {  	(tm) =	ssettm $0x7FFFFFFF  }
0x3b: {  	_ =	shalt  }
tec
execute0_lowered:
.L_overlay_start_1:
0x0: {  	(tag) =	ssettag $0x1  }
0x1: {  	s0 =	stileid.u32;
	s6 =	rddreg [dreg:$0x0]  }
0x2: {  	s2 =	rddreg [dreg:$0x1];
	s5 =	srdreg.scid  }
0x3: {  	s31 =	simm.s32 $0x2;
	s13 =	simm.s32 $0x0;
	s1 =	sshll.u32 s0, $0x7  }
0x4: {  	s14 =	simm.s32 $0x0;
	s12 =	simm.s32 $0x0;
	s3 =	sand.u32 $0x380, s1  }
0x5: {  	s5 =	sshll.u32 s5, $0x4;
	s6 =	sadd.s32 $0x1A00, s6;
	s4 =	ssub.s32 $0x400, s3  }
0x6: {  	s1 =	rddreg [dreg:$0x2];
	_ =	strace $0x8000004A;
	s7 =	sand.u32 $0x380, s4  }
0x7: {  	s5 =	sand.u32 $0x10, s5;
	p0 =	sne.s32 s7, $0x0;
	s7 =	simm.s32 $0x1  }
.Ltmp0:
0x8: {  	s8 =	sshrl.u32 s4, $0xA;
	s7 =	simm.s32 @!p0 $0x0;
	(pc) =	sbr.rel .LBB1_1-.Ltmp0, $4  }
0x9: {  	s9 =	sor.u32 s0, s5;
	s4 =	simm.s32 $0x1;
	s30 =	sadd.s32 s7, s8  }
0xa: {  	s11 =	smov.u32 s3;
	[sflag:s4] =	ssyncpa.u1 $0x0;
	s5 =	smul.u32 $0x32, s30  }
0xb: {  	[sflag:s31] =	ssyncpa.u1 $0x0;
	p0 =	por $0x0, $0x0;
	s7 =	sshrl.u32 s9, $0x3  }
0xc: {  	s9 =	simm.s32 $0x2000;
	s10 =	smov.u32 s7;
	s8 =	sor.u32 $0x1, s5  }
.LBB1_4:
0xd: {  	s17 =	sand.u32 $0x1F80, s14;
	s13 =	sshll.u32 s13, $0xD  }
0xe: {  	[tilespmem:s16+$0x810 ss:$0x81] =	vst.msk $0xffff, v2;
	s18 =	sshrl.u32 s14, $0x3;
	s31 =	sand.u32 $0x7, s14;
	s17 =	sadd.s32 s2, s17  }
0xf: {  	[tilespmem:s16+$0x1020 ss:$0x81] =	vst.msk $0xffff, v0;
	s18 =	sand.u32 $0xF, s18;
	s14 =	sshll.u32 s31, $0x12;
	s13 =	sadd.s32 s13, s17  }
0x10: {  	[tilespmem:s16+$0x0 ss:$0x81] =	vst.msk $0xffff, v1;
	s14 =	sor.u32 $0x400, s14;
	s13 =	sadd.s32 s18, s13  }
0x11: {  	[hbm4b:s13+s14] =	stream.strided.scatter [tilespmem:s15], [sflag:$0x2], $0x2000, s9, s14, $0x20;
	[tilespmem:$0x8080] =	vst v63  }
.LBB1_5:
0x12: {  	s15 =	sadd.s32 $0x4, s10  }
0x13: {  	s13 =	sadd.s32 $0x400, s11;
	s17 =	smov.u32 s11;
	p2 =	sgt.s32 s15, $0xC7  }
0x14: {  	s17 =	smov.u32 @p2 s13  }
0x15: {  	s15 =	smov.u32 @p2 s7;
	p2 =	sgt.s32 s17, $0x3FF  }
0x16: {  	s17 =	smov.u32 @p2 s3;
	p2 =	sne.s32 s12, s8  }
.Ltmp1:
0x17: {  	p1 =	slt.u32 s12, $0x2;
	(pc) =	sbr.rel @!p2 .LBB1_6-.Ltmp1, $4  }
0x18: {  	s16 =	simm.s32 @!p1 $0x2  }
0x19: {  	s14 =	smov.u32 s11;
	p0 =	por !p0, !p0;
	_ =	swait.ge @!p1 [sflag:s16], $0x2000  }
0x1a: {  	s13 =	smov.u32 s10;
	[sflag:s16] =	ssyncset.done @!p1 $0x0;
	s10 =	smov.u32 s15  }
0x1b: {  	s12 =	sadd.s32 $0x1, s12;
	[sflag:s16] =	ssyncadd.s32 @!p1 $0xFFFFE000;
	s11 =	smov.u32 s17  }
.LBB1_1:
0x1c: {  	p1 =	sge.u32 s12, s5  }
0x1d: {  	s15 =	sand.u32 @!p1 $0x1FFFFFF, s10  }
0x1e: {  	s16 =	smulhi.u32 @!p1 $0x147AE15, s15;
	_ =	sdelay $0x1  }
0x1f: {  	s16 =	smul.u32 @!p1 $0xC8, s16  }
0x20: {  	s17 =	sxor.u32 @!p1 $0xFFFFFFFF, s12;
	s18 =	smul.u32 @!p1 $0xC80, s11  }
0x21: {  	s31 =	sadd.s32 $0xFFFFFFFF, s12;
	s17 =	sshll.u32 @!p1 s17, $0xD;
	s15 =	ssub.s32 @!p1 s15, s16  }
0x22: {  	s16 =	sand.u32 @!p1 $0x2000, s17;
	s17 =	sadd.s32 @!p1 s6, s18;
	s15 =	sshll.u32 @!p1 s15, $0x4  }
0x23: {  	s18 =	simm.s32 @!p1 $0x6400;
	s15 =	sadd.s32 @!p1 s15, s17;
	s17 =	simm.s32 @!p1 $0x40  }
0x24: {  	[tilespmem:s16], [sflag:$0x1] =	stream.strided.gather @!p1 [hbm4b:s15+s17], $0x2000, s18, s17, $0x38;
	[tilespmem:$0x8080] =	vst v63  }
0x25: {  	p1 =	sge.u32 s31, s5  }
.Ltmp2:
0x26: {  	_ = 	snop;
	(pc) =	sbr.rel @p1 .LBB1_5-.Ltmp2, $1  }
0x27: {  	_ =	sdelay $0x3  }
0x28: {  	s15 =	simm.s32 $0x1  }
0x29: {  	_ =	swait.ge [sflag:s4], $0x2000;
	s15 =	simm.s32 @!p0 $0x0  }
0x2a: {  	[sflag:s4] =	ssyncset.done $0x0;
	s16 =	sshll.u32 s15, $0xD  }
0x2b: {  	[sflag:s4] =	ssyncadd.s32 $0xFFFFE000;
	s19 =	sor.u32 $0x20, s16  }
0x2c: {  	s15 =	smul.u32 $0x8100, s15;
	v3 =	vld [tilespmem:s19+$0x10]  }
0x2d: {  	s30 =	sand.u32 $0x1, s12;
	v2 =	vld [tilespmem:s19+$0xFFFFFFF0]  }
0x2e: {  	s16 =	smul.u32 $0x8100, s30;
	s15 =	sshrl.u32 s15, $0x2;
	v0 =	vld [tilespmem:s19+$0x0]  }
0x2f: {  	v1 =	vld [tilespmem:s19+$0xFFFFFFE0];
	s17 =	sor.u32 $0x4000, s15  }
0x30: {  	s31 =	sshrl.u32 s16, $0x2;
	s16 =	sadd.s32 $0x0, s17  }
0x31: {  	s18 =	simm.s32 $0x4;
	s19 =	sadd.s32 $0x40, s19;
	s15 =	sor.u32 $0x4000, s31;
	[tilespmem:s16+$0x1830 ss:$0x81] =	vst.msk $0xffff, v3  }
.LBB1_3:
0x32: {  	v3 =	vld [tilespmem:s19+$0x10];
	p1 =	sne.s32 s18, $0x1FC;
	[tilespmem:s16+$0x810 ss:$0x81] =	vst.msk $0xffff, v2;
	s20 =	smov.u32 s18;
	s18 =	sadd.s32 $0x4, s18  }
.Ltmp3:
0x33: {  	v2 =	vld [tilespmem:s19+$0xFFFFFFF0];
	[tilespmem:s16+$0x1020 ss:$0x81] =	vst.msk $0xffff, v0;
	(pc) =	sbr.rel @p1 .LBB1_3-.Ltmp3, $4  }
0x34: {  	v0 =	vld [tilespmem:s19+$0x0];
	[tilespmem:s16+$0x0 ss:$0x81] =	vst.msk $0xffff, v1  }
0x35: {  	s16 =	sshra.s32 s20, $0x2;
	v1 =	vld [tilespmem:s19+$0xFFFFFFE0]  }
0x36: {  	s16 =	sadd.s32 s16, s17  }
0x37: {  	s19 =	sadd.s32 $0x40, s19;
	[tilespmem:s16+$0x1830 ss:$0x81] =	vst.msk $0xffff, v3  }
.Ltmp4:
0x38: {  	_ = 	snop;
	(pc) =	sbr.rel .LBB1_4-.Ltmp4, $1  }
0x39: {  	_ =	sdelay $0x3  }
.LBB1_6:
0x3a: {  	_ =	sfence.sel $0x180000  }
0x3b: {  	s2 =	simm.s32 $0x1;
	[bflag:$0x0] =	sbarrier.arrive $0xFFFF  }
0x3c: {  	s31 =	simm.s32 $0x2;
	[sflag:s2] =	ssyncpa.u1 $0x1  }
0x3d: {  	[sflag:s31] =	ssyncpa.u1 $0x1  }
0x3e: {  	p0 =	sne.s32 s0, $0x0;
	_ =	strace $0x9000004A  }
0x3f: {  	s0 =	sadd.s32 @!p0 $0x100000, s1;
	[bflag:$0x2] =	sbarrier.arrive $0xFFFF  }
0x40: {  	[sflag:s0] =	ssyncadd.tile.s32 @!p0 $0x1;
	_ =	shalt  }
.Lfunc_end1:
_tile_overlayer_lowered:
.L_overlay_start_2:
0x41: {  	(tag) =	ssettag $0x2  }
0x42: {  	s0 =	rddreg [dreg:$0x0];
	s2 =	stileid.u32  }
0x43: {  	s1 =	rddreg [dreg:$0x1];
	p0 =	sne.s32 s2, $0x0  }
0x44: {  	s3 =	rddreg [dreg:$0x2];
	[bflag:$0x3] =	sbarrier.arrive $0xFFFF;
	s2 =	simm.s32 @!p0 $0x1C01  }
0x45: {  	[timem:s3], [sflag:s2] =	dma.local @!p0 [hbm:s0], s1  }
0x46: {  	s0 =	simm.s32 @!p0 $0x1  }
0x47: {  	_ =	swait.ge @!p0 [sflag:s0], s1  }
0x48: {  	s1 =	ssub.s32 @!p0 $0x0, s1;
	[sflag:s0] =	ssyncset.done @!p0 $0x0  }
0x49: {  	[sflag:s0] =	ssyncadd.s32 @!p0 s1  }
0x4a: {  	[bflag:$0x3] =	sbarrier.arrive $0xFFFF  }
0x4b: {  	_ =	shalt  }

</sc_bundles>
